<compile_context>
chip_gen: v7x
topology: tpu7x:2x2x1
jax: 0.10.2.dev20260603
libtpu: 0.0.44.dev20260713+nightly
codegen_flags: <defaults>
</compile_context>

<pallas_src>
import functools

import jax
import jax.numpy as jnp
from jax import lax
from jax.experimental import pallas as pl
from jax.experimental.pallas import tpu as pltpu
from jax.experimental.pallas import tpu_sc as plsc

_B = 4096
_L = 200
_D = 32
_H = 100
_C0 = 104
_C1 = _L - _C0
_NW = 32
_RPW = _B // _NW
_IPW = _RPW * _L
_NBUF = 8


def _sc_pool(x, table):
    mesh = plsc.VectorSubcoreMesh(core_axis_name="c", subcore_axis_name="s")

    @functools.partial(
        pl.kernel,
        mesh=mesh,
        out_type=jax.ShapeDtypeStruct((_B, _D), jnp.float32),
        compiler_params=pltpu.CompilerParams(use_tc_tiling_on_sc=False),
        scratch_types=[
            pltpu.VMEM((_RPW, _L), jnp.int32),
            pltpu.VMEM((_NBUF, _L, _D), jnp.float32),
            pltpu.VMEM((_RPW, _D), jnp.float32),
        ] + [pltpu.SemaphoreType.DMA] * _NBUF,
    )
    def pool(x_hbm, t_hbm, out_hbm, idx_v, bufs, out_v, *sems):
        wid = lax.axis_index("s") * 2 + lax.axis_index("c")
        pltpu.sync_copy(x_hbm.at[pl.ds(wid * _RPW, _RPW)], idx_v)

        def fire(r, slot):
            pltpu.async_copy(t_hbm.at[idx_v.at[r, pl.ds(0, _C0)]],
                             bufs.at[slot, pl.ds(0, _C0)], sems[slot])
            pltpu.async_copy(t_hbm.at[idx_v.at[r, pl.ds(_C0, _C1)]],
                             bufs.at[slot, pl.ds(_C0, _C1)], sems[slot])

        def drain(slot):
            pltpu.make_async_copy(t_hbm.at[pl.ds(0, _L)],
                                  bufs.at[slot], sems[slot]).wait()

        for j in range(_NBUF):
            fire(j, j)

        zero = jnp.zeros((16,), jnp.float32)

        def octet(k, carry):
            for slot in range(_NBUF):
                r = _NBUF * k + slot
                drain(slot)

                def acc(i, c, slot=slot):
                    a0, a1, a2, a3 = c
                    base = i * 20
                    for t in range(0, 20, 2):
                        a0 = a0 + bufs[slot, base + t, pl.ds(0, 16)]
                        a1 = a1 + bufs[slot, base + t, pl.ds(16, 16)]
                        a2 = a2 + bufs[slot, base + t + 1, pl.ds(0, 16)]
                        a3 = a3 + bufs[slot, base + t + 1, pl.ds(16, 16)]
                    return a0, a1, a2, a3

                a0, a1, a2, a3 = lax.fori_loop(
                    0, _L // 20, acc, (zero, zero, zero, zero))
                out_v[r, pl.ds(0, 16)] = a0 + a2
                out_v[r, pl.ds(16, 16)] = a1 + a3

                nr = r + _NBUF

                @pl.when(nr < _RPW)
                def _(nr=nr, slot=slot):
                    fire(nr, slot)
            return carry

        lax.fori_loop(0, _RPW // _NBUF, octet, 0)
        pltpu.sync_copy(out_v, out_hbm.at[pl.ds(wid * _RPW, _RPW)])

    return pool(x, table)


def _tc_head(sums, lengths, W, b):
    def body(s_ref, l_ref, w_ref, b_ref, o_ref):
        acc = lax.dot_general(s_ref[...], w_ref[...],
                              (((1,), (1,)), ((), ())),
                              preferred_element_type=jnp.float32)
        inv = 1.0 / jnp.maximum(l_ref[...].astype(jnp.float32), 1.0)
        o_ref[...] = acc * inv + b_ref[...]

    return pl.pallas_call(
        body,
        out_shape=jax.ShapeDtypeStruct((_B, _H), jnp.float32),
    )(sums, lengths.reshape(_B, 1), W, b.reshape(1, _H))


def kernel(x, lengths, table, W, b):
    x = x.astype(jnp.int32)
    lengths = lengths.astype(jnp.int32)
    sums = _sc_pool(x, table)
    return _tc_head(sums, lengths, W, b)

# --- scband reference (transcript-rebuilt; emitter-appended) ---
"""Pipeline reference for scband-mean-pool-sprmodel-88648124990010 (READ-ONLY COPY).

The authoritative reference and input builder live on the scoring server;
editing this copy changes nothing except your own understanding.
"""

import jax, jax.numpy as jnp
import numpy as np


def setup_inputs(seed: int = 0) -> dict:
    key = jax.random.key(seed)
    k1, k2, k3, k4, k5 = jax.random.split(key, 5)
    x = jax.random.randint(k1, (4096, 200), 0, 1000000)
    lengths = jax.random.randint(k2, (4096,), 0, 200)
    table = jax.random.normal(k3, (1000000, 32), dtype=jnp.float32)
    # padding_idx=0: zero the padding row like nn.Embedding(padding_idx=0)
    table = table.at[0].set(0.0)
    W = jax.random.normal(k4, (100, 32), dtype=jnp.float32) * 0.05
    b = jax.random.normal(k5, (100,), dtype=jnp.float32) * 0.05
    return {"x": x, "lengths": lengths, "table": table, "W": W, "b": b}


def reference(x, lengths, table, W, b):
    # emb = self.emb(x)
    emb = jnp.take(table, x, axis=0)  # [B, L, D]
    # mask = (x != 0).unsqueeze(-1).float()
    mask = (x != 0)[..., None].astype(jnp.float32)
    # summed = (emb * mask).sum(1)
    summed = (emb * mask).sum(axis=1)  # [B, D]
    # mean = summed / lengths.clamp(min=1).unsqueeze(-1).float()
    mean = summed / jnp.maximum(lengths, 1).astype(jnp.float32)[:, None]
    # return self.lin(mean)
    return mean @ W.T + b

if __name__ == "__main__":
    import jax
    _d = setup_inputs()
    print(jax.jit(kernel)(*tuple(_d.values())))

</pallas_src>

<mosaic_0001>
#map = affine_map<(d0, d1) -> (0, 0)>
module attributes {stable_mosaic.version = 14 : i64} {
  func.func @pool(%arg0: i32, %arg1: i32, %arg2: memref<4096x200xi32, #tpu.memory_space<hbm>>, %arg3: memref<1000000x32xf32, #tpu.memory_space<hbm>>, %arg4: memref<4096x32xf32, #tpu.memory_space<hbm>>, %arg5: memref<128x200xi32, #tpu.memory_space<vmem>>, %arg6: memref<8x200x32xf32, #tpu.memory_space<vmem>>, %arg7: memref<128x32xf32, #tpu.memory_space<vmem>>, %arg8: memref<!tpu.dma_semaphore, #tpu.memory_space<semaphore_mem>>, %arg9: memref<!tpu.dma_semaphore, #tpu.memory_space<semaphore_mem>>, %arg10: memref<!tpu.dma_semaphore, #tpu.memory_space<semaphore_mem>>, %arg11: memref<!tpu.dma_semaphore, #tpu.memory_space<semaphore_mem>>, %arg12: memref<!tpu.dma_semaphore, #tpu.memory_space<semaphore_mem>>, %arg13: memref<!tpu.dma_semaphore, #tpu.memory_space<semaphore_mem>>, %arg14: memref<!tpu.dma_semaphore, #tpu.memory_space<semaphore_mem>>, %arg15: memref<!tpu.dma_semaphore, #tpu.memory_space<semaphore_mem>>) attributes {dimension_semantics = [#tpu.dimension_semantics<core_parallel>, #tpu.dimension_semantics<subcore_parallel>], iteration_bounds = array<i64: 2, 16>, scalar_prefetch = 0 : i64, scratch_operands = 11 : i64, tpu.core_type = #tpu.core_type<sc_vector_subcore>, window_params = [{transform_indices = #map}, {transform_indices = #map}, {transform_indices = #map}]} {
    %mul3A = arith.constant 2 : i32
    %mul3A_0 = arith.muli %arg1, %mul3A : i32
    %add3A = arith.addi %mul3A_0, %arg0 : i32
    %mul3A_1 = arith.constant 128 : i32
    %mul3A_2 = arith.muli %add3A, %mul3A_1 : i32
    "tpu.region"() ({
      %run_scoped3A = tpu.sem_alloc : memref<!tpu.dma_semaphore, #tpu.memory_space<semaphore_mem>>
      %dma_start3A_202 = arith.constant 0 : i32
      %dma_start3A_203 = tpu.memref_slice %arg2[%mul3A_2, %dma_start3A_202] : memref<4096x200xi32, #tpu.memory_space<hbm>> -> memref<128x200xi32, #tpu.memory_space<hbm>>
      %dma_start3A_204 = arith.constant 0 : i32
      %dma_start3A_205 = tpu.memref_slice %arg2[%mul3A_2, %dma_start3A_204] : memref<4096x200xi32, #tpu.memory_space<hbm>> -> memref<128x200xi32, #tpu.memory_space<hbm>>
      tpu.enqueue_dma source(%dma_start3A_205 : memref<128x200xi32, #tpu.memory_space<hbm>>) target(%arg5 : memref<128x200xi32, #tpu.memory_space<vmem>>) target_semaphore(%run_scoped3A : memref<!tpu.dma_semaphore, #tpu.memory_space<semaphore_mem>>)
      %dma_wait3A = arith.constant 0 : i32
      %dma_wait3A_206 = tpu.memref_slice %arg2[%mul3A_2, %dma_wait3A] : memref<4096x200xi32, #tpu.memory_space<hbm>> -> memref<128x200xi32, #tpu.memory_space<hbm>>
      %dma_wait3A_207 = arith.constant 0 : i32
      %dma_wait3A_208 = tpu.memref_slice %arg2[%mul3A_2, %dma_wait3A_207] : memref<4096x200xi32, #tpu.memory_space<hbm>> -> memref<128x200xi32, #tpu.memory_space<hbm>>
      tpu.wait_dma2 semaphore(%run_scoped3A : memref<!tpu.dma_semaphore, #tpu.memory_space<semaphore_mem>>) src(%dma_wait3A_208 : memref<128x200xi32, #tpu.memory_space<hbm>>) dst(%arg5 : memref<128x200xi32, #tpu.memory_space<vmem>>)
      tpu.yield
    }) : () -> ()
    %dma_start3A = arith.constant 0 : i32
    %dma_start3A_3 = arith.constant 0 : i32
    %dma_start3A_4 = arith.constant 0 : i32
    %dma_start3A_5 = arith.constant 0 : i32
    %dma_start3A_6 = tpu.memref_slice %arg6[%dma_start3A_3, %dma_start3A_4, %dma_start3A_5] : memref<8x200x32xf32, #tpu.memory_space<vmem>> -> memref<1x104x32xf32, #tpu.memory_space<vmem>>
    %dma_start3A_7 = tpu.memref_squeeze %dma_start3A_6 : memref<1x104x32xf32, #tpu.memory_space<vmem>> -> memref<104x32xf32, #tpu.memory_space<vmem>>
    %dma_start3A_8 = arith.constant 0 : i32
    %dma_start3A_9 = tpu.memref_slice %arg5[%dma_start3A, %dma_start3A_8] : memref<128x200xi32, #tpu.memory_space<vmem>> -> memref<1x104xi32, #tpu.memory_space<vmem>>
    %dma_start3A_10 = tpu.memref_squeeze %dma_start3A_9 : memref<1x104xi32, #tpu.memory_space<vmem>> -> memref<104xi32, #tpu.memory_space<vmem>>
    %dma_start3A_11 = arith.constant 0 : i32
    %dma_start3A_12 = arith.constant 0 : i32
    %dma_start3A_13 = tpu.memref_slice %arg3[%dma_start3A_11, %dma_start3A_12] : memref<1000000x32xf32, #tpu.memory_space<hbm>> -> memref<1000000x32xf32, #tpu.memory_space<hbm>>
    tpu.enqueue_indirect_dma source(%dma_start3A_13 : memref<1000000x32xf32, #tpu.memory_space<hbm>>) target(%dma_start3A_7 : memref<104x32xf32, #tpu.memory_space<vmem>>) offsets(%dma_start3A_10 : memref<104xi32, #tpu.memory_space<vmem>>) semaphore(%arg8 : memref<!tpu.dma_semaphore, #tpu.memory_space<semaphore_mem>>)
    %dma_start3A_14 = arith.constant 0 : i32
    %dma_start3A_15 = arith.constant 0 : i32
    %dma_start3A_16 = arith.constant 104 : i32
    %dma_start3A_17 = arith.constant 0 : i32
    %dma_start3A_18 = tpu.memref_slice %arg6[%dma_start3A_15, %dma_start3A_16, %dma_start3A_17] : memref<8x200x32xf32, #tpu.memory_space<vmem>> -> memref<1x96x32xf32, #tpu.memory_space<vmem>>
    %dma_start3A_19 = tpu.memref_squeeze %dma_start3A_18 : memref<1x96x32xf32, #tpu.memory_space<vmem>> -> memref<96x32xf32, #tpu.memory_space<vmem>>
    %dma_start3A_20 = arith.constant 104 : i32
    %dma_start3A_21 = tpu.memref_slice %arg5[%dma_start3A_14, %dma_start3A_20] : memref<128x200xi32, #tpu.memory_space<vmem>> -> memref<1x96xi32, #tpu.memory_space<vmem>>
    %dma_start3A_22 = tpu.memref_squeeze %dma_start3A_21 : memref<1x96xi32, #tpu.memory_space<vmem>> -> memref<96xi32, #tpu.memory_space<vmem>>
    %dma_start3A_23 = arith.constant 0 : i32
    %dma_start3A_24 = arith.constant 0 : i32
    %dma_start3A_25 = tpu.memref_slice %arg3[%dma_start3A_23, %dma_start3A_24] : memref<1000000x32xf32, #tpu.memory_space<hbm>> -> memref<1000000x32xf32, #tpu.memory_space<hbm>>
    tpu.enqueue_indirect_dma source(%dma_start3A_25 : memref<1000000x32xf32, #tpu.memory_space<hbm>>) target(%dma_start3A_19 : memref<96x32xf32, #tpu.memory_space<vmem>>) offsets(%dma_start3A_22 : memref<96xi32, #tpu.memory_space<vmem>>) semaphore(%arg8 : memref<!tpu.dma_semaphore, #tpu.memory_space<semaphore_mem>>)
    %dma_start3A_26 = arith.constant 1 : i32
    %dma_start3A_27 = arith.constant 1 : i32
    %dma_start3A_28 = arith.constant 0 : i32
    %dma_start3A_29 = arith.constant 0 : i32
    %dma_start3A_30 = tpu.memref_slice %arg6[%dma_start3A_27, %dma_start3A_28, %dma_start3A_29] : memref<8x200x32xf32, #tpu.memory_space<vmem>> -> memref<1x104x32xf32, #tpu.memory_space<vmem>>
    %dma_start3A_31 = tpu.memref_squeeze %dma_start3A_30 : memref<1x104x32xf32, #tpu.memory_space<vmem>> -> memref<104x32xf32, #tpu.memory_space<vmem>>
    %dma_start3A_32 = arith.constant 0 : i32
    %dma_start3A_33 = tpu.memref_slice %arg5[%dma_start3A_26, %dma_start3A_32] : memref<128x200xi32, #tpu.memory_space<vmem>> -> memref<1x104xi32, #tpu.memory_space<vmem>>
    %dma_start3A_34 = tpu.memref_squeeze %dma_start3A_33 : memref<1x104xi32, #tpu.memory_space<vmem>> -> memref<104xi32, #tpu.memory_space<vmem>>
    %dma_start3A_35 = arith.constant 0 : i32
    %dma_start3A_36 = arith.constant 0 : i32
    %dma_start3A_37 = tpu.memref_slice %arg3[%dma_start3A_35, %dma_start3A_36] : memref<1000000x32xf32, #tpu.memory_space<hbm>> -> memref<1000000x32xf32, #tpu.memory_space<hbm>>
    tpu.enqueue_indirect_dma source(%dma_start3A_37 : memref<1000000x32xf32, #tpu.memory_space<hbm>>) target(%dma_start3A_31 : memref<104x32xf32, #tpu.memory_space<vmem>>) offsets(%dma_start3A_34 : memref<104xi32, #tpu.memory_space<vmem>>) semaphore(%arg9 : memref<!tpu.dma_semaphore, #tpu.memory_space<semaphore_mem>>)
    %dma_start3A_38 = arith.constant 1 : i32
    %dma_start3A_39 = arith.constant 1 : i32
    %dma_start3A_40 = arith.constant 104 : i32
    %dma_start3A_41 = arith.constant 0 : i32
    %dma_start3A_42 = tpu.memref_slice %arg6[%dma_start3A_39, %dma_start3A_40, %dma_start3A_41] : memref<8x200x32xf32, #tpu.memory_space<vmem>> -> memref<1x96x32xf32, #tpu.memory_space<vmem>>
    %dma_start3A_43 = tpu.memref_squeeze %dma_start3A_42 : memref<1x96x32xf32, #tpu.memory_space<vmem>> -> memref<96x32xf32, #tpu.memory_space<vmem>>
    %dma_start3A_44 = arith.constant 104 : i32
    %dma_start3A_45 = tpu.memref_slice %arg5[%dma_start3A_38, %dma_start3A_44] : memref<128x200xi32, #tpu.memory_space<vmem>> -> memref<1x96xi32, #tpu.memory_space<vmem>>
    %dma_start3A_46 = tpu.memref_squeeze %dma_start3A_45 : memref<1x96xi32, #tpu.memory_space<vmem>> -> memref<96xi32, #tpu.memory_space<vmem>>
    %dma_start3A_47 = arith.constant 0 : i32
    %dma_start3A_48 = arith.constant 0 : i32
    %dma_start3A_49 = tpu.memref_slice %arg3[%dma_start3A_47, %dma_start3A_48] : memref<1000000x32xf32, #tpu.memory_space<hbm>> -> memref<1000000x32xf32, #tpu.memory_space<hbm>>
    tpu.enqueue_indirect_dma source(%dma_start3A_49 : memref<1000000x32xf32, #tpu.memory_space<hbm>>) target(%dma_start3A_43 : memref<96x32xf32, #tpu.memory_space<vmem>>) offsets(%dma_start3A_46 : memref<96xi32, #tpu.memory_space<vmem>>) semaphore(%arg9 : memref<!tpu.dma_semaphore, #tpu.memory_space<semaphore_mem>>)
    %dma_start3A_50 = arith.constant 2 : i32
    %dma_start3A_51 = arith.constant 2 : i32
    %dma_start3A_52 = arith.constant 0 : i32
    %dma_start3A_53 = arith.constant 0 : i32
    %dma_start3A_54 = tpu.memref_slice %arg6[%dma_start3A_51, %dma_start3A_52, %dma_start3A_53] : memref<8x200x32xf32, #tpu.memory_space<vmem>> -> memref<1x104x32xf32, #tpu.memory_space<vmem>>
    %dma_start3A_55 = tpu.memref_squeeze %dma_start3A_54 : memref<1x104x32xf32, #tpu.memory_space<vmem>> -> memref<104x32xf32, #tpu.memory_space<vmem>>
    %dma_start3A_56 = arith.constant 0 : i32
    %dma_start3A_57 = tpu.memref_slice %arg5[%dma_start3A_50, %dma_start3A_56] : memref<128x200xi32, #tpu.memory_space<vmem>> -> memref<1x104xi32, #tpu.memory_space<vmem>>
    %dma_start3A_58 = tpu.memref_squeeze %dma_start3A_57 : memref<1x104xi32, #tpu.memory_space<vmem>> -> memref<104xi32, #tpu.memory_space<vmem>>
    %dma_start3A_59 = arith.constant 0 : i32
    %dma_start3A_60 = arith.constant 0 : i32
    %dma_start3A_61 = tpu.memref_slice %arg3[%dma_start3A_59, %dma_start3A_60] : memref<1000000x32xf32, #tpu.memory_space<hbm>> -> memref<1000000x32xf32, #tpu.memory_space<hbm>>
    tpu.enqueue_indirect_dma source(%dma_start3A_61 : memref<1000000x32xf32, #tpu.memory_space<hbm>>) target(%dma_start3A_55 : memref<104x32xf32, #tpu.memory_space<vmem>>) offsets(%dma_start3A_58 : memref<104xi32, #tpu.memory_space<vmem>>) semaphore(%arg10 : memref<!tpu.dma_semaphore, #tpu.memory_space<semaphore_mem>>)
    %dma_start3A_62 = arith.constant 2 : i32
    %dma_start3A_63 = arith.constant 2 : i32
    %dma_start3A_64 = arith.constant 104 : i32
    %dma_start3A_65 = arith.constant 0 : i32
    %dma_start3A_66 = tpu.memref_slice %arg6[%dma_start3A_63, %dma_start3A_64, %dma_start3A_65] : memref<8x200x32xf32, #tpu.memory_space<vmem>> -> memref<1x96x32xf32, #tpu.memory_space<vmem>>
    %dma_start3A_67 = tpu.memref_squeeze %dma_start3A_66 : memref<1x96x32xf32, #tpu.memory_space<vmem>> -> memref<96x32xf32, #tpu.memory_space<vmem>>
    %dma_start3A_68 = arith.constant 104 : i32
    %dma_start3A_69 = tpu.memref_slice %arg5[%dma_start3A_62, %dma_start3A_68] : memref<128x200xi32, #tpu.memory_space<vmem>> -> memref<1x96xi32, #tpu.memory_space<vmem>>
    %dma_start3A_70 = tpu.memref_squeeze %dma_start3A_69 : memref<1x96xi32, #tpu.memory_space<vmem>> -> memref<96xi32, #tpu.memory_space<vmem>>
    %dma_start3A_71 = arith.constant 0 : i32
    %dma_start3A_72 = arith.constant 0 : i32
    %dma_start3A_73 = tpu.memref_slice %arg3[%dma_start3A_71, %dma_start3A_72] : memref<1000000x32xf32, #tpu.memory_space<hbm>> -> memref<1000000x32xf32, #tpu.memory_space<hbm>>
    tpu.enqueue_indirect_dma source(%dma_start3A_73 : memref<1000000x32xf32, #tpu.memory_space<hbm>>) target(%dma_start3A_67 : memref<96x32xf32, #tpu.memory_space<vmem>>) offsets(%dma_start3A_70 : memref<96xi32, #tpu.memory_space<vmem>>) semaphore(%arg10 : memref<!tpu.dma_semaphore, #tpu.memory_space<semaphore_mem>>)
    %dma_start3A_74 = arith.constant 3 : i32
    %dma_start3A_75 = arith.constant 3 : i32
    %dma_start3A_76 = arith.constant 0 : i32
    %dma_start3A_77 = arith.constant 0 : i32
    %dma_start3A_78 = tpu.memref_slice %arg6[%dma_start3A_75, %dma_start3A_76, %dma_start3A_77] : memref<8x200x32xf32, #tpu.memory_space<vmem>> -> memref<1x104x32xf32, #tpu.memory_space<vmem>>
    %dma_start3A_79 = tpu.memref_squeeze %dma_start3A_78 : memref<1x104x32xf32, #tpu.memory_space<vmem>> -> memref<104x32xf32, #tpu.memory_space<vmem>>
    %dma_start3A_80 = arith.constant 0 : i32
    %dma_start3A_81 = tpu.memref_slice %arg5[%dma_start3A_74, %dma_start3A_80] : memref<128x200xi32, #tpu.memory_space<vmem>> -> memref<1x104xi32, #tpu.memory_space<vmem>>
    %dma_start3A_82 = tpu.memref_squeeze %dma_start3A_81 : memref<1x104xi32, #tpu.memory_space<vmem>> -> memref<104xi32, #tpu.memory_space<vmem>>
    %dma_start3A_83 = arith.constant 0 : i32
    %dma_start3A_84 = arith.constant 0 : i32
    %dma_start3A_85 = tpu.memref_slice %arg3[%dma_start3A_83, %dma_start3A_84] : memref<1000000x32xf32, #tpu.memory_space<hbm>> -> memref<1000000x32xf32, #tpu.memory_space<hbm>>
    tpu.enqueue_indirect_dma source(%dma_start3A_85 : memref<1000000x32xf32, #tpu.memory_space<hbm>>) target(%dma_start3A_79 : memref<104x32xf32, #tpu.memory_space<vmem>>) offsets(%dma_start3A_82 : memref<104xi32, #tpu.memory_space<vmem>>) semaphore(%arg11 : memref<!tpu.dma_semaphore, #tpu.memory_space<semaphore_mem>>)
    %dma_start3A_86 = arith.constant 3 : i32
    %dma_start3A_87 = arith.constant 3 : i32
    %dma_start3A_88 = arith.constant 104 : i32
    %dma_start3A_89 = arith.constant 0 : i32
    %dma_start3A_90 = tpu.memref_slice %arg6[%dma_start3A_87, %dma_start3A_88, %dma_start3A_89] : memref<8x200x32xf32, #tpu.memory_space<vmem>> -> memref<1x96x32xf32, #tpu.memory_space<vmem>>
    %dma_start3A_91 = tpu.memref_squeeze %dma_start3A_90 : memref<1x96x32xf32, #tpu.memory_space<vmem>> -> memref<96x32xf32, #tpu.memory_space<vmem>>
    %dma_start3A_92 = arith.constant 104 : i32
    %dma_start3A_93 = tpu.memref_slice %arg5[%dma_start3A_86, %dma_start3A_92] : memref<128x200xi32, #tpu.memory_space<vmem>> -> memref<1x96xi32, #tpu.memory_space<vmem>>
    %dma_start3A_94 = tpu.memref_squeeze %dma_start3A_93 : memref<1x96xi32, #tpu.memory_space<vmem>> -> memref<96xi32, #tpu.memory_space<vmem>>
    %dma_start3A_95 = arith.constant 0 : i32
    %dma_start3A_96 = arith.constant 0 : i32
    %dma_start3A_97 = tpu.memref_slice %arg3[%dma_start3A_95, %dma_start3A_96] : memref<1000000x32xf32, #tpu.memory_space<hbm>> -> memref<1000000x32xf32, #tpu.memory_space<hbm>>
    tpu.enqueue_indirect_dma source(%dma_start3A_97 : memref<1000000x32xf32, #tpu.memory_space<hbm>>) target(%dma_start3A_91 : memref<96x32xf32, #tpu.memory_space<vmem>>) offsets(%dma_start3A_94 : memref<96xi32, #tpu.memory_space<vmem>>) semaphore(%arg11 : memref<!tpu.dma_semaphore, #tpu.memory_space<semaphore_mem>>)
    %dma_start3A_98 = arith.constant 4 : i32
    %dma_start3A_99 = arith.constant 4 : i32
    %dma_start3A_100 = arith.constant 0 : i32
    %dma_start3A_101 = arith.constant 0 : i32
    %dma_start3A_102 = tpu.memref_slice %arg6[%dma_start3A_99, %dma_start3A_100, %dma_start3A_101] : memref<8x200x32xf32, #tpu.memory_space<vmem>> -> memref<1x104x32xf32, #tpu.memory_space<vmem>>
    %dma_start3A_103 = tpu.memref_squeeze %dma_start3A_102 : memref<1x104x32xf32, #tpu.memory_space<vmem>> -> memref<104x32xf32, #tpu.memory_space<vmem>>
    %dma_start3A_104 = arith.constant 0 : i32
    %dma_start3A_105 = tpu.memref_slice %arg5[%dma_start3A_98, %dma_start3A_104] : memref<128x200xi32, #tpu.memory_space<vmem>> -> memref<1x104xi32, #tpu.memory_space<vmem>>
    %dma_start3A_106 = tpu.memref_squeeze %dma_start3A_105 : memref<1x104xi32, #tpu.memory_space<vmem>> -> memref<104xi32, #tpu.memory_space<vmem>>
    %dma_start3A_107 = arith.constant 0 : i32
    %dma_start3A_108 = arith.constant 0 : i32
    %dma_start3A_109 = tpu.memref_slice %arg3[%dma_start3A_107, %dma_start3A_108] : memref<1000000x32xf32, #tpu.memory_space<hbm>> -> memref<1000000x32xf32, #tpu.memory_space<hbm>>
    tpu.enqueue_indirect_dma source(%dma_start3A_109 : memref<1000000x32xf32, #tpu.memory_space<hbm>>) target(%dma_start3A_103 : memref<104x32xf32, #tpu.memory_space<vmem>>) offsets(%dma_start3A_106 : memref<104xi32, #tpu.memory_space<vmem>>) semaphore(%arg12 : memref<!tpu.dma_semaphore, #tpu.memory_space<semaphore_mem>>)
    %dma_start3A_110 = arith.constant 4 : i32
    %dma_start3A_111 = arith.constant 4 : i32
    %dma_start3A_112 = arith.constant 104 : i32
    %dma_start3A_113 = arith.constant 0 : i32
    %dma_start3A_114 = tpu.memref_slice %arg6[%dma_start3A_111, %dma_start3A_112, %dma_start3A_113] : memref<8x200x32xf32, #tpu.memory_space<vmem>> -> memref<1x96x32xf32, #tpu.memory_space<vmem>>
    %dma_start3A_115 = tpu.memref_squeeze %dma_start3A_114 : memref<1x96x32xf32, #tpu.memory_space<vmem>> -> memref<96x32xf32, #tpu.memory_space<vmem>>
    %dma_start3A_116 = arith.constant 104 : i32
    %dma_start3A_117 = tpu.memref_slice %arg5[%dma_start3A_110, %dma_start3A_116] : memref<128x200xi32, #tpu.memory_space<vmem>> -> memref<1x96xi32, #tpu.memory_space<vmem>>
    %dma_start3A_118 = tpu.memref_squeeze %dma_start3A_117 : memref<1x96xi32, #tpu.memory_space<vmem>> -> memref<96xi32, #tpu.memory_space<vmem>>
    %dma_start3A_119 = arith.constant 0 : i32
    %dma_start3A_120 = arith.constant 0 : i32
    %dma_start3A_121 = tpu.memref_slice %arg3[%dma_start3A_119, %dma_start3A_120] : memref<1000000x32xf32, #tpu.memory_space<hbm>> -> memref<1000000x32xf32, #tpu.memory_space<hbm>>
    tpu.enqueue_indirect_dma source(%dma_start3A_121 : memref<1000000x32xf32, #tpu.memory_space<hbm>>) target(%dma_start3A_115 : memref<96x32xf32, #tpu.memory_space<vmem>>) offsets(%dma_start3A_118 : memref<96xi32, #tpu.memory_space<vmem>>) semaphore(%arg12 : memref<!tpu.dma_semaphore, #tpu.memory_space<semaphore_mem>>)
    %dma_start3A_122 = arith.constant 5 : i32
    %dma_start3A_123 = arith.constant 5 : i32
    %dma_start3A_124 = arith.constant 0 : i32
    %dma_start3A_125 = arith.constant 0 : i32
    %dma_start3A_126 = tpu.memref_slice %arg6[%dma_start3A_123, %dma_start3A_124, %dma_start3A_125] : memref<8x200x32xf32, #tpu.memory_space<vmem>> -> memref<1x104x32xf32, #tpu.memory_space<vmem>>
    %dma_start3A_127 = tpu.memref_squeeze %dma_start3A_126 : memref<1x104x32xf32, #tpu.memory_space<vmem>> -> memref<104x32xf32, #tpu.memory_space<vmem>>
    %dma_start3A_128 = arith.constant 0 : i32
    %dma_start3A_129 = tpu.memref_slice %arg5[%dma_start3A_122, %dma_start3A_128] : memref<128x200xi32, #tpu.memory_space<vmem>> -> memref<1x104xi32, #tpu.memory_space<vmem>>
    %dma_start3A_130 = tpu.memref_squeeze %dma_start3A_129 : memref<1x104xi32, #tpu.memory_space<vmem>> -> memref<104xi32, #tpu.memory_space<vmem>>
    %dma_start3A_131 = arith.constant 0 : i32
    %dma_start3A_132 = arith.constant 0 : i32
    %dma_start3A_133 = tpu.memref_slice %arg3[%dma_start3A_131, %dma_start3A_132] : memref<1000000x32xf32, #tpu.memory_space<hbm>> -> memref<1000000x32xf32, #tpu.memory_space<hbm>>
    tpu.enqueue_indirect_dma source(%dma_start3A_133 : memref<1000000x32xf32, #tpu.memory_space<hbm>>) target(%dma_start3A_127 : memref<104x32xf32, #tpu.memory_space<vmem>>) offsets(%dma_start3A_130 : memref<104xi32, #tpu.memory_space<vmem>>) semaphore(%arg13 : memref<!tpu.dma_semaphore, #tpu.memory_space<semaphore_mem>>)
    %dma_start3A_134 = arith.constant 5 : i32
    %dma_start3A_135 = arith.constant 5 : i32
    %dma_start3A_136 = arith.constant 104 : i32
    %dma_start3A_137 = arith.constant 0 : i32
    %dma_start3A_138 = tpu.memref_slice %arg6[%dma_start3A_135, %dma_start3A_136, %dma_start3A_137] : memref<8x200x32xf32, #tpu.memory_space<vmem>> -> memref<1x96x32xf32, #tpu.memory_space<vmem>>
    %dma_start3A_139 = tpu.memref_squeeze %dma_start3A_138 : memref<1x96x32xf32, #tpu.memory_space<vmem>> -> memref<96x32xf32, #tpu.memory_space<vmem>>
    %dma_start3A_140 = arith.constant 104 : i32
    %dma_start3A_141 = tpu.memref_slice %arg5[%dma_start3A_134, %dma_start3A_140] : memref<128x200xi32, #tpu.memory_space<vmem>> -> memref<1x96xi32, #tpu.memory_space<vmem>>
    %dma_start3A_142 = tpu.memref_squeeze %dma_start3A_141 : memref<1x96xi32, #tpu.memory_space<vmem>> -> memref<96xi32, #tpu.memory_space<vmem>>
    %dma_start3A_143 = arith.constant 0 : i32
    %dma_start3A_144 = arith.constant 0 : i32
    %dma_start3A_145 = tpu.memref_slice %arg3[%dma_start3A_143, %dma_start3A_144] : memref<1000000x32xf32, #tpu.memory_space<hbm>> -> memref<1000000x32xf32, #tpu.memory_space<hbm>>
    tpu.enqueue_indirect_dma source(%dma_start3A_145 : memref<1000000x32xf32, #tpu.memory_space<hbm>>) target(%dma_start3A_139 : memref<96x32xf32, #tpu.memory_space<vmem>>) offsets(%dma_start3A_142 : memref<96xi32, #tpu.memory_space<vmem>>) semaphore(%arg13 : memref<!tpu.dma_semaphore, #tpu.memory_space<semaphore_mem>>)
    %dma_start3A_146 = arith.constant 6 : i32
    %dma_start3A_147 = arith.constant 6 : i32
    %dma_start3A_148 = arith.constant 0 : i32
    %dma_start3A_149 = arith.constant 0 : i32
    %dma_start3A_150 = tpu.memref_slice %arg6[%dma_start3A_147, %dma_start3A_148, %dma_start3A_149] : memref<8x200x32xf32, #tpu.memory_space<vmem>> -> memref<1x104x32xf32, #tpu.memory_space<vmem>>
    %dma_start3A_151 = tpu.memref_squeeze %dma_start3A_150 : memref<1x104x32xf32, #tpu.memory_space<vmem>> -> memref<104x32xf32, #tpu.memory_space<vmem>>
    %dma_start3A_152 = arith.constant 0 : i32
    %dma_start3A_153 = tpu.memref_slice %arg5[%dma_start3A_146, %dma_start3A_152] : memref<128x200xi32, #tpu.memory_space<vmem>> -> memref<1x104xi32, #tpu.memory_space<vmem>>
    %dma_start3A_154 = tpu.memref_squeeze %dma_start3A_153 : memref<1x104xi32, #tpu.memory_space<vmem>> -> memref<104xi32, #tpu.memory_space<vmem>>
    %dma_start3A_155 = arith.constant 0 : i32
    %dma_start3A_156 = arith.constant 0 : i32
    %dma_start3A_157 = tpu.memref_slice %arg3[%dma_start3A_155, %dma_start3A_156] : memref<1000000x32xf32, #tpu.memory_space<hbm>> -> memref<1000000x32xf32, #tpu.memory_space<hbm>>
    tpu.enqueue_indirect_dma source(%dma_start3A_157 : memref<1000000x32xf32, #tpu.memory_space<hbm>>) target(%dma_start3A_151 : memref<104x32xf32, #tpu.memory_space<vmem>>) offsets(%dma_start3A_154 : memref<104xi32, #tpu.memory_space<vmem>>) semaphore(%arg14 : memref<!tpu.dma_semaphore, #tpu.memory_space<semaphore_mem>>)
    %dma_start3A_158 = arith.constant 6 : i32
    %dma_start3A_159 = arith.constant 6 : i32
    %dma_start3A_160 = arith.constant 104 : i32
    %dma_start3A_161 = arith.constant 0 : i32
    %dma_start3A_162 = tpu.memref_slice %arg6[%dma_start3A_159, %dma_start3A_160, %dma_start3A_161] : memref<8x200x32xf32, #tpu.memory_space<vmem>> -> memref<1x96x32xf32, #tpu.memory_space<vmem>>
    %dma_start3A_163 = tpu.memref_squeeze %dma_start3A_162 : memref<1x96x32xf32, #tpu.memory_space<vmem>> -> memref<96x32xf32, #tpu.memory_space<vmem>>
    %dma_start3A_164 = arith.constant 104 : i32
    %dma_start3A_165 = tpu.memref_slice %arg5[%dma_start3A_158, %dma_start3A_164] : memref<128x200xi32, #tpu.memory_space<vmem>> -> memref<1x96xi32, #tpu.memory_space<vmem>>
    %dma_start3A_166 = tpu.memref_squeeze %dma_start3A_165 : memref<1x96xi32, #tpu.memory_space<vmem>> -> memref<96xi32, #tpu.memory_space<vmem>>
    %dma_start3A_167 = arith.constant 0 : i32
    %dma_start3A_168 = arith.constant 0 : i32
    %dma_start3A_169 = tpu.memref_slice %arg3[%dma_start3A_167, %dma_start3A_168] : memref<1000000x32xf32, #tpu.memory_space<hbm>> -> memref<1000000x32xf32, #tpu.memory_space<hbm>>
    tpu.enqueue_indirect_dma source(%dma_start3A_169 : memref<1000000x32xf32, #tpu.memory_space<hbm>>) target(%dma_start3A_163 : memref<96x32xf32, #tpu.memory_space<vmem>>) offsets(%dma_start3A_166 : memref<96xi32, #tpu.memory_space<vmem>>) semaphore(%arg14 : memref<!tpu.dma_semaphore, #tpu.memory_space<semaphore_mem>>)
    %dma_start3A_170 = arith.constant 7 : i32
    %dma_start3A_171 = arith.constant 7 : i32
    %dma_start3A_172 = arith.constant 0 : i32
    %dma_start3A_173 = arith.constant 0 : i32
    %dma_start3A_174 = tpu.memref_slice %arg6[%dma_start3A_171, %dma_start3A_172, %dma_start3A_173] : memref<8x200x32xf32, #tpu.memory_space<vmem>> -> memref<1x104x32xf32, #tpu.memory_space<vmem>>
    %dma_start3A_175 = tpu.memref_squeeze %dma_start3A_174 : memref<1x104x32xf32, #tpu.memory_space<vmem>> -> memref<104x32xf32, #tpu.memory_space<vmem>>
    %dma_start3A_176 = arith.constant 0 : i32
    %dma_start3A_177 = tpu.memref_slice %arg5[%dma_start3A_170, %dma_start3A_176] : memref<128x200xi32, #tpu.memory_space<vmem>> -> memref<1x104xi32, #tpu.memory_space<vmem>>
    %dma_start3A_178 = tpu.memref_squeeze %dma_start3A_177 : memref<1x104xi32, #tpu.memory_space<vmem>> -> memref<104xi32, #tpu.memory_space<vmem>>
    %dma_start3A_179 = arith.constant 0 : i32
    %dma_start3A_180 = arith.constant 0 : i32
    %dma_start3A_181 = tpu.memref_slice %arg3[%dma_start3A_179, %dma_start3A_180] : memref<1000000x32xf32, #tpu.memory_space<hbm>> -> memref<1000000x32xf32, #tpu.memory_space<hbm>>
    tpu.enqueue_indirect_dma source(%dma_start3A_181 : memref<1000000x32xf32, #tpu.memory_space<hbm>>) target(%dma_start3A_175 : memref<104x32xf32, #tpu.memory_space<vmem>>) offsets(%dma_start3A_178 : memref<104xi32, #tpu.memory_space<vmem>>) semaphore(%arg15 : memref<!tpu.dma_semaphore, #tpu.memory_space<semaphore_mem>>)
    %dma_start3A_182 = arith.constant 7 : i32
    %dma_start3A_183 = arith.constant 7 : i32
    %dma_start3A_184 = arith.constant 104 : i32
    %dma_start3A_185 = arith.constant 0 : i32
    %dma_start3A_186 = tpu.memref_slice %arg6[%dma_start3A_183, %dma_start3A_184, %dma_start3A_185] : memref<8x200x32xf32, #tpu.memory_space<vmem>> -> memref<1x96x32xf32, #tpu.memory_space<vmem>>
    %dma_start3A_187 = tpu.memref_squeeze %dma_start3A_186 : memref<1x96x32xf32, #tpu.memory_space<vmem>> -> memref<96x32xf32, #tpu.memory_space<vmem>>
    %dma_start3A_188 = arith.constant 104 : i32
    %dma_start3A_189 = tpu.memref_slice %arg5[%dma_start3A_182, %dma_start3A_188] : memref<128x200xi32, #tpu.memory_space<vmem>> -> memref<1x96xi32, #tpu.memory_space<vmem>>
    %dma_start3A_190 = tpu.memref_squeeze %dma_start3A_189 : memref<1x96xi32, #tpu.memory_space<vmem>> -> memref<96xi32, #tpu.memory_space<vmem>>
    %dma_start3A_191 = arith.constant 0 : i32
    %dma_start3A_192 = arith.constant 0 : i32
    %dma_start3A_193 = tpu.memref_slice %arg3[%dma_start3A_191, %dma_start3A_192] : memref<1000000x32xf32, #tpu.memory_space<hbm>> -> memref<1000000x32xf32, #tpu.memory_space<hbm>>
    tpu.enqueue_indirect_dma source(%dma_start3A_193 : memref<1000000x32xf32, #tpu.memory_space<hbm>>) target(%dma_start3A_187 : memref<96x32xf32, #tpu.memory_space<vmem>>) offsets(%dma_start3A_190 : memref<96xi32, #tpu.memory_space<vmem>>) semaphore(%arg15 : memref<!tpu.dma_semaphore, #tpu.memory_space<semaphore_mem>>)
    %broadcast_in_dim3A = arith.constant 0.000000e+00 : f32
    %broadcast_in_dim3A_194 = vector.broadcast %broadcast_in_dim3A : f32 to vector<16xf32>
    %scan3A = arith.constant 0 : i32
    %scan3A_195 = arith.constant 0 : i32
    %scan3A_196 = arith.constant 16 : i32
    %scan3A_197 = arith.addi %scan3A_195, %scan3A_196 : i32
    %scan3A_198 = arith.constant 1 : i32
    scf.for %scan3A_202 = %scan3A_195 to %scan3A_197 step %scan3A_198  : i32 {
      %mul3A_203 = arith.constant 8 : i32
      %mul3A_204 = arith.muli %mul3A_203, %scan3A_202 : i32
      %add3A_205 = arith.constant 0 : i32
      %add3A_206 = arith.addi %mul3A_204, %add3A_205 : i32
      %dma_wait3A = arith.constant 0 : i32
      %dma_wait3A_207 = arith.constant 0 : i32
      %dma_wait3A_208 = arith.constant 0 : i32
      %dma_wait3A_209 = tpu.memref_slice %arg6[%dma_wait3A, %dma_wait3A_207, %dma_wait3A_208] : memref<8x200x32xf32, #tpu.memory_space<vmem>> -> memref<1x200x32xf32, #tpu.memory_space<vmem>>
      %dma_wait3A_210 = tpu.memref_squeeze %dma_wait3A_209 : memref<1x200x32xf32, #tpu.memory_space<vmem>> -> memref<200x32xf32, #tpu.memory_space<vmem>>
      %dma_wait3A_211 = arith.constant 0 : i32
      %dma_wait3A_212 = arith.constant 0 : i32
      %dma_wait3A_213 = tpu.memref_slice %arg3[%dma_wait3A_211, %dma_wait3A_212] : memref<1000000x32xf32, #tpu.memory_space<hbm>> -> memref<200x32xf32, #tpu.memory_space<hbm>>
      %dma_wait3A_214 = arith.constant 0 : i32
      %dma_wait3A_215 = arith.constant 0 : i32
      %dma_wait3A_216 = tpu.memref_slice %arg6[%dma_wait3A, %dma_wait3A_214, %dma_wait3A_215] : memref<8x200x32xf32, #tpu.memory_space<vmem>> -> memref<1x200x32xf32, #tpu.memory_space<vmem>>
      %dma_wait3A_217 = tpu.memref_squeeze %dma_wait3A_216 : memref<1x200x32xf32, #tpu.memory_space<vmem>> -> memref<200x32xf32, #tpu.memory_space<vmem>>
      %dma_wait3A_218 = arith.constant 0 : i32
      %dma_wait3A_219 = arith.constant 0 : i32
      %dma_wait3A_220 = tpu.memref_slice %arg3[%dma_wait3A_218, %dma_wait3A_219] : memref<1000000x32xf32, #tpu.memory_space<hbm>> -> memref<200x32xf32, #tpu.memory_space<hbm>>
      tpu.wait_dma2 semaphore(%arg8 : memref<!tpu.dma_semaphore, #tpu.memory_space<semaphore_mem>>) src(%dma_wait3A_220 : memref<200x32xf32, #tpu.memory_space<hbm>>) dst(%dma_wait3A_217 : memref<200x32xf32, #tpu.memory_space<vmem>>)
      %scan3A_221 = arith.constant 0 : i32
      %scan3A_222 = arith.constant 10 : i32
      %scan3A_223 = arith.addi %scan3A_221, %scan3A_222 : i32
      %scan3A_224 = arith.constant 1 : i32
      %scan3A_225:4 = scf.for %scan3A_550 = %scan3A_221 to %scan3A_223 step %scan3A_224 iter_args(%scan3A_551 = %broadcast_in_dim3A_194, %scan3A_552 = %broadcast_in_dim3A_194, %scan3A_553 = %broadcast_in_dim3A_194, %scan3A_554 = %broadcast_in_dim3A_194) -> (vector<16xf32>, vector<16xf32>, vector<16xf32>, vector<16xf32>)  : i32 {
        %mul3A_555 = arith.constant 20 : i32
        %mul3A_556 = arith.muli %scan3A_550, %mul3A_555 : i32
        %add3A_557 = arith.constant 0 : i32
        %add3A_558 = arith.addi %mul3A_556, %add3A_557 : i32
        %get3A = arith.constant 0 : i32
        %get3A_559 = arith.index_cast %get3A : i32 to index
        %get3A_560 = arith.index_cast %add3A_558 : i32 to index
        %get3A_561 = arith.constant 0 : index
        %get3A_562 = tpu.vector_load %arg6[%get3A_559, %get3A_560, %get3A_561] {strides = array<i32>} : memref<8x200x32xf32, #tpu.memory_space<vmem>>, vector<1x1x16xf32>,
        %get3A_563 = vector.shape_cast %get3A_562 : vector<1x1x16xf32> to vector<16xf32>
        %add3A_564 = arith.addf %scan3A_551, %get3A_563 : vector<16xf32>
        %add3A_565 = arith.constant 0 : i32
        %add3A_566 = arith.addi %mul3A_556, %add3A_565 : i32
        %get3A_567 = arith.constant 0 : i32
        %get3A_568 = arith.index_cast %get3A_567 : i32 to index
        %get3A_569 = arith.index_cast %add3A_566 : i32 to index
        %get3A_570 = arith.constant 16 : index
        %get3A_571 = tpu.vector_load %arg6[%get3A_568, %get3A_569, %get3A_570] {strides = array<i32>} : memref<8x200x32xf32, #tpu.memory_space<vmem>>, vector<1x1x16xf32>,
        %get3A_572 = vector.shape_cast %get3A_571 : vector<1x1x16xf32> to vector<16xf32>
        %add3A_573 = arith.addf %scan3A_552, %get3A_572 : vector<16xf32>
        %add3A_574 = arith.constant 0 : i32
        %add3A_575 = arith.addi %mul3A_556, %add3A_574 : i32
        %add3A_576 = arith.constant 1 : i32
        %add3A_577 = arith.addi %add3A_575, %add3A_576 : i32
        %get3A_578 = arith.constant 0 : i32
        %get3A_579 = arith.index_cast %get3A_578 : i32 to index
        %get3A_580 = arith.index_cast %add3A_577 : i32 to index
        %get3A_581 = arith.constant 0 : index
        %get3A_582 = tpu.vector_load %arg6[%get3A_579, %get3A_580, %get3A_581] {strides = array<i32>} : memref<8x200x32xf32, #tpu.memory_space<vmem>>, vector<1x1x16xf32>,
        %get3A_583 = vector.shape_cast %get3A_582 : vector<1x1x16xf32> to vector<16xf32>
        %add3A_584 = arith.addf %scan3A_553, %get3A_583 : vector<16xf32>
        %add3A_585 = arith.constant 0 : i32
        %add3A_586 = arith.addi %mul3A_556, %add3A_585 : i32
        %add3A_587 = arith.constant 1 : i32
        %add3A_588 = arith.addi %add3A_586, %add3A_587 : i32
        %get3A_589 = arith.constant 0 : i32
        %get3A_590 = arith.index_cast %get3A_589 : i32 to index
        %get3A_591 = arith.index_cast %add3A_588 : i32 to index
        %get3A_592 = arith.constant 16 : index
        %get3A_593 = tpu.vector_load %arg6[%get3A_590, %get3A_591, %get3A_592] {strides = array<i32>} : memref<8x200x32xf32, #tpu.memory_space<vmem>>, vector<1x1x16xf32>,
        %get3A_594 = vector.shape_cast %get3A_593 : vector<1x1x16xf32> to vector<16xf32>
        %add3A_595 = arith.addf %scan3A_554, %get3A_594 : vector<16xf32>
        %add3A_596 = arith.constant 2 : i32
        %add3A_597 = arith.addi %mul3A_556, %add3A_596 : i32
        %get3A_598 = arith.constant 0 : i32
        %get3A_599 = arith.index_cast %get3A_598 : i32 to index
        %get3A_600 = arith.index_cast %add3A_597 : i32 to index
        %get3A_601 = arith.constant 0 : index
        %get3A_602 = tpu.vector_load %arg6[%get3A_599, %get3A_600, %get3A_601] {strides = array<i32>} : memref<8x200x32xf32, #tpu.memory_space<vmem>>, vector<1x1x16xf32>,
        %get3A_603 = vector.shape_cast %get3A_602 : vector<1x1x16xf32> to vector<16xf32>
        %add3A_604 = arith.addf %add3A_564, %get3A_603 : vector<16xf32>
        %add3A_605 = arith.constant 2 : i32
        %add3A_606 = arith.addi %mul3A_556, %add3A_605 : i32
        %get3A_607 = arith.constant 0 : i32
        %get3A_608 = arith.index_cast %get3A_607 : i32 to index
        %get3A_609 = arith.index_cast %add3A_606 : i32 to index
        %get3A_610 = arith.constant 16 : index
        %get3A_611 = tpu.vector_load %arg6[%get3A_608, %get3A_609, %get3A_610] {strides = array<i32>} : memref<8x200x32xf32, #tpu.memory_space<vmem>>, vector<1x1x16xf32>,
        %get3A_612 = vector.shape_cast %get3A_611 : vector<1x1x16xf32> to vector<16xf32>
        %add3A_613 = arith.addf %add3A_573, %get3A_612 : vector<16xf32>
        %add3A_614 = arith.constant 2 : i32
        %add3A_615 = arith.addi %mul3A_556, %add3A_614 : i32
        %add3A_616 = arith.constant 1 : i32
        %add3A_617 = arith.addi %add3A_615, %add3A_616 : i32
        %get3A_618 = arith.constant 0 : i32
        %get3A_619 = arith.index_cast %get3A_618 : i32 to index
        %get3A_620 = arith.index_cast %add3A_617 : i32 to index
        %get3A_621 = arith.constant 0 : index
        %get3A_622 = tpu.vector_load %arg6[%get3A_619, %get3A_620, %get3A_621] {strides = array<i32>} : memref<8x200x32xf32, #tpu.memory_space<vmem>>, vector<1x1x16xf32>,
        %get3A_623 = vector.shape_cast %get3A_622 : vector<1x1x16xf32> to vector<16xf32>
        %add3A_624 = arith.addf %add3A_584, %get3A_623 : vector<16xf32>
        %add3A_625 = arith.constant 2 : i32
        %add3A_626 = arith.addi %mul3A_556, %add3A_625 : i32
        %add3A_627 = arith.constant 1 : i32
        %add3A_628 = arith.addi %add3A_626, %add3A_627 : i32
        %get3A_629 = arith.constant 0 : i32
        %get3A_630 = arith.index_cast %get3A_629 : i32 to index
        %get3A_631 = arith.index_cast %add3A_628 : i32 to index
        %get3A_632 = arith.constant 16 : index
        %get3A_633 = tpu.vector_load %arg6[%get3A_630, %get3A_631, %get3A_632] {strides = array<i32>} : memref<8x200x32xf32, #tpu.memory_space<vmem>>, vector<1x1x16xf32>,
        %get3A_634 = vector.shape_cast %get3A_633 : vector<1x1x16xf32> to vector<16xf32>
        %add3A_635 = arith.addf %add3A_595, %get3A_634 : vector<16xf32>
        %add3A_636 = arith.constant 4 : i32
        %add3A_637 = arith.addi %mul3A_556, %add3A_636 : i32
        %get3A_638 = arith.constant 0 : i32
        %get3A_639 = arith.index_cast %get3A_638 : i32 to index
        %get3A_640 = arith.index_cast %add3A_637 : i32 to index
        %get3A_641 = arith.constant 0 : index
        %get3A_642 = tpu.vector_load %arg6[%get3A_639, %get3A_640, %get3A_641] {strides = array<i32>} : memref<8x200x32xf32, #tpu.memory_space<vmem>>, vector<1x1x16xf32>,
        %get3A_643 = vector.shape_cast %get3A_642 : vector<1x1x16xf32> to vector<16xf32>
        %add3A_644 = arith.addf %add3A_604, %get3A_643 : vector<16xf32>
        %add3A_645 = arith.constant 4 : i32
        %add3A_646 = arith.addi %mul3A_556, %add3A_645 : i32
        %get3A_647 = arith.constant 0 : i32
        %get3A_648 = arith.index_cast %get3A_647 : i32 to index
        %get3A_649 = arith.index_cast %add3A_646 : i32 to index
        %get3A_650 = arith.constant 16 : index
        %get3A_651 = tpu.vector_load %arg6[%get3A_648, %get3A_649, %get3A_650] {strides = array<i32>} : memref<8x200x32xf32, #tpu.memory_space<vmem>>, vector<1x1x16xf32>,
        %get3A_652 = vector.shape_cast %get3A_651 : vector<1x1x16xf32> to vector<16xf32>
        %add3A_653 = arith.addf %add3A_613, %get3A_652 : vector<16xf32>
        %add3A_654 = arith.constant 4 : i32
        %add3A_655 = arith.addi %mul3A_556, %add3A_654 : i32
        %add3A_656 = arith.constant 1 : i32
        %add3A_657 = arith.addi %add3A_655, %add3A_656 : i32
        %get3A_658 = arith.constant 0 : i32
        %get3A_659 = arith.index_cast %get3A_658 : i32 to index
        %get3A_660 = arith.index_cast %add3A_657 : i32 to index
        %get3A_661 = arith.constant 0 : index
        %get3A_662 = tpu.vector_load %arg6[%get3A_659, %get3A_660, %get3A_661] {strides = array<i32>} : memref<8x200x32xf32, #tpu.memory_space<vmem>>, vector<1x1x16xf32>,
        %get3A_663 = vector.shape_cast %get3A_662 : vector<1x1x16xf32> to vector<16xf32>
        %add3A_664 = arith.addf %add3A_624, %get3A_663 : vector<16xf32>
        %add3A_665 = arith.constant 4 : i32
        %add3A_666 = arith.addi %mul3A_556, %add3A_665 : i32
        %add3A_667 = arith.constant 1 : i32
        %add3A_668 = arith.addi %add3A_666, %add3A_667 : i32
        %get3A_669 = arith.constant 0 : i32
        %get3A_670 = arith.index_cast %get3A_669 : i32 to index
        %get3A_671 = arith.index_cast %add3A_668 : i32 to index
        %get3A_672 = arith.constant 16 : index
        %get3A_673 = tpu.vector_load %arg6[%get3A_670, %get3A_671, %get3A_672] {strides = array<i32>} : memref<8x200x32xf32, #tpu.memory_space<vmem>>, vector<1x1x16xf32>,
        %get3A_674 = vector.shape_cast %get3A_673 : vector<1x1x16xf32> to vector<16xf32>
        %add3A_675 = arith.addf %add3A_635, %get3A_674 : vector<16xf32>
        %add3A_676 = arith.constant 6 : i32
        %add3A_677 = arith.addi %mul3A_556, %add3A_676 : i32
        %get3A_678 = arith.constant 0 : i32
        %get3A_679 = arith.index_cast %get3A_678 : i32 to index
        %get3A_680 = arith.index_cast %add3A_677 : i32 to index
        %get3A_681 = arith.constant 0 : index
        %get3A_682 = tpu.vector_load %arg6[%get3A_679, %get3A_680, %get3A_681] {strides = array<i32>} : memref<8x200x32xf32, #tpu.memory_space<vmem>>, vector<1x1x16xf32>,
        %get3A_683 = vector.shape_cast %get3A_682 : vector<1x1x16xf32> to vector<16xf32>
        %add3A_684 = arith.addf %add3A_644, %get3A_683 : vector<16xf32>
        %add3A_685 = arith.constant 6 : i32
        %add3A_686 = arith.addi %mul3A_556, %add3A_685 : i32
        %get3A_687 = arith.constant 0 : i32
        %get3A_688 = arith.index_cast %get3A_687 : i32 to index
        %get3A_689 = arith.index_cast %add3A_686 : i32 to index
        %get3A_690 = arith.constant 16 : index
        %get3A_691 = tpu.vector_load %arg6[%get3A_688, %get3A_689, %get3A_690] {strides = array<i32>} : memref<8x200x32xf32, #tpu.memory_space<vmem>>, vector<1x1x16xf32>,
        %get3A_692 = vector.shape_cast %get3A_691 : vector<1x1x16xf32> to vector<16xf32>
        %add3A_693 = arith.addf %add3A_653, %get3A_692 : vector<16xf32>
        %add3A_694 = arith.constant 6 : i32
        %add3A_695 = arith.addi %mul3A_556, %add3A_694 : i32
        %add3A_696 = arith.constant 1 : i32
        %add3A_697 = arith.addi %add3A_695, %add3A_696 : i32
        %get3A_698 = arith.constant 0 : i32
        %get3A_699 = arith.index_cast %get3A_698 : i32 to index
        %get3A_700 = arith.index_cast %add3A_697 : i32 to index
        %get3A_701 = arith.constant 0 : index
        %get3A_702 = tpu.vector_load %arg6[%get3A_699, %get3A_700, %get3A_701] {strides = array<i32>} : memref<8x200x32xf32, #tpu.memory_space<vmem>>, vector<1x1x16xf32>,
        %get3A_703 = vector.shape_cast %get3A_702 : vector<1x1x16xf32> to vector<16xf32>
        %add3A_704 = arith.addf %add3A_664, %get3A_703 : vector<16xf32>
        %add3A_705 = arith.constant 6 : i32
        %add3A_706 = arith.addi %mul3A_556, %add3A_705 : i32
        %add3A_707 = arith.constant 1 : i32
        %add3A_708 = arith.addi %add3A_706, %add3A_707 : i32
        %get3A_709 = arith.constant 0 : i32
        %get3A_710 = arith.index_cast %get3A_709 : i32 to index
        %get3A_711 = arith.index_cast %add3A_708 : i32 to index
        %get3A_712 = arith.constant 16 : index
        %get3A_713 = tpu.vector_load %arg6[%get3A_710, %get3A_711, %get3A_712] {strides = array<i32>} : memref<8x200x32xf32, #tpu.memory_space<vmem>>, vector<1x1x16xf32>,
        %get3A_714 = vector.shape_cast %get3A_713 : vector<1x1x16xf32> to vector<16xf32>
        %add3A_715 = arith.addf %add3A_675, %get3A_714 : vector<16xf32>
        %add3A_716 = arith.constant 8 : i32
        %add3A_717 = arith.addi %mul3A_556, %add3A_716 : i32
        %get3A_718 = arith.constant 0 : i32
        %get3A_719 = arith.index_cast %get3A_718 : i32 to index
        %get3A_720 = arith.index_cast %add3A_717 : i32 to index
        %get3A_721 = arith.constant 0 : index
        %get3A_722 = tpu.vector_load %arg6[%get3A_719, %get3A_720, %get3A_721] {strides = array<i32>} : memref<8x200x32xf32, #tpu.memory_space<vmem>>, vector<1x1x16xf32>,
        %get3A_723 = vector.shape_cast %get3A_722 : vector<1x1x16xf32> to vector<16xf32>
        %add3A_724 = arith.addf %add3A_684, %get3A_723 : vector<16xf32>
        %add3A_725 = arith.constant 8 : i32
        %add3A_726 = arith.addi %mul3A_556, %add3A_725 : i32
        %get3A_727 = arith.constant 0 : i32
        %get3A_728 = arith.index_cast %get3A_727 : i32 to index
        %get3A_729 = arith.index_cast %add3A_726 : i32 to index
        %get3A_730 = arith.constant 16 : index
        %get3A_731 = tpu.vector_load %arg6[%get3A_728, %get3A_729, %get3A_730] {strides = array<i32>} : memref<8x200x32xf32, #tpu.memory_space<vmem>>, vector<1x1x16xf32>,
        %get3A_732 = vector.shape_cast %get3A_731 : vector<1x1x16xf32> to vector<16xf32>
        %add3A_733 = arith.addf %add3A_693, %get3A_732 : vector<16xf32>
        %add3A_734 = arith.constant 8 : i32
        %add3A_735 = arith.addi %mul3A_556, %add3A_734 : i32
        %add3A_736 = arith.constant 1 : i32
        %add3A_737 = arith.addi %add3A_735, %add3A_736 : i32
        %get3A_738 = arith.constant 0 : i32
        %get3A_739 = arith.index_cast %get3A_738 : i32 to index
        %get3A_740 = arith.index_cast %add3A_737 : i32 to index
        %get3A_741 = arith.constant 0 : index
        %get3A_742 = tpu.vector_load %arg6[%get3A_739, %get3A_740, %get3A_741] {strides = array<i32>} : memref<8x200x32xf32, #tpu.memory_space<vmem>>, vector<1x1x16xf32>,
        %get3A_743 = vector.shape_cast %get3A_742 : vector<1x1x16xf32> to vector<16xf32>
        %add3A_744 = arith.addf %add3A_704, %get3A_743 : vector<16xf32>
        %add3A_745 = arith.constant 8 : i32
        %add3A_746 = arith.addi %mul3A_556, %add3A_745 : i32
        %add3A_747 = arith.constant 1 : i32
        %add3A_748 = arith.addi %add3A_746, %add3A_747 : i32
        %get3A_749 = arith.constant 0 : i32
        %get3A_750 = arith.index_cast %get3A_749 : i32 to index
        %get3A_751 = arith.index_cast %add3A_748 : i32 to index
        %get3A_752 = arith.constant 16 : index
        %get3A_753 = tpu.vector_load %arg6[%get3A_750, %get3A_751, %get3A_752] {strides = array<i32>} : memref<8x200x32xf32, #tpu.memory_space<vmem>>, vector<1x1x16xf32>,
        %get3A_754 = vector.shape_cast %get3A_753 : vector<1x1x16xf32> to vector<16xf32>
        %add3A_755 = arith.addf %add3A_715, %get3A_754 : vector<16xf32>
        %add3A_756 = arith.constant 10 : i32
        %add3A_757 = arith.addi %mul3A_556, %add3A_756 : i32
        %get3A_758 = arith.constant 0 : i32
        %get3A_759 = arith.index_cast %get3A_758 : i32 to index
        %get3A_760 = arith.index_cast %add3A_757 : i32 to index
        %get3A_761 = arith.constant 0 : index
        %get3A_762 = tpu.vector_load %arg6[%get3A_759, %get3A_760, %get3A_761] {strides = array<i32>} : memref<8x200x32xf32, #tpu.memory_space<vmem>>, vector<1x1x16xf32>,
        %get3A_763 = vector.shape_cast %get3A_762 : vector<1x1x16xf32> to vector<16xf32>
        %add3A_764 = arith.addf %add3A_724, %get3A_763 : vector<16xf32>
        %add3A_765 = arith.constant 10 : i32
        %add3A_766 = arith.addi %mul3A_556, %add3A_765 : i32
        %get3A_767 = arith.constant 0 : i32
        %get3A_768 = arith.index_cast %get3A_767 : i32 to index
        %get3A_769 = arith.index_cast %add3A_766 : i32 to index
        %get3A_770 = arith.constant 16 : index
        %get3A_771 = tpu.vector_load %arg6[%get3A_768, %get3A_769, %get3A_770] {strides = array<i32>} : memref<8x200x32xf32, #tpu.memory_space<vmem>>, vector<1x1x16xf32>,
        %get3A_772 = vector.shape_cast %get3A_771 : vector<1x1x16xf32> to vector<16xf32>
        %add3A_773 = arith.addf %add3A_733, %get3A_772 : vector<16xf32>
        %add3A_774 = arith.constant 10 : i32
        %add3A_775 = arith.addi %mul3A_556, %add3A_774 : i32
        %add3A_776 = arith.constant 1 : i32
        %add3A_777 = arith.addi %add3A_775, %add3A_776 : i32
        %get3A_778 = arith.constant 0 : i32
        %get3A_779 = arith.index_cast %get3A_778 : i32 to index
        %get3A_780 = arith.index_cast %add3A_777 : i32 to index
        %get3A_781 = arith.constant 0 : index
        %get3A_782 = tpu.vector_load %arg6[%get3A_779, %get3A_780, %get3A_781] {strides = array<i32>} : memref<8x200x32xf32, #tpu.memory_space<vmem>>, vector<1x1x16xf32>,
        %get3A_783 = vector.shape_cast %get3A_782 : vector<1x1x16xf32> to vector<16xf32>
        %add3A_784 = arith.addf %add3A_744, %get3A_783 : vector<16xf32>
        %add3A_785 = arith.constant 10 : i32
        %add3A_786 = arith.addi %mul3A_556, %add3A_785 : i32
        %add3A_787 = arith.constant 1 : i32
        %add3A_788 = arith.addi %add3A_786, %add3A_787 : i32
        %get3A_789 = arith.constant 0 : i32
        %get3A_790 = arith.index_cast %get3A_789 : i32 to index
        %get3A_791 = arith.index_cast %add3A_788 : i32 to index
        %get3A_792 = arith.constant 16 : index
        %get3A_793 = tpu.vector_load %arg6[%get3A_790, %get3A_791, %get3A_792] {strides = array<i32>} : memref<8x200x32xf32, #tpu.memory_space<vmem>>, vector<1x1x16xf32>,
        %get3A_794 = vector.shape_cast %get3A_793 : vector<1x1x16xf32> to vector<16xf32>
        %add3A_795 = arith.addf %add3A_755, %get3A_794 : vector<16xf32>
        %add3A_796 = arith.constant 12 : i32
        %add3A_797 = arith.addi %mul3A_556, %add3A_796 : i32
        %get3A_798 = arith.constant 0 : i32
        %get3A_799 = arith.index_cast %get3A_798 : i32 to index
        %get3A_800 = arith.index_cast %add3A_797 : i32 to index
        %get3A_801 = arith.constant 0 : index
        %get3A_802 = tpu.vector_load %arg6[%get3A_799, %get3A_800, %get3A_801] {strides = array<i32>} : memref<8x200x32xf32, #tpu.memory_space<vmem>>, vector<1x1x16xf32>,
        %get3A_803 = vector.shape_cast %get3A_802 : vector<1x1x16xf32> to vector<16xf32>
        %add3A_804 = arith.addf %add3A_764, %get3A_803 : vector<16xf32>
        %add3A_805 = arith.constant 12 : i32
        %add3A_806 = arith.addi %mul3A_556, %add3A_805 : i32
        %get3A_807 = arith.constant 0 : i32
        %get3A_808 = arith.index_cast %get3A_807 : i32 to index
        %get3A_809 = arith.index_cast %add3A_806 : i32 to index
        %get3A_810 = arith.constant 16 : index
        %get3A_811 = tpu.vector_load %arg6[%get3A_808, %get3A_809, %get3A_810] {strides = array<i32>} : memref<8x200x32xf32, #tpu.memory_space<vmem>>, vector<1x1x16xf32>,
        %get3A_812 = vector.shape_cast %get3A_811 : vector<1x1x16xf32> to vector<16xf32>
        %add3A_813 = arith.addf %add3A_773, %get3A_812 : vector<16xf32>
        %add3A_814 = arith.constant 12 : i32
        %add3A_815 = arith.addi %mul3A_556, %add3A_814 : i32
        %add3A_816 = arith.constant 1 : i32
        %add3A_817 = arith.addi %add3A_815, %add3A_816 : i32
        %get3A_818 = arith.constant 0 : i32
        %get3A_819 = arith.index_cast %get3A_818 : i32 to index
        %get3A_820 = arith.index_cast %add3A_817 : i32 to index
        %get3A_821 = arith.constant 0 : index
        %get3A_822 = tpu.vector_load %arg6[%get3A_819, %get3A_820, %get3A_821] {strides = array<i32>} : memref<8x200x32xf32, #tpu.memory_space<vmem>>, vector<1x1x16xf32>,
        %get3A_823 = vector.shape_cast %get3A_822 : vector<1x1x16xf32> to vector<16xf32>
        %add3A_824 = arith.addf %add3A_784, %get3A_823 : vector<16xf32>
        %add3A_825 = arith.constant 12 : i32
        %add3A_826 = arith.addi %mul3A_556, %add3A_825 : i32
        %add3A_827 = arith.constant 1 : i32
        %add3A_828 = arith.addi %add3A_826, %add3A_827 : i32
        %get3A_829 = arith.constant 0 : i32
        %get3A_830 = arith.index_cast %get3A_829 : i32 to index
        %get3A_831 = arith.index_cast %add3A_828 : i32 to index
        %get3A_832 = arith.constant 16 : index
        %get3A_833 = tpu.vector_load %arg6[%get3A_830, %get3A_831, %get3A_832] {strides = array<i32>} : memref<8x200x32xf32, #tpu.memory_space<vmem>>, vector<1x1x16xf32>,
        %get3A_834 = vector.shape_cast %get3A_833 : vector<1x1x16xf32> to vector<16xf32>
        %add3A_835 = arith.addf %add3A_795, %get3A_834 : vector<16xf32>
        %add3A_836 = arith.constant 14 : i32
        %add3A_837 = arith.addi %mul3A_556, %add3A_836 : i32
        %get3A_838 = arith.constant 0 : i32
        %get3A_839 = arith.index_cast %get3A_838 : i32 to index
        %get3A_840 = arith.index_cast %add3A_837 : i32 to index
        %get3A_841 = arith.constant 0 : index
        %get3A_842 = tpu.vector_load %arg6[%get3A_839, %get3A_840, %get3A_841] {strides = array<i32>} : memref<8x200x32xf32, #tpu.memory_space<vmem>>, vector<1x1x16xf32>,
        %get3A_843 = vector.shape_cast %get3A_842 : vector<1x1x16xf32> to vector<16xf32>
        %add3A_844 = arith.addf %add3A_804, %get3A_843 : vector<16xf32>
        %add3A_845 = arith.constant 14 : i32
        %add3A_846 = arith.addi %mul3A_556, %add3A_845 : i32
        %get3A_847 = arith.constant 0 : i32
        %get3A_848 = arith.index_cast %get3A_847 : i32 to index
        %get3A_849 = arith.index_cast %add3A_846 : i32 to index
        %get3A_850 = arith.constant 16 : index
        %get3A_851 = tpu.vector_load %arg6[%get3A_848, %get3A_849, %get3A_850] {strides = array<i32>} : memref<8x200x32xf32, #tpu.memory_space<vmem>>, vector<1x1x16xf32>,
        %get3A_852 = vector.shape_cast %get3A_851 : vector<1x1x16xf32> to vector<16xf32>
        %add3A_853 = arith.addf %add3A_813, %get3A_852 : vector<16xf32>
        %add3A_854 = arith.constant 14 : i32
        %add3A_855 = arith.addi %mul3A_556, %add3A_854 : i32
        %add3A_856 = arith.constant 1 : i32
        %add3A_857 = arith.addi %add3A_855, %add3A_856 : i32
        %get3A_858 = arith.constant 0 : i32
        %get3A_859 = arith.index_cast %get3A_858 : i32 to index
        %get3A_860 = arith.index_cast %add3A_857 : i32 to index
        %get3A_861 = arith.constant 0 : index
        %get3A_862 = tpu.vector_load %arg6[%get3A_859, %get3A_860, %get3A_861] {strides = array<i32>} : memref<8x200x32xf32, #tpu.memory_space<vmem>>, vector<1x1x16xf32>,
        %get3A_863 = vector.shape_cast %get3A_862 : vector<1x1x16xf32> to vector<16xf32>
        %add3A_864 = arith.addf %add3A_824, %get3A_863 : vector<16xf32>
        %add3A_865 = arith.constant 14 : i32
        %add3A_866 = arith.addi %mul3A_556, %add3A_865 : i32
        %add3A_867 = arith.constant 1 : i32
        %add3A_868 = arith.addi %add3A_866, %add3A_867 : i32
        %get3A_869 = arith.constant 0 : i32
        %get3A_870 = arith.index_cast %get3A_869 : i32 to index
        %get3A_871 = arith.index_cast %add3A_868 : i32 to index
        %get3A_872 = arith.constant 16 : index
        %get3A_873 = tpu.vector_load %arg6[%get3A_870, %get3A_871, %get3A_872] {strides = array<i32>} : memref<8x200x32xf32, #tpu.memory_space<vmem>>, vector<1x1x16xf32>,
        %get3A_874 = vector.shape_cast %get3A_873 : vector<1x1x16xf32> to vector<16xf32>
        %add3A_875 = arith.addf %add3A_835, %get3A_874 : vector<16xf32>
        %add3A_876 = arith.constant 16 : i32
        %add3A_877 = arith.addi %mul3A_556, %add3A_876 : i32
        %get3A_878 = arith.constant 0 : i32
        %get3A_879 = arith.index_cast %get3A_878 : i32 to index
        %get3A_880 = arith.index_cast %add3A_877 : i32 to index
        %get3A_881 = arith.constant 0 : index
        %get3A_882 = tpu.vector_load %arg6[%get3A_879, %get3A_880, %get3A_881] {strides = array<i32>} : memref<8x200x32xf32, #tpu.memory_space<vmem>>, vector<1x1x16xf32>,
        %get3A_883 = vector.shape_cast %get3A_882 : vector<1x1x16xf32> to vector<16xf32>
        %add3A_884 = arith.addf %add3A_844, %get3A_883 : vector<16xf32>
        %add3A_885 = arith.constant 16 : i32
        %add3A_886 = arith.addi %mul3A_556, %add3A_885 : i32
        %get3A_887 = arith.constant 0 : i32
        %get3A_888 = arith.index_cast %get3A_887 : i32 to index
        %get3A_889 = arith.index_cast %add3A_886 : i32 to index
        %get3A_890 = arith.constant 16 : index
        %get3A_891 = tpu.vector_load %arg6[%get3A_888, %get3A_889, %get3A_890] {strides = array<i32>} : memref<8x200x32xf32, #tpu.memory_space<vmem>>, vector<1x1x16xf32>,
        %get3A_892 = vector.shape_cast %get3A_891 : vector<1x1x16xf32> to vector<16xf32>
        %add3A_893 = arith.addf %add3A_853, %get3A_892 : vector<16xf32>
        %add3A_894 = arith.constant 16 : i32
        %add3A_895 = arith.addi %mul3A_556, %add3A_894 : i32
        %add3A_896 = arith.constant 1 : i32
        %add3A_897 = arith.addi %add3A_895, %add3A_896 : i32
        %get3A_898 = arith.constant 0 : i32
        %get3A_899 = arith.index_cast %get3A_898 : i32 to index
        %get3A_900 = arith.index_cast %add3A_897 : i32 to index
        %get3A_901 = arith.constant 0 : index
        %get3A_902 = tpu.vector_load %arg6[%get3A_899, %get3A_900, %get3A_901] {strides = array<i32>} : memref<8x200x32xf32, #tpu.memory_space<vmem>>, vector<1x1x16xf32>,
        %get3A_903 = vector.shape_cast %get3A_902 : vector<1x1x16xf32> to vector<16xf32>
        %add3A_904 = arith.addf %add3A_864, %get3A_903 : vector<16xf32>
        %add3A_905 = arith.constant 16 : i32
        %add3A_906 = arith.addi %mul3A_556, %add3A_905 : i32
        %add3A_907 = arith.constant 1 : i32
        %add3A_908 = arith.addi %add3A_906, %add3A_907 : i32
        %get3A_909 = arith.constant 0 : i32
        %get3A_910 = arith.index_cast %get3A_909 : i32 to index
        %get3A_911 = arith.index_cast %add3A_908 : i32 to index
        %get3A_912 = arith.constant 16 : index
        %get3A_913 = tpu.vector_load %arg6[%get3A_910, %get3A_911, %get3A_912] {strides = array<i32>} : memref<8x200x32xf32, #tpu.memory_space<vmem>>, vector<1x1x16xf32>,
        %get3A_914 = vector.shape_cast %get3A_913 : vector<1x1x16xf32> to vector<16xf32>
        %add3A_915 = arith.addf %add3A_875, %get3A_914 : vector<16xf32>
        %add3A_916 = arith.constant 18 : i32
        %add3A_917 = arith.addi %mul3A_556, %add3A_916 : i32
        %get3A_918 = arith.constant 0 : i32
        %get3A_919 = arith.index_cast %get3A_918 : i32 to index
        %get3A_920 = arith.index_cast %add3A_917 : i32 to index
        %get3A_921 = arith.constant 0 : index
        %get3A_922 = tpu.vector_load %arg6[%get3A_919, %get3A_920, %get3A_921] {strides = array<i32>} : memref<8x200x32xf32, #tpu.memory_space<vmem>>, vector<1x1x16xf32>,
        %get3A_923 = vector.shape_cast %get3A_922 : vector<1x1x16xf32> to vector<16xf32>
        %add3A_924 = arith.addf %add3A_884, %get3A_923 : vector<16xf32>
        %add3A_925 = arith.constant 18 : i32
        %add3A_926 = arith.addi %mul3A_556, %add3A_925 : i32
        %get3A_927 = arith.constant 0 : i32
        %get3A_928 = arith.index_cast %get3A_927 : i32 to index
        %get3A_929 = arith.index_cast %add3A_926 : i32 to index
        %get3A_930 = arith.constant 16 : index
        %get3A_931 = tpu.vector_load %arg6[%get3A_928, %get3A_929, %get3A_930] {strides = array<i32>} : memref<8x200x32xf32, #tpu.memory_space<vmem>>, vector<1x1x16xf32>,
        %get3A_932 = vector.shape_cast %get3A_931 : vector<1x1x16xf32> to vector<16xf32>
        %add3A_933 = arith.addf %add3A_893, %get3A_932 : vector<16xf32>
        %add3A_934 = arith.constant 18 : i32
        %add3A_935 = arith.addi %mul3A_556, %add3A_934 : i32
        %add3A_936 = arith.constant 1 : i32
        %add3A_937 = arith.addi %add3A_935, %add3A_936 : i32
        %get3A_938 = arith.constant 0 : i32
        %get3A_939 = arith.index_cast %get3A_938 : i32 to index
        %get3A_940 = arith.index_cast %add3A_937 : i32 to index
        %get3A_941 = arith.constant 0 : index
        %get3A_942 = tpu.vector_load %arg6[%get3A_939, %get3A_940, %get3A_941] {strides = array<i32>} : memref<8x200x32xf32, #tpu.memory_space<vmem>>, vector<1x1x16xf32>,
        %get3A_943 = vector.shape_cast %get3A_942 : vector<1x1x16xf32> to vector<16xf32>
        %add3A_944 = arith.addf %add3A_904, %get3A_943 : vector<16xf32>
        %add3A_945 = arith.constant 18 : i32
        %add3A_946 = arith.addi %mul3A_556, %add3A_945 : i32
        %add3A_947 = arith.constant 1 : i32
        %add3A_948 = arith.addi %add3A_946, %add3A_947 : i32
        %get3A_949 = arith.constant 0 : i32
        %get3A_950 = arith.index_cast %get3A_949 : i32 to index
        %get3A_951 = arith.index_cast %add3A_948 : i32 to index
        %get3A_952 = arith.constant 16 : index
        %get3A_953 = tpu.vector_load %arg6[%get3A_950, %get3A_951, %get3A_952] {strides = array<i32>} : memref<8x200x32xf32, #tpu.memory_space<vmem>>, vector<1x1x16xf32>,
        %get3A_954 = vector.shape_cast %get3A_953 : vector<1x1x16xf32> to vector<16xf32>
        %add3A_955 = arith.addf %add3A_915, %get3A_954 : vector<16xf32>
        scf.yield %add3A_924, %add3A_933, %add3A_944, %add3A_955 : vector<16xf32>, vector<16xf32>, vector<16xf32>, vector<16xf32>
      }
      %scan3A_226 = arith.constant 10 : i32
      %add3A_227 = arith.addf %scan3A_225#0, %scan3A_225#2 : vector<16xf32>
      %swap3A = arith.index_cast %add3A_206 : i32 to index
      %swap3A_228 = arith.constant 0 : index
      %swap3A_229 = tpu.vector_load %arg7[%swap3A, %swap3A_228] {strides = array<i32>} : memref<128x32xf32, #tpu.memory_space<vmem>>, vector<1x16xf32>,
      %swap3A_230 = vector.shape_cast %swap3A_229 : vector<1x16xf32> to vector<16xf32>
      %swap3A_231 = vector.shape_cast %add3A_227 : vector<16xf32> to vector<1x16xf32>
      tpu.vector_store %arg7[%swap3A, %swap3A_228], %swap3A_231 {strides = array<i32>} : memref<128x32xf32, #tpu.memory_space<vmem>>, vector<1x16xf32>,
      %add3A_232 = arith.addf %scan3A_225#1, %scan3A_225#3 : vector<16xf32>
      %swap3A_233 = arith.index_cast %add3A_206 : i32 to index
      %swap3A_234 = arith.constant 16 : index
      %swap3A_235 = tpu.vector_load %arg7[%swap3A_233, %swap3A_234] {strides = array<i32>} : memref<128x32xf32, #tpu.memory_space<vmem>>, vector<1x16xf32>,
      %swap3A_236 = vector.shape_cast %swap3A_235 : vector<1x16xf32> to vector<16xf32>
      %swap3A_237 = vector.shape_cast %add3A_232 : vector<16xf32> to vector<1x16xf32>
      tpu.vector_store %arg7[%swap3A_233, %swap3A_234], %swap3A_237 {strides = array<i32>} : memref<128x32xf32, #tpu.memory_space<vmem>>, vector<1x16xf32>,
      %add3A_238 = arith.constant 8 : i32
      %add3A_239 = arith.addi %add3A_206, %add3A_238 : i32
      %lt3A = arith.constant 128 : i32
      %lt3A_240 = arith.cmpi slt, %add3A_239, %lt3A : i32
      %convert_element_type3A = arith.extui %lt3A_240 : i1 to i32
      %cond3A = arith.constant 0 : i32
      %cond3A_241 = arith.cmpi ne, %convert_element_type3A, %cond3A : i32
      scf.if %cond3A_241 {
        %dma_start3A_550 = arith.constant 0 : i32
        %dma_start3A_551 = arith.constant 0 : i32
        %dma_start3A_552 = arith.constant 0 : i32
        %dma_start3A_553 = tpu.memref_slice %arg6[%dma_start3A_550, %dma_start3A_551, %dma_start3A_552] : memref<8x200x32xf32, #tpu.memory_space<vmem>> -> memref<1x104x32xf32, #tpu.memory_space<vmem>>
        %dma_start3A_554 = tpu.memref_squeeze %dma_start3A_553 : memref<1x104x32xf32, #tpu.memory_space<vmem>> -> memref<104x32xf32, #tpu.memory_space<vmem>>
        %dma_start3A_555 = arith.constant 0 : i32
        %dma_start3A_556 = tpu.memref_slice %arg5[%add3A_239, %dma_start3A_555] : memref<128x200xi32, #tpu.memory_space<vmem>> -> memref<1x104xi32, #tpu.memory_space<vmem>>
        %dma_start3A_557 = tpu.memref_squeeze %dma_start3A_556 : memref<1x104xi32, #tpu.memory_space<vmem>> -> memref<104xi32, #tpu.memory_space<vmem>>
        %dma_start3A_558 = arith.constant 0 : i32
        %dma_start3A_559 = arith.constant 0 : i32
        %dma_start3A_560 = tpu.memref_slice %arg3[%dma_start3A_558, %dma_start3A_559] : memref<1000000x32xf32, #tpu.memory_space<hbm>> -> memref<1000000x32xf32, #tpu.memory_space<hbm>>
        tpu.enqueue_indirect_dma source(%dma_start3A_560 : memref<1000000x32xf32, #tpu.memory_space<hbm>>) target(%dma_start3A_554 : memref<104x32xf32, #tpu.memory_space<vmem>>) offsets(%dma_start3A_557 : memref<104xi32, #tpu.memory_space<vmem>>) semaphore(%arg8 : memref<!tpu.dma_semaphore, #tpu.memory_space<semaphore_mem>>)
        %dma_start3A_561 = arith.constant 0 : i32
        %dma_start3A_562 = arith.constant 104 : i32
        %dma_start3A_563 = arith.constant 0 : i32
        %dma_start3A_564 = tpu.memref_slice %arg6[%dma_start3A_561, %dma_start3A_562, %dma_start3A_563] : memref<8x200x32xf32, #tpu.memory_space<vmem>> -> memref<1x96x32xf32, #tpu.memory_space<vmem>>
        %dma_start3A_565 = tpu.memref_squeeze %dma_start3A_564 : memref<1x96x32xf32, #tpu.memory_space<vmem>> -> memref<96x32xf32, #tpu.memory_space<vmem>>
        %dma_start3A_566 = arith.constant 104 : i32
        %dma_start3A_567 = tpu.memref_slice %arg5[%add3A_239, %dma_start3A_566] : memref<128x200xi32, #tpu.memory_space<vmem>> -> memref<1x96xi32, #tpu.memory_space<vmem>>
        %dma_start3A_568 = tpu.memref_squeeze %dma_start3A_567 : memref<1x96xi32, #tpu.memory_space<vmem>> -> memref<96xi32, #tpu.memory_space<vmem>>
        %dma_start3A_569 = arith.constant 0 : i32
        %dma_start3A_570 = arith.constant 0 : i32
        %dma_start3A_571 = tpu.memref_slice %arg3[%dma_start3A_569, %dma_start3A_570] : memref<1000000x32xf32, #tpu.memory_space<hbm>> -> memref<1000000x32xf32, #tpu.memory_space<hbm>>
        tpu.enqueue_indirect_dma source(%dma_start3A_571 : memref<1000000x32xf32, #tpu.memory_space<hbm>>) target(%dma_start3A_565 : memref<96x32xf32, #tpu.memory_space<vmem>>) offsets(%dma_start3A_568 : memref<96xi32, #tpu.memory_space<vmem>>) semaphore(%arg8 : memref<!tpu.dma_semaphore, #tpu.memory_space<semaphore_mem>>)
      } else {
      }
      %mul3A_242 = arith.constant 8 : i32
      %mul3A_243 = arith.muli %mul3A_242, %scan3A_202 : i32
      %add3A_244 = arith.constant 1 : i32
      %add3A_245 = arith.addi %mul3A_243, %add3A_244 : i32
      %dma_wait3A_246 = arith.constant 1 : i32
      %dma_wait3A_247 = arith.constant 0 : i32
      %dma_wait3A_248 = arith.constant 0 : i32
      %dma_wait3A_249 = tpu.memref_slice %arg6[%dma_wait3A_246, %dma_wait3A_247, %dma_wait3A_248] : memref<8x200x32xf32, #tpu.memory_space<vmem>> -> memref<1x200x32xf32, #tpu.memory_space<vmem>>
      %dma_wait3A_250 = tpu.memref_squeeze %dma_wait3A_249 : memref<1x200x32xf32, #tpu.memory_space<vmem>> -> memref<200x32xf32, #tpu.memory_space<vmem>>
      %dma_wait3A_251 = arith.constant 0 : i32
      %dma_wait3A_252 = arith.constant 0 : i32
      %dma_wait3A_253 = tpu.memref_slice %arg3[%dma_wait3A_251, %dma_wait3A_252] : memref<1000000x32xf32, #tpu.memory_space<hbm>> -> memref<200x32xf32, #tpu.memory_space<hbm>>
      %dma_wait3A_254 = arith.constant 0 : i32
      %dma_wait3A_255 = arith.constant 0 : i32
      %dma_wait3A_256 = tpu.memref_slice %arg6[%dma_wait3A_246, %dma_wait3A_254, %dma_wait3A_255] : memref<8x200x32xf32, #tpu.memory_space<vmem>> -> memref<1x200x32xf32, #tpu.memory_space<vmem>>
      %dma_wait3A_257 = tpu.memref_squeeze %dma_wait3A_256 : memref<1x200x32xf32, #tpu.memory_space<vmem>> -> memref<200x32xf32, #tpu.memory_space<vmem>>
      %dma_wait3A_258 = arith.constant 0 : i32
      %dma_wait3A_259 = arith.constant 0 : i32
      %dma_wait3A_260 = tpu.memref_slice %arg3[%dma_wait3A_258, %dma_wait3A_259] : memref<1000000x32xf32, #tpu.memory_space<hbm>> -> memref<200x32xf32, #tpu.memory_space<hbm>>
      tpu.wait_dma2 semaphore(%arg9 : memref<!tpu.dma_semaphore, #tpu.memory_space<semaphore_mem>>) src(%dma_wait3A_260 : memref<200x32xf32, #tpu.memory_space<hbm>>) dst(%dma_wait3A_257 : memref<200x32xf32, #tpu.memory_space<vmem>>)
      %scan3A_261 = arith.constant 0 : i32
      %scan3A_262 = arith.constant 10 : i32
      %scan3A_263 = arith.addi %scan3A_261, %scan3A_262 : i32
      %scan3A_264 = arith.constant 1 : i32
      %scan3A_265:4 = scf.for %scan3A_550 = %scan3A_261 to %scan3A_263 step %scan3A_264 iter_args(%scan3A_551 = %broadcast_in_dim3A_194, %scan3A_552 = %broadcast_in_dim3A_194, %scan3A_553 = %broadcast_in_dim3A_194, %scan3A_554 = %broadcast_in_dim3A_194) -> (vector<16xf32>, vector<16xf32>, vector<16xf32>, vector<16xf32>)  : i32 {
        %mul3A_555 = arith.constant 20 : i32
        %mul3A_556 = arith.muli %scan3A_550, %mul3A_555 : i32
        %add3A_557 = arith.constant 0 : i32
        %add3A_558 = arith.addi %mul3A_556, %add3A_557 : i32
        %get3A = arith.constant 1 : i32
        %get3A_559 = arith.index_cast %get3A : i32 to index
        %get3A_560 = arith.index_cast %add3A_558 : i32 to index
        %get3A_561 = arith.constant 0 : index
        %get3A_562 = tpu.vector_load %arg6[%get3A_559, %get3A_560, %get3A_561] {strides = array<i32>} : memref<8x200x32xf32, #tpu.memory_space<vmem>>, vector<1x1x16xf32>,
        %get3A_563 = vector.shape_cast %get3A_562 : vector<1x1x16xf32> to vector<16xf32>
        %add3A_564 = arith.addf %scan3A_551, %get3A_563 : vector<16xf32>
        %add3A_565 = arith.constant 0 : i32
        %add3A_566 = arith.addi %mul3A_556, %add3A_565 : i32
        %get3A_567 = arith.constant 1 : i32
        %get3A_568 = arith.index_cast %get3A_567 : i32 to index
        %get3A_569 = arith.index_cast %add3A_566 : i32 to index
        %get3A_570 = arith.constant 16 : index
        %get3A_571 = tpu.vector_load %arg6[%get3A_568, %get3A_569, %get3A_570] {strides = array<i32>} : memref<8x200x32xf32, #tpu.memory_space<vmem>>, vector<1x1x16xf32>,
        %get3A_572 = vector.shape_cast %get3A_571 : vector<1x1x16xf32> to vector<16xf32>
        %add3A_573 = arith.addf %scan3A_552, %get3A_572 : vector<16xf32>
        %add3A_574 = arith.constant 0 : i32
        %add3A_575 = arith.addi %mul3A_556, %add3A_574 : i32
        %add3A_576 = arith.constant 1 : i32
        %add3A_577 = arith.addi %add3A_575, %add3A_576 : i32
        %get3A_578 = arith.constant 1 : i32
        %get3A_579 = arith.index_cast %get3A_578 : i32 to index
        %get3A_580 = arith.index_cast %add3A_577 : i32 to index
        %get3A_581 = arith.constant 0 : index
        %get3A_582 = tpu.vector_load %arg6[%get3A_579, %get3A_580, %get3A_581] {strides = array<i32>} : memref<8x200x32xf32, #tpu.memory_space<vmem>>, vector<1x1x16xf32>,
        %get3A_583 = vector.shape_cast %get3A_582 : vector<1x1x16xf32> to vector<16xf32>
        %add3A_584 = arith.addf %scan3A_553, %get3A_583 : vector<16xf32>
        %add3A_585 = arith.constant 0 : i32
        %add3A_586 = arith.addi %mul3A_556, %add3A_585 : i32
        %add3A_587 = arith.constant 1 : i32
        %add3A_588 = arith.addi %add3A_586, %add3A_587 : i32
        %get3A_589 = arith.constant 1 : i32
        %get3A_590 = arith.index_cast %get3A_589 : i32 to index
        %get3A_591 = arith.index_cast %add3A_588 : i32 to index
        %get3A_592 = arith.constant 16 : index
        %get3A_593 = tpu.vector_load %arg6[%get3A_590, %get3A_591, %get3A_592] {strides = array<i32>} : memref<8x200x32xf32, #tpu.memory_space<vmem>>, vector<1x1x16xf32>,
        %get3A_594 = vector.shape_cast %get3A_593 : vector<1x1x16xf32> to vector<16xf32>
        %add3A_595 = arith.addf %scan3A_554, %get3A_594 : vector<16xf32>
        %add3A_596 = arith.constant 2 : i32
        %add3A_597 = arith.addi %mul3A_556, %add3A_596 : i32
        %get3A_598 = arith.constant 1 : i32
        %get3A_599 = arith.index_cast %get3A_598 : i32 to index
        %get3A_600 = arith.index_cast %add3A_597 : i32 to index
        %get3A_601 = arith.constant 0 : index
        %get3A_602 = tpu.vector_load %arg6[%get3A_599, %get3A_600, %get3A_601] {strides = array<i32>} : memref<8x200x32xf32, #tpu.memory_space<vmem>>, vector<1x1x16xf32>,
        %get3A_603 = vector.shape_cast %get3A_602 : vector<1x1x16xf32> to vector<16xf32>
        %add3A_604 = arith.addf %add3A_564, %get3A_603 : vector<16xf32>
        %add3A_605 = arith.constant 2 : i32
        %add3A_606 = arith.addi %mul3A_556, %add3A_605 : i32
        %get3A_607 = arith.constant 1 : i32
        %get3A_608 = arith.index_cast %get3A_607 : i32 to index
        %get3A_609 = arith.index_cast %add3A_606 : i32 to index
        %get3A_610 = arith.constant 16 : index
        %get3A_611 = tpu.vector_load %arg6[%get3A_608, %get3A_609, %get3A_610] {strides = array<i32>} : memref<8x200x32xf32, #tpu.memory_space<vmem>>, vector<1x1x16xf32>,
        %get3A_612 = vector.shape_cast %get3A_611 : vector<1x1x16xf32> to vector<16xf32>
        %add3A_613 = arith.addf %add3A_573, %get3A_612 : vector<16xf32>
        %add3A_614 = arith.constant 2 : i32
        %add3A_615 = arith.addi %mul3A_556, %add3A_614 : i32
        %add3A_616 = arith.constant 1 : i32
        %add3A_617 = arith.addi %add3A_615, %add3A_616 : i32
        %get3A_618 = arith.constant 1 : i32
        %get3A_619 = arith.index_cast %get3A_618 : i32 to index
        %get3A_620 = arith.index_cast %add3A_617 : i32 to index
        %get3A_621 = arith.constant 0 : index
        %get3A_622 = tpu.vector_load %arg6[%get3A_619, %get3A_620, %get3A_621] {strides = array<i32>} : memref<8x200x32xf32, #tpu.memory_space<vmem>>, vector<1x1x16xf32>,
        %get3A_623 = vector.shape_cast %get3A_622 : vector<1x1x16xf32> to vector<16xf32>
        %add3A_624 = arith.addf %add3A_584, %get3A_623 : vector<16xf32>
        %add3A_625 = arith.constant 2 : i32
        %add3A_626 = arith.addi %mul3A_556, %add3A_625 : i32
        %add3A_627 = arith.constant 1 : i32
        %add3A_628 = arith.addi %add3A_626, %add3A_627 : i32
        %get3A_629 = arith.constant 1 : i32
        %get3A_630 = arith.index_cast %get3A_629 : i32 to index
        %get3A_631 = arith.index_cast %add3A_628 : i32 to index
        %get3A_632 = arith.constant 16 : index
        %get3A_633 = tpu.vector_load %arg6[%get3A_630, %get3A_631, %get3A_632] {strides = array<i32>} : memref<8x200x32xf32, #tpu.memory_space<vmem>>, vector<1x1x16xf32>,
        %get3A_634 = vector.shape_cast %get3A_633 : vector<1x1x16xf32> to vector<16xf32>
        %add3A_635 = arith.addf %add3A_595, %get3A_634 : vector<16xf32>
        %add3A_636 = arith.constant 4 : i32
        %add3A_637 = arith.addi %mul3A_556, %add3A_636 : i32
        %get3A_638 = arith.constant 1 : i32
        %get3A_639 = arith.index_cast %get3A_638 : i32 to index
        %get3A_640 = arith.index_cast %add3A_637 : i32 to index
        %get3A_641 = arith.constant 0 : index
        %get3A_642 = tpu.vector_load %arg6[%get3A_639, %get3A_640, %get3A_641] {strides = array<i32>} : memref<8x200x32xf32, #tpu.memory_space<vmem>>, vector<1x1x16xf32>,
        %get3A_643 = vector.shape_cast %get3A_642 : vector<1x1x16xf32> to vector<16xf32>
        %add3A_644 = arith.addf %add3A_604, %get3A_643 : vector<16xf32>
        %add3A_645 = arith.constant 4 : i32
        %add3A_646 = arith.addi %mul3A_556, %add3A_645 : i32
        %get3A_647 = arith.constant 1 : i32
        %get3A_648 = arith.index_cast %get3A_647 : i32 to index
        %get3A_649 = arith.index_cast %add3A_646 : i32 to index
        %get3A_650 = arith.constant 16 : index
        %get3A_651 = tpu.vector_load %arg6[%get3A_648, %get3A_649, %get3A_650] {strides = array<i32>} : memref<8x200x32xf32, #tpu.memory_space<vmem>>, vector<1x1x16xf32>,
        %get3A_652 = vector.shape_cast %get3A_651 : vector<1x1x16xf32> to vector<16xf32>
        %add3A_653 = arith.addf %add3A_613, %get3A_652 : vector<16xf32>
        %add3A_654 = arith.constant 4 : i32
        %add3A_655 = arith.addi %mul3A_556, %add3A_654 : i32
        %add3A_656 = arith.constant 1 : i32
        %add3A_657 = arith.addi %add3A_655, %add3A_656 : i32
        %get3A_658 = arith.constant 1 : i32
        %get3A_659 = arith.index_cast %get3A_658 : i32 to index
        %get3A_660 = arith.index_cast %add3A_657 : i32 to index
        %get3A_661 = arith.constant 0 : index
        %get3A_662 = tpu.vector_load %arg6[%get3A_659, %get3A_660, %get3A_661] {strides = array<i32>} : memref<8x200x32xf32, #tpu.memory_space<vmem>>, vector<1x1x16xf32>,
        %get3A_663 = vector.shape_cast %get3A_662 : vector<1x1x16xf32> to vector<16xf32>
        %add3A_664 = arith.addf %add3A_624, %get3A_663 : vector<16xf32>
        %add3A_665 = arith.constant 4 : i32
        %add3A_666 = arith.addi %mul3A_556, %add3A_665 : i32
        %add3A_667 = arith.constant 1 : i32
        %add3A_668 = arith.addi %add3A_666, %add3A_667 : i32
        %get3A_669 = arith.constant 1 : i32
        %get3A_670 = arith.index_cast %get3A_669 : i32 to index
        %get3A_671 = arith.index_cast %add3A_668 : i32 to index
        %get3A_672 = arith.constant 16 : index
        %get3A_673 = tpu.vector_load %arg6[%get3A_670, %get3A_671, %get3A_672] {strides = array<i32>} : memref<8x200x32xf32, #tpu.memory_space<vmem>>, vector<1x1x16xf32>,
        %get3A_674 = vector.shape_cast %get3A_673 : vector<1x1x16xf32> to vector<16xf32>
        %add3A_675 = arith.addf %add3A_635, %get3A_674 : vector<16xf32>
        %add3A_676 = arith.constant 6 : i32
        %add3A_677 = arith.addi %mul3A_556, %add3A_676 : i32
        %get3A_678 = arith.constant 1 : i32
        %get3A_679 = arith.index_cast %get3A_678 : i32 to index
        %get3A_680 = arith.index_cast %add3A_677 : i32 to index
        %get3A_681 = arith.constant 0 : index
        %get3A_682 = tpu.vector_load %arg6[%get3A_679, %get3A_680, %get3A_681] {strides = array<i32>} : memref<8x200x32xf32, #tpu.memory_space<vmem>>, vector<1x1x16xf32>,
        %get3A_683 = vector.shape_cast %get3A_682 : vector<1x1x16xf32> to vector<16xf32>
        %add3A_684 = arith.addf %add3A_644, %get3A_683 : vector<16xf32>
        %add3A_685 = arith.constant 6 : i32
        %add3A_686 = arith.addi %mul3A_556, %add3A_685 : i32
        %get3A_687 = arith.constant 1 : i32
        %get3A_688 = arith.index_cast %get3A_687 : i32 to index
        %get3A_689 = arith.index_cast %add3A_686 : i32 to index
        %get3A_690 = arith.constant 16 : index
        %get3A_691 = tpu.vector_load %arg6[%get3A_688, %get3A_689, %get3A_690] {strides = array<i32>} : memref<8x200x32xf32, #tpu.memory_space<vmem>>, vector<1x1x16xf32>,
        %get3A_692 = vector.shape_cast %get3A_691 : vector<1x1x16xf32> to vector<16xf32>
        %add3A_693 = arith.addf %add3A_653, %get3A_692 : vector<16xf32>
        %add3A_694 = arith.constant 6 : i32
        %add3A_695 = arith.addi %mul3A_556, %add3A_694 : i32
        %add3A_696 = arith.constant 1 : i32
        %add3A_697 = arith.addi %add3A_695, %add3A_696 : i32
        %get3A_698 = arith.constant 1 : i32
        %get3A_699 = arith.index_cast %get3A_698 : i32 to index
        %get3A_700 = arith.index_cast %add3A_697 : i32 to index
        %get3A_701 = arith.constant 0 : index
        %get3A_702 = tpu.vector_load %arg6[%get3A_699, %get3A_700, %get3A_701] {strides = array<i32>} : memref<8x200x32xf32, #tpu.memory_space<vmem>>, vector<1x1x16xf32>,
        %get3A_703 = vector.shape_cast %get3A_702 : vector<1x1x16xf32> to vector<16xf32>
        %add3A_704 = arith.addf %add3A_664, %get3A_703 : vector<16xf32>
        %add3A_705 = arith.constant 6 : i32
        %add3A_706 = arith.addi %mul3A_556, %add3A_705 : i32
        %add3A_707 = arith.constant 1 : i32
        %add3A_708 = arith.addi %add3A_706, %add3A_707 : i32
        %get3A_709 = arith.constant 1 : i32
        %get3A_710 = arith.index_cast %get3A_709 : i32 to index
        %get3A_711 = arith.index_cast %add3A_708 : i32 to index
        %get3A_712 = arith.constant 16 : index
        %get3A_713 = tpu.vector_load %arg6[%get3A_710, %get3A_711, %get3A_712] {strides = array<i32>} : memref<8x200x32xf32, #tpu.memory_space<vmem>>, vector<1x1x16xf32>,
        %get3A_714 = vector.shape_cast %get3A_713 : vector<1x1x16xf32> to vector<16xf32>
        %add3A_715 = arith.addf %add3A_675, %get3A_714 : vector<16xf32>
        %add3A_716 = arith.constant 8 : i32
        %add3A_717 = arith.addi %mul3A_556, %add3A_716 : i32
        %get3A_718 = arith.constant 1 : i32
        %get3A_719 = arith.index_cast %get3A_718 : i32 to index
        %get3A_720 = arith.index_cast %add3A_717 : i32 to index
        %get3A_721 = arith.constant 0 : index
        %get3A_722 = tpu.vector_load %arg6[%get3A_719, %get3A_720, %get3A_721] {strides = array<i32>} : memref<8x200x32xf32, #tpu.memory_space<vmem>>, vector<1x1x16xf32>,
        %get3A_723 = vector.shape_cast %get3A_722 : vector<1x1x16xf32> to vector<16xf32>
        %add3A_724 = arith.addf %add3A_684, %get3A_723 : vector<16xf32>
        %add3A_725 = arith.constant 8 : i32
        %add3A_726 = arith.addi %mul3A_556, %add3A_725 : i32
        %get3A_727 = arith.constant 1 : i32
        %get3A_728 = arith.index_cast %get3A_727 : i32 to index
        %get3A_729 = arith.index_cast %add3A_726 : i32 to index
        %get3A_730 = arith.constant 16 : index
        %get3A_731 = tpu.vector_load %arg6[%get3A_728, %get3A_729, %get3A_730] {strides = array<i32>} : memref<8x200x32xf32, #tpu.memory_space<vmem>>, vector<1x1x16xf32>,
        %get3A_732 = vector.shape_cast %get3A_731 : vector<1x1x16xf32> to vector<16xf32>
        %add3A_733 = arith.addf %add3A_693, %get3A_732 : vector<16xf32>
        %add3A_734 = arith.constant 8 : i32
        %add3A_735 = arith.addi %mul3A_556, %add3A_734 : i32
        %add3A_736 = arith.constant 1 : i32
        %add3A_737 = arith.addi %add3A_735, %add3A_736 : i32
        %get3A_738 = arith.constant 1 : i32
        %get3A_739 = arith.index_cast %get3A_738 : i32 to index
        %get3A_740 = arith.index_cast %add3A_737 : i32 to index
        %get3A_741 = arith.constant 0 : index
        %get3A_742 = tpu.vector_load %arg6[%get3A_739, %get3A_740, %get3A_741] {strides = array<i32>} : memref<8x200x32xf32, #tpu.memory_space<vmem>>, vector<1x1x16xf32>,
        %get3A_743 = vector.shape_cast %get3A_742 : vector<1x1x16xf32> to vector<16xf32>
        %add3A_744 = arith.addf %add3A_704, %get3A_743 : vector<16xf32>
        %add3A_745 = arith.constant 8 : i32
        %add3A_746 = arith.addi %mul3A_556, %add3A_745 : i32
        %add3A_747 = arith.constant 1 : i32
        %add3A_748 = arith.addi %add3A_746, %add3A_747 : i32
        %get3A_749 = arith.constant 1 : i32
        %get3A_750 = arith.index_cast %get3A_749 : i32 to index
        %get3A_751 = arith.index_cast %add3A_748 : i32 to index
        %get3A_752 = arith.constant 16 : index
        %get3A_753 = tpu.vector_load %arg6[%get3A_750, %get3A_751, %get3A_752] {strides = array<i32>} : memref<8x200x32xf32, #tpu.memory_space<vmem>>, vector<1x1x16xf32>,
        %get3A_754 = vector.shape_cast %get3A_753 : vector<1x1x16xf32> to vector<16xf32>
        %add3A_755 = arith.addf %add3A_715, %get3A_754 : vector<16xf32>
        %add3A_756 = arith.constant 10 : i32
        %add3A_757 = arith.addi %mul3A_556, %add3A_756 : i32
        %get3A_758 = arith.constant 1 : i32
        %get3A_759 = arith.index_cast %get3A_758 : i32 to index
        %get3A_760 = arith.index_cast %add3A_757 : i32 to index
        %get3A_761 = arith.constant 0 : index
        %get3A_762 = tpu.vector_load %arg6[%get3A_759, %get3A_760, %get3A_761] {strides = array<i32>} : memref<8x200x32xf32, #tpu.memory_space<vmem>>, vector<1x1x16xf32>,
        %get3A_763 = vector.shape_cast %get3A_762 : vector<1x1x16xf32> to vector<16xf32>
        %add3A_764 = arith.addf %add3A_724, %get3A_763 : vector<16xf32>
        %add3A_765 = arith.constant 10 : i32
        %add3A_766 = arith.addi %mul3A_556, %add3A_765 : i32
        %get3A_767 = arith.constant 1 : i32
        %get3A_768 = arith.index_cast %get3A_767 : i32 to index
        %get3A_769 = arith.index_cast %add3A_766 : i32 to index
        %get3A_770 = arith.constant 16 : index
        %get3A_771 = tpu.vector_load %arg6[%get3A_768, %get3A_769, %get3A_770] {strides = array<i32>} : memref<8x200x32xf32, #tpu.memory_space<vmem>>, vector<1x1x16xf32>,
        %get3A_772 = vector.shape_cast %get3A_771 : vector<1x1x16xf32> to vector<16xf32>
        %add3A_773 = arith.addf %add3A_733, %get3A_772 : vector<16xf32>
        %add3A_774 = arith.constant 10 : i32
        %add3A_775 = arith.addi %mul3A_556, %add3A_774 : i32
        %add3A_776 = arith.constant 1 : i32
        %add3A_777 = arith.addi %add3A_775, %add3A_776 : i32
        %get3A_778 = arith.constant 1 : i32
        %get3A_779 = arith.index_cast %get3A_778 : i32 to index
        %get3A_780 = arith.index_cast %add3A_777 : i32 to index
        %get3A_781 = arith.constant 0 : index
        %get3A_782 = tpu.vector_load %arg6[%get3A_779, %get3A_780, %get3A_781] {strides = array<i32>} : memref<8x200x32xf32, #tpu.memory_space<vmem>>, vector<1x1x16xf32>,
        %get3A_783 = vector.shape_cast %get3A_782 : vector<1x1x16xf32> to vector<16xf32>
        %add3A_784 = arith.addf %add3A_744, %get3A_783 : vector<16xf32>
        %add3A_785 = arith.constant 10 : i32
        %add3A_786 = arith.addi %mul3A_556, %add3A_785 : i32
        %add3A_787 = arith.constant 1 : i32
        %add3A_788 = arith.addi %add3A_786, %add3A_787 : i32
        %get3A_789 = arith.constant 1 : i32
        %get3A_790 = arith.index_cast %get3A_789 : i32 to index
        %get3A_791 = arith.index_cast %add3A_788 : i32 to index
        %get3A_792 = arith.constant 16 : index
        %get3A_793 = tpu.vector_load %arg6[%get3A_790, %get3A_791, %get3A_792] {strides = array<i32>} : memref<8x200x32xf32, #tpu.memory_space<vmem>>, vector<1x1x16xf32>,
        %get3A_794 = vector.shape_cast %get3A_793 : vector<1x1x16xf32> to vector<16xf32>
        %add3A_795 = arith.addf %add3A_755, %get3A_794 : vector<16xf32>
        %add3A_796 = arith.constant 12 : i32
        %add3A_797 = arith.addi %mul3A_556, %add3A_796 : i32
        %get3A_798 = arith.constant 1 : i32
        %get3A_799 = arith.index_cast %get3A_798 : i32 to index
        %get3A_800 = arith.index_cast %add3A_797 : i32 to index
        %get3A_801 = arith.constant 0 : index
        %get3A_802 = tpu.vector_load %arg6[%get3A_799, %get3A_800, %get3A_801] {strides = array<i32>} : memref<8x200x32xf32, #tpu.memory_space<vmem>>, vector<1x1x16xf32>,
        %get3A_803 = vector.shape_cast %get3A_802 : vector<1x1x16xf32> to vector<16xf32>
        %add3A_804 = arith.addf %add3A_764, %get3A_803 : vector<16xf32>
        %add3A_805 = arith.constant 12 : i32
        %add3A_806 = arith.addi %mul3A_556, %add3A_805 : i32
        %get3A_807 = arith.constant 1 : i32
        %get3A_808 = arith.index_cast %get3A_807 : i32 to index
        %get3A_809 = arith.index_cast %add3A_806 : i32 to index
        %get3A_810 = arith.constant 16 : index
        %get3A_811 = tpu.vector_load %arg6[%get3A_808, %get3A_809, %get3A_810] {strides = array<i32>} : memref<8x200x32xf32, #tpu.memory_space<vmem>>, vector<1x1x16xf32>,
        %get3A_812 = vector.shape_cast %get3A_811 : vector<1x1x16xf32> to vector<16xf32>
        %add3A_813 = arith.addf %add3A_773, %get3A_812 : vector<16xf32>
        %add3A_814 = arith.constant 12 : i32
        %add3A_815 = arith.addi %mul3A_556, %add3A_814 : i32
        %add3A_816 = arith.constant 1 : i32
        %add3A_817 = arith.addi %add3A_815, %add3A_816 : i32
        %get3A_818 = arith.constant 1 : i32
        %get3A_819 = arith.index_cast %get3A_818 : i32 to index
        %get3A_820 = arith.index_cast %add3A_817 : i32 to index
        %get3A_821 = arith.constant 0 : index
        %get3A_822 = tpu.vector_load %arg6[%get3A_819, %get3A_820, %get3A_821] {strides = array<i32>} : memref<8x200x32xf32, #tpu.memory_space<vmem>>, vector<1x1x16xf32>,
        %get3A_823 = vector.shape_cast %get3A_822 : vector<1x1x16xf32> to vector<16xf32>
        %add3A_824 = arith.addf %add3A_784, %get3A_823 : vector<16xf32>
        %add3A_825 = arith.constant 12 : i32
        %add3A_826 = arith.addi %mul3A_556, %add3A_825 : i32
        %add3A_827 = arith.constant 1 : i32
        %add3A_828 = arith.addi %add3A_826, %add3A_827 : i32
        %get3A_829 = arith.constant 1 : i32
        %get3A_830 = arith.index_cast %get3A_829 : i32 to index
        %get3A_831 = arith.index_cast %add3A_828 : i32 to index
        %get3A_832 = arith.constant 16 : index
        %get3A_833 = tpu.vector_load %arg6[%get3A_830, %get3A_831, %get3A_832] {strides = array<i32>} : memref<8x200x32xf32, #tpu.memory_space<vmem>>, vector<1x1x16xf32>,
        %get3A_834 = vector.shape_cast %get3A_833 : vector<1x1x16xf32> to vector<16xf32>
        %add3A_835 = arith.addf %add3A_795, %get3A_834 : vector<16xf32>
        %add3A_836 = arith.constant 14 : i32
        %add3A_837 = arith.addi %mul3A_556, %add3A_836 : i32
        %get3A_838 = arith.constant 1 : i32
        %get3A_839 = arith.index_cast %get3A_838 : i32 to index
        %get3A_840 = arith.index_cast %add3A_837 : i32 to index
        %get3A_841 = arith.constant 0 : index
        %get3A_842 = tpu.vector_load %arg6[%get3A_839, %get3A_840, %get3A_841] {strides = array<i32>} : memref<8x200x32xf32, #tpu.memory_space<vmem>>, vector<1x1x16xf32>,
        %get3A_843 = vector.shape_cast %get3A_842 : vector<1x1x16xf32> to vector<16xf32>
        %add3A_844 = arith.addf %add3A_804, %get3A_843 : vector<16xf32>
        %add3A_845 = arith.constant 14 : i32
        %add3A_846 = arith.addi %mul3A_556, %add3A_845 : i32
        %get3A_847 = arith.constant 1 : i32
        %get3A_848 = arith.index_cast %get3A_847 : i32 to index
        %get3A_849 = arith.index_cast %add3A_846 : i32 to index
        %get3A_850 = arith.constant 16 : index
        %get3A_851 = tpu.vector_load %arg6[%get3A_848, %get3A_849, %get3A_850] {strides = array<i32>} : memref<8x200x32xf32, #tpu.memory_space<vmem>>, vector<1x1x16xf32>,
        %get3A_852 = vector.shape_cast %get3A_851 : vector<1x1x16xf32> to vector<16xf32>
        %add3A_853 = arith.addf %add3A_813, %get3A_852 : vector<16xf32>
        %add3A_854 = arith.constant 14 : i32
        %add3A_855 = arith.addi %mul3A_556, %add3A_854 : i32
        %add3A_856 = arith.constant 1 : i32
        %add3A_857 = arith.addi %add3A_855, %add3A_856 : i32
        %get3A_858 = arith.constant 1 : i32
        %get3A_859 = arith.index_cast %get3A_858 : i32 to index
        %get3A_860 = arith.index_cast %add3A_857 : i32 to index
        %get3A_861 = arith.constant 0 : index
        %get3A_862 = tpu.vector_load %arg6[%get3A_859, %get3A_860, %get3A_861] {strides = array<i32>} : memref<8x200x32xf32, #tpu.memory_space<vmem>>, vector<1x1x16xf32>,
        %get3A_863 = vector.shape_cast %get3A_862 : vector<1x1x16xf32> to vector<16xf32>
        %add3A_864 = arith.addf %add3A_824, %get3A_863 : vector<16xf32>
        %add3A_865 = arith.constant 14 : i32
        %add3A_866 = arith.addi %mul3A_556, %add3A_865 : i32
        %add3A_867 = arith.constant 1 : i32
        %add3A_868 = arith.addi %add3A_866, %add3A_867 : i32
        %get3A_869 = arith.constant 1 : i32
        %get3A_870 = arith.index_cast %get3A_869 : i32 to index
        %get3A_871 = arith.index_cast %add3A_868 : i32 to index
        %get3A_872 = arith.constant 16 : index
        %get3A_873 = tpu.vector_load %arg6[%get3A_870, %get3A_871, %get3A_872] {strides = array<i32>} : memref<8x200x32xf32, #tpu.memory_space<vmem>>, vector<1x1x16xf32>,
        %get3A_874 = vector.shape_cast %get3A_873 : vector<1x1x16xf32> to vector<16xf32>
        %add3A_875 = arith.addf %add3A_835, %get3A_874 : vector<16xf32>
        %add3A_876 = arith.constant 16 : i32
        %add3A_877 = arith.addi %mul3A_556, %add3A_876 : i32
        %get3A_878 = arith.constant 1 : i32
        %get3A_879 = arith.index_cast %get3A_878 : i32 to index
        %get3A_880 = arith.index_cast %add3A_877 : i32 to index
        %get3A_881 = arith.constant 0 : index
        %get3A_882 = tpu.vector_load %arg6[%get3A_879, %get3A_880, %get3A_881] {strides = array<i32>} : memref<8x200x32xf32, #tpu.memory_space<vmem>>, vector<1x1x16xf32>,
        %get3A_883 = vector.shape_cast %get3A_882 : vector<1x1x16xf32> to vector<16xf32>
        %add3A_884 = arith.addf %add3A_844, %get3A_883 : vector<16xf32>
        %add3A_885 = arith.constant 16 : i32
        %add3A_886 = arith.addi %mul3A_556, %add3A_885 : i32
        %get3A_887 = arith.constant 1 : i32
        %get3A_888 = arith.index_cast %get3A_887 : i32 to index
        %get3A_889 = arith.index_cast %add3A_886 : i32 to index
        %get3A_890 = arith.constant 16 : index
        %get3A_891 = tpu.vector_load %arg6[%get3A_888, %get3A_889, %get3A_890] {strides = array<i32>} : memref<8x200x32xf32, #tpu.memory_space<vmem>>, vector<1x1x16xf32>,
        %get3A_892 = vector.shape_cast %get3A_891 : vector<1x1x16xf32> to vector<16xf32>
        %add3A_893 = arith.addf %add3A_853, %get3A_892 : vector<16xf32>
        %add3A_894 = arith.constant 16 : i32
        %add3A_895 = arith.addi %mul3A_556, %add3A_894 : i32
        %add3A_896 = arith.constant 1 : i32
        %add3A_897 = arith.addi %add3A_895, %add3A_896 : i32
        %get3A_898 = arith.constant 1 : i32
        %get3A_899 = arith.index_cast %get3A_898 : i32 to index
        %get3A_900 = arith.index_cast %add3A_897 : i32 to index
        %get3A_901 = arith.constant 0 : index
        %get3A_902 = tpu.vector_load %arg6[%get3A_899, %get3A_900, %get3A_901] {strides = array<i32>} : memref<8x200x32xf32, #tpu.memory_space<vmem>>, vector<1x1x16xf32>,
        %get3A_903 = vector.shape_cast %get3A_902 : vector<1x1x16xf32> to vector<16xf32>
        %add3A_904 = arith.addf %add3A_864, %get3A_903 : vector<16xf32>
        %add3A_905 = arith.constant 16 : i32
        %add3A_906 = arith.addi %mul3A_556, %add3A_905 : i32
        %add3A_907 = arith.constant 1 : i32
        %add3A_908 = arith.addi %add3A_906, %add3A_907 : i32
        %get3A_909 = arith.constant 1 : i32
        %get3A_910 = arith.index_cast %get3A_909 : i32 to index
        %get3A_911 = arith.index_cast %add3A_908 : i32 to index
        %get3A_912 = arith.constant 16 : index
        %get3A_913 = tpu.vector_load %arg6[%get3A_910, %get3A_911, %get3A_912] {strides = array<i32>} : memref<8x200x32xf32, #tpu.memory_space<vmem>>, vector<1x1x16xf32>,
        %get3A_914 = vector.shape_cast %get3A_913 : vector<1x1x16xf32> to vector<16xf32>
        %add3A_915 = arith.addf %add3A_875, %get3A_914 : vector<16xf32>
        %add3A_916 = arith.constant 18 : i32
        %add3A_917 = arith.addi %mul3A_556, %add3A_916 : i32
        %get3A_918 = arith.constant 1 : i32
        %get3A_919 = arith.index_cast %get3A_918 : i32 to index
        %get3A_920 = arith.index_cast %add3A_917 : i32 to index
        %get3A_921 = arith.constant 0 : index
        %get3A_922 = tpu.vector_load %arg6[%get3A_919, %get3A_920, %get3A_921] {strides = array<i32>} : memref<8x200x32xf32, #tpu.memory_space<vmem>>, vector<1x1x16xf32>,
        %get3A_923 = vector.shape_cast %get3A_922 : vector<1x1x16xf32> to vector<16xf32>
        %add3A_924 = arith.addf %add3A_884, %get3A_923 : vector<16xf32>
        %add3A_925 = arith.constant 18 : i32
        %add3A_926 = arith.addi %mul3A_556, %add3A_925 : i32
        %get3A_927 = arith.constant 1 : i32
        %get3A_928 = arith.index_cast %get3A_927 : i32 to index
        %get3A_929 = arith.index_cast %add3A_926 : i32 to index
        %get3A_930 = arith.constant 16 : index
        %get3A_931 = tpu.vector_load %arg6[%get3A_928, %get3A_929, %get3A_930] {strides = array<i32>} : memref<8x200x32xf32, #tpu.memory_space<vmem>>, vector<1x1x16xf32>,
        %get3A_932 = vector.shape_cast %get3A_931 : vector<1x1x16xf32> to vector<16xf32>
        %add3A_933 = arith.addf %add3A_893, %get3A_932 : vector<16xf32>
        %add3A_934 = arith.constant 18 : i32
        %add3A_935 = arith.addi %mul3A_556, %add3A_934 : i32
        %add3A_936 = arith.constant 1 : i32
        %add3A_937 = arith.addi %add3A_935, %add3A_936 : i32
        %get3A_938 = arith.constant 1 : i32
        %get3A_939 = arith.index_cast %get3A_938 : i32 to index
        %get3A_940 = arith.index_cast %add3A_937 : i32 to index
        %get3A_941 = arith.constant 0 : index
        %get3A_942 = tpu.vector_load %arg6[%get3A_939, %get3A_940, %get3A_941] {strides = array<i32>} : memref<8x200x32xf32, #tpu.memory_space<vmem>>, vector<1x1x16xf32>,
        %get3A_943 = vector.shape_cast %get3A_942 : vector<1x1x16xf32> to vector<16xf32>
        %add3A_944 = arith.addf %add3A_904, %get3A_943 : vector<16xf32>
        %add3A_945 = arith.constant 18 : i32
        %add3A_946 = arith.addi %mul3A_556, %add3A_945 : i32
        %add3A_947 = arith.constant 1 : i32
        %add3A_948 = arith.addi %add3A_946, %add3A_947 : i32
        %get3A_949 = arith.constant 1 : i32
        %get3A_950 = arith.index_cast %get3A_949 : i32 to index
        %get3A_951 = arith.index_cast %add3A_948 : i32 to index
        %get3A_952 = arith.constant 16 : index
        %get3A_953 = tpu.vector_load %arg6[%get3A_950, %get3A_951, %get3A_952] {strides = array<i32>} : memref<8x200x32xf32, #tpu.memory_space<vmem>>, vector<1x1x16xf32>,
        %get3A_954 = vector.shape_cast %get3A_953 : vector<1x1x16xf32> to vector<16xf32>
        %add3A_955 = arith.addf %add3A_915, %get3A_954 : vector<16xf32>
        scf.yield %add3A_924, %add3A_933, %add3A_944, %add3A_955 : vector<16xf32>, vector<16xf32>, vector<16xf32>, vector<16xf32>
      }
      %scan3A_266 = arith.constant 10 : i32
      %add3A_267 = arith.addf %scan3A_265#0, %scan3A_265#2 : vector<16xf32>
      %swap3A_268 = arith.index_cast %add3A_245 : i32 to index
      %swap3A_269 = arith.constant 0 : index
      %swap3A_270 = tpu.vector_load %arg7[%swap3A_268, %swap3A_269] {strides = array<i32>} : memref<128x32xf32, #tpu.memory_space<vmem>>, vector<1x16xf32>,
      %swap3A_271 = vector.shape_cast %swap3A_270 : vector<1x16xf32> to vector<16xf32>
      %swap3A_272 = vector.shape_cast %add3A_267 : vector<16xf32> to vector<1x16xf32>
      tpu.vector_store %arg7[%swap3A_268, %swap3A_269], %swap3A_272 {strides = array<i32>} : memref<128x32xf32, #tpu.memory_space<vmem>>, vector<1x16xf32>,
      %add3A_273 = arith.addf %scan3A_265#1, %scan3A_265#3 : vector<16xf32>
      %swap3A_274 = arith.index_cast %add3A_245 : i32 to index
      %swap3A_275 = arith.constant 16 : index
      %swap3A_276 = tpu.vector_load %arg7[%swap3A_274, %swap3A_275] {strides = array<i32>} : memref<128x32xf32, #tpu.memory_space<vmem>>, vector<1x16xf32>,
      %swap3A_277 = vector.shape_cast %swap3A_276 : vector<1x16xf32> to vector<16xf32>
      %swap3A_278 = vector.shape_cast %add3A_273 : vector<16xf32> to vector<1x16xf32>
      tpu.vector_store %arg7[%swap3A_274, %swap3A_275], %swap3A_278 {strides = array<i32>} : memref<128x32xf32, #tpu.memory_space<vmem>>, vector<1x16xf32>,
      %add3A_279 = arith.constant 8 : i32
      %add3A_280 = arith.addi %add3A_245, %add3A_279 : i32
      %lt3A_281 = arith.constant 128 : i32
      %lt3A_282 = arith.cmpi slt, %add3A_280, %lt3A_281 : i32
      %convert_element_type3A_283 = arith.extui %lt3A_282 : i1 to i32
      %cond3A_284 = arith.constant 0 : i32
      %cond3A_285 = arith.cmpi ne, %convert_element_type3A_283, %cond3A_284 : i32
      scf.if %cond3A_285 {
        %dma_start3A_550 = arith.constant 1 : i32
        %dma_start3A_551 = arith.constant 0 : i32
        %dma_start3A_552 = arith.constant 0 : i32
        %dma_start3A_553 = tpu.memref_slice %arg6[%dma_start3A_550, %dma_start3A_551, %dma_start3A_552] : memref<8x200x32xf32, #tpu.memory_space<vmem>> -> memref<1x104x32xf32, #tpu.memory_space<vmem>>
        %dma_start3A_554 = tpu.memref_squeeze %dma_start3A_553 : memref<1x104x32xf32, #tpu.memory_space<vmem>> -> memref<104x32xf32, #tpu.memory_space<vmem>>
        %dma_start3A_555 = arith.constant 0 : i32
        %dma_start3A_556 = tpu.memref_slice %arg5[%add3A_280, %dma_start3A_555] : memref<128x200xi32, #tpu.memory_space<vmem>> -> memref<1x104xi32, #tpu.memory_space<vmem>>
        %dma_start3A_557 = tpu.memref_squeeze %dma_start3A_556 : memref<1x104xi32, #tpu.memory_space<vmem>> -> memref<104xi32, #tpu.memory_space<vmem>>
        %dma_start3A_558 = arith.constant 0 : i32
        %dma_start3A_559 = arith.constant 0 : i32
        %dma_start3A_560 = tpu.memref_slice %arg3[%dma_start3A_558, %dma_start3A_559] : memref<1000000x32xf32, #tpu.memory_space<hbm>> -> memref<1000000x32xf32, #tpu.memory_space<hbm>>
        tpu.enqueue_indirect_dma source(%dma_start3A_560 : memref<1000000x32xf32, #tpu.memory_space<hbm>>) target(%dma_start3A_554 : memref<104x32xf32, #tpu.memory_space<vmem>>) offsets(%dma_start3A_557 : memref<104xi32, #tpu.memory_space<vmem>>) semaphore(%arg9 : memref<!tpu.dma_semaphore, #tpu.memory_space<semaphore_mem>>)
        %dma_start3A_561 = arith.constant 1 : i32
        %dma_start3A_562 = arith.constant 104 : i32
        %dma_start3A_563 = arith.constant 0 : i32
        %dma_start3A_564 = tpu.memref_slice %arg6[%dma_start3A_561, %dma_start3A_562, %dma_start3A_563] : memref<8x200x32xf32, #tpu.memory_space<vmem>> -> memref<1x96x32xf32, #tpu.memory_space<vmem>>
        %dma_start3A_565 = tpu.memref_squeeze %dma_start3A_564 : memref<1x96x32xf32, #tpu.memory_space<vmem>> -> memref<96x32xf32, #tpu.memory_space<vmem>>
        %dma_start3A_566 = arith.constant 104 : i32
        %dma_start3A_567 = tpu.memref_slice %arg5[%add3A_280, %dma_start3A_566] : memref<128x200xi32, #tpu.memory_space<vmem>> -> memref<1x96xi32, #tpu.memory_space<vmem>>
        %dma_start3A_568 = tpu.memref_squeeze %dma_start3A_567 : memref<1x96xi32, #tpu.memory_space<vmem>> -> memref<96xi32, #tpu.memory_space<vmem>>
        %dma_start3A_569 = arith.constant 0 : i32
        %dma_start3A_570 = arith.constant 0 : i32
        %dma_start3A_571 = tpu.memref_slice %arg3[%dma_start3A_569, %dma_start3A_570] : memref<1000000x32xf32, #tpu.memory_space<hbm>> -> memref<1000000x32xf32, #tpu.memory_space<hbm>>
        tpu.enqueue_indirect_dma source(%dma_start3A_571 : memref<1000000x32xf32, #tpu.memory_space<hbm>>) target(%dma_start3A_565 : memref<96x32xf32, #tpu.memory_space<vmem>>) offsets(%dma_start3A_568 : memref<96xi32, #tpu.memory_space<vmem>>) semaphore(%arg9 : memref<!tpu.dma_semaphore, #tpu.memory_space<semaphore_mem>>)
      } else {
      }
      %mul3A_286 = arith.constant 8 : i32
      %mul3A_287 = arith.muli %mul3A_286, %scan3A_202 : i32
      %add3A_288 = arith.constant 2 : i32
      %add3A_289 = arith.addi %mul3A_287, %add3A_288 : i32
      %dma_wait3A_290 = arith.constant 2 : i32
      %dma_wait3A_291 = arith.constant 0 : i32
      %dma_wait3A_292 = arith.constant 0 : i32
      %dma_wait3A_293 = tpu.memref_slice %arg6[%dma_wait3A_290, %dma_wait3A_291, %dma_wait3A_292] : memref<8x200x32xf32, #tpu.memory_space<vmem>> -> memref<1x200x32xf32, #tpu.memory_space<vmem>>
      %dma_wait3A_294 = tpu.memref_squeeze %dma_wait3A_293 : memref<1x200x32xf32, #tpu.memory_space<vmem>> -> memref<200x32xf32, #tpu.memory_space<vmem>>
      %dma_wait3A_295 = arith.constant 0 : i32
      %dma_wait3A_296 = arith.constant 0 : i32
      %dma_wait3A_297 = tpu.memref_slice %arg3[%dma_wait3A_295, %dma_wait3A_296] : memref<1000000x32xf32, #tpu.memory_space<hbm>> -> memref<200x32xf32, #tpu.memory_space<hbm>>
      %dma_wait3A_298 = arith.constant 0 : i32
      %dma_wait3A_299 = arith.constant 0 : i32
      %dma_wait3A_300 = tpu.memref_slice %arg6[%dma_wait3A_290, %dma_wait3A_298, %dma_wait3A_299] : memref<8x200x32xf32, #tpu.memory_space<vmem>> -> memref<1x200x32xf32, #tpu.memory_space<vmem>>
      %dma_wait3A_301 = tpu.memref_squeeze %dma_wait3A_300 : memref<1x200x32xf32, #tpu.memory_space<vmem>> -> memref<200x32xf32, #tpu.memory_space<vmem>>
      %dma_wait3A_302 = arith.constant 0 : i32
      %dma_wait3A_303 = arith.constant 0 : i32
      %dma_wait3A_304 = tpu.memref_slice %arg3[%dma_wait3A_302, %dma_wait3A_303] : memref<1000000x32xf32, #tpu.memory_space<hbm>> -> memref<200x32xf32, #tpu.memory_space<hbm>>
      tpu.wait_dma2 semaphore(%arg10 : memref<!tpu.dma_semaphore, #tpu.memory_space<semaphore_mem>>) src(%dma_wait3A_304 : memref<200x32xf32, #tpu.memory_space<hbm>>) dst(%dma_wait3A_301 : memref<200x32xf32, #tpu.memory_space<vmem>>)
      %scan3A_305 = arith.constant 0 : i32
      %scan3A_306 = arith.constant 10 : i32
      %scan3A_307 = arith.addi %scan3A_305, %scan3A_306 : i32
      %scan3A_308 = arith.constant 1 : i32
      %scan3A_309:4 = scf.for %scan3A_550 = %scan3A_305 to %scan3A_307 step %scan3A_308 iter_args(%scan3A_551 = %broadcast_in_dim3A_194, %scan3A_552 = %broadcast_in_dim3A_194, %scan3A_553 = %broadcast_in_dim3A_194, %scan3A_554 = %broadcast_in_dim3A_194) -> (vector<16xf32>, vector<16xf32>, vector<16xf32>, vector<16xf32>)  : i32 {
        %mul3A_555 = arith.constant 20 : i32
        %mul3A_556 = arith.muli %scan3A_550, %mul3A_555 : i32
        %add3A_557 = arith.constant 0 : i32
        %add3A_558 = arith.addi %mul3A_556, %add3A_557 : i32
        %get3A = arith.constant 2 : i32
        %get3A_559 = arith.index_cast %get3A : i32 to index
        %get3A_560 = arith.index_cast %add3A_558 : i32 to index
        %get3A_561 = arith.constant 0 : index
        %get3A_562 = tpu.vector_load %arg6[%get3A_559, %get3A_560, %get3A_561] {strides = array<i32>} : memref<8x200x32xf32, #tpu.memory_space<vmem>>, vector<1x1x16xf32>,
        %get3A_563 = vector.shape_cast %get3A_562 : vector<1x1x16xf32> to vector<16xf32>
        %add3A_564 = arith.addf %scan3A_551, %get3A_563 : vector<16xf32>
        %add3A_565 = arith.constant 0 : i32
        %add3A_566 = arith.addi %mul3A_556, %add3A_565 : i32
        %get3A_567 = arith.constant 2 : i32
        %get3A_568 = arith.index_cast %get3A_567 : i32 to index
        %get3A_569 = arith.index_cast %add3A_566 : i32 to index
        %get3A_570 = arith.constant 16 : index
        %get3A_571 = tpu.vector_load %arg6[%get3A_568, %get3A_569, %get3A_570] {strides = array<i32>} : memref<8x200x32xf32, #tpu.memory_space<vmem>>, vector<1x1x16xf32>,
        %get3A_572 = vector.shape_cast %get3A_571 : vector<1x1x16xf32> to vector<16xf32>
        %add3A_573 = arith.addf %scan3A_552, %get3A_572 : vector<16xf32>
        %add3A_574 = arith.constant 0 : i32
        %add3A_575 = arith.addi %mul3A_556, %add3A_574 : i32
        %add3A_576 = arith.constant 1 : i32
        %add3A_577 = arith.addi %add3A_575, %add3A_576 : i32
        %get3A_578 = arith.constant 2 : i32
        %get3A_579 = arith.index_cast %get3A_578 : i32 to index
        %get3A_580 = arith.index_cast %add3A_577 : i32 to index
        %get3A_581 = arith.constant 0 : index
        %get3A_582 = tpu.vector_load %arg6[%get3A_579, %get3A_580, %get3A_581] {strides = array<i32>} : memref<8x200x32xf32, #tpu.memory_space<vmem>>, vector<1x1x16xf32>,
        %get3A_583 = vector.shape_cast %get3A_582 : vector<1x1x16xf32> to vector<16xf32>
        %add3A_584 = arith.addf %scan3A_553, %get3A_583 : vector<16xf32>
        %add3A_585 = arith.constant 0 : i32
        %add3A_586 = arith.addi %mul3A_556, %add3A_585 : i32
        %add3A_587 = arith.constant 1 : i32
        %add3A_588 = arith.addi %add3A_586, %add3A_587 : i32
        %get3A_589 = arith.constant 2 : i32
        %get3A_590 = arith.index_cast %get3A_589 : i32 to index
        %get3A_591 = arith.index_cast %add3A_588 : i32 to index
        %get3A_592 = arith.constant 16 : index
        %get3A_593 = tpu.vector_load %arg6[%get3A_590, %get3A_591, %get3A_592] {strides = array<i32>} : memref<8x200x32xf32, #tpu.memory_space<vmem>>, vector<1x1x16xf32>,
        %get3A_594 = vector.shape_cast %get3A_593 : vector<1x1x16xf32> to vector<16xf32>
        %add3A_595 = arith.addf %scan3A_554, %get3A_594 : vector<16xf32>
        %add3A_596 = arith.constant 2 : i32
        %add3A_597 = arith.addi %mul3A_556, %add3A_596 : i32
        %get3A_598 = arith.constant 2 : i32
        %get3A_599 = arith.index_cast %get3A_598 : i32 to index
        %get3A_600 = arith.index_cast %add3A_597 : i32 to index
        %get3A_601 = arith.constant 0 : index
        %get3A_602 = tpu.vector_load %arg6[%get3A_599, %get3A_600, %get3A_601] {strides = array<i32>} : memref<8x200x32xf32, #tpu.memory_space<vmem>>, vector<1x1x16xf32>,
        %get3A_603 = vector.shape_cast %get3A_602 : vector<1x1x16xf32> to vector<16xf32>
        %add3A_604 = arith.addf %add3A_564, %get3A_603 : vector<16xf32>
        %add3A_605 = arith.constant 2 : i32
        %add3A_606 = arith.addi %mul3A_556, %add3A_605 : i32
        %get3A_607 = arith.constant 2 : i32
        %get3A_608 = arith.index_cast %get3A_607 : i32 to index
        %get3A_609 = arith.index_cast %add3A_606 : i32 to index
        %get3A_610 = arith.constant 16 : index
        %get3A_611 = tpu.vector_load %arg6[%get3A_608, %get3A_609, %get3A_610] {strides = array<i32>} : memref<8x200x32xf32, #tpu.memory_space<vmem>>, vector<1x1x16xf32>,
        %get3A_612 = vector.shape_cast %get3A_611 : vector<1x1x16xf32> to vector<16xf32>
        %add3A_613 = arith.addf %add3A_573, %get3A_612 : vector<16xf32>
        %add3A_614 = arith.constant 2 : i32
        %add3A_615 = arith.addi %mul3A_556, %add3A_614 : i32
        %add3A_616 = arith.constant 1 : i32
        %add3A_617 = arith.addi %add3A_615, %add3A_616 : i32
        %get3A_618 = arith.constant 2 : i32
        %get3A_619 = arith.index_cast %get3A_618 : i32 to index
        %get3A_620 = arith.index_cast %add3A_617 : i32 to index
        %get3A_621 = arith.constant 0 : index
        %get3A_622 = tpu.vector_load %arg6[%get3A_619, %get3A_620, %get3A_621] {strides = array<i32>} : memref<8x200x32xf32, #tpu.memory_space<vmem>>, vector<1x1x16xf32>,
        %get3A_623 = vector.shape_cast %get3A_622 : vector<1x1x16xf32> to vector<16xf32>
        %add3A_624 = arith.addf %add3A_584, %get3A_623 : vector<16xf32>
        %add3A_625 = arith.constant 2 : i32
        %add3A_626 = arith.addi %mul3A_556, %add3A_625 : i32
        %add3A_627 = arith.constant 1 : i32
        %add3A_628 = arith.addi %add3A_626, %add3A_627 : i32
        %get3A_629 = arith.constant 2 : i32
        %get3A_630 = arith.index_cast %get3A_629 : i32 to index
        %get3A_631 = arith.index_cast %add3A_628 : i32 to index
        %get3A_632 = arith.constant 16 : index
        %get3A_633 = tpu.vector_load %arg6[%get3A_630, %get3A_631, %get3A_632] {strides = array<i32>} : memref<8x200x32xf32, #tpu.memory_space<vmem>>, vector<1x1x16xf32>,
        %get3A_634 = vector.shape_cast %get3A_633 : vector<1x1x16xf32> to vector<16xf32>
        %add3A_635 = arith.addf %add3A_595, %get3A_634 : vector<16xf32>
        %add3A_636 = arith.constant 4 : i32
        %add3A_637 = arith.addi %mul3A_556, %add3A_636 : i32
        %get3A_638 = arith.constant 2 : i32
        %get3A_639 = arith.index_cast %get3A_638 : i32 to index
        %get3A_640 = arith.index_cast %add3A_637 : i32 to index
        %get3A_641 = arith.constant 0 : index
        %get3A_642 = tpu.vector_load %arg6[%get3A_639, %get3A_640, %get3A_641] {strides = array<i32>} : memref<8x200x32xf32, #tpu.memory_space<vmem>>, vector<1x1x16xf32>,
        %get3A_643 = vector.shape_cast %get3A_642 : vector<1x1x16xf32> to vector<16xf32>
        %add3A_644 = arith.addf %add3A_604, %get3A_643 : vector<16xf32>
        %add3A_645 = arith.constant 4 : i32
        %add3A_646 = arith.addi %mul3A_556, %add3A_645 : i32
        %get3A_647 = arith.constant 2 : i32
        %get3A_648 = arith.index_cast %get3A_647 : i32 to index
        %get3A_649 = arith.index_cast %add3A_646 : i32 to index
        %get3A_650 = arith.constant 16 : index
        %get3A_651 = tpu.vector_load %arg6[%get3A_648, %get3A_649, %get3A_650] {strides = array<i32>} : memref<8x200x32xf32, #tpu.memory_space<vmem>>, vector<1x1x16xf32>,
        %get3A_652 = vector.shape_cast %get3A_651 : vector<1x1x16xf32> to vector<16xf32>
        %add3A_653 = arith.addf %add3A_613, %get3A_652 : vector<16xf32>
        %add3A_654 = arith.constant 4 : i32
        %add3A_655 = arith.addi %mul3A_556, %add3A_654 : i32
        %add3A_656 = arith.constant 1 : i32
        %add3A_657 = arith.addi %add3A_655, %add3A_656 : i32
        %get3A_658 = arith.constant 2 : i32
        %get3A_659 = arith.index_cast %get3A_658 : i32 to index
        %get3A_660 = arith.index_cast %add3A_657 : i32 to index
        %get3A_661 = arith.constant 0 : index
        %get3A_662 = tpu.vector_load %arg6[%get3A_659, %get3A_660, %get3A_661] {strides = array<i32>} : memref<8x200x32xf32, #tpu.memory_space<vmem>>, vector<1x1x16xf32>,
        %get3A_663 = vector.shape_cast %get3A_662 : vector<1x1x16xf32> to vector<16xf32>
        %add3A_664 = arith.addf %add3A_624, %get3A_663 : vector<16xf32>
        %add3A_665 = arith.constant 4 : i32
        %add3A_666 = arith.addi %mul3A_556, %add3A_665 : i32
        %add3A_667 = arith.constant 1 : i32
        %add3A_668 = arith.addi %add3A_666, %add3A_667 : i32
        %get3A_669 = arith.constant 2 : i32
        %get3A_670 = arith.index_cast %get3A_669 : i32 to index
        %get3A_671 = arith.index_cast %add3A_668 : i32 to index
        %get3A_672 = arith.constant 16 : index
        %get3A_673 = tpu.vector_load %arg6[%get3A_670, %get3A_671, %get3A_672] {strides = array<i32>} : memref<8x200x32xf32, #tpu.memory_space<vmem>>, vector<1x1x16xf32>,
        %get3A_674 = vector.shape_cast %get3A_673 : vector<1x1x16xf32> to vector<16xf32>
        %add3A_675 = arith.addf %add3A_635, %get3A_674 : vector<16xf32>
        %add3A_676 = arith.constant 6 : i32
        %add3A_677 = arith.addi %mul3A_556, %add3A_676 : i32
        %get3A_678 = arith.constant 2 : i32
        %get3A_679 = arith.index_cast %get3A_678 : i32 to index
        %get3A_680 = arith.index_cast %add3A_677 : i32 to index
        %get3A_681 = arith.constant 0 : index
        %get3A_682 = tpu.vector_load %arg6[%get3A_679, %get3A_680, %get3A_681] {strides = array<i32>} : memref<8x200x32xf32, #tpu.memory_space<vmem>>, vector<1x1x16xf32>,
        %get3A_683 = vector.shape_cast %get3A_682 : vector<1x1x16xf32> to vector<16xf32>
        %add3A_684 = arith.addf %add3A_644, %get3A_683 : vector<16xf32>
        %add3A_685 = arith.constant 6 : i32
        %add3A_686 = arith.addi %mul3A_556, %add3A_685 : i32
        %get3A_687 = arith.constant 2 : i32
        %get3A_688 = arith.index_cast %get3A_687 : i32 to index
        %get3A_689 = arith.index_cast %add3A_686 : i32 to index
        %get3A_690 = arith.constant 16 : index
        %get3A_691 = tpu.vector_load %arg6[%get3A_688, %get3A_689, %get3A_690] {strides = array<i32>} : memref<8x200x32xf32, #tpu.memory_space<vmem>>, vector<1x1x16xf32>,
        %get3A_692 = vector.shape_cast %get3A_691 : vector<1x1x16xf32> to vector<16xf32>
        %add3A_693 = arith.addf %add3A_653, %get3A_692 : vector<16xf32>
        %add3A_694 = arith.constant 6 : i32
        %add3A_695 = arith.addi %mul3A_556, %add3A_694 : i32
        %add3A_696 = arith.constant 1 : i32
        %add3A_697 = arith.addi %add3A_695, %add3A_696 : i32
        %get3A_698 = arith.constant 2 : i32
        %get3A_699 = arith.index_cast %get3A_698 : i32 to index
        %get3A_700 = arith.index_cast %add3A_697 : i32 to index
        %get3A_701 = arith.constant 0 : index
        %get3A_702 = tpu.vector_load %arg6[%get3A_699, %get3A_700, %get3A_701] {strides = array<i32>} : memref<8x200x32xf32, #tpu.memory_space<vmem>>, vector<1x1x16xf32>,
        %get3A_703 = vector.shape_cast %get3A_702 : vector<1x1x16xf32> to vector<16xf32>
        %add3A_704 = arith.addf %add3A_664, %get3A_703 : vector<16xf32>
        %add3A_705 = arith.constant 6 : i32
        %add3A_706 = arith.addi %mul3A_556, %add3A_705 : i32
        %add3A_707 = arith.constant 1 : i32
        %add3A_708 = arith.addi %add3A_706, %add3A_707 : i32
        %get3A_709 = arith.constant 2 : i32
        %get3A_710 = arith.index_cast %get3A_709 : i32 to index
        %get3A_711 = arith.index_cast %add3A_708 : i32 to index
        %get3A_712 = arith.constant 16 : index
        %get3A_713 = tpu.vector_load %arg6[%get3A_710, %get3A_711, %get3A_712] {strides = array<i32>} : memref<8x200x32xf32, #tpu.memory_space<vmem>>, vector<1x1x16xf32>,
        %get3A_714 = vector.shape_cast %get3A_713 : vector<1x1x16xf32> to vector<16xf32>
        %add3A_715 = arith.addf %add3A_675, %get3A_714 : vector<16xf32>
        %add3A_716 = arith.constant 8 : i32
        %add3A_717 = arith.addi %mul3A_556, %add3A_716 : i32
        %get3A_718 = arith.constant 2 : i32
        %get3A_719 = arith.index_cast %get3A_718 : i32 to index
        %get3A_720 = arith.index_cast %add3A_717 : i32 to index
        %get3A_721 = arith.constant 0 : index
        %get3A_722 = tpu.vector_load %arg6[%get3A_719, %get3A_720, %get3A_721] {strides = array<i32>} : memref<8x200x32xf32, #tpu.memory_space<vmem>>, vector<1x1x16xf32>,
        %get3A_723 = vector.shape_cast %get3A_722 : vector<1x1x16xf32> to vector<16xf32>
        %add3A_724 = arith.addf %add3A_684, %get3A_723 : vector<16xf32>
        %add3A_725 = arith.constant 8 : i32
        %add3A_726 = arith.addi %mul3A_556, %add3A_725 : i32
        %get3A_727 = arith.constant 2 : i32
        %get3A_728 = arith.index_cast %get3A_727 : i32 to index
        %get3A_729 = arith.index_cast %add3A_726 : i32 to index
        %get3A_730 = arith.constant 16 : index
        %get3A_731 = tpu.vector_load %arg6[%get3A_728, %get3A_729, %get3A_730] {strides = array<i32>} : memref<8x200x32xf32, #tpu.memory_space<vmem>>, vector<1x1x16xf32>,
        %get3A_732 = vector.shape_cast %get3A_731 : vector<1x1x16xf32> to vector<16xf32>
        %add3A_733 = arith.addf %add3A_693, %get3A_732 : vector<16xf32>
        %add3A_734 = arith.constant 8 : i32
        %add3A_735 = arith.addi %mul3A_556, %add3A_734 : i32
        %add3A_736 = arith.constant 1 : i32
        %add3A_737 = arith.addi %add3A_735, %add3A_736 : i32
        %get3A_738 = arith.constant 2 : i32
        %get3A_739 = arith.index_cast %get3A_738 : i32 to index
        %get3A_740 = arith.index_cast %add3A_737 : i32 to index
        %get3A_741 = arith.constant 0 : index
        %get3A_742 = tpu.vector_load %arg6[%get3A_739, %get3A_740, %get3A_741] {strides = array<i32>} : memref<8x200x32xf32, #tpu.memory_space<vmem>>, vector<1x1x16xf32>,
        %get3A_743 = vector.shape_cast %get3A_742 : vector<1x1x16xf32> to vector<16xf32>
        %add3A_744 = arith.addf %add3A_704, %get3A_743 : vector<16xf32>
        %add3A_745 = arith.constant 8 : i32
        %add3A_746 = arith.addi %mul3A_556, %add3A_745 : i32
        %add3A_747 = arith.constant 1 : i32
        %add3A_748 = arith.addi %add3A_746, %add3A_747 : i32
        %get3A_749 = arith.constant 2 : i32
        %get3A_750 = arith.index_cast %get3A_749 : i32 to index
        %get3A_751 = arith.index_cast %add3A_748 : i32 to index
        %get3A_752 = arith.constant 16 : index
        %get3A_753 = tpu.vector_load %arg6[%get3A_750, %get3A_751, %get3A_752] {strides = array<i32>} : memref<8x200x32xf32, #tpu.memory_space<vmem>>, vector<1x1x16xf32>,
        %get3A_754 = vector.shape_cast %get3A_753 : vector<1x1x16xf32> to vector<16xf32>
        %add3A_755 = arith.addf %add3A_715, %get3A_754 : vector<16xf32>
        %add3A_756 = arith.constant 10 : i32
        %add3A_757 = arith.addi %mul3A_556, %add3A_756 : i32
        %get3A_758 = arith.constant 2 : i32
        %get3A_759 = arith.index_cast %get3A_758 : i32 to index
        %get3A_760 = arith.index_cast %add3A_757 : i32 to index
        %get3A_761 = arith.constant 0 : index
        %get3A_762 = tpu.vector_load %arg6[%get3A_759, %get3A_760, %get3A_761] {strides = array<i32>} : memref<8x200x32xf32, #tpu.memory_space<vmem>>, vector<1x1x16xf32>,
        %get3A_763 = vector.shape_cast %get3A_762 : vector<1x1x16xf32> to vector<16xf32>
        %add3A_764 = arith.addf %add3A_724, %get3A_763 : vector<16xf32>
        %add3A_765 = arith.constant 10 : i32
        %add3A_766 = arith.addi %mul3A_556, %add3A_765 : i32
        %get3A_767 = arith.constant 2 : i32
        %get3A_768 = arith.index_cast %get3A_767 : i32 to index
        %get3A_769 = arith.index_cast %add3A_766 : i32 to index
        %get3A_770 = arith.constant 16 : index
        %get3A_771 = tpu.vector_load %arg6[%get3A_768, %get3A_769, %get3A_770] {strides = array<i32>} : memref<8x200x32xf32, #tpu.memory_space<vmem>>, vector<1x1x16xf32>,
        %get3A_772 = vector.shape_cast %get3A_771 : vector<1x1x16xf32> to vector<16xf32>
        %add3A_773 = arith.addf %add3A_733, %get3A_772 : vector<16xf32>
        %add3A_774 = arith.constant 10 : i32
        %add3A_775 = arith.addi %mul3A_556, %add3A_774 : i32
        %add3A_776 = arith.constant 1 : i32
        %add3A_777 = arith.addi %add3A_775, %add3A_776 : i32
        %get3A_778 = arith.constant 2 : i32
        %get3A_779 = arith.index_cast %get3A_778 : i32 to index
        %get3A_780 = arith.index_cast %add3A_777 : i32 to index
        %get3A_781 = arith.constant 0 : index
        %get3A_782 = tpu.vector_load %arg6[%get3A_779, %get3A_780, %get3A_781] {strides = array<i32>} : memref<8x200x32xf32, #tpu.memory_space<vmem>>, vector<1x1x16xf32>,
        %get3A_783 = vector.shape_cast %get3A_782 : vector<1x1x16xf32> to vector<16xf32>
        %add3A_784 = arith.addf %add3A_744, %get3A_783 : vector<16xf32>
        %add3A_785 = arith.constant 10 : i32
        %add3A_786 = arith.addi %mul3A_556, %add3A_785 : i32
        %add3A_787 = arith.constant 1 : i32
        %add3A_788 = arith.addi %add3A_786, %add3A_787 : i32
        %get3A_789 = arith.constant 2 : i32
        %get3A_790 = arith.index_cast %get3A_789 : i32 to index
        %get3A_791 = arith.index_cast %add3A_788 : i32 to index
        %get3A_792 = arith.constant 16 : index
        %get3A_793 = tpu.vector_load %arg6[%get3A_790, %get3A_791, %get3A_792] {strides = array<i32>} : memref<8x200x32xf32, #tpu.memory_space<vmem>>, vector<1x1x16xf32>,
        %get3A_794 = vector.shape_cast %get3A_793 : vector<1x1x16xf32> to vector<16xf32>
        %add3A_795 = arith.addf %add3A_755, %get3A_794 : vector<16xf32>
        %add3A_796 = arith.constant 12 : i32
        %add3A_797 = arith.addi %mul3A_556, %add3A_796 : i32
        %get3A_798 = arith.constant 2 : i32
        %get3A_799 = arith.index_cast %get3A_798 : i32 to index
        %get3A_800 = arith.index_cast %add3A_797 : i32 to index
        %get3A_801 = arith.constant 0 : index
        %get3A_802 = tpu.vector_load %arg6[%get3A_799, %get3A_800, %get3A_801] {strides = array<i32>} : memref<8x200x32xf32, #tpu.memory_space<vmem>>, vector<1x1x16xf32>,
        %get3A_803 = vector.shape_cast %get3A_802 : vector<1x1x16xf32> to vector<16xf32>
        %add3A_804 = arith.addf %add3A_764, %get3A_803 : vector<16xf32>
        %add3A_805 = arith.constant 12 : i32
        %add3A_806 = arith.addi %mul3A_556, %add3A_805 : i32
        %get3A_807 = arith.constant 2 : i32
        %get3A_808 = arith.index_cast %get3A_807 : i32 to index
        %get3A_809 = arith.index_cast %add3A_806 : i32 to index
        %get3A_810 = arith.constant 16 : index
        %get3A_811 = tpu.vector_load %arg6[%get3A_808, %get3A_809, %get3A_810] {strides = array<i32>} : memref<8x200x32xf32, #tpu.memory_space<vmem>>, vector<1x1x16xf32>,
        %get3A_812 = vector.shape_cast %get3A_811 : vector<1x1x16xf32> to vector<16xf32>
        %add3A_813 = arith.addf %add3A_773, %get3A_812 : vector<16xf32>
        %add3A_814 = arith.constant 12 : i32
        %add3A_815 = arith.addi %mul3A_556, %add3A_814 : i32
        %add3A_816 = arith.constant 1 : i32
        %add3A_817 = arith.addi %add3A_815, %add3A_816 : i32
        %get3A_818 = arith.constant 2 : i32
        %get3A_819 = arith.index_cast %get3A_818 : i32 to index
        %get3A_820 = arith.index_cast %add3A_817 : i32 to index
        %get3A_821 = arith.constant 0 : index
        %get3A_822 = tpu.vector_load %arg6[%get3A_819, %get3A_820, %get3A_821] {strides = array<i32>} : memref<8x200x32xf32, #tpu.memory_space<vmem>>, vector<1x1x16xf32>,
        %get3A_823 = vector.shape_cast %get3A_822 : vector<1x1x16xf32> to vector<16xf32>
        %add3A_824 = arith.addf %add3A_784, %get3A_823 : vector<16xf32>
        %add3A_825 = arith.constant 12 : i32
        %add3A_826 = arith.addi %mul3A_556, %add3A_825 : i32
        %add3A_827 = arith.constant 1 : i32
        %add3A_828 = arith.addi %add3A_826, %add3A_827 : i32
        %get3A_829 = arith.constant 2 : i32
        %get3A_830 = arith.index_cast %get3A_829 : i32 to index
        %get3A_831 = arith.index_cast %add3A_828 : i32 to index
        %get3A_832 = arith.constant 16 : index
        %get3A_833 = tpu.vector_load %arg6[%get3A_830, %get3A_831, %get3A_832] {strides = array<i32>} : memref<8x200x32xf32, #tpu.memory_space<vmem>>, vector<1x1x16xf32>,
        %get3A_834 = vector.shape_cast %get3A_833 : vector<1x1x16xf32> to vector<16xf32>
        %add3A_835 = arith.addf %add3A_795, %get3A_834 : vector<16xf32>
        %add3A_836 = arith.constant 14 : i32
        %add3A_837 = arith.addi %mul3A_556, %add3A_836 : i32
        %get3A_838 = arith.constant 2 : i32
        %get3A_839 = arith.index_cast %get3A_838 : i32 to index
        %get3A_840 = arith.index_cast %add3A_837 : i32 to index
        %get3A_841 = arith.constant 0 : index
        %get3A_842 = tpu.vector_load %arg6[%get3A_839, %get3A_840, %get3A_841] {strides = array<i32>} : memref<8x200x32xf32, #tpu.memory_space<vmem>>, vector<1x1x16xf32>,
        %get3A_843 = vector.shape_cast %get3A_842 : vector<1x1x16xf32> to vector<16xf32>
        %add3A_844 = arith.addf %add3A_804, %get3A_843 : vector<16xf32>
        %add3A_845 = arith.constant 14 : i32
        %add3A_846 = arith.addi %mul3A_556, %add3A_845 : i32
        %get3A_847 = arith.constant 2 : i32
        %get3A_848 = arith.index_cast %get3A_847 : i32 to index
        %get3A_849 = arith.index_cast %add3A_846 : i32 to index
        %get3A_850 = arith.constant 16 : index
        %get3A_851 = tpu.vector_load %arg6[%get3A_848, %get3A_849, %get3A_850] {strides = array<i32>} : memref<8x200x32xf32, #tpu.memory_space<vmem>>, vector<1x1x16xf32>,
        %get3A_852 = vector.shape_cast %get3A_851 : vector<1x1x16xf32> to vector<16xf32>
        %add3A_853 = arith.addf %add3A_813, %get3A_852 : vector<16xf32>
        %add3A_854 = arith.constant 14 : i32
        %add3A_855 = arith.addi %mul3A_556, %add3A_854 : i32
        %add3A_856 = arith.constant 1 : i32
        %add3A_857 = arith.addi %add3A_855, %add3A_856 : i32
        %get3A_858 = arith.constant 2 : i32
        %get3A_859 = arith.index_cast %get3A_858 : i32 to index
        %get3A_860 = arith.index_cast %add3A_857 : i32 to index
        %get3A_861 = arith.constant 0 : index
        %get3A_862 = tpu.vector_load %arg6[%get3A_859, %get3A_860, %get3A_861] {strides = array<i32>} : memref<8x200x32xf32, #tpu.memory_space<vmem>>, vector<1x1x16xf32>,
        %get3A_863 = vector.shape_cast %get3A_862 : vector<1x1x16xf32> to vector<16xf32>
        %add3A_864 = arith.addf %add3A_824, %get3A_863 : vector<16xf32>
        %add3A_865 = arith.constant 14 : i32
        %add3A_866 = arith.addi %mul3A_556, %add3A_865 : i32
        %add3A_867 = arith.constant 1 : i32
        %add3A_868 = arith.addi %add3A_866, %add3A_867 : i32
        %get3A_869 = arith.constant 2 : i32
        %get3A_870 = arith.index_cast %get3A_869 : i32 to index
        %get3A_871 = arith.index_cast %add3A_868 : i32 to index
        %get3A_872 = arith.constant 16 : index
        %get3A_873 = tpu.vector_load %arg6[%get3A_870, %get3A_871, %get3A_872] {strides = array<i32>} : memref<8x200x32xf32, #tpu.memory_space<vmem>>, vector<1x1x16xf32>,
        %get3A_874 = vector.shape_cast %get3A_873 : vector<1x1x16xf32> to vector<16xf32>
        %add3A_875 = arith.addf %add3A_835, %get3A_874 : vector<16xf32>
        %add3A_876 = arith.constant 16 : i32
        %add3A_877 = arith.addi %mul3A_556, %add3A_876 : i32
        %get3A_878 = arith.constant 2 : i32
        %get3A_879 = arith.index_cast %get3A_878 : i32 to index
        %get3A_880 = arith.index_cast %add3A_877 : i32 to index
        %get3A_881 = arith.constant 0 : index
        %get3A_882 = tpu.vector_load %arg6[%get3A_879, %get3A_880, %get3A_881] {strides = array<i32>} : memref<8x200x32xf32, #tpu.memory_space<vmem>>, vector<1x1x16xf32>,
        %get3A_883 = vector.shape_cast %get3A_882 : vector<1x1x16xf32> to vector<16xf32>
        %add3A_884 = arith.addf %add3A_844, %get3A_883 : vector<16xf32>
        %add3A_885 = arith.constant 16 : i32
        %add3A_886 = arith.addi %mul3A_556, %add3A_885 : i32
        %get3A_887 = arith.constant 2 : i32
        %get3A_888 = arith.index_cast %get3A_887 : i32 to index
        %get3A_889 = arith.index_cast %add3A_886 : i32 to index
        %get3A_890 = arith.constant 16 : index
        %get3A_891 = tpu.vector_load %arg6[%get3A_888, %get3A_889, %get3A_890] {strides = array<i32>} : memref<8x200x32xf32, #tpu.memory_space<vmem>>, vector<1x1x16xf32>,
        %get3A_892 = vector.shape_cast %get3A_891 : vector<1x1x16xf32> to vector<16xf32>
        %add3A_893 = arith.addf %add3A_853, %get3A_892 : vector<16xf32>
        %add3A_894 = arith.constant 16 : i32
        %add3A_895 = arith.addi %mul3A_556, %add3A_894 : i32
        %add3A_896 = arith.constant 1 : i32
        %add3A_897 = arith.addi %add3A_895, %add3A_896 : i32
        %get3A_898 = arith.constant 2 : i32
        %get3A_899 = arith.index_cast %get3A_898 : i32 to index
        %get3A_900 = arith.index_cast %add3A_897 : i32 to index
        %get3A_901 = arith.constant 0 : index
        %get3A_902 = tpu.vector_load %arg6[%get3A_899, %get3A_900, %get3A_901] {strides = array<i32>} : memref<8x200x32xf32, #tpu.memory_space<vmem>>, vector<1x1x16xf32>,
        %get3A_903 = vector.shape_cast %get3A_902 : vector<1x1x16xf32> to vector<16xf32>
        %add3A_904 = arith.addf %add3A_864, %get3A_903 : vector<16xf32>
        %add3A_905 = arith.constant 16 : i32
        %add3A_906 = arith.addi %mul3A_556, %add3A_905 : i32
        %add3A_907 = arith.constant 1 : i32
        %add3A_908 = arith.addi %add3A_906, %add3A_907 : i32
        %get3A_909 = arith.constant 2 : i32
        %get3A_910 = arith.index_cast %get3A_909 : i32 to index
        %get3A_911 = arith.index_cast %add3A_908 : i32 to index
        %get3A_912 = arith.constant 16 : index
        %get3A_913 = tpu.vector_load %arg6[%get3A_910, %get3A_911, %get3A_912] {strides = array<i32>} : memref<8x200x32xf32, #tpu.memory_space<vmem>>, vector<1x1x16xf32>,
        %get3A_914 = vector.shape_cast %get3A_913 : vector<1x1x16xf32> to vector<16xf32>
        %add3A_915 = arith.addf %add3A_875, %get3A_914 : vector<16xf32>
        %add3A_916 = arith.constant 18 : i32
        %add3A_917 = arith.addi %mul3A_556, %add3A_916 : i32
        %get3A_918 = arith.constant 2 : i32
        %get3A_919 = arith.index_cast %get3A_918 : i32 to index
        %get3A_920 = arith.index_cast %add3A_917 : i32 to index
        %get3A_921 = arith.constant 0 : index
        %get3A_922 = tpu.vector_load %arg6[%get3A_919, %get3A_920, %get3A_921] {strides = array<i32>} : memref<8x200x32xf32, #tpu.memory_space<vmem>>, vector<1x1x16xf32>,
        %get3A_923 = vector.shape_cast %get3A_922 : vector<1x1x16xf32> to vector<16xf32>
        %add3A_924 = arith.addf %add3A_884, %get3A_923 : vector<16xf32>
        %add3A_925 = arith.constant 18 : i32
        %add3A_926 = arith.addi %mul3A_556, %add3A_925 : i32
        %get3A_927 = arith.constant 2 : i32
        %get3A_928 = arith.index_cast %get3A_927 : i32 to index
        %get3A_929 = arith.index_cast %add3A_926 : i32 to index
        %get3A_930 = arith.constant 16 : index
        %get3A_931 = tpu.vector_load %arg6[%get3A_928, %get3A_929, %get3A_930] {strides = array<i32>} : memref<8x200x32xf32, #tpu.memory_space<vmem>>, vector<1x1x16xf32>,
        %get3A_932 = vector.shape_cast %get3A_931 : vector<1x1x16xf32> to vector<16xf32>
        %add3A_933 = arith.addf %add3A_893, %get3A_932 : vector<16xf32>
        %add3A_934 = arith.constant 18 : i32
        %add3A_935 = arith.addi %mul3A_556, %add3A_934 : i32
        %add3A_936 = arith.constant 1 : i32
        %add3A_937 = arith.addi %add3A_935, %add3A_936 : i32
        %get3A_938 = arith.constant 2 : i32
        %get3A_939 = arith.index_cast %get3A_938 : i32 to index
        %get3A_940 = arith.index_cast %add3A_937 : i32 to index
        %get3A_941 = arith.constant 0 : index
        %get3A_942 = tpu.vector_load %arg6[%get3A_939, %get3A_940, %get3A_941] {strides = array<i32>} : memref<8x200x32xf32, #tpu.memory_space<vmem>>, vector<1x1x16xf32>,
        %get3A_943 = vector.shape_cast %get3A_942 : vector<1x1x16xf32> to vector<16xf32>
        %add3A_944 = arith.addf %add3A_904, %get3A_943 : vector<16xf32>
        %add3A_945 = arith.constant 18 : i32
        %add3A_946 = arith.addi %mul3A_556, %add3A_945 : i32
        %add3A_947 = arith.constant 1 : i32
        %add3A_948 = arith.addi %add3A_946, %add3A_947 : i32
        %get3A_949 = arith.constant 2 : i32
        %get3A_950 = arith.index_cast %get3A_949 : i32 to index
        %get3A_951 = arith.index_cast %add3A_948 : i32 to index
        %get3A_952 = arith.constant 16 : index
        %get3A_953 = tpu.vector_load %arg6[%get3A_950, %get3A_951, %get3A_952] {strides = array<i32>} : memref<8x200x32xf32, #tpu.memory_space<vmem>>, vector<1x1x16xf32>,
        %get3A_954 = vector.shape_cast %get3A_953 : vector<1x1x16xf32> to vector<16xf32>
        %add3A_955 = arith.addf %add3A_915, %get3A_954 : vector<16xf32>
        scf.yield %add3A_924, %add3A_933, %add3A_944, %add3A_955 : vector<16xf32>, vector<16xf32>, vector<16xf32>, vector<16xf32>
      }
      %scan3A_310 = arith.constant 10 : i32
      %add3A_311 = arith.addf %scan3A_309#0, %scan3A_309#2 : vector<16xf32>
      %swap3A_312 = arith.index_cast %add3A_289 : i32 to index
      %swap3A_313 = arith.constant 0 : index
      %swap3A_314 = tpu.vector_load %arg7[%swap3A_312, %swap3A_313] {strides = array<i32>} : memref<128x32xf32, #tpu.memory_space<vmem>>, vector<1x16xf32>,
      %swap3A_315 = vector.shape_cast %swap3A_314 : vector<1x16xf32> to vector<16xf32>
      %swap3A_316 = vector.shape_cast %add3A_311 : vector<16xf32> to vector<1x16xf32>
      tpu.vector_store %arg7[%swap3A_312, %swap3A_313], %swap3A_316 {strides = array<i32>} : memref<128x32xf32, #tpu.memory_space<vmem>>, vector<1x16xf32>,
      %add3A_317 = arith.addf %scan3A_309#1, %scan3A_309#3 : vector<16xf32>
      %swap3A_318 = arith.index_cast %add3A_289 : i32 to index
      %swap3A_319 = arith.constant 16 : index
      %swap3A_320 = tpu.vector_load %arg7[%swap3A_318, %swap3A_319] {strides = array<i32>} : memref<128x32xf32, #tpu.memory_space<vmem>>, vector<1x16xf32>,
      %swap3A_321 = vector.shape_cast %swap3A_320 : vector<1x16xf32> to vector<16xf32>
      %swap3A_322 = vector.shape_cast %add3A_317 : vector<16xf32> to vector<1x16xf32>
      tpu.vector_store %arg7[%swap3A_318, %swap3A_319], %swap3A_322 {strides = array<i32>} : memref<128x32xf32, #tpu.memory_space<vmem>>, vector<1x16xf32>,
      %add3A_323 = arith.constant 8 : i32
      %add3A_324 = arith.addi %add3A_289, %add3A_323 : i32
      %lt3A_325 = arith.constant 128 : i32
      %lt3A_326 = arith.cmpi slt, %add3A_324, %lt3A_325 : i32
      %convert_element_type3A_327 = arith.extui %lt3A_326 : i1 to i32
      %cond3A_328 = arith.constant 0 : i32
      %cond3A_329 = arith.cmpi ne, %convert_element_type3A_327, %cond3A_328 : i32
      scf.if %cond3A_329 {
        %dma_start3A_550 = arith.constant 2 : i32
        %dma_start3A_551 = arith.constant 0 : i32
        %dma_start3A_552 = arith.constant 0 : i32
        %dma_start3A_553 = tpu.memref_slice %arg6[%dma_start3A_550, %dma_start3A_551, %dma_start3A_552] : memref<8x200x32xf32, #tpu.memory_space<vmem>> -> memref<1x104x32xf32, #tpu.memory_space<vmem>>
        %dma_start3A_554 = tpu.memref_squeeze %dma_start3A_553 : memref<1x104x32xf32, #tpu.memory_space<vmem>> -> memref<104x32xf32, #tpu.memory_space<vmem>>
        %dma_start3A_555 = arith.constant 0 : i32
        %dma_start3A_556 = tpu.memref_slice %arg5[%add3A_324, %dma_start3A_555] : memref<128x200xi32, #tpu.memory_space<vmem>> -> memref<1x104xi32, #tpu.memory_space<vmem>>
        %dma_start3A_557 = tpu.memref_squeeze %dma_start3A_556 : memref<1x104xi32, #tpu.memory_space<vmem>> -> memref<104xi32, #tpu.memory_space<vmem>>
        %dma_start3A_558 = arith.constant 0 : i32
        %dma_start3A_559 = arith.constant 0 : i32
        %dma_start3A_560 = tpu.memref_slice %arg3[%dma_start3A_558, %dma_start3A_559] : memref<1000000x32xf32, #tpu.memory_space<hbm>> -> memref<1000000x32xf32, #tpu.memory_space<hbm>>
        tpu.enqueue_indirect_dma source(%dma_start3A_560 : memref<1000000x32xf32, #tpu.memory_space<hbm>>) target(%dma_start3A_554 : memref<104x32xf32, #tpu.memory_space<vmem>>) offsets(%dma_start3A_557 : memref<104xi32, #tpu.memory_space<vmem>>) semaphore(%arg10 : memref<!tpu.dma_semaphore, #tpu.memory_space<semaphore_mem>>)
        %dma_start3A_561 = arith.constant 2 : i32
        %dma_start3A_562 = arith.constant 104 : i32
        %dma_start3A_563 = arith.constant 0 : i32
        %dma_start3A_564 = tpu.memref_slice %arg6[%dma_start3A_561, %dma_start3A_562, %dma_start3A_563] : memref<8x200x32xf32, #tpu.memory_space<vmem>> -> memref<1x96x32xf32, #tpu.memory_space<vmem>>
        %dma_start3A_565 = tpu.memref_squeeze %dma_start3A_564 : memref<1x96x32xf32, #tpu.memory_space<vmem>> -> memref<96x32xf32, #tpu.memory_space<vmem>>
        %dma_start3A_566 = arith.constant 104 : i32
        %dma_start3A_567 = tpu.memref_slice %arg5[%add3A_324, %dma_start3A_566] : memref<128x200xi32, #tpu.memory_space<vmem>> -> memref<1x96xi32, #tpu.memory_space<vmem>>
        %dma_start3A_568 = tpu.memref_squeeze %dma_start3A_567 : memref<1x96xi32, #tpu.memory_space<vmem>> -> memref<96xi32, #tpu.memory_space<vmem>>
        %dma_start3A_569 = arith.constant 0 : i32
        %dma_start3A_570 = arith.constant 0 : i32
        %dma_start3A_571 = tpu.memref_slice %arg3[%dma_start3A_569, %dma_start3A_570] : memref<1000000x32xf32, #tpu.memory_space<hbm>> -> memref<1000000x32xf32, #tpu.memory_space<hbm>>
        tpu.enqueue_indirect_dma source(%dma_start3A_571 : memref<1000000x32xf32, #tpu.memory_space<hbm>>) target(%dma_start3A_565 : memref<96x32xf32, #tpu.memory_space<vmem>>) offsets(%dma_start3A_568 : memref<96xi32, #tpu.memory_space<vmem>>) semaphore(%arg10 : memref<!tpu.dma_semaphore, #tpu.memory_space<semaphore_mem>>)
      } else {
      }
      %mul3A_330 = arith.constant 8 : i32
      %mul3A_331 = arith.muli %mul3A_330, %scan3A_202 : i32
      %add3A_332 = arith.constant 3 : i32
      %add3A_333 = arith.addi %mul3A_331, %add3A_332 : i32
      %dma_wait3A_334 = arith.constant 3 : i32
      %dma_wait3A_335 = arith.constant 0 : i32
      %dma_wait3A_336 = arith.constant 0 : i32
      %dma_wait3A_337 = tpu.memref_slice %arg6[%dma_wait3A_334, %dma_wait3A_335, %dma_wait3A_336] : memref<8x200x32xf32, #tpu.memory_space<vmem>> -> memref<1x200x32xf32, #tpu.memory_space<vmem>>
      %dma_wait3A_338 = tpu.memref_squeeze %dma_wait3A_337 : memref<1x200x32xf32, #tpu.memory_space<vmem>> -> memref<200x32xf32, #tpu.memory_space<vmem>>
      %dma_wait3A_339 = arith.constant 0 : i32
      %dma_wait3A_340 = arith.constant 0 : i32
      %dma_wait3A_341 = tpu.memref_slice %arg3[%dma_wait3A_339, %dma_wait3A_340] : memref<1000000x32xf32, #tpu.memory_space<hbm>> -> memref<200x32xf32, #tpu.memory_space<hbm>>
      %dma_wait3A_342 = arith.constant 0 : i32
      %dma_wait3A_343 = arith.constant 0 : i32
      %dma_wait3A_344 = tpu.memref_slice %arg6[%dma_wait3A_334, %dma_wait3A_342, %dma_wait3A_343] : memref<8x200x32xf32, #tpu.memory_space<vmem>> -> memref<1x200x32xf32, #tpu.memory_space<vmem>>
      %dma_wait3A_345 = tpu.memref_squeeze %dma_wait3A_344 : memref<1x200x32xf32, #tpu.memory_space<vmem>> -> memref<200x32xf32, #tpu.memory_space<vmem>>
      %dma_wait3A_346 = arith.constant 0 : i32
      %dma_wait3A_347 = arith.constant 0 : i32
      %dma_wait3A_348 = tpu.memref_slice %arg3[%dma_wait3A_346, %dma_wait3A_347] : memref<1000000x32xf32, #tpu.memory_space<hbm>> -> memref<200x32xf32, #tpu.memory_space<hbm>>
      tpu.wait_dma2 semaphore(%arg11 : memref<!tpu.dma_semaphore, #tpu.memory_space<semaphore_mem>>) src(%dma_wait3A_348 : memref<200x32xf32, #tpu.memory_space<hbm>>) dst(%dma_wait3A_345 : memref<200x32xf32, #tpu.memory_space<vmem>>)
      %scan3A_349 = arith.constant 0 : i32
      %scan3A_350 = arith.constant 10 : i32
      %scan3A_351 = arith.addi %scan3A_349, %scan3A_350 : i32
      %scan3A_352 = arith.constant 1 : i32
      %scan3A_353:4 = scf.for %scan3A_550 = %scan3A_349 to %scan3A_351 step %scan3A_352 iter_args(%scan3A_551 = %broadcast_in_dim3A_194, %scan3A_552 = %broadcast_in_dim3A_194, %scan3A_553 = %broadcast_in_dim3A_194, %scan3A_554 = %broadcast_in_dim3A_194) -> (vector<16xf32>, vector<16xf32>, vector<16xf32>, vector<16xf32>)  : i32 {
        %mul3A_555 = arith.constant 20 : i32
        %mul3A_556 = arith.muli %scan3A_550, %mul3A_555 : i32
        %add3A_557 = arith.constant 0 : i32
        %add3A_558 = arith.addi %mul3A_556, %add3A_557 : i32
        %get3A = arith.constant 3 : i32
        %get3A_559 = arith.index_cast %get3A : i32 to index
        %get3A_560 = arith.index_cast %add3A_558 : i32 to index
        %get3A_561 = arith.constant 0 : index
        %get3A_562 = tpu.vector_load %arg6[%get3A_559, %get3A_560, %get3A_561] {strides = array<i32>} : memref<8x200x32xf32, #tpu.memory_space<vmem>>, vector<1x1x16xf32>,
        %get3A_563 = vector.shape_cast %get3A_562 : vector<1x1x16xf32> to vector<16xf32>
        %add3A_564 = arith.addf %scan3A_551, %get3A_563 : vector<16xf32>
        %add3A_565 = arith.constant 0 : i32
        %add3A_566 = arith.addi %mul3A_556, %add3A_565 : i32
        %get3A_567 = arith.constant 3 : i32
        %get3A_568 = arith.index_cast %get3A_567 : i32 to index
        %get3A_569 = arith.index_cast %add3A_566 : i32 to index
        %get3A_570 = arith.constant 16 : index
        %get3A_571 = tpu.vector_load %arg6[%get3A_568, %get3A_569, %get3A_570] {strides = array<i32>} : memref<8x200x32xf32, #tpu.memory_space<vmem>>, vector<1x1x16xf32>,
        %get3A_572 = vector.shape_cast %get3A_571 : vector<1x1x16xf32> to vector<16xf32>
        %add3A_573 = arith.addf %scan3A_552, %get3A_572 : vector<16xf32>
        %add3A_574 = arith.constant 0 : i32
        %add3A_575 = arith.addi %mul3A_556, %add3A_574 : i32
        %add3A_576 = arith.constant 1 : i32
        %add3A_577 = arith.addi %add3A_575, %add3A_576 : i32
        %get3A_578 = arith.constant 3 : i32
        %get3A_579 = arith.index_cast %get3A_578 : i32 to index
        %get3A_580 = arith.index_cast %add3A_577 : i32 to index
        %get3A_581 = arith.constant 0 : index
        %get3A_582 = tpu.vector_load %arg6[%get3A_579, %get3A_580, %get3A_581] {strides = array<i32>} : memref<8x200x32xf32, #tpu.memory_space<vmem>>, vector<1x1x16xf32>,
        %get3A_583 = vector.shape_cast %get3A_582 : vector<1x1x16xf32> to vector<16xf32>
        %add3A_584 = arith.addf %scan3A_553, %get3A_583 : vector<16xf32>
        %add3A_585 = arith.constant 0 : i32
        %add3A_586 = arith.addi %mul3A_556, %add3A_585 : i32
        %add3A_587 = arith.constant 1 : i32
        %add3A_588 = arith.addi %add3A_586, %add3A_587 : i32
        %get3A_589 = arith.constant 3 : i32
        %get3A_590 = arith.index_cast %get3A_589 : i32 to index
        %get3A_591 = arith.index_cast %add3A_588 : i32 to index
        %get3A_592 = arith.constant 16 : index
        %get3A_593 = tpu.vector_load %arg6[%get3A_590, %get3A_591, %get3A_592] {strides = array<i32>} : memref<8x200x32xf32, #tpu.memory_space<vmem>>, vector<1x1x16xf32>,
        %get3A_594 = vector.shape_cast %get3A_593 : vector<1x1x16xf32> to vector<16xf32>
        %add3A_595 = arith.addf %scan3A_554, %get3A_594 : vector<16xf32>
        %add3A_596 = arith.constant 2 : i32
        %add3A_597 = arith.addi %mul3A_556, %add3A_596 : i32
        %get3A_598 = arith.constant 3 : i32
        %get3A_599 = arith.index_cast %get3A_598 : i32 to index
        %get3A_600 = arith.index_cast %add3A_597 : i32 to index
        %get3A_601 = arith.constant 0 : index
        %get3A_602 = tpu.vector_load %arg6[%get3A_599, %get3A_600, %get3A_601] {strides = array<i32>} : memref<8x200x32xf32, #tpu.memory_space<vmem>>, vector<1x1x16xf32>,
        %get3A_603 = vector.shape_cast %get3A_602 : vector<1x1x16xf32> to vector<16xf32>
        %add3A_604 = arith.addf %add3A_564, %get3A_603 : vector<16xf32>
        %add3A_605 = arith.constant 2 : i32
        %add3A_606 = arith.addi %mul3A_556, %add3A_605 : i32
        %get3A_607 = arith.constant 3 : i32
        %get3A_608 = arith.index_cast %get3A_607 : i32 to index
        %get3A_609 = arith.index_cast %add3A_606 : i32 to index
        %get3A_610 = arith.constant 16 : index
        %get3A_611 = tpu.vector_load %arg6[%get3A_608, %get3A_609, %get3A_610] {strides = array<i32>} : memref<8x200x32xf32, #tpu.memory_space<vmem>>, vector<1x1x16xf32>,
        %get3A_612 = vector.shape_cast %get3A_611 : vector<1x1x16xf32> to vector<16xf32>
        %add3A_613 = arith.addf %add3A_573, %get3A_612 : vector<16xf32>
        %add3A_614 = arith.constant 2 : i32
        %add3A_615 = arith.addi %mul3A_556, %add3A_614 : i32
        %add3A_616 = arith.constant 1 : i32
        %add3A_617 = arith.addi %add3A_615, %add3A_616 : i32
        %get3A_618 = arith.constant 3 : i32
        %get3A_619 = arith.index_cast %get3A_618 : i32 to index
        %get3A_620 = arith.index_cast %add3A_617 : i32 to index
        %get3A_621 = arith.constant 0 : index
        %get3A_622 = tpu.vector_load %arg6[%get3A_619, %get3A_620, %get3A_621] {strides = array<i32>} : memref<8x200x32xf32, #tpu.memory_space<vmem>>, vector<1x1x16xf32>,
        %get3A_623 = vector.shape_cast %get3A_622 : vector<1x1x16xf32> to vector<16xf32>
        %add3A_624 = arith.addf %add3A_584, %get3A_623 : vector<16xf32>
        %add3A_625 = arith.constant 2 : i32
        %add3A_626 = arith.addi %mul3A_556, %add3A_625 : i32
        %add3A_627 = arith.constant 1 : i32
        %add3A_628 = arith.addi %add3A_626, %add3A_627 : i32
        %get3A_629 = arith.constant 3 : i32
        %get3A_630 = arith.index_cast %get3A_629 : i32 to index
        %get3A_631 = arith.index_cast %add3A_628 : i32 to index
        %get3A_632 = arith.constant 16 : index
        %get3A_633 = tpu.vector_load %arg6[%get3A_630, %get3A_631, %get3A_632] {strides = array<i32>} : memref<8x200x32xf32, #tpu.memory_space<vmem>>, vector<1x1x16xf32>,
        %get3A_634 = vector.shape_cast %get3A_633 : vector<1x1x16xf32> to vector<16xf32>
        %add3A_635 = arith.addf %add3A_595, %get3A_634 : vector<16xf32>
        %add3A_636 = arith.constant 4 : i32
        %add3A_637 = arith.addi %mul3A_556, %add3A_636 : i32
        %get3A_638 = arith.constant 3 : i32
        %get3A_639 = arith.index_cast %get3A_638 : i32 to index
        %get3A_640 = arith.index_cast %add3A_637 : i32 to index
        %get3A_641 = arith.constant 0 : index
        %get3A_642 = tpu.vector_load %arg6[%get3A_639, %get3A_640, %get3A_641] {strides = array<i32>} : memref<8x200x32xf32, #tpu.memory_space<vmem>>, vector<1x1x16xf32>,
        %get3A_643 = vector.shape_cast %get3A_642 : vector<1x1x16xf32> to vector<16xf32>
        %add3A_644 = arith.addf %add3A_604, %get3A_643 : vector<16xf32>
        %add3A_645 = arith.constant 4 : i32
        %add3A_646 = arith.addi %mul3A_556, %add3A_645 : i32
        %get3A_647 = arith.constant 3 : i32
        %get3A_648 = arith.index_cast %get3A_647 : i32 to index
        %get3A_649 = arith.index_cast %add3A_646 : i32 to index
        %get3A_650 = arith.constant 16 : index
        %get3A_651 = tpu.vector_load %arg6[%get3A_648, %get3A_649, %get3A_650] {strides = array<i32>} : memref<8x200x32xf32, #tpu.memory_space<vmem>>, vector<1x1x16xf32>,
        %get3A_652 = vector.shape_cast %get3A_651 : vector<1x1x16xf32> to vector<16xf32>
        %add3A_653 = arith.addf %add3A_613, %get3A_652 : vector<16xf32>
        %add3A_654 = arith.constant 4 : i32
        %add3A_655 = arith.addi %mul3A_556, %add3A_654 : i32
        %add3A_656 = arith.constant 1 : i32
        %add3A_657 = arith.addi %add3A_655, %add3A_656 : i32
        %get3A_658 = arith.constant 3 : i32
        %get3A_659 = arith.index_cast %get3A_658 : i32 to index
        %get3A_660 = arith.index_cast %add3A_657 : i32 to index
        %get3A_661 = arith.constant 0 : index
        %get3A_662 = tpu.vector_load %arg6[%get3A_659, %get3A_660, %get3A_661] {strides = array<i32>} : memref<8x200x32xf32, #tpu.memory_space<vmem>>, vector<1x1x16xf32>,
        %get3A_663 = vector.shape_cast %get3A_662 : vector<1x1x16xf32> to vector<16xf32>
        %add3A_664 = arith.addf %add3A_624, %get3A_663 : vector<16xf32>
        %add3A_665 = arith.constant 4 : i32
        %add3A_666 = arith.addi %mul3A_556, %add3A_665 : i32
        %add3A_667 = arith.constant 1 : i32
        %add3A_668 = arith.addi %add3A_666, %add3A_667 : i32
        %get3A_669 = arith.constant 3 : i32
        %get3A_670 = arith.index_cast %get3A_669 : i32 to index
        %get3A_671 = arith.index_cast %add3A_668 : i32 to index
        %get3A_672 = arith.constant 16 : index
        %get3A_673 = tpu.vector_load %arg6[%get3A_670, %get3A_671, %get3A_672] {strides = array<i32>} : memref<8x200x32xf32, #tpu.memory_space<vmem>>, vector<1x1x16xf32>,
        %get3A_674 = vector.shape_cast %get3A_673 : vector<1x1x16xf32> to vector<16xf32>
        %add3A_675 = arith.addf %add3A_635, %get3A_674 : vector<16xf32>
        %add3A_676 = arith.constant 6 : i32
        %add3A_677 = arith.addi %mul3A_556, %add3A_676 : i32
        %get3A_678 = arith.constant 3 : i32
        %get3A_679 = arith.index_cast %get3A_678 : i32 to index
        %get3A_680 = arith.index_cast %add3A_677 : i32 to index
        %get3A_681 = arith.constant 0 : index
        %get3A_682 = tpu.vector_load %arg6[%get3A_679, %get3A_680, %get3A_681] {strides = array<i32>} : memref<8x200x32xf32, #tpu.memory_space<vmem>>, vector<1x1x16xf32>,
        %get3A_683 = vector.shape_cast %get3A_682 : vector<1x1x16xf32> to vector<16xf32>
        %add3A_684 = arith.addf %add3A_644, %get3A_683 : vector<16xf32>
        %add3A_685 = arith.constant 6 : i32
        %add3A_686 = arith.addi %mul3A_556, %add3A_685 : i32
        %get3A_687 = arith.constant 3 : i32
        %get3A_688 = arith.index_cast %get3A_687 : i32 to index
        %get3A_689 = arith.index_cast %add3A_686 : i32 to index
        %get3A_690 = arith.constant 16 : index
        %get3A_691 = tpu.vector_load %arg6[%get3A_688, %get3A_689, %get3A_690] {strides = array<i32>} : memref<8x200x32xf32, #tpu.memory_space<vmem>>, vector<1x1x16xf32>,
        %get3A_692 = vector.shape_cast %get3A_691 : vector<1x1x16xf32> to vector<16xf32>
        %add3A_693 = arith.addf %add3A_653, %get3A_692 : vector<16xf32>
        %add3A_694 = arith.constant 6 : i32
        %add3A_695 = arith.addi %mul3A_556, %add3A_694 : i32
        %add3A_696 = arith.constant 1 : i32
        %add3A_697 = arith.addi %add3A_695, %add3A_696 : i32
        %get3A_698 = arith.constant 3 : i32
        %get3A_699 = arith.index_cast %get3A_698 : i32 to index
        %get3A_700 = arith.index_cast %add3A_697 : i32 to index
        %get3A_701 = arith.constant 0 : index
        %get3A_702 = tpu.vector_load %arg6[%get3A_699, %get3A_700, %get3A_701] {strides = array<i32>} : memref<8x200x32xf32, #tpu.memory_space<vmem>>, vector<1x1x16xf32>,
        %get3A_703 = vector.shape_cast %get3A_702 : vector<1x1x16xf32> to vector<16xf32>
        %add3A_704 = arith.addf %add3A_664, %get3A_703 : vector<16xf32>
        %add3A_705 = arith.constant 6 : i32
        %add3A_706 = arith.addi %mul3A_556, %add3A_705 : i32
        %add3A_707 = arith.constant 1 : i32
        %add3A_708 = arith.addi %add3A_706, %add3A_707 : i32
        %get3A_709 = arith.constant 3 : i32
        %get3A_710 = arith.index_cast %get3A_709 : i32 to index
        %get3A_711 = arith.index_cast %add3A_708 : i32 to index
        %get3A_712 = arith.constant 16 : index
        %get3A_713 = tpu.vector_load %arg6[%get3A_710, %get3A_711, %get3A_712] {strides = array<i32>} : memref<8x200x32xf32, #tpu.memory_space<vmem>>, vector<1x1x16xf32>,
        %get3A_714 = vector.shape_cast %get3A_713 : vector<1x1x16xf32> to vector<16xf32>
        %add3A_715 = arith.addf %add3A_675, %get3A_714 : vector<16xf32>
        %add3A_716 = arith.constant 8 : i32
        %add3A_717 = arith.addi %mul3A_556, %add3A_716 : i32
        %get3A_718 = arith.constant 3 : i32
        %get3A_719 = arith.index_cast %get3A_718 : i32 to index
        %get3A_720 = arith.index_cast %add3A_717 : i32 to index
        %get3A_721 = arith.constant 0 : index
        %get3A_722 = tpu.vector_load %arg6[%get3A_719, %get3A_720, %get3A_721] {strides = array<i32>} : memref<8x200x32xf32, #tpu.memory_space<vmem>>, vector<1x1x16xf32>,
        %get3A_723 = vector.shape_cast %get3A_722 : vector<1x1x16xf32> to vector<16xf32>
        %add3A_724 = arith.addf %add3A_684, %get3A_723 : vector<16xf32>
        %add3A_725 = arith.constant 8 : i32
        %add3A_726 = arith.addi %mul3A_556, %add3A_725 : i32
        %get3A_727 = arith.constant 3 : i32
        %get3A_728 = arith.index_cast %get3A_727 : i32 to index
        %get3A_729 = arith.index_cast %add3A_726 : i32 to index
        %get3A_730 = arith.constant 16 : index
        %get3A_731 = tpu.vector_load %arg6[%get3A_728, %get3A_729, %get3A_730] {strides = array<i32>} : memref<8x200x32xf32, #tpu.memory_space<vmem>>, vector<1x1x16xf32>,
        %get3A_732 = vector.shape_cast %get3A_731 : vector<1x1x16xf32> to vector<16xf32>
        %add3A_733 = arith.addf %add3A_693, %get3A_732 : vector<16xf32>
        %add3A_734 = arith.constant 8 : i32
        %add3A_735 = arith.addi %mul3A_556, %add3A_734 : i32
        %add3A_736 = arith.constant 1 : i32
        %add3A_737 = arith.addi %add3A_735, %add3A_736 : i32
        %get3A_738 = arith.constant 3 : i32
        %get3A_739 = arith.index_cast %get3A_738 : i32 to index
        %get3A_740 = arith.index_cast %add3A_737 : i32 to index
        %get3A_741 = arith.constant 0 : index
        %get3A_742 = tpu.vector_load %arg6[%get3A_739, %get3A_740, %get3A_741] {strides = array<i32>} : memref<8x200x32xf32, #tpu.memory_space<vmem>>, vector<1x1x16xf32>,
        %get3A_743 = vector.shape_cast %get3A_742 : vector<1x1x16xf32> to vector<16xf32>
        %add3A_744 = arith.addf %add3A_704, %get3A_743 : vector<16xf32>
        %add3A_745 = arith.constant 8 : i32
        %add3A_746 = arith.addi %mul3A_556, %add3A_745 : i32
        %add3A_747 = arith.constant 1 : i32
        %add3A_748 = arith.addi %add3A_746, %add3A_747 : i32
        %get3A_749 = arith.constant 3 : i32
        %get3A_750 = arith.index_cast %get3A_749 : i32 to index
        %get3A_751 = arith.index_cast %add3A_748 : i32 to index
        %get3A_752 = arith.constant 16 : index
        %get3A_753 = tpu.vector_load %arg6[%get3A_750, %get3A_751, %get3A_752] {strides = array<i32>} : memref<8x200x32xf32, #tpu.memory_space<vmem>>, vector<1x1x16xf32>,
        %get3A_754 = vector.shape_cast %get3A_753 : vector<1x1x16xf32> to vector<16xf32>
        %add3A_755 = arith.addf %add3A_715, %get3A_754 : vector<16xf32>
        %add3A_756 = arith.constant 10 : i32
        %add3A_757 = arith.addi %mul3A_556, %add3A_756 : i32
        %get3A_758 = arith.constant 3 : i32
        %get3A_759 = arith.index_cast %get3A_758 : i32 to index
        %get3A_760 = arith.index_cast %add3A_757 : i32 to index
        %get3A_761 = arith.constant 0 : index
        %get3A_762 = tpu.vector_load %arg6[%get3A_759, %get3A_760, %get3A_761] {strides = array<i32>} : memref<8x200x32xf32, #tpu.memory_space<vmem>>, vector<1x1x16xf32>,
        %get3A_763 = vector.shape_cast %get3A_762 : vector<1x1x16xf32> to vector<16xf32>
        %add3A_764 = arith.addf %add3A_724, %get3A_763 : vector<16xf32>
        %add3A_765 = arith.constant 10 : i32
        %add3A_766 = arith.addi %mul3A_556, %add3A_765 : i32
        %get3A_767 = arith.constant 3 : i32
        %get3A_768 = arith.index_cast %get3A_767 : i32 to index
        %get3A_769 = arith.index_cast %add3A_766 : i32 to index
        %get3A_770 = arith.constant 16 : index
        %get3A_771 = tpu.vector_load %arg6[%get3A_768, %get3A_769, %get3A_770] {strides = array<i32>} : memref<8x200x32xf32, #tpu.memory_space<vmem>>, vector<1x1x16xf32>,
        %get3A_772 = vector.shape_cast %get3A_771 : vector<1x1x16xf32> to vector<16xf32>
        %add3A_773 = arith.addf %add3A_733, %get3A_772 : vector<16xf32>
        %add3A_774 = arith.constant 10 : i32
        %add3A_775 = arith.addi %mul3A_556, %add3A_774 : i32
        %add3A_776 = arith.constant 1 : i32
        %add3A_777 = arith.addi %add3A_775, %add3A_776 : i32
        %get3A_778 = arith.constant 3 : i32
        %get3A_779 = arith.index_cast %get3A_778 : i32 to index
        %get3A_780 = arith.index_cast %add3A_777 : i32 to index
        %get3A_781 = arith.constant 0 : index
        %get3A_782 = tpu.vector_load %arg6[%get3A_779, %get3A_780, %get3A_781] {strides = array<i32>} : memref<8x200x32xf32, #tpu.memory_space<vmem>>, vector<1x1x16xf32>,
        %get3A_783 = vector.shape_cast %get3A_782 : vector<1x1x16xf32> to vector<16xf32>
        %add3A_784 = arith.addf %add3A_744, %get3A_783 : vector<16xf32>
        %add3A_785 = arith.constant 10 : i32
        %add3A_786 = arith.addi %mul3A_556, %add3A_785 : i32
        %add3A_787 = arith.constant 1 : i32
        %add3A_788 = arith.addi %add3A_786, %add3A_787 : i32
        %get3A_789 = arith.constant 3 : i32
        %get3A_790 = arith.index_cast %get3A_789 : i32 to index
        %get3A_791 = arith.index_cast %add3A_788 : i32 to index
        %get3A_792 = arith.constant 16 : index
        %get3A_793 = tpu.vector_load %arg6[%get3A_790, %get3A_791, %get3A_792] {strides = array<i32>} : memref<8x200x32xf32, #tpu.memory_space<vmem>>, vector<1x1x16xf32>,
        %get3A_794 = vector.shape_cast %get3A_793 : vector<1x1x16xf32> to vector<16xf32>
        %add3A_795 = arith.addf %add3A_755, %get3A_794 : vector<16xf32>
        %add3A_796 = arith.constant 12 : i32
        %add3A_797 = arith.addi %mul3A_556, %add3A_796 : i32
        %get3A_798 = arith.constant 3 : i32
        %get3A_799 = arith.index_cast %get3A_798 : i32 to index
        %get3A_800 = arith.index_cast %add3A_797 : i32 to index
        %get3A_801 = arith.constant 0 : index
        %get3A_802 = tpu.vector_load %arg6[%get3A_799, %get3A_800, %get3A_801] {strides = array<i32>} : memref<8x200x32xf32, #tpu.memory_space<vmem>>, vector<1x1x16xf32>,
        %get3A_803 = vector.shape_cast %get3A_802 : vector<1x1x16xf32> to vector<16xf32>
        %add3A_804 = arith.addf %add3A_764, %get3A_803 : vector<16xf32>
        %add3A_805 = arith.constant 12 : i32
        %add3A_806 = arith.addi %mul3A_556, %add3A_805 : i32
        %get3A_807 = arith.constant 3 : i32
        %get3A_808 = arith.index_cast %get3A_807 : i32 to index
        %get3A_809 = arith.index_cast %add3A_806 : i32 to index
        %get3A_810 = arith.constant 16 : index
        %get3A_811 = tpu.vector_load %arg6[%get3A_808, %get3A_809, %get3A_810] {strides = array<i32>} : memref<8x200x32xf32, #tpu.memory_space<vmem>>, vector<1x1x16xf32>,
        %get3A_812 = vector.shape_cast %get3A_811 : vector<1x1x16xf32> to vector<16xf32>
        %add3A_813 = arith.addf %add3A_773, %get3A_812 : vector<16xf32>
        %add3A_814 = arith.constant 12 : i32
        %add3A_815 = arith.addi %mul3A_556, %add3A_814 : i32
        %add3A_816 = arith.constant 1 : i32
        %add3A_817 = arith.addi %add3A_815, %add3A_816 : i32
        %get3A_818 = arith.constant 3 : i32
        %get3A_819 = arith.index_cast %get3A_818 : i32 to index
        %get3A_820 = arith.index_cast %add3A_817 : i32 to index
        %get3A_821 = arith.constant 0 : index
        %get3A_822 = tpu.vector_load %arg6[%get3A_819, %get3A_820, %get3A_821] {strides = array<i32>} : memref<8x200x32xf32, #tpu.memory_space<vmem>>, vector<1x1x16xf32>,
        %get3A_823 = vector.shape_cast %get3A_822 : vector<1x1x16xf32> to vector<16xf32>
        %add3A_824 = arith.addf %add3A_784, %get3A_823 : vector<16xf32>
        %add3A_825 = arith.constant 12 : i32
        %add3A_826 = arith.addi %mul3A_556, %add3A_825 : i32
        %add3A_827 = arith.constant 1 : i32
        %add3A_828 = arith.addi %add3A_826, %add3A_827 : i32
        %get3A_829 = arith.constant 3 : i32
        %get3A_830 = arith.index_cast %get3A_829 : i32 to index
        %get3A_831 = arith.index_cast %add3A_828 : i32 to index
        %get3A_832 = arith.constant 16 : index
        %get3A_833 = tpu.vector_load %arg6[%get3A_830, %get3A_831, %get3A_832] {strides = array<i32>} : memref<8x200x32xf32, #tpu.memory_space<vmem>>, vector<1x1x16xf32>,
        %get3A_834 = vector.shape_cast %get3A_833 : vector<1x1x16xf32> to vector<16xf32>
        %add3A_835 = arith.addf %add3A_795, %get3A_834 : vector<16xf32>
        %add3A_836 = arith.constant 14 : i32
        %add3A_837 = arith.addi %mul3A_556, %add3A_836 : i32
        %get3A_838 = arith.constant 3 : i32
        %get3A_839 = arith.index_cast %get3A_838 : i32 to index
        %get3A_840 = arith.index_cast %add3A_837 : i32 to index
        %get3A_841 = arith.constant 0 : index
        %get3A_842 = tpu.vector_load %arg6[%get3A_839, %get3A_840, %get3A_841] {strides = array<i32>} : memref<8x200x32xf32, #tpu.memory_space<vmem>>, vector<1x1x16xf32>,
        %get3A_843 = vector.shape_cast %get3A_842 : vector<1x1x16xf32> to vector<16xf32>
        %add3A_844 = arith.addf %add3A_804, %get3A_843 : vector<16xf32>
        %add3A_845 = arith.constant 14 : i32
        %add3A_846 = arith.addi %mul3A_556, %add3A_845 : i32
        %get3A_847 = arith.constant 3 : i32
        %get3A_848 = arith.index_cast %get3A_847 : i32 to index
        %get3A_849 = arith.index_cast %add3A_846 : i32 to index
        %get3A_850 = arith.constant 16 : index
        %get3A_851 = tpu.vector_load %arg6[%get3A_848, %get3A_849, %get3A_850] {strides = array<i32>} : memref<8x200x32xf32, #tpu.memory_space<vmem>>, vector<1x1x16xf32>,
        %get3A_852 = vector.shape_cast %get3A_851 : vector<1x1x16xf32> to vector<16xf32>
        %add3A_853 = arith.addf %add3A_813, %get3A_852 : vector<16xf32>
        %add3A_854 = arith.constant 14 : i32
        %add3A_855 = arith.addi %mul3A_556, %add3A_854 : i32
        %add3A_856 = arith.constant 1 : i32
        %add3A_857 = arith.addi %add3A_855, %add3A_856 : i32
        %get3A_858 = arith.constant 3 : i32
        %get3A_859 = arith.index_cast %get3A_858 : i32 to index
        %get3A_860 = arith.index_cast %add3A_857 : i32 to index
        %get3A_861 = arith.constant 0 : index
        %get3A_862 = tpu.vector_load %arg6[%get3A_859, %get3A_860, %get3A_861] {strides = array<i32>} : memref<8x200x32xf32, #tpu.memory_space<vmem>>, vector<1x1x16xf32>,
        %get3A_863 = vector.shape_cast %get3A_862 : vector<1x1x16xf32> to vector<16xf32>
        %add3A_864 = arith.addf %add3A_824, %get3A_863 : vector<16xf32>
        %add3A_865 = arith.constant 14 : i32
        %add3A_866 = arith.addi %mul3A_556, %add3A_865 : i32
        %add3A_867 = arith.constant 1 : i32
        %add3A_868 = arith.addi %add3A_866, %add3A_867 : i32
        %get3A_869 = arith.constant 3 : i32
        %get3A_870 = arith.index_cast %get3A_869 : i32 to index
        %get3A_871 = arith.index_cast %add3A_868 : i32 to index
        %get3A_872 = arith.constant 16 : index
        %get3A_873 = tpu.vector_load %arg6[%get3A_870, %get3A_871, %get3A_872] {strides = array<i32>} : memref<8x200x32xf32, #tpu.memory_space<vmem>>, vector<1x1x16xf32>,
        %get3A_874 = vector.shape_cast %get3A_873 : vector<1x1x16xf32> to vector<16xf32>
        %add3A_875 = arith.addf %add3A_835, %get3A_874 : vector<16xf32>
        %add3A_876 = arith.constant 16 : i32
        %add3A_877 = arith.addi %mul3A_556, %add3A_876 : i32
        %get3A_878 = arith.constant 3 : i32
        %get3A_879 = arith.index_cast %get3A_878 : i32 to index
        %get3A_880 = arith.index_cast %add3A_877 : i32 to index
        %get3A_881 = arith.constant 0 : index
        %get3A_882 = tpu.vector_load %arg6[%get3A_879, %get3A_880, %get3A_881] {strides = array<i32>} : memref<8x200x32xf32, #tpu.memory_space<vmem>>, vector<1x1x16xf32>,
        %get3A_883 = vector.shape_cast %get3A_882 : vector<1x1x16xf32> to vector<16xf32>
        %add3A_884 = arith.addf %add3A_844, %get3A_883 : vector<16xf32>
        %add3A_885 = arith.constant 16 : i32
        %add3A_886 = arith.addi %mul3A_556, %add3A_885 : i32
        %get3A_887 = arith.constant 3 : i32
        %get3A_888 = arith.index_cast %get3A_887 : i32 to index
        %get3A_889 = arith.index_cast %add3A_886 : i32 to index
        %get3A_890 = arith.constant 16 : index
        %get3A_891 = tpu.vector_load %arg6[%get3A_888, %get3A_889, %get3A_890] {strides = array<i32>} : memref<8x200x32xf32, #tpu.memory_space<vmem>>, vector<1x1x16xf32>,
        %get3A_892 = vector.shape_cast %get3A_891 : vector<1x1x16xf32> to vector<16xf32>
        %add3A_893 = arith.addf %add3A_853, %get3A_892 : vector<16xf32>
        %add3A_894 = arith.constant 16 : i32
        %add3A_895 = arith.addi %mul3A_556, %add3A_894 : i32
        %add3A_896 = arith.constant 1 : i32
        %add3A_897 = arith.addi %add3A_895, %add3A_896 : i32
        %get3A_898 = arith.constant 3 : i32
        %get3A_899 = arith.index_cast %get3A_898 : i32 to index
        %get3A_900 = arith.index_cast %add3A_897 : i32 to index
        %get3A_901 = arith.constant 0 : index
        %get3A_902 = tpu.vector_load %arg6[%get3A_899, %get3A_900, %get3A_901] {strides = array<i32>} : memref<8x200x32xf32, #tpu.memory_space<vmem>>, vector<1x1x16xf32>,
        %get3A_903 = vector.shape_cast %get3A_902 : vector<1x1x16xf32> to vector<16xf32>
        %add3A_904 = arith.addf %add3A_864, %get3A_903 : vector<16xf32>
        %add3A_905 = arith.constant 16 : i32
        %add3A_906 = arith.addi %mul3A_556, %add3A_905 : i32
        %add3A_907 = arith.constant 1 : i32
        %add3A_908 = arith.addi %add3A_906, %add3A_907 : i32
        %get3A_909 = arith.constant 3 : i32
        %get3A_910 = arith.index_cast %get3A_909 : i32 to index
        %get3A_911 = arith.index_cast %add3A_908 : i32 to index
        %get3A_912 = arith.constant 16 : index
        %get3A_913 = tpu.vector_load %arg6[%get3A_910, %get3A_911, %get3A_912] {strides = array<i32>} : memref<8x200x32xf32, #tpu.memory_space<vmem>>, vector<1x1x16xf32>,
        %get3A_914 = vector.shape_cast %get3A_913 : vector<1x1x16xf32> to vector<16xf32>
        %add3A_915 = arith.addf %add3A_875, %get3A_914 : vector<16xf32>
        %add3A_916 = arith.constant 18 : i32
        %add3A_917 = arith.addi %mul3A_556, %add3A_916 : i32
        %get3A_918 = arith.constant 3 : i32
        %get3A_919 = arith.index_cast %get3A_918 : i32 to index
        %get3A_920 = arith.index_cast %add3A_917 : i32 to index
        %get3A_921 = arith.constant 0 : index
        %get3A_922 = tpu.vector_load %arg6[%get3A_919, %get3A_920, %get3A_921] {strides = array<i32>} : memref<8x200x32xf32, #tpu.memory_space<vmem>>, vector<1x1x16xf32>,
        %get3A_923 = vector.shape_cast %get3A_922 : vector<1x1x16xf32> to vector<16xf32>
        %add3A_924 = arith.addf %add3A_884, %get3A_923 : vector<16xf32>
        %add3A_925 = arith.constant 18 : i32
        %add3A_926 = arith.addi %mul3A_556, %add3A_925 : i32
        %get3A_927 = arith.constant 3 : i32
        %get3A_928 = arith.index_cast %get3A_927 : i32 to index
        %get3A_929 = arith.index_cast %add3A_926 : i32 to index
        %get3A_930 = arith.constant 16 : index
        %get3A_931 = tpu.vector_load %arg6[%get3A_928, %get3A_929, %get3A_930] {strides = array<i32>} : memref<8x200x32xf32, #tpu.memory_space<vmem>>, vector<1x1x16xf32>,
        %get3A_932 = vector.shape_cast %get3A_931 : vector<1x1x16xf32> to vector<16xf32>
        %add3A_933 = arith.addf %add3A_893, %get3A_932 : vector<16xf32>
        %add3A_934 = arith.constant 18 : i32
        %add3A_935 = arith.addi %mul3A_556, %add3A_934 : i32
        %add3A_936 = arith.constant 1 : i32
        %add3A_937 = arith.addi %add3A_935, %add3A_936 : i32
        %get3A_938 = arith.constant 3 : i32
        %get3A_939 = arith.index_cast %get3A_938 : i32 to index
        %get3A_940 = arith.index_cast %add3A_937 : i32 to index
        %get3A_941 = arith.constant 0 : index
        %get3A_942 = tpu.vector_load %arg6[%get3A_939, %get3A_940, %get3A_941] {strides = array<i32>} : memref<8x200x32xf32, #tpu.memory_space<vmem>>, vector<1x1x16xf32>,
        %get3A_943 = vector.shape_cast %get3A_942 : vector<1x1x16xf32> to vector<16xf32>
        %add3A_944 = arith.addf %add3A_904, %get3A_943 : vector<16xf32>
        %add3A_945 = arith.constant 18 : i32
        %add3A_946 = arith.addi %mul3A_556, %add3A_945 : i32
        %add3A_947 = arith.constant 1 : i32
        %add3A_948 = arith.addi %add3A_946, %add3A_947 : i32
        %get3A_949 = arith.constant 3 : i32
        %get3A_950 = arith.index_cast %get3A_949 : i32 to index
        %get3A_951 = arith.index_cast %add3A_948 : i32 to index
        %get3A_952 = arith.constant 16 : index
        %get3A_953 = tpu.vector_load %arg6[%get3A_950, %get3A_951, %get3A_952] {strides = array<i32>} : memref<8x200x32xf32, #tpu.memory_space<vmem>>, vector<1x1x16xf32>,
        %get3A_954 = vector.shape_cast %get3A_953 : vector<1x1x16xf32> to vector<16xf32>
        %add3A_955 = arith.addf %add3A_915, %get3A_954 : vector<16xf32>
        scf.yield %add3A_924, %add3A_933, %add3A_944, %add3A_955 : vector<16xf32>, vector<16xf32>, vector<16xf32>, vector<16xf32>
      }
      %scan3A_354 = arith.constant 10 : i32
      %add3A_355 = arith.addf %scan3A_353#0, %scan3A_353#2 : vector<16xf32>
      %swap3A_356 = arith.index_cast %add3A_333 : i32 to index
      %swap3A_357 = arith.constant 0 : index
      %swap3A_358 = tpu.vector_load %arg7[%swap3A_356, %swap3A_357] {strides = array<i32>} : memref<128x32xf32, #tpu.memory_space<vmem>>, vector<1x16xf32>,
      %swap3A_359 = vector.shape_cast %swap3A_358 : vector<1x16xf32> to vector<16xf32>
      %swap3A_360 = vector.shape_cast %add3A_355 : vector<16xf32> to vector<1x16xf32>
      tpu.vector_store %arg7[%swap3A_356, %swap3A_357], %swap3A_360 {strides = array<i32>} : memref<128x32xf32, #tpu.memory_space<vmem>>, vector<1x16xf32>,
      %add3A_361 = arith.addf %scan3A_353#1, %scan3A_353#3 : vector<16xf32>
      %swap3A_362 = arith.index_cast %add3A_333 : i32 to index
      %swap3A_363 = arith.constant 16 : index
      %swap3A_364 = tpu.vector_load %arg7[%swap3A_362, %swap3A_363] {strides = array<i32>} : memref<128x32xf32, #tpu.memory_space<vmem>>, vector<1x16xf32>,
      %swap3A_365 = vector.shape_cast %swap3A_364 : vector<1x16xf32> to vector<16xf32>
      %swap3A_366 = vector.shape_cast %add3A_361 : vector<16xf32> to vector<1x16xf32>
      tpu.vector_store %arg7[%swap3A_362, %swap3A_363], %swap3A_366 {strides = array<i32>} : memref<128x32xf32, #tpu.memory_space<vmem>>, vector<1x16xf32>,
      %add3A_367 = arith.constant 8 : i32
      %add3A_368 = arith.addi %add3A_333, %add3A_367 : i32
      %lt3A_369 = arith.constant 128 : i32
      %lt3A_370 = arith.cmpi slt, %add3A_368, %lt3A_369 : i32
      %convert_element_type3A_371 = arith.extui %lt3A_370 : i1 to i32
      %cond3A_372 = arith.constant 0 : i32
      %cond3A_373 = arith.cmpi ne, %convert_element_type3A_371, %cond3A_372 : i32
      scf.if %cond3A_373 {
        %dma_start3A_550 = arith.constant 3 : i32
        %dma_start3A_551 = arith.constant 0 : i32
        %dma_start3A_552 = arith.constant 0 : i32
        %dma_start3A_553 = tpu.memref_slice %arg6[%dma_start3A_550, %dma_start3A_551, %dma_start3A_552] : memref<8x200x32xf32, #tpu.memory_space<vmem>> -> memref<1x104x32xf32, #tpu.memory_space<vmem>>
        %dma_start3A_554 = tpu.memref_squeeze %dma_start3A_553 : memref<1x104x32xf32, #tpu.memory_space<vmem>> -> memref<104x32xf32, #tpu.memory_space<vmem>>
        %dma_start3A_555 = arith.constant 0 : i32
        %dma_start3A_556 = tpu.memref_slice %arg5[%add3A_368, %dma_start3A_555] : memref<128x200xi32, #tpu.memory_space<vmem>> -> memref<1x104xi32, #tpu.memory_space<vmem>>
        %dma_start3A_557 = tpu.memref_squeeze %dma_start3A_556 : memref<1x104xi32, #tpu.memory_space<vmem>> -> memref<104xi32, #tpu.memory_space<vmem>>
        %dma_start3A_558 = arith.constant 0 : i32
        %dma_start3A_559 = arith.constant 0 : i32
        %dma_start3A_560 = tpu.memref_slice %arg3[%dma_start3A_558, %dma_start3A_559] : memref<1000000x32xf32, #tpu.memory_space<hbm>> -> memref<1000000x32xf32, #tpu.memory_space<hbm>>
        tpu.enqueue_indirect_dma source(%dma_start3A_560 : memref<1000000x32xf32, #tpu.memory_space<hbm>>) target(%dma_start3A_554 : memref<104x32xf32, #tpu.memory_space<vmem>>) offsets(%dma_start3A_557 : memref<104xi32, #tpu.memory_space<vmem>>) semaphore(%arg11 : memref<!tpu.dma_semaphore, #tpu.memory_space<semaphore_mem>>)
        %dma_start3A_561 = arith.constant 3 : i32
        %dma_start3A_562 = arith.constant 104 : i32
        %dma_start3A_563 = arith.constant 0 : i32
        %dma_start3A_564 = tpu.memref_slice %arg6[%dma_start3A_561, %dma_start3A_562, %dma_start3A_563] : memref<8x200x32xf32, #tpu.memory_space<vmem>> -> memref<1x96x32xf32, #tpu.memory_space<vmem>>
        %dma_start3A_565 = tpu.memref_squeeze %dma_start3A_564 : memref<1x96x32xf32, #tpu.memory_space<vmem>> -> memref<96x32xf32, #tpu.memory_space<vmem>>
        %dma_start3A_566 = arith.constant 104 : i32
        %dma_start3A_567 = tpu.memref_slice %arg5[%add3A_368, %dma_start3A_566] : memref<128x200xi32, #tpu.memory_space<vmem>> -> memref<1x96xi32, #tpu.memory_space<vmem>>
        %dma_start3A_568 = tpu.memref_squeeze %dma_start3A_567 : memref<1x96xi32, #tpu.memory_space<vmem>> -> memref<96xi32, #tpu.memory_space<vmem>>
        %dma_start3A_569 = arith.constant 0 : i32
        %dma_start3A_570 = arith.constant 0 : i32
        %dma_start3A_571 = tpu.memref_slice %arg3[%dma_start3A_569, %dma_start3A_570] : memref<1000000x32xf32, #tpu.memory_space<hbm>> -> memref<1000000x32xf32, #tpu.memory_space<hbm>>
        tpu.enqueue_indirect_dma source(%dma_start3A_571 : memref<1000000x32xf32, #tpu.memory_space<hbm>>) target(%dma_start3A_565 : memref<96x32xf32, #tpu.memory_space<vmem>>) offsets(%dma_start3A_568 : memref<96xi32, #tpu.memory_space<vmem>>) semaphore(%arg11 : memref<!tpu.dma_semaphore, #tpu.memory_space<semaphore_mem>>)
      } else {
      }
      %mul3A_374 = arith.constant 8 : i32
      %mul3A_375 = arith.muli %mul3A_374, %scan3A_202 : i32
      %add3A_376 = arith.constant 4 : i32
      %add3A_377 = arith.addi %mul3A_375, %add3A_376 : i32
      %dma_wait3A_378 = arith.constant 4 : i32
      %dma_wait3A_379 = arith.constant 0 : i32
      %dma_wait3A_380 = arith.constant 0 : i32
      %dma_wait3A_381 = tpu.memref_slice %arg6[%dma_wait3A_378, %dma_wait3A_379, %dma_wait3A_380] : memref<8x200x32xf32, #tpu.memory_space<vmem>> -> memref<1x200x32xf32, #tpu.memory_space<vmem>>
      %dma_wait3A_382 = tpu.memref_squeeze %dma_wait3A_381 : memref<1x200x32xf32, #tpu.memory_space<vmem>> -> memref<200x32xf32, #tpu.memory_space<vmem>>
      %dma_wait3A_383 = arith.constant 0 : i32
      %dma_wait3A_384 = arith.constant 0 : i32
      %dma_wait3A_385 = tpu.memref_slice %arg3[%dma_wait3A_383, %dma_wait3A_384] : memref<1000000x32xf32, #tpu.memory_space<hbm>> -> memref<200x32xf32, #tpu.memory_space<hbm>>
      %dma_wait3A_386 = arith.constant 0 : i32
      %dma_wait3A_387 = arith.constant 0 : i32
      %dma_wait3A_388 = tpu.memref_slice %arg6[%dma_wait3A_378, %dma_wait3A_386, %dma_wait3A_387] : memref<8x200x32xf32, #tpu.memory_space<vmem>> -> memref<1x200x32xf32, #tpu.memory_space<vmem>>
      %dma_wait3A_389 = tpu.memref_squeeze %dma_wait3A_388 : memref<1x200x32xf32, #tpu.memory_space<vmem>> -> memref<200x32xf32, #tpu.memory_space<vmem>>
      %dma_wait3A_390 = arith.constant 0 : i32
      %dma_wait3A_391 = arith.constant 0 : i32
      %dma_wait3A_392 = tpu.memref_slice %arg3[%dma_wait3A_390, %dma_wait3A_391] : memref<1000000x32xf32, #tpu.memory_space<hbm>> -> memref<200x32xf32, #tpu.memory_space<hbm>>
      tpu.wait_dma2 semaphore(%arg12 : memref<!tpu.dma_semaphore, #tpu.memory_space<semaphore_mem>>) src(%dma_wait3A_392 : memref<200x32xf32, #tpu.memory_space<hbm>>) dst(%dma_wait3A_389 : memref<200x32xf32, #tpu.memory_space<vmem>>)
      %scan3A_393 = arith.constant 0 : i32
      %scan3A_394 = arith.constant 10 : i32
      %scan3A_395 = arith.addi %scan3A_393, %scan3A_394 : i32
      %scan3A_396 = arith.constant 1 : i32
      %scan3A_397:4 = scf.for %scan3A_550 = %scan3A_393 to %scan3A_395 step %scan3A_396 iter_args(%scan3A_551 = %broadcast_in_dim3A_194, %scan3A_552 = %broadcast_in_dim3A_194, %scan3A_553 = %broadcast_in_dim3A_194, %scan3A_554 = %broadcast_in_dim3A_194) -> (vector<16xf32>, vector<16xf32>, vector<16xf32>, vector<16xf32>)  : i32 {
        %mul3A_555 = arith.constant 20 : i32
        %mul3A_556 = arith.muli %scan3A_550, %mul3A_555 : i32
        %add3A_557 = arith.constant 0 : i32
        %add3A_558 = arith.addi %mul3A_556, %add3A_557 : i32
        %get3A = arith.constant 4 : i32
        %get3A_559 = arith.index_cast %get3A : i32 to index
        %get3A_560 = arith.index_cast %add3A_558 : i32 to index
        %get3A_561 = arith.constant 0 : index
        %get3A_562 = tpu.vector_load %arg6[%get3A_559, %get3A_560, %get3A_561] {strides = array<i32>} : memref<8x200x32xf32, #tpu.memory_space<vmem>>, vector<1x1x16xf32>,
        %get3A_563 = vector.shape_cast %get3A_562 : vector<1x1x16xf32> to vector<16xf32>
        %add3A_564 = arith.addf %scan3A_551, %get3A_563 : vector<16xf32>
        %add3A_565 = arith.constant 0 : i32
        %add3A_566 = arith.addi %mul3A_556, %add3A_565 : i32
        %get3A_567 = arith.constant 4 : i32
        %get3A_568 = arith.index_cast %get3A_567 : i32 to index
        %get3A_569 = arith.index_cast %add3A_566 : i32 to index
        %get3A_570 = arith.constant 16 : index
        %get3A_571 = tpu.vector_load %arg6[%get3A_568, %get3A_569, %get3A_570] {strides = array<i32>} : memref<8x200x32xf32, #tpu.memory_space<vmem>>, vector<1x1x16xf32>,
        %get3A_572 = vector.shape_cast %get3A_571 : vector<1x1x16xf32> to vector<16xf32>
        %add3A_573 = arith.addf %scan3A_552, %get3A_572 : vector<16xf32>
        %add3A_574 = arith.constant 0 : i32
        %add3A_575 = arith.addi %mul3A_556, %add3A_574 : i32
        %add3A_576 = arith.constant 1 : i32
        %add3A_577 = arith.addi %add3A_575, %add3A_576 : i32
        %get3A_578 = arith.constant 4 : i32
        %get3A_579 = arith.index_cast %get3A_578 : i32 to index
        %get3A_580 = arith.index_cast %add3A_577 : i32 to index
        %get3A_581 = arith.constant 0 : index
        %get3A_582 = tpu.vector_load %arg6[%get3A_579, %get3A_580, %get3A_581] {strides = array<i32>} : memref<8x200x32xf32, #tpu.memory_space<vmem>>, vector<1x1x16xf32>,
        %get3A_583 = vector.shape_cast %get3A_582 : vector<1x1x16xf32> to vector<16xf32>
        %add3A_584 = arith.addf %scan3A_553, %get3A_583 : vector<16xf32>
        %add3A_585 = arith.constant 0 : i32
        %add3A_586 = arith.addi %mul3A_556, %add3A_585 : i32
        %add3A_587 = arith.constant 1 : i32
        %add3A_588 = arith.addi %add3A_586, %add3A_587 : i32
        %get3A_589 = arith.constant 4 : i32
        %get3A_590 = arith.index_cast %get3A_589 : i32 to index
        %get3A_591 = arith.index_cast %add3A_588 : i32 to index
        %get3A_592 = arith.constant 16 : index
        %get3A_593 = tpu.vector_load %arg6[%get3A_590, %get3A_591, %get3A_592] {strides = array<i32>} : memref<8x200x32xf32, #tpu.memory_space<vmem>>, vector<1x1x16xf32>,
        %get3A_594 = vector.shape_cast %get3A_593 : vector<1x1x16xf32> to vector<16xf32>
        %add3A_595 = arith.addf %scan3A_554, %get3A_594 : vector<16xf32>
        %add3A_596 = arith.constant 2 : i32
        %add3A_597 = arith.addi %mul3A_556, %add3A_596 : i32
        %get3A_598 = arith.constant 4 : i32
        %get3A_599 = arith.index_cast %get3A_598 : i32 to index
        %get3A_600 = arith.index_cast %add3A_597 : i32 to index
        %get3A_601 = arith.constant 0 : index
        %get3A_602 = tpu.vector_load %arg6[%get3A_599, %get3A_600, %get3A_601] {strides = array<i32>} : memref<8x200x32xf32, #tpu.memory_space<vmem>>, vector<1x1x16xf32>,
        %get3A_603 = vector.shape_cast %get3A_602 : vector<1x1x16xf32> to vector<16xf32>
        %add3A_604 = arith.addf %add3A_564, %get3A_603 : vector<16xf32>
        %add3A_605 = arith.constant 2 : i32
        %add3A_606 = arith.addi %mul3A_556, %add3A_605 : i32
        %get3A_607 = arith.constant 4 : i32
        %get3A_608 = arith.index_cast %get3A_607 : i32 to index
        %get3A_609 = arith.index_cast %add3A_606 : i32 to index
        %get3A_610 = arith.constant 16 : index
        %get3A_611 = tpu.vector_load %arg6[%get3A_608, %get3A_609, %get3A_610] {strides = array<i32>} : memref<8x200x32xf32, #tpu.memory_space<vmem>>, vector<1x1x16xf32>,
        %get3A_612 = vector.shape_cast %get3A_611 : vector<1x1x16xf32> to vector<16xf32>
        %add3A_613 = arith.addf %add3A_573, %get3A_612 : vector<16xf32>
        %add3A_614 = arith.constant 2 : i32
        %add3A_615 = arith.addi %mul3A_556, %add3A_614 : i32
        %add3A_616 = arith.constant 1 : i32
        %add3A_617 = arith.addi %add3A_615, %add3A_616 : i32
        %get3A_618 = arith.constant 4 : i32
        %get3A_619 = arith.index_cast %get3A_618 : i32 to index
        %get3A_620 = arith.index_cast %add3A_617 : i32 to index
        %get3A_621 = arith.constant 0 : index
        %get3A_622 = tpu.vector_load %arg6[%get3A_619, %get3A_620, %get3A_621] {strides = array<i32>} : memref<8x200x32xf32, #tpu.memory_space<vmem>>, vector<1x1x16xf32>,
        %get3A_623 = vector.shape_cast %get3A_622 : vector<1x1x16xf32> to vector<16xf32>
        %add3A_624 = arith.addf %add3A_584, %get3A_623 : vector<16xf32>
        %add3A_625 = arith.constant 2 : i32
        %add3A_626 = arith.addi %mul3A_556, %add3A_625 : i32
        %add3A_627 = arith.constant 1 : i32
        %add3A_628 = arith.addi %add3A_626, %add3A_627 : i32
        %get3A_629 = arith.constant 4 : i32
        %get3A_630 = arith.index_cast %get3A_629 : i32 to index
        %get3A_631 = arith.index_cast %add3A_628 : i32 to index
        %get3A_632 = arith.constant 16 : index
        %get3A_633 = tpu.vector_load %arg6[%get3A_630, %get3A_631, %get3A_632] {strides = array<i32>} : memref<8x200x32xf32, #tpu.memory_space<vmem>>, vector<1x1x16xf32>,
        %get3A_634 = vector.shape_cast %get3A_633 : vector<1x1x16xf32> to vector<16xf32>
        %add3A_635 = arith.addf %add3A_595, %get3A_634 : vector<16xf32>
        %add3A_636 = arith.constant 4 : i32
        %add3A_637 = arith.addi %mul3A_556, %add3A_636 : i32
        %get3A_638 = arith.constant 4 : i32
        %get3A_639 = arith.index_cast %get3A_638 : i32 to index
        %get3A_640 = arith.index_cast %add3A_637 : i32 to index
        %get3A_641 = arith.constant 0 : index
        %get3A_642 = tpu.vector_load %arg6[%get3A_639, %get3A_640, %get3A_641] {strides = array<i32>} : memref<8x200x32xf32, #tpu.memory_space<vmem>>, vector<1x1x16xf32>,
        %get3A_643 = vector.shape_cast %get3A_642 : vector<1x1x16xf32> to vector<16xf32>
        %add3A_644 = arith.addf %add3A_604, %get3A_643 : vector<16xf32>
        %add3A_645 = arith.constant 4 : i32
        %add3A_646 = arith.addi %mul3A_556, %add3A_645 : i32
        %get3A_647 = arith.constant 4 : i32
        %get3A_648 = arith.index_cast %get3A_647 : i32 to index
        %get3A_649 = arith.index_cast %add3A_646 : i32 to index
        %get3A_650 = arith.constant 16 : index
        %get3A_651 = tpu.vector_load %arg6[%get3A_648, %get3A_649, %get3A_650] {strides = array<i32>} : memref<8x200x32xf32, #tpu.memory_space<vmem>>, vector<1x1x16xf32>,
        %get3A_652 = vector.shape_cast %get3A_651 : vector<1x1x16xf32> to vector<16xf32>
        %add3A_653 = arith.addf %add3A_613, %get3A_652 : vector<16xf32>
        %add3A_654 = arith.constant 4 : i32
        %add3A_655 = arith.addi %mul3A_556, %add3A_654 : i32
        %add3A_656 = arith.constant 1 : i32
        %add3A_657 = arith.addi %add3A_655, %add3A_656 : i32
        %get3A_658 = arith.constant 4 : i32
        %get3A_659 = arith.index_cast %get3A_658 : i32 to index
        %get3A_660 = arith.index_cast %add3A_657 : i32 to index
        %get3A_661 = arith.constant 0 : index
        %get3A_662 = tpu.vector_load %arg6[%get3A_659, %get3A_660, %get3A_661] {strides = array<i32>} : memref<8x200x32xf32, #tpu.memory_space<vmem>>, vector<1x1x16xf32>,
        %get3A_663 = vector.shape_cast %get3A_662 : vector<1x1x16xf32> to vector<16xf32>
        %add3A_664 = arith.addf %add3A_624, %get3A_663 : vector<16xf32>
        %add3A_665 = arith.constant 4 : i32
        %add3A_666 = arith.addi %mul3A_556, %add3A_665 : i32
        %add3A_667 = arith.constant 1 : i32
        %add3A_668 = arith.addi %add3A_666, %add3A_667 : i32
        %get3A_669 = arith.constant 4 : i32
        %get3A_670 = arith.index_cast %get3A_669 : i32 to index
        %get3A_671 = arith.index_cast %add3A_668 : i32 to index
        %get3A_672 = arith.constant 16 : index
        %get3A_673 = tpu.vector_load %arg6[%get3A_670, %get3A_671, %get3A_672] {strides = array<i32>} : memref<8x200x32xf32, #tpu.memory_space<vmem>>, vector<1x1x16xf32>,
        %get3A_674 = vector.shape_cast %get3A_673 : vector<1x1x16xf32> to vector<16xf32>
        %add3A_675 = arith.addf %add3A_635, %get3A_674 : vector<16xf32>
        %add3A_676 = arith.constant 6 : i32
        %add3A_677 = arith.addi %mul3A_556, %add3A_676 : i32
        %get3A_678 = arith.constant 4 : i32
        %get3A_679 = arith.index_cast %get3A_678 : i32 to index
        %get3A_680 = arith.index_cast %add3A_677 : i32 to index
        %get3A_681 = arith.constant 0 : index
        %get3A_682 = tpu.vector_load %arg6[%get3A_679, %get3A_680, %get3A_681] {strides = array<i32>} : memref<8x200x32xf32, #tpu.memory_space<vmem>>, vector<1x1x16xf32>,
        %get3A_683 = vector.shape_cast %get3A_682 : vector<1x1x16xf32> to vector<16xf32>
        %add3A_684 = arith.addf %add3A_644, %get3A_683 : vector<16xf32>
        %add3A_685 = arith.constant 6 : i32
        %add3A_686 = arith.addi %mul3A_556, %add3A_685 : i32
        %get3A_687 = arith.constant 4 : i32
        %get3A_688 = arith.index_cast %get3A_687 : i32 to index
        %get3A_689 = arith.index_cast %add3A_686 : i32 to index
        %get3A_690 = arith.constant 16 : index
        %get3A_691 = tpu.vector_load %arg6[%get3A_688, %get3A_689, %get3A_690] {strides = array<i32>} : memref<8x200x32xf32, #tpu.memory_space<vmem>>, vector<1x1x16xf32>,
        %get3A_692 = vector.shape_cast %get3A_691 : vector<1x1x16xf32> to vector<16xf32>
        %add3A_693 = arith.addf %add3A_653, %get3A_692 : vector<16xf32>
        %add3A_694 = arith.constant 6 : i32
        %add3A_695 = arith.addi %mul3A_556, %add3A_694 : i32
        %add3A_696 = arith.constant 1 : i32
        %add3A_697 = arith.addi %add3A_695, %add3A_696 : i32
        %get3A_698 = arith.constant 4 : i32
        %get3A_699 = arith.index_cast %get3A_698 : i32 to index
        %get3A_700 = arith.index_cast %add3A_697 : i32 to index
        %get3A_701 = arith.constant 0 : index
        %get3A_702 = tpu.vector_load %arg6[%get3A_699, %get3A_700, %get3A_701] {strides = array<i32>} : memref<8x200x32xf32, #tpu.memory_space<vmem>>, vector<1x1x16xf32>,
        %get3A_703 = vector.shape_cast %get3A_702 : vector<1x1x16xf32> to vector<16xf32>
        %add3A_704 = arith.addf %add3A_664, %get3A_703 : vector<16xf32>
        %add3A_705 = arith.constant 6 : i32
        %add3A_706 = arith.addi %mul3A_556, %add3A_705 : i32
        %add3A_707 = arith.constant 1 : i32
        %add3A_708 = arith.addi %add3A_706, %add3A_707 : i32
        %get3A_709 = arith.constant 4 : i32
        %get3A_710 = arith.index_cast %get3A_709 : i32 to index
        %get3A_711 = arith.index_cast %add3A_708 : i32 to index
        %get3A_712 = arith.constant 16 : index
        %get3A_713 = tpu.vector_load %arg6[%get3A_710, %get3A_711, %get3A_712] {strides = array<i32>} : memref<8x200x32xf32, #tpu.memory_space<vmem>>, vector<1x1x16xf32>,
        %get3A_714 = vector.shape_cast %get3A_713 : vector<1x1x16xf32> to vector<16xf32>
        %add3A_715 = arith.addf %add3A_675, %get3A_714 : vector<16xf32>
        %add3A_716 = arith.constant 8 : i32
        %add3A_717 = arith.addi %mul3A_556, %add3A_716 : i32
        %get3A_718 = arith.constant 4 : i32
        %get3A_719 = arith.index_cast %get3A_718 : i32 to index
        %get3A_720 = arith.index_cast %add3A_717 : i32 to index
        %get3A_721 = arith.constant 0 : index
        %get3A_722 = tpu.vector_load %arg6[%get3A_719, %get3A_720, %get3A_721] {strides = array<i32>} : memref<8x200x32xf32, #tpu.memory_space<vmem>>, vector<1x1x16xf32>,
        %get3A_723 = vector.shape_cast %get3A_722 : vector<1x1x16xf32> to vector<16xf32>
        %add3A_724 = arith.addf %add3A_684, %get3A_723 : vector<16xf32>
        %add3A_725 = arith.constant 8 : i32
        %add3A_726 = arith.addi %mul3A_556, %add3A_725 : i32
        %get3A_727 = arith.constant 4 : i32
        %get3A_728 = arith.index_cast %get3A_727 : i32 to index
        %get3A_729 = arith.index_cast %add3A_726 : i32 to index
        %get3A_730 = arith.constant 16 : index
        %get3A_731 = tpu.vector_load %arg6[%get3A_728, %get3A_729, %get3A_730] {strides = array<i32>} : memref<8x200x32xf32, #tpu.memory_space<vmem>>, vector<1x1x16xf32>,
        %get3A_732 = vector.shape_cast %get3A_731 : vector<1x1x16xf32> to vector<16xf32>
        %add3A_733 = arith.addf %add3A_693, %get3A_732 : vector<16xf32>
        %add3A_734 = arith.constant 8 : i32
        %add3A_735 = arith.addi %mul3A_556, %add3A_734 : i32
        %add3A_736 = arith.constant 1 : i32
        %add3A_737 = arith.addi %add3A_735, %add3A_736 : i32
        %get3A_738 = arith.constant 4 : i32
        %get3A_739 = arith.index_cast %get3A_738 : i32 to index
        %get3A_740 = arith.index_cast %add3A_737 : i32 to index
        %get3A_741 = arith.constant 0 : index
        %get3A_742 = tpu.vector_load %arg6[%get3A_739, %get3A_740, %get3A_741] {strides = array<i32>} : memref<8x200x32xf32, #tpu.memory_space<vmem>>, vector<1x1x16xf32>,
        %get3A_743 = vector.shape_cast %get3A_742 : vector<1x1x16xf32> to vector<16xf32>
        %add3A_744 = arith.addf %add3A_704, %get3A_743 : vector<16xf32>
        %add3A_745 = arith.constant 8 : i32
        %add3A_746 = arith.addi %mul3A_556, %add3A_745 : i32
        %add3A_747 = arith.constant 1 : i32
        %add3A_748 = arith.addi %add3A_746, %add3A_747 : i32
        %get3A_749 = arith.constant 4 : i32
        %get3A_750 = arith.index_cast %get3A_749 : i32 to index
        %get3A_751 = arith.index_cast %add3A_748 : i32 to index
        %get3A_752 = arith.constant 16 : index
        %get3A_753 = tpu.vector_load %arg6[%get3A_750, %get3A_751, %get3A_752] {strides = array<i32>} : memref<8x200x32xf32, #tpu.memory_space<vmem>>, vector<1x1x16xf32>,
        %get3A_754 = vector.shape_cast %get3A_753 : vector<1x1x16xf32> to vector<16xf32>
        %add3A_755 = arith.addf %add3A_715, %get3A_754 : vector<16xf32>
        %add3A_756 = arith.constant 10 : i32
        %add3A_757 = arith.addi %mul3A_556, %add3A_756 : i32
        %get3A_758 = arith.constant 4 : i32
        %get3A_759 = arith.index_cast %get3A_758 : i32 to index
        %get3A_760 = arith.index_cast %add3A_757 : i32 to index
        %get3A_761 = arith.constant 0 : index
        %get3A_762 = tpu.vector_load %arg6[%get3A_759, %get3A_760, %get3A_761] {strides = array<i32>} : memref<8x200x32xf32, #tpu.memory_space<vmem>>, vector<1x1x16xf32>,
        %get3A_763 = vector.shape_cast %get3A_762 : vector<1x1x16xf32> to vector<16xf32>
        %add3A_764 = arith.addf %add3A_724, %get3A_763 : vector<16xf32>
        %add3A_765 = arith.constant 10 : i32
        %add3A_766 = arith.addi %mul3A_556, %add3A_765 : i32
        %get3A_767 = arith.constant 4 : i32
        %get3A_768 = arith.index_cast %get3A_767 : i32 to index
        %get3A_769 = arith.index_cast %add3A_766 : i32 to index
        %get3A_770 = arith.constant 16 : index
        %get3A_771 = tpu.vector_load %arg6[%get3A_768, %get3A_769, %get3A_770] {strides = array<i32>} : memref<8x200x32xf32, #tpu.memory_space<vmem>>, vector<1x1x16xf32>,
        %get3A_772 = vector.shape_cast %get3A_771 : vector<1x1x16xf32> to vector<16xf32>
        %add3A_773 = arith.addf %add3A_733, %get3A_772 : vector<16xf32>
        %add3A_774 = arith.constant 10 : i32
        %add3A_775 = arith.addi %mul3A_556, %add3A_774 : i32
        %add3A_776 = arith.constant 1 : i32
        %add3A_777 = arith.addi %add3A_775, %add3A_776 : i32
        %get3A_778 = arith.constant 4 : i32
        %get3A_779 = arith.index_cast %get3A_778 : i32 to index
        %get3A_780 = arith.index_cast %add3A_777 : i32 to index
        %get3A_781 = arith.constant 0 : index
        %get3A_782 = tpu.vector_load %arg6[%get3A_779, %get3A_780, %get3A_781] {strides = array<i32>} : memref<8x200x32xf32, #tpu.memory_space<vmem>>, vector<1x1x16xf32>,
        %get3A_783 = vector.shape_cast %get3A_782 : vector<1x1x16xf32> to vector<16xf32>
        %add3A_784 = arith.addf %add3A_744, %get3A_783 : vector<16xf32>
        %add3A_785 = arith.constant 10 : i32
        %add3A_786 = arith.addi %mul3A_556, %add3A_785 : i32
        %add3A_787 = arith.constant 1 : i32
        %add3A_788 = arith.addi %add3A_786, %add3A_787 : i32
        %get3A_789 = arith.constant 4 : i32
        %get3A_790 = arith.index_cast %get3A_789 : i32 to index
        %get3A_791 = arith.index_cast %add3A_788 : i32 to index
        %get3A_792 = arith.constant 16 : index
        %get3A_793 = tpu.vector_load %arg6[%get3A_790, %get3A_791, %get3A_792] {strides = array<i32>} : memref<8x200x32xf32, #tpu.memory_space<vmem>>, vector<1x1x16xf32>,
        %get3A_794 = vector.shape_cast %get3A_793 : vector<1x1x16xf32> to vector<16xf32>
        %add3A_795 = arith.addf %add3A_755, %get3A_794 : vector<16xf32>
        %add3A_796 = arith.constant 12 : i32
        %add3A_797 = arith.addi %mul3A_556, %add3A_796 : i32
        %get3A_798 = arith.constant 4 : i32
        %get3A_799 = arith.index_cast %get3A_798 : i32 to index
        %get3A_800 = arith.index_cast %add3A_797 : i32 to index
        %get3A_801 = arith.constant 0 : index
        %get3A_802 = tpu.vector_load %arg6[%get3A_799, %get3A_800, %get3A_801] {strides = array<i32>} : memref<8x200x32xf32, #tpu.memory_space<vmem>>, vector<1x1x16xf32>,
        %get3A_803 = vector.shape_cast %get3A_802 : vector<1x1x16xf32> to vector<16xf32>
        %add3A_804 = arith.addf %add3A_764, %get3A_803 : vector<16xf32>
        %add3A_805 = arith.constant 12 : i32
        %add3A_806 = arith.addi %mul3A_556, %add3A_805 : i32
        %get3A_807 = arith.constant 4 : i32
        %get3A_808 = arith.index_cast %get3A_807 : i32 to index
        %get3A_809 = arith.index_cast %add3A_806 : i32 to index
        %get3A_810 = arith.constant 16 : index
        %get3A_811 = tpu.vector_load %arg6[%get3A_808, %get3A_809, %get3A_810] {strides = array<i32>} : memref<8x200x32xf32, #tpu.memory_space<vmem>>, vector<1x1x16xf32>,
        %get3A_812 = vector.shape_cast %get3A_811 : vector<1x1x16xf32> to vector<16xf32>
        %add3A_813 = arith.addf %add3A_773, %get3A_812 : vector<16xf32>
        %add3A_814 = arith.constant 12 : i32
        %add3A_815 = arith.addi %mul3A_556, %add3A_814 : i32
        %add3A_816 = arith.constant 1 : i32
        %add3A_817 = arith.addi %add3A_815, %add3A_816 : i32
        %get3A_818 = arith.constant 4 : i32
        %get3A_819 = arith.index_cast %get3A_818 : i32 to index
        %get3A_820 = arith.index_cast %add3A_817 : i32 to index
        %get3A_821 = arith.constant 0 : index
        %get3A_822 = tpu.vector_load %arg6[%get3A_819, %get3A_820, %get3A_821] {strides = array<i32>} : memref<8x200x32xf32, #tpu.memory_space<vmem>>, vector<1x1x16xf32>,
        %get3A_823 = vector.shape_cast %get3A_822 : vector<1x1x16xf32> to vector<16xf32>
        %add3A_824 = arith.addf %add3A_784, %get3A_823 : vector<16xf32>
        %add3A_825 = arith.constant 12 : i32
        %add3A_826 = arith.addi %mul3A_556, %add3A_825 : i32
        %add3A_827 = arith.constant 1 : i32
        %add3A_828 = arith.addi %add3A_826, %add3A_827 : i32
        %get3A_829 = arith.constant 4 : i32
        %get3A_830 = arith.index_cast %get3A_829 : i32 to index
        %get3A_831 = arith.index_cast %add3A_828 : i32 to index
        %get3A_832 = arith.constant 16 : index
        %get3A_833 = tpu.vector_load %arg6[%get3A_830, %get3A_831, %get3A_832] {strides = array<i32>} : memref<8x200x32xf32, #tpu.memory_space<vmem>>, vector<1x1x16xf32>,
        %get3A_834 = vector.shape_cast %get3A_833 : vector<1x1x16xf32> to vector<16xf32>
        %add3A_835 = arith.addf %add3A_795, %get3A_834 : vector<16xf32>
        %add3A_836 = arith.constant 14 : i32
        %add3A_837 = arith.addi %mul3A_556, %add3A_836 : i32
        %get3A_838 = arith.constant 4 : i32
        %get3A_839 = arith.index_cast %get3A_838 : i32 to index
        %get3A_840 = arith.index_cast %add3A_837 : i32 to index
        %get3A_841 = arith.constant 0 : index
        %get3A_842 = tpu.vector_load %arg6[%get3A_839, %get3A_840, %get3A_841] {strides = array<i32>} : memref<8x200x32xf32, #tpu.memory_space<vmem>>, vector<1x1x16xf32>,
        %get3A_843 = vector.shape_cast %get3A_842 : vector<1x1x16xf32> to vector<16xf32>
        %add3A_844 = arith.addf %add3A_804, %get3A_843 : vector<16xf32>
        %add3A_845 = arith.constant 14 : i32
        %add3A_846 = arith.addi %mul3A_556, %add3A_845 : i32
        %get3A_847 = arith.constant 4 : i32
        %get3A_848 = arith.index_cast %get3A_847 : i32 to index
        %get3A_849 = arith.index_cast %add3A_846 : i32 to index
        %get3A_850 = arith.constant 16 : index
        %get3A_851 = tpu.vector_load %arg6[%get3A_848, %get3A_849, %get3A_850] {strides = array<i32>} : memref<8x200x32xf32, #tpu.memory_space<vmem>>, vector<1x1x16xf32>,
        %get3A_852 = vector.shape_cast %get3A_851 : vector<1x1x16xf32> to vector<16xf32>
        %add3A_853 = arith.addf %add3A_813, %get3A_852 : vector<16xf32>
        %add3A_854 = arith.constant 14 : i32
        %add3A_855 = arith.addi %mul3A_556, %add3A_854 : i32
        %add3A_856 = arith.constant 1 : i32
        %add3A_857 = arith.addi %add3A_855, %add3A_856 : i32
        %get3A_858 = arith.constant 4 : i32
        %get3A_859 = arith.index_cast %get3A_858 : i32 to index
        %get3A_860 = arith.index_cast %add3A_857 : i32 to index
        %get3A_861 = arith.constant 0 : index
        %get3A_862 = tpu.vector_load %arg6[%get3A_859, %get3A_860, %get3A_861] {strides = array<i32>} : memref<8x200x32xf32, #tpu.memory_space<vmem>>, vector<1x1x16xf32>,
        %get3A_863 = vector.shape_cast %get3A_862 : vector<1x1x16xf32> to vector<16xf32>
        %add3A_864 = arith.addf %add3A_824, %get3A_863 : vector<16xf32>
        %add3A_865 = arith.constant 14 : i32
        %add3A_866 = arith.addi %mul3A_556, %add3A_865 : i32
        %add3A_867 = arith.constant 1 : i32
        %add3A_868 = arith.addi %add3A_866, %add3A_867 : i32
        %get3A_869 = arith.constant 4 : i32
        %get3A_870 = arith.index_cast %get3A_869 : i32 to index
        %get3A_871 = arith.index_cast %add3A_868 : i32 to index
        %get3A_872 = arith.constant 16 : index
        %get3A_873 = tpu.vector_load %arg6[%get3A_870, %get3A_871, %get3A_872] {strides = array<i32>} : memref<8x200x32xf32, #tpu.memory_space<vmem>>, vector<1x1x16xf32>,
        %get3A_874 = vector.shape_cast %get3A_873 : vector<1x1x16xf32> to vector<16xf32>
        %add3A_875 = arith.addf %add3A_835, %get3A_874 : vector<16xf32>
        %add3A_876 = arith.constant 16 : i32
        %add3A_877 = arith.addi %mul3A_556, %add3A_876 : i32
        %get3A_878 = arith.constant 4 : i32
        %get3A_879 = arith.index_cast %get3A_878 : i32 to index
        %get3A_880 = arith.index_cast %add3A_877 : i32 to index
        %get3A_881 = arith.constant 0 : index
        %get3A_882 = tpu.vector_load %arg6[%get3A_879, %get3A_880, %get3A_881] {strides = array<i32>} : memref<8x200x32xf32, #tpu.memory_space<vmem>>, vector<1x1x16xf32>,
        %get3A_883 = vector.shape_cast %get3A_882 : vector<1x1x16xf32> to vector<16xf32>
        %add3A_884 = arith.addf %add3A_844, %get3A_883 : vector<16xf32>
        %add3A_885 = arith.constant 16 : i32
        %add3A_886 = arith.addi %mul3A_556, %add3A_885 : i32
        %get3A_887 = arith.constant 4 : i32
        %get3A_888 = arith.index_cast %get3A_887 : i32 to index
        %get3A_889 = arith.index_cast %add3A_886 : i32 to index
        %get3A_890 = arith.constant 16 : index
        %get3A_891 = tpu.vector_load %arg6[%get3A_888, %get3A_889, %get3A_890] {strides = array<i32>} : memref<8x200x32xf32, #tpu.memory_space<vmem>>, vector<1x1x16xf32>,
        %get3A_892 = vector.shape_cast %get3A_891 : vector<1x1x16xf32> to vector<16xf32>
        %add3A_893 = arith.addf %add3A_853, %get3A_892 : vector<16xf32>
        %add3A_894 = arith.constant 16 : i32
        %add3A_895 = arith.addi %mul3A_556, %add3A_894 : i32
        %add3A_896 = arith.constant 1 : i32
        %add3A_897 = arith.addi %add3A_895, %add3A_896 : i32
        %get3A_898 = arith.constant 4 : i32
        %get3A_899 = arith.index_cast %get3A_898 : i32 to index
        %get3A_900 = arith.index_cast %add3A_897 : i32 to index
        %get3A_901 = arith.constant 0 : index
        %get3A_902 = tpu.vector_load %arg6[%get3A_899, %get3A_900, %get3A_901] {strides = array<i32>} : memref<8x200x32xf32, #tpu.memory_space<vmem>>, vector<1x1x16xf32>,
        %get3A_903 = vector.shape_cast %get3A_902 : vector<1x1x16xf32> to vector<16xf32>
        %add3A_904 = arith.addf %add3A_864, %get3A_903 : vector<16xf32>
        %add3A_905 = arith.constant 16 : i32
        %add3A_906 = arith.addi %mul3A_556, %add3A_905 : i32
        %add3A_907 = arith.constant 1 : i32
        %add3A_908 = arith.addi %add3A_906, %add3A_907 : i32
        %get3A_909 = arith.constant 4 : i32
        %get3A_910 = arith.index_cast %get3A_909 : i32 to index
        %get3A_911 = arith.index_cast %add3A_908 : i32 to index
        %get3A_912 = arith.constant 16 : index
        %get3A_913 = tpu.vector_load %arg6[%get3A_910, %get3A_911, %get3A_912] {strides = array<i32>} : memref<8x200x32xf32, #tpu.memory_space<vmem>>, vector<1x1x16xf32>,
        %get3A_914 = vector.shape_cast %get3A_913 : vector<1x1x16xf32> to vector<16xf32>
        %add3A_915 = arith.addf %add3A_875, %get3A_914 : vector<16xf32>
        %add3A_916 = arith.constant 18 : i32
        %add3A_917 = arith.addi %mul3A_556, %add3A_916 : i32
        %get3A_918 = arith.constant 4 : i32
        %get3A_919 = arith.index_cast %get3A_918 : i32 to index
        %get3A_920 = arith.index_cast %add3A_917 : i32 to index
        %get3A_921 = arith.constant 0 : index
        %get3A_922 = tpu.vector_load %arg6[%get3A_919, %get3A_920, %get3A_921] {strides = array<i32>} : memref<8x200x32xf32, #tpu.memory_space<vmem>>, vector<1x1x16xf32>,
        %get3A_923 = vector.shape_cast %get3A_922 : vector<1x1x16xf32> to vector<16xf32>
        %add3A_924 = arith.addf %add3A_884, %get3A_923 : vector<16xf32>
        %add3A_925 = arith.constant 18 : i32
        %add3A_926 = arith.addi %mul3A_556, %add3A_925 : i32
        %get3A_927 = arith.constant 4 : i32
        %get3A_928 = arith.index_cast %get3A_927 : i32 to index
        %get3A_929 = arith.index_cast %add3A_926 : i32 to index
        %get3A_930 = arith.constant 16 : index
        %get3A_931 = tpu.vector_load %arg6[%get3A_928, %get3A_929, %get3A_930] {strides = array<i32>} : memref<8x200x32xf32, #tpu.memory_space<vmem>>, vector<1x1x16xf32>,
        %get3A_932 = vector.shape_cast %get3A_931 : vector<1x1x16xf32> to vector<16xf32>
        %add3A_933 = arith.addf %add3A_893, %get3A_932 : vector<16xf32>
        %add3A_934 = arith.constant 18 : i32
        %add3A_935 = arith.addi %mul3A_556, %add3A_934 : i32
        %add3A_936 = arith.constant 1 : i32
        %add3A_937 = arith.addi %add3A_935, %add3A_936 : i32
        %get3A_938 = arith.constant 4 : i32
        %get3A_939 = arith.index_cast %get3A_938 : i32 to index
        %get3A_940 = arith.index_cast %add3A_937 : i32 to index
        %get3A_941 = arith.constant 0 : index
        %get3A_942 = tpu.vector_load %arg6[%get3A_939, %get3A_940, %get3A_941] {strides = array<i32>} : memref<8x200x32xf32, #tpu.memory_space<vmem>>, vector<1x1x16xf32>,
        %get3A_943 = vector.shape_cast %get3A_942 : vector<1x1x16xf32> to vector<16xf32>
        %add3A_944 = arith.addf %add3A_904, %get3A_943 : vector<16xf32>
        %add3A_945 = arith.constant 18 : i32
        %add3A_946 = arith.addi %mul3A_556, %add3A_945 : i32
        %add3A_947 = arith.constant 1 : i32
        %add3A_948 = arith.addi %add3A_946, %add3A_947 : i32
        %get3A_949 = arith.constant 4 : i32
        %get3A_950 = arith.index_cast %get3A_949 : i32 to index
        %get3A_951 = arith.index_cast %add3A_948 : i32 to index
        %get3A_952 = arith.constant 16 : index
        %get3A_953 = tpu.vector_load %arg6[%get3A_950, %get3A_951, %get3A_952] {strides = array<i32>} : memref<8x200x32xf32, #tpu.memory_space<vmem>>, vector<1x1x16xf32>,
        %get3A_954 = vector.shape_cast %get3A_953 : vector<1x1x16xf32> to vector<16xf32>
        %add3A_955 = arith.addf %add3A_915, %get3A_954 : vector<16xf32>
        scf.yield %add3A_924, %add3A_933, %add3A_944, %add3A_955 : vector<16xf32>, vector<16xf32>, vector<16xf32>, vector<16xf32>
      }
      %scan3A_398 = arith.constant 10 : i32
      %add3A_399 = arith.addf %scan3A_397#0, %scan3A_397#2 : vector<16xf32>
      %swap3A_400 = arith.index_cast %add3A_377 : i32 to index
      %swap3A_401 = arith.constant 0 : index
      %swap3A_402 = tpu.vector_load %arg7[%swap3A_400, %swap3A_401] {strides = array<i32>} : memref<128x32xf32, #tpu.memory_space<vmem>>, vector<1x16xf32>,
      %swap3A_403 = vector.shape_cast %swap3A_402 : vector<1x16xf32> to vector<16xf32>
      %swap3A_404 = vector.shape_cast %add3A_399 : vector<16xf32> to vector<1x16xf32>
      tpu.vector_store %arg7[%swap3A_400, %swap3A_401], %swap3A_404 {strides = array<i32>} : memref<128x32xf32, #tpu.memory_space<vmem>>, vector<1x16xf32>,
      %add3A_405 = arith.addf %scan3A_397#1, %scan3A_397#3 : vector<16xf32>
      %swap3A_406 = arith.index_cast %add3A_377 : i32 to index
      %swap3A_407 = arith.constant 16 : index
      %swap3A_408 = tpu.vector_load %arg7[%swap3A_406, %swap3A_407] {strides = array<i32>} : memref<128x32xf32, #tpu.memory_space<vmem>>, vector<1x16xf32>,
      %swap3A_409 = vector.shape_cast %swap3A_408 : vector<1x16xf32> to vector<16xf32>
      %swap3A_410 = vector.shape_cast %add3A_405 : vector<16xf32> to vector<1x16xf32>
      tpu.vector_store %arg7[%swap3A_406, %swap3A_407], %swap3A_410 {strides = array<i32>} : memref<128x32xf32, #tpu.memory_space<vmem>>, vector<1x16xf32>,
      %add3A_411 = arith.constant 8 : i32
      %add3A_412 = arith.addi %add3A_377, %add3A_411 : i32
      %lt3A_413 = arith.constant 128 : i32
      %lt3A_414 = arith.cmpi slt, %add3A_412, %lt3A_413 : i32
      %convert_element_type3A_415 = arith.extui %lt3A_414 : i1 to i32
      %cond3A_416 = arith.constant 0 : i32
      %cond3A_417 = arith.cmpi ne, %convert_element_type3A_415, %cond3A_416 : i32
      scf.if %cond3A_417 {
        %dma_start3A_550 = arith.constant 4 : i32
        %dma_start3A_551 = arith.constant 0 : i32
        %dma_start3A_552 = arith.constant 0 : i32
        %dma_start3A_553 = tpu.memref_slice %arg6[%dma_start3A_550, %dma_start3A_551, %dma_start3A_552] : memref<8x200x32xf32, #tpu.memory_space<vmem>> -> memref<1x104x32xf32, #tpu.memory_space<vmem>>
        %dma_start3A_554 = tpu.memref_squeeze %dma_start3A_553 : memref<1x104x32xf32, #tpu.memory_space<vmem>> -> memref<104x32xf32, #tpu.memory_space<vmem>>
        %dma_start3A_555 = arith.constant 0 : i32
        %dma_start3A_556 = tpu.memref_slice %arg5[%add3A_412, %dma_start3A_555] : memref<128x200xi32, #tpu.memory_space<vmem>> -> memref<1x104xi32, #tpu.memory_space<vmem>>
        %dma_start3A_557 = tpu.memref_squeeze %dma_start3A_556 : memref<1x104xi32, #tpu.memory_space<vmem>> -> memref<104xi32, #tpu.memory_space<vmem>>
        %dma_start3A_558 = arith.constant 0 : i32
        %dma_start3A_559 = arith.constant 0 : i32
        %dma_start3A_560 = tpu.memref_slice %arg3[%dma_start3A_558, %dma_start3A_559] : memref<1000000x32xf32, #tpu.memory_space<hbm>> -> memref<1000000x32xf32, #tpu.memory_space<hbm>>
        tpu.enqueue_indirect_dma source(%dma_start3A_560 : memref<1000000x32xf32, #tpu.memory_space<hbm>>) target(%dma_start3A_554 : memref<104x32xf32, #tpu.memory_space<vmem>>) offsets(%dma_start3A_557 : memref<104xi32, #tpu.memory_space<vmem>>) semaphore(%arg12 : memref<!tpu.dma_semaphore, #tpu.memory_space<semaphore_mem>>)
        %dma_start3A_561 = arith.constant 4 : i32
        %dma_start3A_562 = arith.constant 104 : i32
        %dma_start3A_563 = arith.constant 0 : i32
        %dma_start3A_564 = tpu.memref_slice %arg6[%dma_start3A_561, %dma_start3A_562, %dma_start3A_563] : memref<8x200x32xf32, #tpu.memory_space<vmem>> -> memref<1x96x32xf32, #tpu.memory_space<vmem>>
        %dma_start3A_565 = tpu.memref_squeeze %dma_start3A_564 : memref<1x96x32xf32, #tpu.memory_space<vmem>> -> memref<96x32xf32, #tpu.memory_space<vmem>>
        %dma_start3A_566 = arith.constant 104 : i32
        %dma_start3A_567 = tpu.memref_slice %arg5[%add3A_412, %dma_start3A_566] : memref<128x200xi32, #tpu.memory_space<vmem>> -> memref<1x96xi32, #tpu.memory_space<vmem>>
        %dma_start3A_568 = tpu.memref_squeeze %dma_start3A_567 : memref<1x96xi32, #tpu.memory_space<vmem>> -> memref<96xi32, #tpu.memory_space<vmem>>
        %dma_start3A_569 = arith.constant 0 : i32
        %dma_start3A_570 = arith.constant 0 : i32
        %dma_start3A_571 = tpu.memref_slice %arg3[%dma_start3A_569, %dma_start3A_570] : memref<1000000x32xf32, #tpu.memory_space<hbm>> -> memref<1000000x32xf32, #tpu.memory_space<hbm>>
        tpu.enqueue_indirect_dma source(%dma_start3A_571 : memref<1000000x32xf32, #tpu.memory_space<hbm>>) target(%dma_start3A_565 : memref<96x32xf32, #tpu.memory_space<vmem>>) offsets(%dma_start3A_568 : memref<96xi32, #tpu.memory_space<vmem>>) semaphore(%arg12 : memref<!tpu.dma_semaphore, #tpu.memory_space<semaphore_mem>>)
      } else {
      }
      %mul3A_418 = arith.constant 8 : i32
      %mul3A_419 = arith.muli %mul3A_418, %scan3A_202 : i32
      %add3A_420 = arith.constant 5 : i32
      %add3A_421 = arith.addi %mul3A_419, %add3A_420 : i32
      %dma_wait3A_422 = arith.constant 5 : i32
      %dma_wait3A_423 = arith.constant 0 : i32
      %dma_wait3A_424 = arith.constant 0 : i32
      %dma_wait3A_425 = tpu.memref_slice %arg6[%dma_wait3A_422, %dma_wait3A_423, %dma_wait3A_424] : memref<8x200x32xf32, #tpu.memory_space<vmem>> -> memref<1x200x32xf32, #tpu.memory_space<vmem>>
      %dma_wait3A_426 = tpu.memref_squeeze %dma_wait3A_425 : memref<1x200x32xf32, #tpu.memory_space<vmem>> -> memref<200x32xf32, #tpu.memory_space<vmem>>
      %dma_wait3A_427 = arith.constant 0 : i32
      %dma_wait3A_428 = arith.constant 0 : i32
      %dma_wait3A_429 = tpu.memref_slice %arg3[%dma_wait3A_427, %dma_wait3A_428] : memref<1000000x32xf32, #tpu.memory_space<hbm>> -> memref<200x32xf32, #tpu.memory_space<hbm>>
      %dma_wait3A_430 = arith.constant 0 : i32
      %dma_wait3A_431 = arith.constant 0 : i32
      %dma_wait3A_432 = tpu.memref_slice %arg6[%dma_wait3A_422, %dma_wait3A_430, %dma_wait3A_431] : memref<8x200x32xf32, #tpu.memory_space<vmem>> -> memref<1x200x32xf32, #tpu.memory_space<vmem>>
      %dma_wait3A_433 = tpu.memref_squeeze %dma_wait3A_432 : memref<1x200x32xf32, #tpu.memory_space<vmem>> -> memref<200x32xf32, #tpu.memory_space<vmem>>
      %dma_wait3A_434 = arith.constant 0 : i32
      %dma_wait3A_435 = arith.constant 0 : i32
      %dma_wait3A_436 = tpu.memref_slice %arg3[%dma_wait3A_434, %dma_wait3A_435] : memref<1000000x32xf32, #tpu.memory_space<hbm>> -> memref<200x32xf32, #tpu.memory_space<hbm>>
      tpu.wait_dma2 semaphore(%arg13 : memref<!tpu.dma_semaphore, #tpu.memory_space<semaphore_mem>>) src(%dma_wait3A_436 : memref<200x32xf32, #tpu.memory_space<hbm>>) dst(%dma_wait3A_433 : memref<200x32xf32, #tpu.memory_space<vmem>>)
      %scan3A_437 = arith.constant 0 : i32
      %scan3A_438 = arith.constant 10 : i32
      %scan3A_439 = arith.addi %scan3A_437, %scan3A_438 : i32
      %scan3A_440 = arith.constant 1 : i32
      %scan3A_441:4 = scf.for %scan3A_550 = %scan3A_437 to %scan3A_439 step %scan3A_440 iter_args(%scan3A_551 = %broadcast_in_dim3A_194, %scan3A_552 = %broadcast_in_dim3A_194, %scan3A_553 = %broadcast_in_dim3A_194, %scan3A_554 = %broadcast_in_dim3A_194) -> (vector<16xf32>, vector<16xf32>, vector<16xf32>, vector<16xf32>)  : i32 {
        %mul3A_555 = arith.constant 20 : i32
        %mul3A_556 = arith.muli %scan3A_550, %mul3A_555 : i32
        %add3A_557 = arith.constant 0 : i32
        %add3A_558 = arith.addi %mul3A_556, %add3A_557 : i32
        %get3A = arith.constant 5 : i32
        %get3A_559 = arith.index_cast %get3A : i32 to index
        %get3A_560 = arith.index_cast %add3A_558 : i32 to index
        %get3A_561 = arith.constant 0 : index
        %get3A_562 = tpu.vector_load %arg6[%get3A_559, %get3A_560, %get3A_561] {strides = array<i32>} : memref<8x200x32xf32, #tpu.memory_space<vmem>>, vector<1x1x16xf32>,
        %get3A_563 = vector.shape_cast %get3A_562 : vector<1x1x16xf32> to vector<16xf32>
        %add3A_564 = arith.addf %scan3A_551, %get3A_563 : vector<16xf32>
        %add3A_565 = arith.constant 0 : i32
        %add3A_566 = arith.addi %mul3A_556, %add3A_565 : i32
        %get3A_567 = arith.constant 5 : i32
        %get3A_568 = arith.index_cast %get3A_567 : i32 to index
        %get3A_569 = arith.index_cast %add3A_566 : i32 to index
        %get3A_570 = arith.constant 16 : index
        %get3A_571 = tpu.vector_load %arg6[%get3A_568, %get3A_569, %get3A_570] {strides = array<i32>} : memref<8x200x32xf32, #tpu.memory_space<vmem>>, vector<1x1x16xf32>,
        %get3A_572 = vector.shape_cast %get3A_571 : vector<1x1x16xf32> to vector<16xf32>
        %add3A_573 = arith.addf %scan3A_552, %get3A_572 : vector<16xf32>
        %add3A_574 = arith.constant 0 : i32
        %add3A_575 = arith.addi %mul3A_556, %add3A_574 : i32
        %add3A_576 = arith.constant 1 : i32
        %add3A_577 = arith.addi %add3A_575, %add3A_576 : i32
        %get3A_578 = arith.constant 5 : i32
        %get3A_579 = arith.index_cast %get3A_578 : i32 to index
        %get3A_580 = arith.index_cast %add3A_577 : i32 to index
        %get3A_581 = arith.constant 0 : index
        %get3A_582 = tpu.vector_load %arg6[%get3A_579, %get3A_580, %get3A_581] {strides = array<i32>} : memref<8x200x32xf32, #tpu.memory_space<vmem>>, vector<1x1x16xf32>,
        %get3A_583 = vector.shape_cast %get3A_582 : vector<1x1x16xf32> to vector<16xf32>
        %add3A_584 = arith.addf %scan3A_553, %get3A_583 : vector<16xf32>
        %add3A_585 = arith.constant 0 : i32
        %add3A_586 = arith.addi %mul3A_556, %add3A_585 : i32
        %add3A_587 = arith.constant 1 : i32
        %add3A_588 = arith.addi %add3A_586, %add3A_587 : i32
        %get3A_589 = arith.constant 5 : i32
        %get3A_590 = arith.index_cast %get3A_589 : i32 to index
        %get3A_591 = arith.index_cast %add3A_588 : i32 to index
        %get3A_592 = arith.constant 16 : index
        %get3A_593 = tpu.vector_load %arg6[%get3A_590, %get3A_591, %get3A_592] {strides = array<i32>} : memref<8x200x32xf32, #tpu.memory_space<vmem>>, vector<1x1x16xf32>,
        %get3A_594 = vector.shape_cast %get3A_593 : vector<1x1x16xf32> to vector<16xf32>
        %add3A_595 = arith.addf %scan3A_554, %get3A_594 : vector<16xf32>
        %add3A_596 = arith.constant 2 : i32
        %add3A_597 = arith.addi %mul3A_556, %add3A_596 : i32
        %get3A_598 = arith.constant 5 : i32
        %get3A_599 = arith.index_cast %get3A_598 : i32 to index
        %get3A_600 = arith.index_cast %add3A_597 : i32 to index
        %get3A_601 = arith.constant 0 : index
        %get3A_602 = tpu.vector_load %arg6[%get3A_599, %get3A_600, %get3A_601] {strides = array<i32>} : memref<8x200x32xf32, #tpu.memory_space<vmem>>, vector<1x1x16xf32>,
        %get3A_603 = vector.shape_cast %get3A_602 : vector<1x1x16xf32> to vector<16xf32>
        %add3A_604 = arith.addf %add3A_564, %get3A_603 : vector<16xf32>
        %add3A_605 = arith.constant 2 : i32
        %add3A_606 = arith.addi %mul3A_556, %add3A_605 : i32
        %get3A_607 = arith.constant 5 : i32
        %get3A_608 = arith.index_cast %get3A_607 : i32 to index
        %get3A_609 = arith.index_cast %add3A_606 : i32 to index
        %get3A_610 = arith.constant 16 : index
        %get3A_611 = tpu.vector_load %arg6[%get3A_608, %get3A_609, %get3A_610] {strides = array<i32>} : memref<8x200x32xf32, #tpu.memory_space<vmem>>, vector<1x1x16xf32>,
        %get3A_612 = vector.shape_cast %get3A_611 : vector<1x1x16xf32> to vector<16xf32>
        %add3A_613 = arith.addf %add3A_573, %get3A_612 : vector<16xf32>
        %add3A_614 = arith.constant 2 : i32
        %add3A_615 = arith.addi %mul3A_556, %add3A_614 : i32
        %add3A_616 = arith.constant 1 : i32
        %add3A_617 = arith.addi %add3A_615, %add3A_616 : i32
        %get3A_618 = arith.constant 5 : i32
        %get3A_619 = arith.index_cast %get3A_618 : i32 to index
        %get3A_620 = arith.index_cast %add3A_617 : i32 to index
        %get3A_621 = arith.constant 0 : index
        %get3A_622 = tpu.vector_load %arg6[%get3A_619, %get3A_620, %get3A_621] {strides = array<i32>} : memref<8x200x32xf32, #tpu.memory_space<vmem>>, vector<1x1x16xf32>,
        %get3A_623 = vector.shape_cast %get3A_622 : vector<1x1x16xf32> to vector<16xf32>
        %add3A_624 = arith.addf %add3A_584, %get3A_623 : vector<16xf32>
        %add3A_625 = arith.constant 2 : i32
        %add3A_626 = arith.addi %mul3A_556, %add3A_625 : i32
        %add3A_627 = arith.constant 1 : i32
        %add3A_628 = arith.addi %add3A_626, %add3A_627 : i32
        %get3A_629 = arith.constant 5 : i32
        %get3A_630 = arith.index_cast %get3A_629 : i32 to index
        %get3A_631 = arith.index_cast %add3A_628 : i32 to index
        %get3A_632 = arith.constant 16 : index
        %get3A_633 = tpu.vector_load %arg6[%get3A_630, %get3A_631, %get3A_632] {strides = array<i32>} : memref<8x200x32xf32, #tpu.memory_space<vmem>>, vector<1x1x16xf32>,
        %get3A_634 = vector.shape_cast %get3A_633 : vector<1x1x16xf32> to vector<16xf32>
        %add3A_635 = arith.addf %add3A_595, %get3A_634 : vector<16xf32>
        %add3A_636 = arith.constant 4 : i32
        %add3A_637 = arith.addi %mul3A_556, %add3A_636 : i32
        %get3A_638 = arith.constant 5 : i32
        %get3A_639 = arith.index_cast %get3A_638 : i32 to index
        %get3A_640 = arith.index_cast %add3A_637 : i32 to index
        %get3A_641 = arith.constant 0 : index
        %get3A_642 = tpu.vector_load %arg6[%get3A_639, %get3A_640, %get3A_641] {strides = array<i32>} : memref<8x200x32xf32, #tpu.memory_space<vmem>>, vector<1x1x16xf32>,
        %get3A_643 = vector.shape_cast %get3A_642 : vector<1x1x16xf32> to vector<16xf32>
        %add3A_644 = arith.addf %add3A_604, %get3A_643 : vector<16xf32>
        %add3A_645 = arith.constant 4 : i32
        %add3A_646 = arith.addi %mul3A_556, %add3A_645 : i32
        %get3A_647 = arith.constant 5 : i32
        %get3A_648 = arith.index_cast %get3A_647 : i32 to index
        %get3A_649 = arith.index_cast %add3A_646 : i32 to index
        %get3A_650 = arith.constant 16 : index
        %get3A_651 = tpu.vector_load %arg6[%get3A_648, %get3A_649, %get3A_650] {strides = array<i32>} : memref<8x200x32xf32, #tpu.memory_space<vmem>>, vector<1x1x16xf32>,
        %get3A_652 = vector.shape_cast %get3A_651 : vector<1x1x16xf32> to vector<16xf32>
        %add3A_653 = arith.addf %add3A_613, %get3A_652 : vector<16xf32>
        %add3A_654 = arith.constant 4 : i32
        %add3A_655 = arith.addi %mul3A_556, %add3A_654 : i32
        %add3A_656 = arith.constant 1 : i32
        %add3A_657 = arith.addi %add3A_655, %add3A_656 : i32
        %get3A_658 = arith.constant 5 : i32
        %get3A_659 = arith.index_cast %get3A_658 : i32 to index
        %get3A_660 = arith.index_cast %add3A_657 : i32 to index
        %get3A_661 = arith.constant 0 : index
        %get3A_662 = tpu.vector_load %arg6[%get3A_659, %get3A_660, %get3A_661] {strides = array<i32>} : memref<8x200x32xf32, #tpu.memory_space<vmem>>, vector<1x1x16xf32>,
        %get3A_663 = vector.shape_cast %get3A_662 : vector<1x1x16xf32> to vector<16xf32>
        %add3A_664 = arith.addf %add3A_624, %get3A_663 : vector<16xf32>
        %add3A_665 = arith.constant 4 : i32
        %add3A_666 = arith.addi %mul3A_556, %add3A_665 : i32
        %add3A_667 = arith.constant 1 : i32
        %add3A_668 = arith.addi %add3A_666, %add3A_667 : i32
        %get3A_669 = arith.constant 5 : i32
        %get3A_670 = arith.index_cast %get3A_669 : i32 to index
        %get3A_671 = arith.index_cast %add3A_668 : i32 to index
        %get3A_672 = arith.constant 16 : index
        %get3A_673 = tpu.vector_load %arg6[%get3A_670, %get3A_671, %get3A_672] {strides = array<i32>} : memref<8x200x32xf32, #tpu.memory_space<vmem>>, vector<1x1x16xf32>,
        %get3A_674 = vector.shape_cast %get3A_673 : vector<1x1x16xf32> to vector<16xf32>
        %add3A_675 = arith.addf %add3A_635, %get3A_674 : vector<16xf32>
        %add3A_676 = arith.constant 6 : i32
        %add3A_677 = arith.addi %mul3A_556, %add3A_676 : i32
        %get3A_678 = arith.constant 5 : i32
        %get3A_679 = arith.index_cast %get3A_678 : i32 to index
        %get3A_680 = arith.index_cast %add3A_677 : i32 to index
        %get3A_681 = arith.constant 0 : index
        %get3A_682 = tpu.vector_load %arg6[%get3A_679, %get3A_680, %get3A_681] {strides = array<i32>} : memref<8x200x32xf32, #tpu.memory_space<vmem>>, vector<1x1x16xf32>,
        %get3A_683 = vector.shape_cast %get3A_682 : vector<1x1x16xf32> to vector<16xf32>
        %add3A_684 = arith.addf %add3A_644, %get3A_683 : vector<16xf32>
        %add3A_685 = arith.constant 6 : i32
        %add3A_686 = arith.addi %mul3A_556, %add3A_685 : i32
        %get3A_687 = arith.constant 5 : i32
        %get3A_688 = arith.index_cast %get3A_687 : i32 to index
        %get3A_689 = arith.index_cast %add3A_686 : i32 to index
        %get3A_690 = arith.constant 16 : index
        %get3A_691 = tpu.vector_load %arg6[%get3A_688, %get3A_689, %get3A_690] {strides = array<i32>} : memref<8x200x32xf32, #tpu.memory_space<vmem>>, vector<1x1x16xf32>,
        %get3A_692 = vector.shape_cast %get3A_691 : vector<1x1x16xf32> to vector<16xf32>
        %add3A_693 = arith.addf %add3A_653, %get3A_692 : vector<16xf32>
        %add3A_694 = arith.constant 6 : i32
        %add3A_695 = arith.addi %mul3A_556, %add3A_694 : i32
        %add3A_696 = arith.constant 1 : i32
        %add3A_697 = arith.addi %add3A_695, %add3A_696 : i32
        %get3A_698 = arith.constant 5 : i32
        %get3A_699 = arith.index_cast %get3A_698 : i32 to index
        %get3A_700 = arith.index_cast %add3A_697 : i32 to index
        %get3A_701 = arith.constant 0 : index
        %get3A_702 = tpu.vector_load %arg6[%get3A_699, %get3A_700, %get3A_701] {strides = array<i32>} : memref<8x200x32xf32, #tpu.memory_space<vmem>>, vector<1x1x16xf32>,
        %get3A_703 = vector.shape_cast %get3A_702 : vector<1x1x16xf32> to vector<16xf32>
        %add3A_704 = arith.addf %add3A_664, %get3A_703 : vector<16xf32>
        %add3A_705 = arith.constant 6 : i32
        %add3A_706 = arith.addi %mul3A_556, %add3A_705 : i32
        %add3A_707 = arith.constant 1 : i32
        %add3A_708 = arith.addi %add3A_706, %add3A_707 : i32
        %get3A_709 = arith.constant 5 : i32
        %get3A_710 = arith.index_cast %get3A_709 : i32 to index
        %get3A_711 = arith.index_cast %add3A_708 : i32 to index
        %get3A_712 = arith.constant 16 : index
        %get3A_713 = tpu.vector_load %arg6[%get3A_710, %get3A_711, %get3A_712] {strides = array<i32>} : memref<8x200x32xf32, #tpu.memory_space<vmem>>, vector<1x1x16xf32>,
        %get3A_714 = vector.shape_cast %get3A_713 : vector<1x1x16xf32> to vector<16xf32>
        %add3A_715 = arith.addf %add3A_675, %get3A_714 : vector<16xf32>
        %add3A_716 = arith.constant 8 : i32
        %add3A_717 = arith.addi %mul3A_556, %add3A_716 : i32
        %get3A_718 = arith.constant 5 : i32
        %get3A_719 = arith.index_cast %get3A_718 : i32 to index
        %get3A_720 = arith.index_cast %add3A_717 : i32 to index
        %get3A_721 = arith.constant 0 : index
        %get3A_722 = tpu.vector_load %arg6[%get3A_719, %get3A_720, %get3A_721] {strides = array<i32>} : memref<8x200x32xf32, #tpu.memory_space<vmem>>, vector<1x1x16xf32>,
        %get3A_723 = vector.shape_cast %get3A_722 : vector<1x1x16xf32> to vector<16xf32>
        %add3A_724 = arith.addf %add3A_684, %get3A_723 : vector<16xf32>
        %add3A_725 = arith.constant 8 : i32
        %add3A_726 = arith.addi %mul3A_556, %add3A_725 : i32
        %get3A_727 = arith.constant 5 : i32
        %get3A_728 = arith.index_cast %get3A_727 : i32 to index
        %get3A_729 = arith.index_cast %add3A_726 : i32 to index
        %get3A_730 = arith.constant 16 : index
        %get3A_731 = tpu.vector_load %arg6[%get3A_728, %get3A_729, %get3A_730] {strides = array<i32>} : memref<8x200x32xf32, #tpu.memory_space<vmem>>, vector<1x1x16xf32>,
        %get3A_732 = vector.shape_cast %get3A_731 : vector<1x1x16xf32> to vector<16xf32>
        %add3A_733 = arith.addf %add3A_693, %get3A_732 : vector<16xf32>
        %add3A_734 = arith.constant 8 : i32
        %add3A_735 = arith.addi %mul3A_556, %add3A_734 : i32
        %add3A_736 = arith.constant 1 : i32
        %add3A_737 = arith.addi %add3A_735, %add3A_736 : i32
        %get3A_738 = arith.constant 5 : i32
        %get3A_739 = arith.index_cast %get3A_738 : i32 to index
        %get3A_740 = arith.index_cast %add3A_737 : i32 to index
        %get3A_741 = arith.constant 0 : index
        %get3A_742 = tpu.vector_load %arg6[%get3A_739, %get3A_740, %get3A_741] {strides = array<i32>} : memref<8x200x32xf32, #tpu.memory_space<vmem>>, vector<1x1x16xf32>,
        %get3A_743 = vector.shape_cast %get3A_742 : vector<1x1x16xf32> to vector<16xf32>
        %add3A_744 = arith.addf %add3A_704, %get3A_743 : vector<16xf32>
        %add3A_745 = arith.constant 8 : i32
        %add3A_746 = arith.addi %mul3A_556, %add3A_745 : i32
        %add3A_747 = arith.constant 1 : i32
        %add3A_748 = arith.addi %add3A_746, %add3A_747 : i32
        %get3A_749 = arith.constant 5 : i32
        %get3A_750 = arith.index_cast %get3A_749 : i32 to index
        %get3A_751 = arith.index_cast %add3A_748 : i32 to index
        %get3A_752 = arith.constant 16 : index
        %get3A_753 = tpu.vector_load %arg6[%get3A_750, %get3A_751, %get3A_752] {strides = array<i32>} : memref<8x200x32xf32, #tpu.memory_space<vmem>>, vector<1x1x16xf32>,
        %get3A_754 = vector.shape_cast %get3A_753 : vector<1x1x16xf32> to vector<16xf32>
        %add3A_755 = arith.addf %add3A_715, %get3A_754 : vector<16xf32>
        %add3A_756 = arith.constant 10 : i32
        %add3A_757 = arith.addi %mul3A_556, %add3A_756 : i32
        %get3A_758 = arith.constant 5 : i32
        %get3A_759 = arith.index_cast %get3A_758 : i32 to index
        %get3A_760 = arith.index_cast %add3A_757 : i32 to index
        %get3A_761 = arith.constant 0 : index
        %get3A_762 = tpu.vector_load %arg6[%get3A_759, %get3A_760, %get3A_761] {strides = array<i32>} : memref<8x200x32xf32, #tpu.memory_space<vmem>>, vector<1x1x16xf32>,
        %get3A_763 = vector.shape_cast %get3A_762 : vector<1x1x16xf32> to vector<16xf32>
        %add3A_764 = arith.addf %add3A_724, %get3A_763 : vector<16xf32>
        %add3A_765 = arith.constant 10 : i32
        %add3A_766 = arith.addi %mul3A_556, %add3A_765 : i32
        %get3A_767 = arith.constant 5 : i32
        %get3A_768 = arith.index_cast %get3A_767 : i32 to index
        %get3A_769 = arith.index_cast %add3A_766 : i32 to index
        %get3A_770 = arith.constant 16 : index
        %get3A_771 = tpu.vector_load %arg6[%get3A_768, %get3A_769, %get3A_770] {strides = array<i32>} : memref<8x200x32xf32, #tpu.memory_space<vmem>>, vector<1x1x16xf32>,
        %get3A_772 = vector.shape_cast %get3A_771 : vector<1x1x16xf32> to vector<16xf32>
        %add3A_773 = arith.addf %add3A_733, %get3A_772 : vector<16xf32>
        %add3A_774 = arith.constant 10 : i32
        %add3A_775 = arith.addi %mul3A_556, %add3A_774 : i32
        %add3A_776 = arith.constant 1 : i32
        %add3A_777 = arith.addi %add3A_775, %add3A_776 : i32
        %get3A_778 = arith.constant 5 : i32
        %get3A_779 = arith.index_cast %get3A_778 : i32 to index
        %get3A_780 = arith.index_cast %add3A_777 : i32 to index
        %get3A_781 = arith.constant 0 : index
        %get3A_782 = tpu.vector_load %arg6[%get3A_779, %get3A_780, %get3A_781] {strides = array<i32>} : memref<8x200x32xf32, #tpu.memory_space<vmem>>, vector<1x1x16xf32>,
        %get3A_783 = vector.shape_cast %get3A_782 : vector<1x1x16xf32> to vector<16xf32>
        %add3A_784 = arith.addf %add3A_744, %get3A_783 : vector<16xf32>
        %add3A_785 = arith.constant 10 : i32
        %add3A_786 = arith.addi %mul3A_556, %add3A_785 : i32
        %add3A_787 = arith.constant 1 : i32
        %add3A_788 = arith.addi %add3A_786, %add3A_787 : i32
        %get3A_789 = arith.constant 5 : i32
        %get3A_790 = arith.index_cast %get3A_789 : i32 to index
        %get3A_791 = arith.index_cast %add3A_788 : i32 to index
        %get3A_792 = arith.constant 16 : index
        %get3A_793 = tpu.vector_load %arg6[%get3A_790, %get3A_791, %get3A_792] {strides = array<i32>} : memref<8x200x32xf32, #tpu.memory_space<vmem>>, vector<1x1x16xf32>,
        %get3A_794 = vector.shape_cast %get3A_793 : vector<1x1x16xf32> to vector<16xf32>
        %add3A_795 = arith.addf %add3A_755, %get3A_794 : vector<16xf32>
        %add3A_796 = arith.constant 12 : i32
        %add3A_797 = arith.addi %mul3A_556, %add3A_796 : i32
        %get3A_798 = arith.constant 5 : i32
        %get3A_799 = arith.index_cast %get3A_798 : i32 to index
        %get3A_800 = arith.index_cast %add3A_797 : i32 to index
        %get3A_801 = arith.constant 0 : index
        %get3A_802 = tpu.vector_load %arg6[%get3A_799, %get3A_800, %get3A_801] {strides = array<i32>} : memref<8x200x32xf32, #tpu.memory_space<vmem>>, vector<1x1x16xf32>,
        %get3A_803 = vector.shape_cast %get3A_802 : vector<1x1x16xf32> to vector<16xf32>
        %add3A_804 = arith.addf %add3A_764, %get3A_803 : vector<16xf32>
        %add3A_805 = arith.constant 12 : i32
        %add3A_806 = arith.addi %mul3A_556, %add3A_805 : i32
        %get3A_807 = arith.constant 5 : i32
        %get3A_808 = arith.index_cast %get3A_807 : i32 to index
        %get3A_809 = arith.index_cast %add3A_806 : i32 to index
        %get3A_810 = arith.constant 16 : index
        %get3A_811 = tpu.vector_load %arg6[%get3A_808, %get3A_809, %get3A_810] {strides = array<i32>} : memref<8x200x32xf32, #tpu.memory_space<vmem>>, vector<1x1x16xf32>,
        %get3A_812 = vector.shape_cast %get3A_811 : vector<1x1x16xf32> to vector<16xf32>
        %add3A_813 = arith.addf %add3A_773, %get3A_812 : vector<16xf32>
        %add3A_814 = arith.constant 12 : i32
        %add3A_815 = arith.addi %mul3A_556, %add3A_814 : i32
        %add3A_816 = arith.constant 1 : i32
        %add3A_817 = arith.addi %add3A_815, %add3A_816 : i32
        %get3A_818 = arith.constant 5 : i32
        %get3A_819 = arith.index_cast %get3A_818 : i32 to index
        %get3A_820 = arith.index_cast %add3A_817 : i32 to index
        %get3A_821 = arith.constant 0 : index
        %get3A_822 = tpu.vector_load %arg6[%get3A_819, %get3A_820, %get3A_821] {strides = array<i32>} : memref<8x200x32xf32, #tpu.memory_space<vmem>>, vector<1x1x16xf32>,
        %get3A_823 = vector.shape_cast %get3A_822 : vector<1x1x16xf32> to vector<16xf32>
        %add3A_824 = arith.addf %add3A_784, %get3A_823 : vector<16xf32>
        %add3A_825 = arith.constant 12 : i32
        %add3A_826 = arith.addi %mul3A_556, %add3A_825 : i32
        %add3A_827 = arith.constant 1 : i32
        %add3A_828 = arith.addi %add3A_826, %add3A_827 : i32
        %get3A_829 = arith.constant 5 : i32
        %get3A_830 = arith.index_cast %get3A_829 : i32 to index
        %get3A_831 = arith.index_cast %add3A_828 : i32 to index
        %get3A_832 = arith.constant 16 : index
        %get3A_833 = tpu.vector_load %arg6[%get3A_830, %get3A_831, %get3A_832] {strides = array<i32>} : memref<8x200x32xf32, #tpu.memory_space<vmem>>, vector<1x1x16xf32>,
        %get3A_834 = vector.shape_cast %get3A_833 : vector<1x1x16xf32> to vector<16xf32>
        %add3A_835 = arith.addf %add3A_795, %get3A_834 : vector<16xf32>
        %add3A_836 = arith.constant 14 : i32
        %add3A_837 = arith.addi %mul3A_556, %add3A_836 : i32
        %get3A_838 = arith.constant 5 : i32
        %get3A_839 = arith.index_cast %get3A_838 : i32 to index
        %get3A_840 = arith.index_cast %add3A_837 : i32 to index
        %get3A_841 = arith.constant 0 : index
        %get3A_842 = tpu.vector_load %arg6[%get3A_839, %get3A_840, %get3A_841] {strides = array<i32>} : memref<8x200x32xf32, #tpu.memory_space<vmem>>, vector<1x1x16xf32>,
        %get3A_843 = vector.shape_cast %get3A_842 : vector<1x1x16xf32> to vector<16xf32>
        %add3A_844 = arith.addf %add3A_804, %get3A_843 : vector<16xf32>
        %add3A_845 = arith.constant 14 : i32
        %add3A_846 = arith.addi %mul3A_556, %add3A_845 : i32
        %get3A_847 = arith.constant 5 : i32
        %get3A_848 = arith.index_cast %get3A_847 : i32 to index
        %get3A_849 = arith.index_cast %add3A_846 : i32 to index
        %get3A_850 = arith.constant 16 : index
        %get3A_851 = tpu.vector_load %arg6[%get3A_848, %get3A_849, %get3A_850] {strides = array<i32>} : memref<8x200x32xf32, #tpu.memory_space<vmem>>, vector<1x1x16xf32>,
        %get3A_852 = vector.shape_cast %get3A_851 : vector<1x1x16xf32> to vector<16xf32>
        %add3A_853 = arith.addf %add3A_813, %get3A_852 : vector<16xf32>
        %add3A_854 = arith.constant 14 : i32
        %add3A_855 = arith.addi %mul3A_556, %add3A_854 : i32
        %add3A_856 = arith.constant 1 : i32
        %add3A_857 = arith.addi %add3A_855, %add3A_856 : i32
        %get3A_858 = arith.constant 5 : i32
        %get3A_859 = arith.index_cast %get3A_858 : i32 to index
        %get3A_860 = arith.index_cast %add3A_857 : i32 to index
        %get3A_861 = arith.constant 0 : index
        %get3A_862 = tpu.vector_load %arg6[%get3A_859, %get3A_860, %get3A_861] {strides = array<i32>} : memref<8x200x32xf32, #tpu.memory_space<vmem>>, vector<1x1x16xf32>,
        %get3A_863 = vector.shape_cast %get3A_862 : vector<1x1x16xf32> to vector<16xf32>
        %add3A_864 = arith.addf %add3A_824, %get3A_863 : vector<16xf32>
        %add3A_865 = arith.constant 14 : i32
        %add3A_866 = arith.addi %mul3A_556, %add3A_865 : i32
        %add3A_867 = arith.constant 1 : i32
        %add3A_868 = arith.addi %add3A_866, %add3A_867 : i32
        %get3A_869 = arith.constant 5 : i32
        %get3A_870 = arith.index_cast %get3A_869 : i32 to index
        %get3A_871 = arith.index_cast %add3A_868 : i32 to index
        %get3A_872 = arith.constant 16 : index
        %get3A_873 = tpu.vector_load %arg6[%get3A_870, %get3A_871, %get3A_872] {strides = array<i32>} : memref<8x200x32xf32, #tpu.memory_space<vmem>>, vector<1x1x16xf32>,
        %get3A_874 = vector.shape_cast %get3A_873 : vector<1x1x16xf32> to vector<16xf32>
        %add3A_875 = arith.addf %add3A_835, %get3A_874 : vector<16xf32>
        %add3A_876 = arith.constant 16 : i32
        %add3A_877 = arith.addi %mul3A_556, %add3A_876 : i32
        %get3A_878 = arith.constant 5 : i32
        %get3A_879 = arith.index_cast %get3A_878 : i32 to index
        %get3A_880 = arith.index_cast %add3A_877 : i32 to index
        %get3A_881 = arith.constant 0 : index
        %get3A_882 = tpu.vector_load %arg6[%get3A_879, %get3A_880, %get3A_881] {strides = array<i32>} : memref<8x200x32xf32, #tpu.memory_space<vmem>>, vector<1x1x16xf32>,
        %get3A_883 = vector.shape_cast %get3A_882 : vector<1x1x16xf32> to vector<16xf32>
        %add3A_884 = arith.addf %add3A_844, %get3A_883 : vector<16xf32>
        %add3A_885 = arith.constant 16 : i32
        %add3A_886 = arith.addi %mul3A_556, %add3A_885 : i32
        %get3A_887 = arith.constant 5 : i32
        %get3A_888 = arith.index_cast %get3A_887 : i32 to index
        %get3A_889 = arith.index_cast %add3A_886 : i32 to index
        %get3A_890 = arith.constant 16 : index
        %get3A_891 = tpu.vector_load %arg6[%get3A_888, %get3A_889, %get3A_890] {strides = array<i32>} : memref<8x200x32xf32, #tpu.memory_space<vmem>>, vector<1x1x16xf32>,
        %get3A_892 = vector.shape_cast %get3A_891 : vector<1x1x16xf32> to vector<16xf32>
        %add3A_893 = arith.addf %add3A_853, %get3A_892 : vector<16xf32>
        %add3A_894 = arith.constant 16 : i32
        %add3A_895 = arith.addi %mul3A_556, %add3A_894 : i32
        %add3A_896 = arith.constant 1 : i32
        %add3A_897 = arith.addi %add3A_895, %add3A_896 : i32
        %get3A_898 = arith.constant 5 : i32
        %get3A_899 = arith.index_cast %get3A_898 : i32 to index
        %get3A_900 = arith.index_cast %add3A_897 : i32 to index
        %get3A_901 = arith.constant 0 : index
        %get3A_902 = tpu.vector_load %arg6[%get3A_899, %get3A_900, %get3A_901] {strides = array<i32>} : memref<8x200x32xf32, #tpu.memory_space<vmem>>, vector<1x1x16xf32>,
        %get3A_903 = vector.shape_cast %get3A_902 : vector<1x1x16xf32> to vector<16xf32>
        %add3A_904 = arith.addf %add3A_864, %get3A_903 : vector<16xf32>
        %add3A_905 = arith.constant 16 : i32
        %add3A_906 = arith.addi %mul3A_556, %add3A_905 : i32
        %add3A_907 = arith.constant 1 : i32
        %add3A_908 = arith.addi %add3A_906, %add3A_907 : i32
        %get3A_909 = arith.constant 5 : i32
        %get3A_910 = arith.index_cast %get3A_909 : i32 to index
        %get3A_911 = arith.index_cast %add3A_908 : i32 to index
        %get3A_912 = arith.constant 16 : index
        %get3A_913 = tpu.vector_load %arg6[%get3A_910, %get3A_911, %get3A_912] {strides = array<i32>} : memref<8x200x32xf32, #tpu.memory_space<vmem>>, vector<1x1x16xf32>,
        %get3A_914 = vector.shape_cast %get3A_913 : vector<1x1x16xf32> to vector<16xf32>
        %add3A_915 = arith.addf %add3A_875, %get3A_914 : vector<16xf32>
        %add3A_916 = arith.constant 18 : i32
        %add3A_917 = arith.addi %mul3A_556, %add3A_916 : i32
        %get3A_918 = arith.constant 5 : i32
        %get3A_919 = arith.index_cast %get3A_918 : i32 to index
        %get3A_920 = arith.index_cast %add3A_917 : i32 to index
        %get3A_921 = arith.constant 0 : index
        %get3A_922 = tpu.vector_load %arg6[%get3A_919, %get3A_920, %get3A_921] {strides = array<i32>} : memref<8x200x32xf32, #tpu.memory_space<vmem>>, vector<1x1x16xf32>,
        %get3A_923 = vector.shape_cast %get3A_922 : vector<1x1x16xf32> to vector<16xf32>
        %add3A_924 = arith.addf %add3A_884, %get3A_923 : vector<16xf32>
        %add3A_925 = arith.constant 18 : i32
        %add3A_926 = arith.addi %mul3A_556, %add3A_925 : i32
        %get3A_927 = arith.constant 5 : i32
        %get3A_928 = arith.index_cast %get3A_927 : i32 to index
        %get3A_929 = arith.index_cast %add3A_926 : i32 to index
        %get3A_930 = arith.constant 16 : index
        %get3A_931 = tpu.vector_load %arg6[%get3A_928, %get3A_929, %get3A_930] {strides = array<i32>} : memref<8x200x32xf32, #tpu.memory_space<vmem>>, vector<1x1x16xf32>,
        %get3A_932 = vector.shape_cast %get3A_931 : vector<1x1x16xf32> to vector<16xf32>
        %add3A_933 = arith.addf %add3A_893, %get3A_932 : vector<16xf32>
        %add3A_934 = arith.constant 18 : i32
        %add3A_935 = arith.addi %mul3A_556, %add3A_934 : i32
        %add3A_936 = arith.constant 1 : i32
        %add3A_937 = arith.addi %add3A_935, %add3A_936 : i32
        %get3A_938 = arith.constant 5 : i32
        %get3A_939 = arith.index_cast %get3A_938 : i32 to index
        %get3A_940 = arith.index_cast %add3A_937 : i32 to index
        %get3A_941 = arith.constant 0 : index
        %get3A_942 = tpu.vector_load %arg6[%get3A_939, %get3A_940, %get3A_941] {strides = array<i32>} : memref<8x200x32xf32, #tpu.memory_space<vmem>>, vector<1x1x16xf32>,
        %get3A_943 = vector.shape_cast %get3A_942 : vector<1x1x16xf32> to vector<16xf32>
        %add3A_944 = arith.addf %add3A_904, %get3A_943 : vector<16xf32>
        %add3A_945 = arith.constant 18 : i32
        %add3A_946 = arith.addi %mul3A_556, %add3A_945 : i32
        %add3A_947 = arith.constant 1 : i32
        %add3A_948 = arith.addi %add3A_946, %add3A_947 : i32
        %get3A_949 = arith.constant 5 : i32
        %get3A_950 = arith.index_cast %get3A_949 : i32 to index
        %get3A_951 = arith.index_cast %add3A_948 : i32 to index
        %get3A_952 = arith.constant 16 : index
        %get3A_953 = tpu.vector_load %arg6[%get3A_950, %get3A_951, %get3A_952] {strides = array<i32>} : memref<8x200x32xf32, #tpu.memory_space<vmem>>, vector<1x1x16xf32>,
        %get3A_954 = vector.shape_cast %get3A_953 : vector<1x1x16xf32> to vector<16xf32>
        %add3A_955 = arith.addf %add3A_915, %get3A_954 : vector<16xf32>
        scf.yield %add3A_924, %add3A_933, %add3A_944, %add3A_955 : vector<16xf32>, vector<16xf32>, vector<16xf32>, vector<16xf32>
      }
      %scan3A_442 = arith.constant 10 : i32
      %add3A_443 = arith.addf %scan3A_441#0, %scan3A_441#2 : vector<16xf32>
      %swap3A_444 = arith.index_cast %add3A_421 : i32 to index
      %swap3A_445 = arith.constant 0 : index
      %swap3A_446 = tpu.vector_load %arg7[%swap3A_444, %swap3A_445] {strides = array<i32>} : memref<128x32xf32, #tpu.memory_space<vmem>>, vector<1x16xf32>,
      %swap3A_447 = vector.shape_cast %swap3A_446 : vector<1x16xf32> to vector<16xf32>
      %swap3A_448 = vector.shape_cast %add3A_443 : vector<16xf32> to vector<1x16xf32>
      tpu.vector_store %arg7[%swap3A_444, %swap3A_445], %swap3A_448 {strides = array<i32>} : memref<128x32xf32, #tpu.memory_space<vmem>>, vector<1x16xf32>,
      %add3A_449 = arith.addf %scan3A_441#1, %scan3A_441#3 : vector<16xf32>
      %swap3A_450 = arith.index_cast %add3A_421 : i32 to index
      %swap3A_451 = arith.constant 16 : index
      %swap3A_452 = tpu.vector_load %arg7[%swap3A_450, %swap3A_451] {strides = array<i32>} : memref<128x32xf32, #tpu.memory_space<vmem>>, vector<1x16xf32>,
      %swap3A_453 = vector.shape_cast %swap3A_452 : vector<1x16xf32> to vector<16xf32>
      %swap3A_454 = vector.shape_cast %add3A_449 : vector<16xf32> to vector<1x16xf32>
      tpu.vector_store %arg7[%swap3A_450, %swap3A_451], %swap3A_454 {strides = array<i32>} : memref<128x32xf32, #tpu.memory_space<vmem>>, vector<1x16xf32>,
      %add3A_455 = arith.constant 8 : i32
      %add3A_456 = arith.addi %add3A_421, %add3A_455 : i32
      %lt3A_457 = arith.constant 128 : i32
      %lt3A_458 = arith.cmpi slt, %add3A_456, %lt3A_457 : i32
      %convert_element_type3A_459 = arith.extui %lt3A_458 : i1 to i32
      %cond3A_460 = arith.constant 0 : i32
      %cond3A_461 = arith.cmpi ne, %convert_element_type3A_459, %cond3A_460 : i32
      scf.if %cond3A_461 {
        %dma_start3A_550 = arith.constant 5 : i32
        %dma_start3A_551 = arith.constant 0 : i32
        %dma_start3A_552 = arith.constant 0 : i32
        %dma_start3A_553 = tpu.memref_slice %arg6[%dma_start3A_550, %dma_start3A_551, %dma_start3A_552] : memref<8x200x32xf32, #tpu.memory_space<vmem>> -> memref<1x104x32xf32, #tpu.memory_space<vmem>>
        %dma_start3A_554 = tpu.memref_squeeze %dma_start3A_553 : memref<1x104x32xf32, #tpu.memory_space<vmem>> -> memref<104x32xf32, #tpu.memory_space<vmem>>
        %dma_start3A_555 = arith.constant 0 : i32
        %dma_start3A_556 = tpu.memref_slice %arg5[%add3A_456, %dma_start3A_555] : memref<128x200xi32, #tpu.memory_space<vmem>> -> memref<1x104xi32, #tpu.memory_space<vmem>>
        %dma_start3A_557 = tpu.memref_squeeze %dma_start3A_556 : memref<1x104xi32, #tpu.memory_space<vmem>> -> memref<104xi32, #tpu.memory_space<vmem>>
        %dma_start3A_558 = arith.constant 0 : i32
        %dma_start3A_559 = arith.constant 0 : i32
        %dma_start3A_560 = tpu.memref_slice %arg3[%dma_start3A_558, %dma_start3A_559] : memref<1000000x32xf32, #tpu.memory_space<hbm>> -> memref<1000000x32xf32, #tpu.memory_space<hbm>>
        tpu.enqueue_indirect_dma source(%dma_start3A_560 : memref<1000000x32xf32, #tpu.memory_space<hbm>>) target(%dma_start3A_554 : memref<104x32xf32, #tpu.memory_space<vmem>>) offsets(%dma_start3A_557 : memref<104xi32, #tpu.memory_space<vmem>>) semaphore(%arg13 : memref<!tpu.dma_semaphore, #tpu.memory_space<semaphore_mem>>)
        %dma_start3A_561 = arith.constant 5 : i32
        %dma_start3A_562 = arith.constant 104 : i32
        %dma_start3A_563 = arith.constant 0 : i32
        %dma_start3A_564 = tpu.memref_slice %arg6[%dma_start3A_561, %dma_start3A_562, %dma_start3A_563] : memref<8x200x32xf32, #tpu.memory_space<vmem>> -> memref<1x96x32xf32, #tpu.memory_space<vmem>>
        %dma_start3A_565 = tpu.memref_squeeze %dma_start3A_564 : memref<1x96x32xf32, #tpu.memory_space<vmem>> -> memref<96x32xf32, #tpu.memory_space<vmem>>
        %dma_start3A_566 = arith.constant 104 : i32
        %dma_start3A_567 = tpu.memref_slice %arg5[%add3A_456, %dma_start3A_566] : memref<128x200xi32, #tpu.memory_space<vmem>> -> memref<1x96xi32, #tpu.memory_space<vmem>>
        %dma_start3A_568 = tpu.memref_squeeze %dma_start3A_567 : memref<1x96xi32, #tpu.memory_space<vmem>> -> memref<96xi32, #tpu.memory_space<vmem>>
        %dma_start3A_569 = arith.constant 0 : i32
        %dma_start3A_570 = arith.constant 0 : i32
        %dma_start3A_571 = tpu.memref_slice %arg3[%dma_start3A_569, %dma_start3A_570] : memref<1000000x32xf32, #tpu.memory_space<hbm>> -> memref<1000000x32xf32, #tpu.memory_space<hbm>>
        tpu.enqueue_indirect_dma source(%dma_start3A_571 : memref<1000000x32xf32, #tpu.memory_space<hbm>>) target(%dma_start3A_565 : memref<96x32xf32, #tpu.memory_space<vmem>>) offsets(%dma_start3A_568 : memref<96xi32, #tpu.memory_space<vmem>>) semaphore(%arg13 : memref<!tpu.dma_semaphore, #tpu.memory_space<semaphore_mem>>)
      } else {
      }
      %mul3A_462 = arith.constant 8 : i32
      %mul3A_463 = arith.muli %mul3A_462, %scan3A_202 : i32
      %add3A_464 = arith.constant 6 : i32
      %add3A_465 = arith.addi %mul3A_463, %add3A_464 : i32
      %dma_wait3A_466 = arith.constant 6 : i32
      %dma_wait3A_467 = arith.constant 0 : i32
      %dma_wait3A_468 = arith.constant 0 : i32
      %dma_wait3A_469 = tpu.memref_slice %arg6[%dma_wait3A_466, %dma_wait3A_467, %dma_wait3A_468] : memref<8x200x32xf32, #tpu.memory_space<vmem>> -> memref<1x200x32xf32, #tpu.memory_space<vmem>>
      %dma_wait3A_470 = tpu.memref_squeeze %dma_wait3A_469 : memref<1x200x32xf32, #tpu.memory_space<vmem>> -> memref<200x32xf32, #tpu.memory_space<vmem>>
      %dma_wait3A_471 = arith.constant 0 : i32
      %dma_wait3A_472 = arith.constant 0 : i32
      %dma_wait3A_473 = tpu.memref_slice %arg3[%dma_wait3A_471, %dma_wait3A_472] : memref<1000000x32xf32, #tpu.memory_space<hbm>> -> memref<200x32xf32, #tpu.memory_space<hbm>>
      %dma_wait3A_474 = arith.constant 0 : i32
      %dma_wait3A_475 = arith.constant 0 : i32
      %dma_wait3A_476 = tpu.memref_slice %arg6[%dma_wait3A_466, %dma_wait3A_474, %dma_wait3A_475] : memref<8x200x32xf32, #tpu.memory_space<vmem>> -> memref<1x200x32xf32, #tpu.memory_space<vmem>>
      %dma_wait3A_477 = tpu.memref_squeeze %dma_wait3A_476 : memref<1x200x32xf32, #tpu.memory_space<vmem>> -> memref<200x32xf32, #tpu.memory_space<vmem>>
      %dma_wait3A_478 = arith.constant 0 : i32
      %dma_wait3A_479 = arith.constant 0 : i32
      %dma_wait3A_480 = tpu.memref_slice %arg3[%dma_wait3A_478, %dma_wait3A_479] : memref<1000000x32xf32, #tpu.memory_space<hbm>> -> memref<200x32xf32, #tpu.memory_space<hbm>>
      tpu.wait_dma2 semaphore(%arg14 : memref<!tpu.dma_semaphore, #tpu.memory_space<semaphore_mem>>) src(%dma_wait3A_480 : memref<200x32xf32, #tpu.memory_space<hbm>>) dst(%dma_wait3A_477 : memref<200x32xf32, #tpu.memory_space<vmem>>)
      %scan3A_481 = arith.constant 0 : i32
      %scan3A_482 = arith.constant 10 : i32
      %scan3A_483 = arith.addi %scan3A_481, %scan3A_482 : i32
      %scan3A_484 = arith.constant 1 : i32
      %scan3A_485:4 = scf.for %scan3A_550 = %scan3A_481 to %scan3A_483 step %scan3A_484 iter_args(%scan3A_551 = %broadcast_in_dim3A_194, %scan3A_552 = %broadcast_in_dim3A_194, %scan3A_553 = %broadcast_in_dim3A_194, %scan3A_554 = %broadcast_in_dim3A_194) -> (vector<16xf32>, vector<16xf32>, vector<16xf32>, vector<16xf32>)  : i32 {
        %mul3A_555 = arith.constant 20 : i32
        %mul3A_556 = arith.muli %scan3A_550, %mul3A_555 : i32
        %add3A_557 = arith.constant 0 : i32
        %add3A_558 = arith.addi %mul3A_556, %add3A_557 : i32
        %get3A = arith.constant 6 : i32
        %get3A_559 = arith.index_cast %get3A : i32 to index
        %get3A_560 = arith.index_cast %add3A_558 : i32 to index
        %get3A_561 = arith.constant 0 : index
        %get3A_562 = tpu.vector_load %arg6[%get3A_559, %get3A_560, %get3A_561] {strides = array<i32>} : memref<8x200x32xf32, #tpu.memory_space<vmem>>, vector<1x1x16xf32>,
        %get3A_563 = vector.shape_cast %get3A_562 : vector<1x1x16xf32> to vector<16xf32>
        %add3A_564 = arith.addf %scan3A_551, %get3A_563 : vector<16xf32>
        %add3A_565 = arith.constant 0 : i32
        %add3A_566 = arith.addi %mul3A_556, %add3A_565 : i32
        %get3A_567 = arith.constant 6 : i32
        %get3A_568 = arith.index_cast %get3A_567 : i32 to index
        %get3A_569 = arith.index_cast %add3A_566 : i32 to index
        %get3A_570 = arith.constant 16 : index
        %get3A_571 = tpu.vector_load %arg6[%get3A_568, %get3A_569, %get3A_570] {strides = array<i32>} : memref<8x200x32xf32, #tpu.memory_space<vmem>>, vector<1x1x16xf32>,
        %get3A_572 = vector.shape_cast %get3A_571 : vector<1x1x16xf32> to vector<16xf32>
        %add3A_573 = arith.addf %scan3A_552, %get3A_572 : vector<16xf32>
        %add3A_574 = arith.constant 0 : i32
        %add3A_575 = arith.addi %mul3A_556, %add3A_574 : i32
        %add3A_576 = arith.constant 1 : i32
        %add3A_577 = arith.addi %add3A_575, %add3A_576 : i32
        %get3A_578 = arith.constant 6 : i32
        %get3A_579 = arith.index_cast %get3A_578 : i32 to index
        %get3A_580 = arith.index_cast %add3A_577 : i32 to index
        %get3A_581 = arith.constant 0 : index
        %get3A_582 = tpu.vector_load %arg6[%get3A_579, %get3A_580, %get3A_581] {strides = array<i32>} : memref<8x200x32xf32, #tpu.memory_space<vmem>>, vector<1x1x16xf32>,
        %get3A_583 = vector.shape_cast %get3A_582 : vector<1x1x16xf32> to vector<16xf32>
        %add3A_584 = arith.addf %scan3A_553, %get3A_583 : vector<16xf32>
        %add3A_585 = arith.constant 0 : i32
        %add3A_586 = arith.addi %mul3A_556, %add3A_585 : i32
        %add3A_587 = arith.constant 1 : i32
        %add3A_588 = arith.addi %add3A_586, %add3A_587 : i32
        %get3A_589 = arith.constant 6 : i32
        %get3A_590 = arith.index_cast %get3A_589 : i32 to index
        %get3A_591 = arith.index_cast %add3A_588 : i32 to index
        %get3A_592 = arith.constant 16 : index
        %get3A_593 = tpu.vector_load %arg6[%get3A_590, %get3A_591, %get3A_592] {strides = array<i32>} : memref<8x200x32xf32, #tpu.memory_space<vmem>>, vector<1x1x16xf32>,
        %get3A_594 = vector.shape_cast %get3A_593 : vector<1x1x16xf32> to vector<16xf32>
        %add3A_595 = arith.addf %scan3A_554, %get3A_594 : vector<16xf32>
        %add3A_596 = arith.constant 2 : i32
        %add3A_597 = arith.addi %mul3A_556, %add3A_596 : i32
        %get3A_598 = arith.constant 6 : i32
        %get3A_599 = arith.index_cast %get3A_598 : i32 to index
        %get3A_600 = arith.index_cast %add3A_597 : i32 to index
        %get3A_601 = arith.constant 0 : index
        %get3A_602 = tpu.vector_load %arg6[%get3A_599, %get3A_600, %get3A_601] {strides = array<i32>} : memref<8x200x32xf32, #tpu.memory_space<vmem>>, vector<1x1x16xf32>,
        %get3A_603 = vector.shape_cast %get3A_602 : vector<1x1x16xf32> to vector<16xf32>
        %add3A_604 = arith.addf %add3A_564, %get3A_603 : vector<16xf32>
        %add3A_605 = arith.constant 2 : i32
        %add3A_606 = arith.addi %mul3A_556, %add3A_605 : i32
        %get3A_607 = arith.constant 6 : i32
        %get3A_608 = arith.index_cast %get3A_607 : i32 to index
        %get3A_609 = arith.index_cast %add3A_606 : i32 to index
        %get3A_610 = arith.constant 16 : index
        %get3A_611 = tpu.vector_load %arg6[%get3A_608, %get3A_609, %get3A_610] {strides = array<i32>} : memref<8x200x32xf32, #tpu.memory_space<vmem>>, vector<1x1x16xf32>,
        %get3A_612 = vector.shape_cast %get3A_611 : vector<1x1x16xf32> to vector<16xf32>
        %add3A_613 = arith.addf %add3A_573, %get3A_612 : vector<16xf32>
        %add3A_614 = arith.constant 2 : i32
        %add3A_615 = arith.addi %mul3A_556, %add3A_614 : i32
        %add3A_616 = arith.constant 1 : i32
        %add3A_617 = arith.addi %add3A_615, %add3A_616 : i32
        %get3A_618 = arith.constant 6 : i32
        %get3A_619 = arith.index_cast %get3A_618 : i32 to index
        %get3A_620 = arith.index_cast %add3A_617 : i32 to index
        %get3A_621 = arith.constant 0 : index
        %get3A_622 = tpu.vector_load %arg6[%get3A_619, %get3A_620, %get3A_621] {strides = array<i32>} : memref<8x200x32xf32, #tpu.memory_space<vmem>>, vector<1x1x16xf32>,
        %get3A_623 = vector.shape_cast %get3A_622 : vector<1x1x16xf32> to vector<16xf32>
        %add3A_624 = arith.addf %add3A_584, %get3A_623 : vector<16xf32>
        %add3A_625 = arith.constant 2 : i32
        %add3A_626 = arith.addi %mul3A_556, %add3A_625 : i32
        %add3A_627 = arith.constant 1 : i32
        %add3A_628 = arith.addi %add3A_626, %add3A_627 : i32
        %get3A_629 = arith.constant 6 : i32
        %get3A_630 = arith.index_cast %get3A_629 : i32 to index
        %get3A_631 = arith.index_cast %add3A_628 : i32 to index
        %get3A_632 = arith.constant 16 : index
        %get3A_633 = tpu.vector_load %arg6[%get3A_630, %get3A_631, %get3A_632] {strides = array<i32>} : memref<8x200x32xf32, #tpu.memory_space<vmem>>, vector<1x1x16xf32>,
        %get3A_634 = vector.shape_cast %get3A_633 : vector<1x1x16xf32> to vector<16xf32>
        %add3A_635 = arith.addf %add3A_595, %get3A_634 : vector<16xf32>
        %add3A_636 = arith.constant 4 : i32
        %add3A_637 = arith.addi %mul3A_556, %add3A_636 : i32
        %get3A_638 = arith.constant 6 : i32
        %get3A_639 = arith.index_cast %get3A_638 : i32 to index
        %get3A_640 = arith.index_cast %add3A_637 : i32 to index
        %get3A_641 = arith.constant 0 : index
        %get3A_642 = tpu.vector_load %arg6[%get3A_639, %get3A_640, %get3A_641] {strides = array<i32>} : memref<8x200x32xf32, #tpu.memory_space<vmem>>, vector<1x1x16xf32>,
        %get3A_643 = vector.shape_cast %get3A_642 : vector<1x1x16xf32> to vector<16xf32>
        %add3A_644 = arith.addf %add3A_604, %get3A_643 : vector<16xf32>
        %add3A_645 = arith.constant 4 : i32
        %add3A_646 = arith.addi %mul3A_556, %add3A_645 : i32
        %get3A_647 = arith.constant 6 : i32
        %get3A_648 = arith.index_cast %get3A_647 : i32 to index
        %get3A_649 = arith.index_cast %add3A_646 : i32 to index
        %get3A_650 = arith.constant 16 : index
        %get3A_651 = tpu.vector_load %arg6[%get3A_648, %get3A_649, %get3A_650] {strides = array<i32>} : memref<8x200x32xf32, #tpu.memory_space<vmem>>, vector<1x1x16xf32>,
        %get3A_652 = vector.shape_cast %get3A_651 : vector<1x1x16xf32> to vector<16xf32>
        %add3A_653 = arith.addf %add3A_613, %get3A_652 : vector<16xf32>
        %add3A_654 = arith.constant 4 : i32
        %add3A_655 = arith.addi %mul3A_556, %add3A_654 : i32
        %add3A_656 = arith.constant 1 : i32
        %add3A_657 = arith.addi %add3A_655, %add3A_656 : i32
        %get3A_658 = arith.constant 6 : i32
        %get3A_659 = arith.index_cast %get3A_658 : i32 to index
        %get3A_660 = arith.index_cast %add3A_657 : i32 to index
        %get3A_661 = arith.constant 0 : index
        %get3A_662 = tpu.vector_load %arg6[%get3A_659, %get3A_660, %get3A_661] {strides = array<i32>} : memref<8x200x32xf32, #tpu.memory_space<vmem>>, vector<1x1x16xf32>,
        %get3A_663 = vector.shape_cast %get3A_662 : vector<1x1x16xf32> to vector<16xf32>
        %add3A_664 = arith.addf %add3A_624, %get3A_663 : vector<16xf32>
        %add3A_665 = arith.constant 4 : i32
        %add3A_666 = arith.addi %mul3A_556, %add3A_665 : i32
        %add3A_667 = arith.constant 1 : i32
        %add3A_668 = arith.addi %add3A_666, %add3A_667 : i32
        %get3A_669 = arith.constant 6 : i32
        %get3A_670 = arith.index_cast %get3A_669 : i32 to index
        %get3A_671 = arith.index_cast %add3A_668 : i32 to index
        %get3A_672 = arith.constant 16 : index
        %get3A_673 = tpu.vector_load %arg6[%get3A_670, %get3A_671, %get3A_672] {strides = array<i32>} : memref<8x200x32xf32, #tpu.memory_space<vmem>>, vector<1x1x16xf32>,
        %get3A_674 = vector.shape_cast %get3A_673 : vector<1x1x16xf32> to vector<16xf32>
        %add3A_675 = arith.addf %add3A_635, %get3A_674 : vector<16xf32>
        %add3A_676 = arith.constant 6 : i32
        %add3A_677 = arith.addi %mul3A_556, %add3A_676 : i32
        %get3A_678 = arith.constant 6 : i32
        %get3A_679 = arith.index_cast %get3A_678 : i32 to index
        %get3A_680 = arith.index_cast %add3A_677 : i32 to index
        %get3A_681 = arith.constant 0 : index
        %get3A_682 = tpu.vector_load %arg6[%get3A_679, %get3A_680, %get3A_681] {strides = array<i32>} : memref<8x200x32xf32, #tpu.memory_space<vmem>>, vector<1x1x16xf32>,
        %get3A_683 = vector.shape_cast %get3A_682 : vector<1x1x16xf32> to vector<16xf32>
        %add3A_684 = arith.addf %add3A_644, %get3A_683 : vector<16xf32>
        %add3A_685 = arith.constant 6 : i32
        %add3A_686 = arith.addi %mul3A_556, %add3A_685 : i32
        %get3A_687 = arith.constant 6 : i32
        %get3A_688 = arith.index_cast %get3A_687 : i32 to index
        %get3A_689 = arith.index_cast %add3A_686 : i32 to index
        %get3A_690 = arith.constant 16 : index
        %get3A_691 = tpu.vector_load %arg6[%get3A_688, %get3A_689, %get3A_690] {strides = array<i32>} : memref<8x200x32xf32, #tpu.memory_space<vmem>>, vector<1x1x16xf32>,
        %get3A_692 = vector.shape_cast %get3A_691 : vector<1x1x16xf32> to vector<16xf32>
        %add3A_693 = arith.addf %add3A_653, %get3A_692 : vector<16xf32>
        %add3A_694 = arith.constant 6 : i32
        %add3A_695 = arith.addi %mul3A_556, %add3A_694 : i32
        %add3A_696 = arith.constant 1 : i32
        %add3A_697 = arith.addi %add3A_695, %add3A_696 : i32
        %get3A_698 = arith.constant 6 : i32
        %get3A_699 = arith.index_cast %get3A_698 : i32 to index
        %get3A_700 = arith.index_cast %add3A_697 : i32 to index
        %get3A_701 = arith.constant 0 : index
        %get3A_702 = tpu.vector_load %arg6[%get3A_699, %get3A_700, %get3A_701] {strides = array<i32>} : memref<8x200x32xf32, #tpu.memory_space<vmem>>, vector<1x1x16xf32>,
        %get3A_703 = vector.shape_cast %get3A_702 : vector<1x1x16xf32> to vector<16xf32>
        %add3A_704 = arith.addf %add3A_664, %get3A_703 : vector<16xf32>
        %add3A_705 = arith.constant 6 : i32
        %add3A_706 = arith.addi %mul3A_556, %add3A_705 : i32
        %add3A_707 = arith.constant 1 : i32
        %add3A_708 = arith.addi %add3A_706, %add3A_707 : i32
        %get3A_709 = arith.constant 6 : i32
        %get3A_710 = arith.index_cast %get3A_709 : i32 to index
        %get3A_711 = arith.index_cast %add3A_708 : i32 to index
        %get3A_712 = arith.constant 16 : index
        %get3A_713 = tpu.vector_load %arg6[%get3A_710, %get3A_711, %get3A_712] {strides = array<i32>} : memref<8x200x32xf32, #tpu.memory_space<vmem>>, vector<1x1x16xf32>,
        %get3A_714 = vector.shape_cast %get3A_713 : vector<1x1x16xf32> to vector<16xf32>
        %add3A_715 = arith.addf %add3A_675, %get3A_714 : vector<16xf32>
        %add3A_716 = arith.constant 8 : i32
        %add3A_717 = arith.addi %mul3A_556, %add3A_716 : i32
        %get3A_718 = arith.constant 6 : i32
        %get3A_719 = arith.index_cast %get3A_718 : i32 to index
        %get3A_720 = arith.index_cast %add3A_717 : i32 to index
        %get3A_721 = arith.constant 0 : index
        %get3A_722 = tpu.vector_load %arg6[%get3A_719, %get3A_720, %get3A_721] {strides = array<i32>} : memref<8x200x32xf32, #tpu.memory_space<vmem>>, vector<1x1x16xf32>,
        %get3A_723 = vector.shape_cast %get3A_722 : vector<1x1x16xf32> to vector<16xf32>
        %add3A_724 = arith.addf %add3A_684, %get3A_723 : vector<16xf32>
        %add3A_725 = arith.constant 8 : i32
        %add3A_726 = arith.addi %mul3A_556, %add3A_725 : i32
        %get3A_727 = arith.constant 6 : i32
        %get3A_728 = arith.index_cast %get3A_727 : i32 to index
        %get3A_729 = arith.index_cast %add3A_726 : i32 to index
        %get3A_730 = arith.constant 16 : index
        %get3A_731 = tpu.vector_load %arg6[%get3A_728, %get3A_729, %get3A_730] {strides = array<i32>} : memref<8x200x32xf32, #tpu.memory_space<vmem>>, vector<1x1x16xf32>,
        %get3A_732 = vector.shape_cast %get3A_731 : vector<1x1x16xf32> to vector<16xf32>
        %add3A_733 = arith.addf %add3A_693, %get3A_732 : vector<16xf32>
        %add3A_734 = arith.constant 8 : i32
        %add3A_735 = arith.addi %mul3A_556, %add3A_734 : i32
        %add3A_736 = arith.constant 1 : i32
        %add3A_737 = arith.addi %add3A_735, %add3A_736 : i32
        %get3A_738 = arith.constant 6 : i32
        %get3A_739 = arith.index_cast %get3A_738 : i32 to index
        %get3A_740 = arith.index_cast %add3A_737 : i32 to index
        %get3A_741 = arith.constant 0 : index
        %get3A_742 = tpu.vector_load %arg6[%get3A_739, %get3A_740, %get3A_741] {strides = array<i32>} : memref<8x200x32xf32, #tpu.memory_space<vmem>>, vector<1x1x16xf32>,
        %get3A_743 = vector.shape_cast %get3A_742 : vector<1x1x16xf32> to vector<16xf32>
        %add3A_744 = arith.addf %add3A_704, %get3A_743 : vector<16xf32>
        %add3A_745 = arith.constant 8 : i32
        %add3A_746 = arith.addi %mul3A_556, %add3A_745 : i32
        %add3A_747 = arith.constant 1 : i32
        %add3A_748 = arith.addi %add3A_746, %add3A_747 : i32
        %get3A_749 = arith.constant 6 : i32
        %get3A_750 = arith.index_cast %get3A_749 : i32 to index
        %get3A_751 = arith.index_cast %add3A_748 : i32 to index
        %get3A_752 = arith.constant 16 : index
        %get3A_753 = tpu.vector_load %arg6[%get3A_750, %get3A_751, %get3A_752] {strides = array<i32>} : memref<8x200x32xf32, #tpu.memory_space<vmem>>, vector<1x1x16xf32>,
        %get3A_754 = vector.shape_cast %get3A_753 : vector<1x1x16xf32> to vector<16xf32>
        %add3A_755 = arith.addf %add3A_715, %get3A_754 : vector<16xf32>
        %add3A_756 = arith.constant 10 : i32
        %add3A_757 = arith.addi %mul3A_556, %add3A_756 : i32
        %get3A_758 = arith.constant 6 : i32
        %get3A_759 = arith.index_cast %get3A_758 : i32 to index
        %get3A_760 = arith.index_cast %add3A_757 : i32 to index
        %get3A_761 = arith.constant 0 : index
        %get3A_762 = tpu.vector_load %arg6[%get3A_759, %get3A_760, %get3A_761] {strides = array<i32>} : memref<8x200x32xf32, #tpu.memory_space<vmem>>, vector<1x1x16xf32>,
        %get3A_763 = vector.shape_cast %get3A_762 : vector<1x1x16xf32> to vector<16xf32>
        %add3A_764 = arith.addf %add3A_724, %get3A_763 : vector<16xf32>
        %add3A_765 = arith.constant 10 : i32
        %add3A_766 = arith.addi %mul3A_556, %add3A_765 : i32
        %get3A_767 = arith.constant 6 : i32
        %get3A_768 = arith.index_cast %get3A_767 : i32 to index
        %get3A_769 = arith.index_cast %add3A_766 : i32 to index
        %get3A_770 = arith.constant 16 : index
        %get3A_771 = tpu.vector_load %arg6[%get3A_768, %get3A_769, %get3A_770] {strides = array<i32>} : memref<8x200x32xf32, #tpu.memory_space<vmem>>, vector<1x1x16xf32>,
        %get3A_772 = vector.shape_cast %get3A_771 : vector<1x1x16xf32> to vector<16xf32>
        %add3A_773 = arith.addf %add3A_733, %get3A_772 : vector<16xf32>
        %add3A_774 = arith.constant 10 : i32
        %add3A_775 = arith.addi %mul3A_556, %add3A_774 : i32
        %add3A_776 = arith.constant 1 : i32
        %add3A_777 = arith.addi %add3A_775, %add3A_776 : i32
        %get3A_778 = arith.constant 6 : i32
        %get3A_779 = arith.index_cast %get3A_778 : i32 to index
        %get3A_780 = arith.index_cast %add3A_777 : i32 to index
        %get3A_781 = arith.constant 0 : index
        %get3A_782 = tpu.vector_load %arg6[%get3A_779, %get3A_780, %get3A_781] {strides = array<i32>} : memref<8x200x32xf32, #tpu.memory_space<vmem>>, vector<1x1x16xf32>,
        %get3A_783 = vector.shape_cast %get3A_782 : vector<1x1x16xf32> to vector<16xf32>
        %add3A_784 = arith.addf %add3A_744, %get3A_783 : vector<16xf32>
        %add3A_785 = arith.constant 10 : i32
        %add3A_786 = arith.addi %mul3A_556, %add3A_785 : i32
        %add3A_787 = arith.constant 1 : i32
        %add3A_788 = arith.addi %add3A_786, %add3A_787 : i32
        %get3A_789 = arith.constant 6 : i32
        %get3A_790 = arith.index_cast %get3A_789 : i32 to index
        %get3A_791 = arith.index_cast %add3A_788 : i32 to index
        %get3A_792 = arith.constant 16 : index
        %get3A_793 = tpu.vector_load %arg6[%get3A_790, %get3A_791, %get3A_792] {strides = array<i32>} : memref<8x200x32xf32, #tpu.memory_space<vmem>>, vector<1x1x16xf32>,
        %get3A_794 = vector.shape_cast %get3A_793 : vector<1x1x16xf32> to vector<16xf32>
        %add3A_795 = arith.addf %add3A_755, %get3A_794 : vector<16xf32>
        %add3A_796 = arith.constant 12 : i32
        %add3A_797 = arith.addi %mul3A_556, %add3A_796 : i32
        %get3A_798 = arith.constant 6 : i32
        %get3A_799 = arith.index_cast %get3A_798 : i32 to index
        %get3A_800 = arith.index_cast %add3A_797 : i32 to index
        %get3A_801 = arith.constant 0 : index
        %get3A_802 = tpu.vector_load %arg6[%get3A_799, %get3A_800, %get3A_801] {strides = array<i32>} : memref<8x200x32xf32, #tpu.memory_space<vmem>>, vector<1x1x16xf32>,
        %get3A_803 = vector.shape_cast %get3A_802 : vector<1x1x16xf32> to vector<16xf32>
        %add3A_804 = arith.addf %add3A_764, %get3A_803 : vector<16xf32>
        %add3A_805 = arith.constant 12 : i32
        %add3A_806 = arith.addi %mul3A_556, %add3A_805 : i32
        %get3A_807 = arith.constant 6 : i32
        %get3A_808 = arith.index_cast %get3A_807 : i32 to index
        %get3A_809 = arith.index_cast %add3A_806 : i32 to index
        %get3A_810 = arith.constant 16 : index
        %get3A_811 = tpu.vector_load %arg6[%get3A_808, %get3A_809, %get3A_810] {strides = array<i32>} : memref<8x200x32xf32, #tpu.memory_space<vmem>>, vector<1x1x16xf32>,
        %get3A_812 = vector.shape_cast %get3A_811 : vector<1x1x16xf32> to vector<16xf32>
        %add3A_813 = arith.addf %add3A_773, %get3A_812 : vector<16xf32>
        %add3A_814 = arith.constant 12 : i32
        %add3A_815 = arith.addi %mul3A_556, %add3A_814 : i32
        %add3A_816 = arith.constant 1 : i32
        %add3A_817 = arith.addi %add3A_815, %add3A_816 : i32
        %get3A_818 = arith.constant 6 : i32
        %get3A_819 = arith.index_cast %get3A_818 : i32 to index
        %get3A_820 = arith.index_cast %add3A_817 : i32 to index
        %get3A_821 = arith.constant 0 : index
        %get3A_822 = tpu.vector_load %arg6[%get3A_819, %get3A_820, %get3A_821] {strides = array<i32>} : memref<8x200x32xf32, #tpu.memory_space<vmem>>, vector<1x1x16xf32>,
        %get3A_823 = vector.shape_cast %get3A_822 : vector<1x1x16xf32> to vector<16xf32>
        %add3A_824 = arith.addf %add3A_784, %get3A_823 : vector<16xf32>
        %add3A_825 = arith.constant 12 : i32
        %add3A_826 = arith.addi %mul3A_556, %add3A_825 : i32
        %add3A_827 = arith.constant 1 : i32
        %add3A_828 = arith.addi %add3A_826, %add3A_827 : i32
        %get3A_829 = arith.constant 6 : i32
        %get3A_830 = arith.index_cast %get3A_829 : i32 to index
        %get3A_831 = arith.index_cast %add3A_828 : i32 to index
        %get3A_832 = arith.constant 16 : index
        %get3A_833 = tpu.vector_load %arg6[%get3A_830, %get3A_831, %get3A_832] {strides = array<i32>} : memref<8x200x32xf32, #tpu.memory_space<vmem>>, vector<1x1x16xf32>,
        %get3A_834 = vector.shape_cast %get3A_833 : vector<1x1x16xf32> to vector<16xf32>
        %add3A_835 = arith.addf %add3A_795, %get3A_834 : vector<16xf32>
        %add3A_836 = arith.constant 14 : i32
        %add3A_837 = arith.addi %mul3A_556, %add3A_836 : i32
        %get3A_838 = arith.constant 6 : i32
        %get3A_839 = arith.index_cast %get3A_838 : i32 to index
        %get3A_840 = arith.index_cast %add3A_837 : i32 to index
        %get3A_841 = arith.constant 0 : index
        %get3A_842 = tpu.vector_load %arg6[%get3A_839, %get3A_840, %get3A_841] {strides = array<i32>} : memref<8x200x32xf32, #tpu.memory_space<vmem>>, vector<1x1x16xf32>,
        %get3A_843 = vector.shape_cast %get3A_842 : vector<1x1x16xf32> to vector<16xf32>
        %add3A_844 = arith.addf %add3A_804, %get3A_843 : vector<16xf32>
        %add3A_845 = arith.constant 14 : i32
        %add3A_846 = arith.addi %mul3A_556, %add3A_845 : i32
        %get3A_847 = arith.constant 6 : i32
        %get3A_848 = arith.index_cast %get3A_847 : i32 to index
        %get3A_849 = arith.index_cast %add3A_846 : i32 to index
        %get3A_850 = arith.constant 16 : index
        %get3A_851 = tpu.vector_load %arg6[%get3A_848, %get3A_849, %get3A_850] {strides = array<i32>} : memref<8x200x32xf32, #tpu.memory_space<vmem>>, vector<1x1x16xf32>,
        %get3A_852 = vector.shape_cast %get3A_851 : vector<1x1x16xf32> to vector<16xf32>
        %add3A_853 = arith.addf %add3A_813, %get3A_852 : vector<16xf32>
        %add3A_854 = arith.constant 14 : i32
        %add3A_855 = arith.addi %mul3A_556, %add3A_854 : i32
        %add3A_856 = arith.constant 1 : i32
        %add3A_857 = arith.addi %add3A_855, %add3A_856 : i32
        %get3A_858 = arith.constant 6 : i32
        %get3A_859 = arith.index_cast %get3A_858 : i32 to index
        %get3A_860 = arith.index_cast %add3A_857 : i32 to index
        %get3A_861 = arith.constant 0 : index
        %get3A_862 = tpu.vector_load %arg6[%get3A_859, %get3A_860, %get3A_861] {strides = array<i32>} : memref<8x200x32xf32, #tpu.memory_space<vmem>>, vector<1x1x16xf32>,
        %get3A_863 = vector.shape_cast %get3A_862 : vector<1x1x16xf32> to vector<16xf32>
        %add3A_864 = arith.addf %add3A_824, %get3A_863 : vector<16xf32>
        %add3A_865 = arith.constant 14 : i32
        %add3A_866 = arith.addi %mul3A_556, %add3A_865 : i32
        %add3A_867 = arith.constant 1 : i32
        %add3A_868 = arith.addi %add3A_866, %add3A_867 : i32
        %get3A_869 = arith.constant 6 : i32
        %get3A_870 = arith.index_cast %get3A_869 : i32 to index
        %get3A_871 = arith.index_cast %add3A_868 : i32 to index
        %get3A_872 = arith.constant 16 : index
        %get3A_873 = tpu.vector_load %arg6[%get3A_870, %get3A_871, %get3A_872] {strides = array<i32>} : memref<8x200x32xf32, #tpu.memory_space<vmem>>, vector<1x1x16xf32>,
        %get3A_874 = vector.shape_cast %get3A_873 : vector<1x1x16xf32> to vector<16xf32>
        %add3A_875 = arith.addf %add3A_835, %get3A_874 : vector<16xf32>
        %add3A_876 = arith.constant 16 : i32
        %add3A_877 = arith.addi %mul3A_556, %add3A_876 : i32
        %get3A_878 = arith.constant 6 : i32
        %get3A_879 = arith.index_cast %get3A_878 : i32 to index
        %get3A_880 = arith.index_cast %add3A_877 : i32 to index
        %get3A_881 = arith.constant 0 : index
        %get3A_882 = tpu.vector_load %arg6[%get3A_879, %get3A_880, %get3A_881] {strides = array<i32>} : memref<8x200x32xf32, #tpu.memory_space<vmem>>, vector<1x1x16xf32>,
        %get3A_883 = vector.shape_cast %get3A_882 : vector<1x1x16xf32> to vector<16xf32>
        %add3A_884 = arith.addf %add3A_844, %get3A_883 : vector<16xf32>
        %add3A_885 = arith.constant 16 : i32
        %add3A_886 = arith.addi %mul3A_556, %add3A_885 : i32
        %get3A_887 = arith.constant 6 : i32
        %get3A_888 = arith.index_cast %get3A_887 : i32 to index
        %get3A_889 = arith.index_cast %add3A_886 : i32 to index
        %get3A_890 = arith.constant 16 : index
        %get3A_891 = tpu.vector_load %arg6[%get3A_888, %get3A_889, %get3A_890] {strides = array<i32>} : memref<8x200x32xf32, #tpu.memory_space<vmem>>, vector<1x1x16xf32>,
        %get3A_892 = vector.shape_cast %get3A_891 : vector<1x1x16xf32> to vector<16xf32>
        %add3A_893 = arith.addf %add3A_853, %get3A_892 : vector<16xf32>
        %add3A_894 = arith.constant 16 : i32
        %add3A_895 = arith.addi %mul3A_556, %add3A_894 : i32
        %add3A_896 = arith.constant 1 : i32
        %add3A_897 = arith.addi %add3A_895, %add3A_896 : i32
        %get3A_898 = arith.constant 6 : i32
        %get3A_899 = arith.index_cast %get3A_898 : i32 to index
        %get3A_900 = arith.index_cast %add3A_897 : i32 to index
        %get3A_901 = arith.constant 0 : index
        %get3A_902 = tpu.vector_load %arg6[%get3A_899, %get3A_900, %get3A_901] {strides = array<i32>} : memref<8x200x32xf32, #tpu.memory_space<vmem>>, vector<1x1x16xf32>,
        %get3A_903 = vector.shape_cast %get3A_902 : vector<1x1x16xf32> to vector<16xf32>
        %add3A_904 = arith.addf %add3A_864, %get3A_903 : vector<16xf32>
        %add3A_905 = arith.constant 16 : i32
        %add3A_906 = arith.addi %mul3A_556, %add3A_905 : i32
        %add3A_907 = arith.constant 1 : i32
        %add3A_908 = arith.addi %add3A_906, %add3A_907 : i32
        %get3A_909 = arith.constant 6 : i32
        %get3A_910 = arith.index_cast %get3A_909 : i32 to index
        %get3A_911 = arith.index_cast %add3A_908 : i32 to index
        %get3A_912 = arith.constant 16 : index
        %get3A_913 = tpu.vector_load %arg6[%get3A_910, %get3A_911, %get3A_912] {strides = array<i32>} : memref<8x200x32xf32, #tpu.memory_space<vmem>>, vector<1x1x16xf32>,
        %get3A_914 = vector.shape_cast %get3A_913 : vector<1x1x16xf32> to vector<16xf32>
        %add3A_915 = arith.addf %add3A_875, %get3A_914 : vector<16xf32>
        %add3A_916 = arith.constant 18 : i32
        %add3A_917 = arith.addi %mul3A_556, %add3A_916 : i32
        %get3A_918 = arith.constant 6 : i32
        %get3A_919 = arith.index_cast %get3A_918 : i32 to index
        %get3A_920 = arith.index_cast %add3A_917 : i32 to index
        %get3A_921 = arith.constant 0 : index
        %get3A_922 = tpu.vector_load %arg6[%get3A_919, %get3A_920, %get3A_921] {strides = array<i32>} : memref<8x200x32xf32, #tpu.memory_space<vmem>>, vector<1x1x16xf32>,
        %get3A_923 = vector.shape_cast %get3A_922 : vector<1x1x16xf32> to vector<16xf32>
        %add3A_924 = arith.addf %add3A_884, %get3A_923 : vector<16xf32>
        %add3A_925 = arith.constant 18 : i32
        %add3A_926 = arith.addi %mul3A_556, %add3A_925 : i32
        %get3A_927 = arith.constant 6 : i32
        %get3A_928 = arith.index_cast %get3A_927 : i32 to index
        %get3A_929 = arith.index_cast %add3A_926 : i32 to index
        %get3A_930 = arith.constant 16 : index
        %get3A_931 = tpu.vector_load %arg6[%get3A_928, %get3A_929, %get3A_930] {strides = array<i32>} : memref<8x200x32xf32, #tpu.memory_space<vmem>>, vector<1x1x16xf32>,
        %get3A_932 = vector.shape_cast %get3A_931 : vector<1x1x16xf32> to vector<16xf32>
        %add3A_933 = arith.addf %add3A_893, %get3A_932 : vector<16xf32>
        %add3A_934 = arith.constant 18 : i32
        %add3A_935 = arith.addi %mul3A_556, %add3A_934 : i32
        %add3A_936 = arith.constant 1 : i32
        %add3A_937 = arith.addi %add3A_935, %add3A_936 : i32
        %get3A_938 = arith.constant 6 : i32
        %get3A_939 = arith.index_cast %get3A_938 : i32 to index
        %get3A_940 = arith.index_cast %add3A_937 : i32 to index
        %get3A_941 = arith.constant 0 : index
        %get3A_942 = tpu.vector_load %arg6[%get3A_939, %get3A_940, %get3A_941] {strides = array<i32>} : memref<8x200x32xf32, #tpu.memory_space<vmem>>, vector<1x1x16xf32>,
        %get3A_943 = vector.shape_cast %get3A_942 : vector<1x1x16xf32> to vector<16xf32>
        %add3A_944 = arith.addf %add3A_904, %get3A_943 : vector<16xf32>
        %add3A_945 = arith.constant 18 : i32
        %add3A_946 = arith.addi %mul3A_556, %add3A_945 : i32
        %add3A_947 = arith.constant 1 : i32
        %add3A_948 = arith.addi %add3A_946, %add3A_947 : i32
        %get3A_949 = arith.constant 6 : i32
        %get3A_950 = arith.index_cast %get3A_949 : i32 to index
        %get3A_951 = arith.index_cast %add3A_948 : i32 to index
        %get3A_952 = arith.constant 16 : index
        %get3A_953 = tpu.vector_load %arg6[%get3A_950, %get3A_951, %get3A_952] {strides = array<i32>} : memref<8x200x32xf32, #tpu.memory_space<vmem>>, vector<1x1x16xf32>,
        %get3A_954 = vector.shape_cast %get3A_953 : vector<1x1x16xf32> to vector<16xf32>
        %add3A_955 = arith.addf %add3A_915, %get3A_954 : vector<16xf32>
        scf.yield %add3A_924, %add3A_933, %add3A_944, %add3A_955 : vector<16xf32>, vector<16xf32>, vector<16xf32>, vector<16xf32>
      }
      %scan3A_486 = arith.constant 10 : i32
      %add3A_487 = arith.addf %scan3A_485#0, %scan3A_485#2 : vector<16xf32>
      %swap3A_488 = arith.index_cast %add3A_465 : i32 to index
      %swap3A_489 = arith.constant 0 : index
      %swap3A_490 = tpu.vector_load %arg7[%swap3A_488, %swap3A_489] {strides = array<i32>} : memref<128x32xf32, #tpu.memory_space<vmem>>, vector<1x16xf32>,
      %swap3A_491 = vector.shape_cast %swap3A_490 : vector<1x16xf32> to vector<16xf32>
      %swap3A_492 = vector.shape_cast %add3A_487 : vector<16xf32> to vector<1x16xf32>
      tpu.vector_store %arg7[%swap3A_488, %swap3A_489], %swap3A_492 {strides = array<i32>} : memref<128x32xf32, #tpu.memory_space<vmem>>, vector<1x16xf32>,
      %add3A_493 = arith.addf %scan3A_485#1, %scan3A_485#3 : vector<16xf32>
      %swap3A_494 = arith.index_cast %add3A_465 : i32 to index
      %swap3A_495 = arith.constant 16 : index
      %swap3A_496 = tpu.vector_load %arg7[%swap3A_494, %swap3A_495] {strides = array<i32>} : memref<128x32xf32, #tpu.memory_space<vmem>>, vector<1x16xf32>,
      %swap3A_497 = vector.shape_cast %swap3A_496 : vector<1x16xf32> to vector<16xf32>
      %swap3A_498 = vector.shape_cast %add3A_493 : vector<16xf32> to vector<1x16xf32>
      tpu.vector_store %arg7[%swap3A_494, %swap3A_495], %swap3A_498 {strides = array<i32>} : memref<128x32xf32, #tpu.memory_space<vmem>>, vector<1x16xf32>,
      %add3A_499 = arith.constant 8 : i32
      %add3A_500 = arith.addi %add3A_465, %add3A_499 : i32
      %lt3A_501 = arith.constant 128 : i32
      %lt3A_502 = arith.cmpi slt, %add3A_500, %lt3A_501 : i32
      %convert_element_type3A_503 = arith.extui %lt3A_502 : i1 to i32
      %cond3A_504 = arith.constant 0 : i32
      %cond3A_505 = arith.cmpi ne, %convert_element_type3A_503, %cond3A_504 : i32
      scf.if %cond3A_505 {
        %dma_start3A_550 = arith.constant 6 : i32
        %dma_start3A_551 = arith.constant 0 : i32
        %dma_start3A_552 = arith.constant 0 : i32
        %dma_start3A_553 = tpu.memref_slice %arg6[%dma_start3A_550, %dma_start3A_551, %dma_start3A_552] : memref<8x200x32xf32, #tpu.memory_space<vmem>> -> memref<1x104x32xf32, #tpu.memory_space<vmem>>
        %dma_start3A_554 = tpu.memref_squeeze %dma_start3A_553 : memref<1x104x32xf32, #tpu.memory_space<vmem>> -> memref<104x32xf32, #tpu.memory_space<vmem>>
        %dma_start3A_555 = arith.constant 0 : i32
        %dma_start3A_556 = tpu.memref_slice %arg5[%add3A_500, %dma_start3A_555] : memref<128x200xi32, #tpu.memory_space<vmem>> -> memref<1x104xi32, #tpu.memory_space<vmem>>
        %dma_start3A_557 = tpu.memref_squeeze %dma_start3A_556 : memref<1x104xi32, #tpu.memory_space<vmem>> -> memref<104xi32, #tpu.memory_space<vmem>>
        %dma_start3A_558 = arith.constant 0 : i32
        %dma_start3A_559 = arith.constant 0 : i32
        %dma_start3A_560 = tpu.memref_slice %arg3[%dma_start3A_558, %dma_start3A_559] : memref<1000000x32xf32, #tpu.memory_space<hbm>> -> memref<1000000x32xf32, #tpu.memory_space<hbm>>
        tpu.enqueue_indirect_dma source(%dma_start3A_560 : memref<1000000x32xf32, #tpu.memory_space<hbm>>) target(%dma_start3A_554 : memref<104x32xf32, #tpu.memory_space<vmem>>) offsets(%dma_start3A_557 : memref<104xi32, #tpu.memory_space<vmem>>) semaphore(%arg14 : memref<!tpu.dma_semaphore, #tpu.memory_space<semaphore_mem>>)
        %dma_start3A_561 = arith.constant 6 : i32
        %dma_start3A_562 = arith.constant 104 : i32
        %dma_start3A_563 = arith.constant 0 : i32
        %dma_start3A_564 = tpu.memref_slice %arg6[%dma_start3A_561, %dma_start3A_562, %dma_start3A_563] : memref<8x200x32xf32, #tpu.memory_space<vmem>> -> memref<1x96x32xf32, #tpu.memory_space<vmem>>
        %dma_start3A_565 = tpu.memref_squeeze %dma_start3A_564 : memref<1x96x32xf32, #tpu.memory_space<vmem>> -> memref<96x32xf32, #tpu.memory_space<vmem>>
        %dma_start3A_566 = arith.constant 104 : i32
        %dma_start3A_567 = tpu.memref_slice %arg5[%add3A_500, %dma_start3A_566] : memref<128x200xi32, #tpu.memory_space<vmem>> -> memref<1x96xi32, #tpu.memory_space<vmem>>
        %dma_start3A_568 = tpu.memref_squeeze %dma_start3A_567 : memref<1x96xi32, #tpu.memory_space<vmem>> -> memref<96xi32, #tpu.memory_space<vmem>>
        %dma_start3A_569 = arith.constant 0 : i32
        %dma_start3A_570 = arith.constant 0 : i32
        %dma_start3A_571 = tpu.memref_slice %arg3[%dma_start3A_569, %dma_start3A_570] : memref<1000000x32xf32, #tpu.memory_space<hbm>> -> memref<1000000x32xf32, #tpu.memory_space<hbm>>
        tpu.enqueue_indirect_dma source(%dma_start3A_571 : memref<1000000x32xf32, #tpu.memory_space<hbm>>) target(%dma_start3A_565 : memref<96x32xf32, #tpu.memory_space<vmem>>) offsets(%dma_start3A_568 : memref<96xi32, #tpu.memory_space<vmem>>) semaphore(%arg14 : memref<!tpu.dma_semaphore, #tpu.memory_space<semaphore_mem>>)
      } else {
      }
      %mul3A_506 = arith.constant 8 : i32
      %mul3A_507 = arith.muli %mul3A_506, %scan3A_202 : i32
      %add3A_508 = arith.constant 7 : i32
      %add3A_509 = arith.addi %mul3A_507, %add3A_508 : i32
      %dma_wait3A_510 = arith.constant 7 : i32
      %dma_wait3A_511 = arith.constant 0 : i32
      %dma_wait3A_512 = arith.constant 0 : i32
      %dma_wait3A_513 = tpu.memref_slice %arg6[%dma_wait3A_510, %dma_wait3A_511, %dma_wait3A_512] : memref<8x200x32xf32, #tpu.memory_space<vmem>> -> memref<1x200x32xf32, #tpu.memory_space<vmem>>
      %dma_wait3A_514 = tpu.memref_squeeze %dma_wait3A_513 : memref<1x200x32xf32, #tpu.memory_space<vmem>> -> memref<200x32xf32, #tpu.memory_space<vmem>>
      %dma_wait3A_515 = arith.constant 0 : i32
      %dma_wait3A_516 = arith.constant 0 : i32
      %dma_wait3A_517 = tpu.memref_slice %arg3[%dma_wait3A_515, %dma_wait3A_516] : memref<1000000x32xf32, #tpu.memory_space<hbm>> -> memref<200x32xf32, #tpu.memory_space<hbm>>
      %dma_wait3A_518 = arith.constant 0 : i32
      %dma_wait3A_519 = arith.constant 0 : i32
      %dma_wait3A_520 = tpu.memref_slice %arg6[%dma_wait3A_510, %dma_wait3A_518, %dma_wait3A_519] : memref<8x200x32xf32, #tpu.memory_space<vmem>> -> memref<1x200x32xf32, #tpu.memory_space<vmem>>
      %dma_wait3A_521 = tpu.memref_squeeze %dma_wait3A_520 : memref<1x200x32xf32, #tpu.memory_space<vmem>> -> memref<200x32xf32, #tpu.memory_space<vmem>>
      %dma_wait3A_522 = arith.constant 0 : i32
      %dma_wait3A_523 = arith.constant 0 : i32
      %dma_wait3A_524 = tpu.memref_slice %arg3[%dma_wait3A_522, %dma_wait3A_523] : memref<1000000x32xf32, #tpu.memory_space<hbm>> -> memref<200x32xf32, #tpu.memory_space<hbm>>
      tpu.wait_dma2 semaphore(%arg15 : memref<!tpu.dma_semaphore, #tpu.memory_space<semaphore_mem>>) src(%dma_wait3A_524 : memref<200x32xf32, #tpu.memory_space<hbm>>) dst(%dma_wait3A_521 : memref<200x32xf32, #tpu.memory_space<vmem>>)
      %scan3A_525 = arith.constant 0 : i32
      %scan3A_526 = arith.constant 10 : i32
      %scan3A_527 = arith.addi %scan3A_525, %scan3A_526 : i32
      %scan3A_528 = arith.constant 1 : i32
      %scan3A_529:4 = scf.for %scan3A_550 = %scan3A_525 to %scan3A_527 step %scan3A_528 iter_args(%scan3A_551 = %broadcast_in_dim3A_194, %scan3A_552 = %broadcast_in_dim3A_194, %scan3A_553 = %broadcast_in_dim3A_194, %scan3A_554 = %broadcast_in_dim3A_194) -> (vector<16xf32>, vector<16xf32>, vector<16xf32>, vector<16xf32>)  : i32 {
        %mul3A_555 = arith.constant 20 : i32
        %mul3A_556 = arith.muli %scan3A_550, %mul3A_555 : i32
        %add3A_557 = arith.constant 0 : i32
        %add3A_558 = arith.addi %mul3A_556, %add3A_557 : i32
        %get3A = arith.constant 7 : i32
        %get3A_559 = arith.index_cast %get3A : i32 to index
        %get3A_560 = arith.index_cast %add3A_558 : i32 to index
        %get3A_561 = arith.constant 0 : index
        %get3A_562 = tpu.vector_load %arg6[%get3A_559, %get3A_560, %get3A_561] {strides = array<i32>} : memref<8x200x32xf32, #tpu.memory_space<vmem>>, vector<1x1x16xf32>,
        %get3A_563 = vector.shape_cast %get3A_562 : vector<1x1x16xf32> to vector<16xf32>
        %add3A_564 = arith.addf %scan3A_551, %get3A_563 : vector<16xf32>
        %add3A_565 = arith.constant 0 : i32
        %add3A_566 = arith.addi %mul3A_556, %add3A_565 : i32
        %get3A_567 = arith.constant 7 : i32
        %get3A_568 = arith.index_cast %get3A_567 : i32 to index
        %get3A_569 = arith.index_cast %add3A_566 : i32 to index
        %get3A_570 = arith.constant 16 : index
        %get3A_571 = tpu.vector_load %arg6[%get3A_568, %get3A_569, %get3A_570] {strides = array<i32>} : memref<8x200x32xf32, #tpu.memory_space<vmem>>, vector<1x1x16xf32>,
        %get3A_572 = vector.shape_cast %get3A_571 : vector<1x1x16xf32> to vector<16xf32>
        %add3A_573 = arith.addf %scan3A_552, %get3A_572 : vector<16xf32>
        %add3A_574 = arith.constant 0 : i32
        %add3A_575 = arith.addi %mul3A_556, %add3A_574 : i32
        %add3A_576 = arith.constant 1 : i32
        %add3A_577 = arith.addi %add3A_575, %add3A_576 : i32
        %get3A_578 = arith.constant 7 : i32
        %get3A_579 = arith.index_cast %get3A_578 : i32 to index
        %get3A_580 = arith.index_cast %add3A_577 : i32 to index
        %get3A_581 = arith.constant 0 : index
        %get3A_582 = tpu.vector_load %arg6[%get3A_579, %get3A_580, %get3A_581] {strides = array<i32>} : memref<8x200x32xf32, #tpu.memory_space<vmem>>, vector<1x1x16xf32>,
        %get3A_583 = vector.shape_cast %get3A_582 : vector<1x1x16xf32> to vector<16xf32>
        %add3A_584 = arith.addf %scan3A_553, %get3A_583 : vector<16xf32>
        %add3A_585 = arith.constant 0 : i32
        %add3A_586 = arith.addi %mul3A_556, %add3A_585 : i32
        %add3A_587 = arith.constant 1 : i32
        %add3A_588 = arith.addi %add3A_586, %add3A_587 : i32
        %get3A_589 = arith.constant 7 : i32
        %get3A_590 = arith.index_cast %get3A_589 : i32 to index
        %get3A_591 = arith.index_cast %add3A_588 : i32 to index
        %get3A_592 = arith.constant 16 : index
        %get3A_593 = tpu.vector_load %arg6[%get3A_590, %get3A_591, %get3A_592] {strides = array<i32>} : memref<8x200x32xf32, #tpu.memory_space<vmem>>, vector<1x1x16xf32>,
        %get3A_594 = vector.shape_cast %get3A_593 : vector<1x1x16xf32> to vector<16xf32>
        %add3A_595 = arith.addf %scan3A_554, %get3A_594 : vector<16xf32>
        %add3A_596 = arith.constant 2 : i32
        %add3A_597 = arith.addi %mul3A_556, %add3A_596 : i32
        %get3A_598 = arith.constant 7 : i32
        %get3A_599 = arith.index_cast %get3A_598 : i32 to index
        %get3A_600 = arith.index_cast %add3A_597 : i32 to index
        %get3A_601 = arith.constant 0 : index
        %get3A_602 = tpu.vector_load %arg6[%get3A_599, %get3A_600, %get3A_601] {strides = array<i32>} : memref<8x200x32xf32, #tpu.memory_space<vmem>>, vector<1x1x16xf32>,
        %get3A_603 = vector.shape_cast %get3A_602 : vector<1x1x16xf32> to vector<16xf32>
        %add3A_604 = arith.addf %add3A_564, %get3A_603 : vector<16xf32>
        %add3A_605 = arith.constant 2 : i32
        %add3A_606 = arith.addi %mul3A_556, %add3A_605 : i32
        %get3A_607 = arith.constant 7 : i32
        %get3A_608 = arith.index_cast %get3A_607 : i32 to index
        %get3A_609 = arith.index_cast %add3A_606 : i32 to index
        %get3A_610 = arith.constant 16 : index
        %get3A_611 = tpu.vector_load %arg6[%get3A_608, %get3A_609, %get3A_610] {strides = array<i32>} : memref<8x200x32xf32, #tpu.memory_space<vmem>>, vector<1x1x16xf32>,
        %get3A_612 = vector.shape_cast %get3A_611 : vector<1x1x16xf32> to vector<16xf32>
        %add3A_613 = arith.addf %add3A_573, %get3A_612 : vector<16xf32>
        %add3A_614 = arith.constant 2 : i32
        %add3A_615 = arith.addi %mul3A_556, %add3A_614 : i32
        %add3A_616 = arith.constant 1 : i32
        %add3A_617 = arith.addi %add3A_615, %add3A_616 : i32
        %get3A_618 = arith.constant 7 : i32
        %get3A_619 = arith.index_cast %get3A_618 : i32 to index
        %get3A_620 = arith.index_cast %add3A_617 : i32 to index
        %get3A_621 = arith.constant 0 : index
        %get3A_622 = tpu.vector_load %arg6[%get3A_619, %get3A_620, %get3A_621] {strides = array<i32>} : memref<8x200x32xf32, #tpu.memory_space<vmem>>, vector<1x1x16xf32>,
        %get3A_623 = vector.shape_cast %get3A_622 : vector<1x1x16xf32> to vector<16xf32>
        %add3A_624 = arith.addf %add3A_584, %get3A_623 : vector<16xf32>
        %add3A_625 = arith.constant 2 : i32
        %add3A_626 = arith.addi %mul3A_556, %add3A_625 : i32
        %add3A_627 = arith.constant 1 : i32
        %add3A_628 = arith.addi %add3A_626, %add3A_627 : i32
        %get3A_629 = arith.constant 7 : i32
        %get3A_630 = arith.index_cast %get3A_629 : i32 to index
        %get3A_631 = arith.index_cast %add3A_628 : i32 to index
        %get3A_632 = arith.constant 16 : index
        %get3A_633 = tpu.vector_load %arg6[%get3A_630, %get3A_631, %get3A_632] {strides = array<i32>} : memref<8x200x32xf32, #tpu.memory_space<vmem>>, vector<1x1x16xf32>,
        %get3A_634 = vector.shape_cast %get3A_633 : vector<1x1x16xf32> to vector<16xf32>
        %add3A_635 = arith.addf %add3A_595, %get3A_634 : vector<16xf32>
        %add3A_636 = arith.constant 4 : i32
        %add3A_637 = arith.addi %mul3A_556, %add3A_636 : i32
        %get3A_638 = arith.constant 7 : i32
        %get3A_639 = arith.index_cast %get3A_638 : i32 to index
        %get3A_640 = arith.index_cast %add3A_637 : i32 to index
        %get3A_641 = arith.constant 0 : index
        %get3A_642 = tpu.vector_load %arg6[%get3A_639, %get3A_640, %get3A_641] {strides = array<i32>} : memref<8x200x32xf32, #tpu.memory_space<vmem>>, vector<1x1x16xf32>,
        %get3A_643 = vector.shape_cast %get3A_642 : vector<1x1x16xf32> to vector<16xf32>
        %add3A_644 = arith.addf %add3A_604, %get3A_643 : vector<16xf32>
        %add3A_645 = arith.constant 4 : i32
        %add3A_646 = arith.addi %mul3A_556, %add3A_645 : i32
        %get3A_647 = arith.constant 7 : i32
        %get3A_648 = arith.index_cast %get3A_647 : i32 to index
        %get3A_649 = arith.index_cast %add3A_646 : i32 to index
        %get3A_650 = arith.constant 16 : index
        %get3A_651 = tpu.vector_load %arg6[%get3A_648, %get3A_649, %get3A_650] {strides = array<i32>} : memref<8x200x32xf32, #tpu.memory_space<vmem>>, vector<1x1x16xf32>,
        %get3A_652 = vector.shape_cast %get3A_651 : vector<1x1x16xf32> to vector<16xf32>
        %add3A_653 = arith.addf %add3A_613, %get3A_652 : vector<16xf32>
        %add3A_654 = arith.constant 4 : i32
        %add3A_655 = arith.addi %mul3A_556, %add3A_654 : i32
        %add3A_656 = arith.constant 1 : i32
        %add3A_657 = arith.addi %add3A_655, %add3A_656 : i32
        %get3A_658 = arith.constant 7 : i32
        %get3A_659 = arith.index_cast %get3A_658 : i32 to index
        %get3A_660 = arith.index_cast %add3A_657 : i32 to index
        %get3A_661 = arith.constant 0 : index
        %get3A_662 = tpu.vector_load %arg6[%get3A_659, %get3A_660, %get3A_661] {strides = array<i32>} : memref<8x200x32xf32, #tpu.memory_space<vmem>>, vector<1x1x16xf32>,
        %get3A_663 = vector.shape_cast %get3A_662 : vector<1x1x16xf32> to vector<16xf32>
        %add3A_664 = arith.addf %add3A_624, %get3A_663 : vector<16xf32>
        %add3A_665 = arith.constant 4 : i32
        %add3A_666 = arith.addi %mul3A_556, %add3A_665 : i32
        %add3A_667 = arith.constant 1 : i32
        %add3A_668 = arith.addi %add3A_666, %add3A_667 : i32
        %get3A_669 = arith.constant 7 : i32
        %get3A_670 = arith.index_cast %get3A_669 : i32 to index
        %get3A_671 = arith.index_cast %add3A_668 : i32 to index
        %get3A_672 = arith.constant 16 : index
        %get3A_673 = tpu.vector_load %arg6[%get3A_670, %get3A_671, %get3A_672] {strides = array<i32>} : memref<8x200x32xf32, #tpu.memory_space<vmem>>, vector<1x1x16xf32>,
        %get3A_674 = vector.shape_cast %get3A_673 : vector<1x1x16xf32> to vector<16xf32>
        %add3A_675 = arith.addf %add3A_635, %get3A_674 : vector<16xf32>
        %add3A_676 = arith.constant 6 : i32
        %add3A_677 = arith.addi %mul3A_556, %add3A_676 : i32
        %get3A_678 = arith.constant 7 : i32
        %get3A_679 = arith.index_cast %get3A_678 : i32 to index
        %get3A_680 = arith.index_cast %add3A_677 : i32 to index
        %get3A_681 = arith.constant 0 : index
        %get3A_682 = tpu.vector_load %arg6[%get3A_679, %get3A_680, %get3A_681] {strides = array<i32>} : memref<8x200x32xf32, #tpu.memory_space<vmem>>, vector<1x1x16xf32>,
        %get3A_683 = vector.shape_cast %get3A_682 : vector<1x1x16xf32> to vector<16xf32>
        %add3A_684 = arith.addf %add3A_644, %get3A_683 : vector<16xf32>
        %add3A_685 = arith.constant 6 : i32
        %add3A_686 = arith.addi %mul3A_556, %add3A_685 : i32
        %get3A_687 = arith.constant 7 : i32
        %get3A_688 = arith.index_cast %get3A_687 : i32 to index
        %get3A_689 = arith.index_cast %add3A_686 : i32 to index
        %get3A_690 = arith.constant 16 : index
        %get3A_691 = tpu.vector_load %arg6[%get3A_688, %get3A_689, %get3A_690] {strides = array<i32>} : memref<8x200x32xf32, #tpu.memory_space<vmem>>, vector<1x1x16xf32>,
        %get3A_692 = vector.shape_cast %get3A_691 : vector<1x1x16xf32> to vector<16xf32>
        %add3A_693 = arith.addf %add3A_653, %get3A_692 : vector<16xf32>
        %add3A_694 = arith.constant 6 : i32
        %add3A_695 = arith.addi %mul3A_556, %add3A_694 : i32
        %add3A_696 = arith.constant 1 : i32
        %add3A_697 = arith.addi %add3A_695, %add3A_696 : i32
        %get3A_698 = arith.constant 7 : i32
        %get3A_699 = arith.index_cast %get3A_698 : i32 to index
        %get3A_700 = arith.index_cast %add3A_697 : i32 to index
        %get3A_701 = arith.constant 0 : index
        %get3A_702 = tpu.vector_load %arg6[%get3A_699, %get3A_700, %get3A_701] {strides = array<i32>} : memref<8x200x32xf32, #tpu.memory_space<vmem>>, vector<1x1x16xf32>,
        %get3A_703 = vector.shape_cast %get3A_702 : vector<1x1x16xf32> to vector<16xf32>
        %add3A_704 = arith.addf %add3A_664, %get3A_703 : vector<16xf32>
        %add3A_705 = arith.constant 6 : i32
        %add3A_706 = arith.addi %mul3A_556, %add3A_705 : i32
        %add3A_707 = arith.constant 1 : i32
        %add3A_708 = arith.addi %add3A_706, %add3A_707 : i32
        %get3A_709 = arith.constant 7 : i32
        %get3A_710 = arith.index_cast %get3A_709 : i32 to index
        %get3A_711 = arith.index_cast %add3A_708 : i32 to index
        %get3A_712 = arith.constant 16 : index
        %get3A_713 = tpu.vector_load %arg6[%get3A_710, %get3A_711, %get3A_712] {strides = array<i32>} : memref<8x200x32xf32, #tpu.memory_space<vmem>>, vector<1x1x16xf32>,
        %get3A_714 = vector.shape_cast %get3A_713 : vector<1x1x16xf32> to vector<16xf32>
        %add3A_715 = arith.addf %add3A_675, %get3A_714 : vector<16xf32>
        %add3A_716 = arith.constant 8 : i32
        %add3A_717 = arith.addi %mul3A_556, %add3A_716 : i32
        %get3A_718 = arith.constant 7 : i32
        %get3A_719 = arith.index_cast %get3A_718 : i32 to index
        %get3A_720 = arith.index_cast %add3A_717 : i32 to index
        %get3A_721 = arith.constant 0 : index
        %get3A_722 = tpu.vector_load %arg6[%get3A_719, %get3A_720, %get3A_721] {strides = array<i32>} : memref<8x200x32xf32, #tpu.memory_space<vmem>>, vector<1x1x16xf32>,
        %get3A_723 = vector.shape_cast %get3A_722 : vector<1x1x16xf32> to vector<16xf32>
        %add3A_724 = arith.addf %add3A_684, %get3A_723 : vector<16xf32>
        %add3A_725 = arith.constant 8 : i32
        %add3A_726 = arith.addi %mul3A_556, %add3A_725 : i32
        %get3A_727 = arith.constant 7 : i32
        %get3A_728 = arith.index_cast %get3A_727 : i32 to index
        %get3A_729 = arith.index_cast %add3A_726 : i32 to index
        %get3A_730 = arith.constant 16 : index
        %get3A_731 = tpu.vector_load %arg6[%get3A_728, %get3A_729, %get3A_730] {strides = array<i32>} : memref<8x200x32xf32, #tpu.memory_space<vmem>>, vector<1x1x16xf32>,
        %get3A_732 = vector.shape_cast %get3A_731 : vector<1x1x16xf32> to vector<16xf32>
        %add3A_733 = arith.addf %add3A_693, %get3A_732 : vector<16xf32>
        %add3A_734 = arith.constant 8 : i32
        %add3A_735 = arith.addi %mul3A_556, %add3A_734 : i32
        %add3A_736 = arith.constant 1 : i32
        %add3A_737 = arith.addi %add3A_735, %add3A_736 : i32
        %get3A_738 = arith.constant 7 : i32
        %get3A_739 = arith.index_cast %get3A_738 : i32 to index
        %get3A_740 = arith.index_cast %add3A_737 : i32 to index
        %get3A_741 = arith.constant 0 : index
        %get3A_742 = tpu.vector_load %arg6[%get3A_739, %get3A_740, %get3A_741] {strides = array<i32>} : memref<8x200x32xf32, #tpu.memory_space<vmem>>, vector<1x1x16xf32>,
        %get3A_743 = vector.shape_cast %get3A_742 : vector<1x1x16xf32> to vector<16xf32>
        %add3A_744 = arith.addf %add3A_704, %get3A_743 : vector<16xf32>
        %add3A_745 = arith.constant 8 : i32
        %add3A_746 = arith.addi %mul3A_556, %add3A_745 : i32
        %add3A_747 = arith.constant 1 : i32
        %add3A_748 = arith.addi %add3A_746, %add3A_747 : i32
        %get3A_749 = arith.constant 7 : i32
        %get3A_750 = arith.index_cast %get3A_749 : i32 to index
        %get3A_751 = arith.index_cast %add3A_748 : i32 to index
        %get3A_752 = arith.constant 16 : index
        %get3A_753 = tpu.vector_load %arg6[%get3A_750, %get3A_751, %get3A_752] {strides = array<i32>} : memref<8x200x32xf32, #tpu.memory_space<vmem>>, vector<1x1x16xf32>,
        %get3A_754 = vector.shape_cast %get3A_753 : vector<1x1x16xf32> to vector<16xf32>
        %add3A_755 = arith.addf %add3A_715, %get3A_754 : vector<16xf32>
        %add3A_756 = arith.constant 10 : i32
        %add3A_757 = arith.addi %mul3A_556, %add3A_756 : i32
        %get3A_758 = arith.constant 7 : i32
        %get3A_759 = arith.index_cast %get3A_758 : i32 to index
        %get3A_760 = arith.index_cast %add3A_757 : i32 to index
        %get3A_761 = arith.constant 0 : index
        %get3A_762 = tpu.vector_load %arg6[%get3A_759, %get3A_760, %get3A_761] {strides = array<i32>} : memref<8x200x32xf32, #tpu.memory_space<vmem>>, vector<1x1x16xf32>,
        %get3A_763 = vector.shape_cast %get3A_762 : vector<1x1x16xf32> to vector<16xf32>
        %add3A_764 = arith.addf %add3A_724, %get3A_763 : vector<16xf32>
        %add3A_765 = arith.constant 10 : i32
        %add3A_766 = arith.addi %mul3A_556, %add3A_765 : i32
        %get3A_767 = arith.constant 7 : i32
        %get3A_768 = arith.index_cast %get3A_767 : i32 to index
        %get3A_769 = arith.index_cast %add3A_766 : i32 to index
        %get3A_770 = arith.constant 16 : index
        %get3A_771 = tpu.vector_load %arg6[%get3A_768, %get3A_769, %get3A_770] {strides = array<i32>} : memref<8x200x32xf32, #tpu.memory_space<vmem>>, vector<1x1x16xf32>,
        %get3A_772 = vector.shape_cast %get3A_771 : vector<1x1x16xf32> to vector<16xf32>
        %add3A_773 = arith.addf %add3A_733, %get3A_772 : vector<16xf32>
        %add3A_774 = arith.constant 10 : i32
        %add3A_775 = arith.addi %mul3A_556, %add3A_774 : i32
        %add3A_776 = arith.constant 1 : i32
        %add3A_777 = arith.addi %add3A_775, %add3A_776 : i32
        %get3A_778 = arith.constant 7 : i32
        %get3A_779 = arith.index_cast %get3A_778 : i32 to index
        %get3A_780 = arith.index_cast %add3A_777 : i32 to index
        %get3A_781 = arith.constant 0 : index
        %get3A_782 = tpu.vector_load %arg6[%get3A_779, %get3A_780, %get3A_781] {strides = array<i32>} : memref<8x200x32xf32, #tpu.memory_space<vmem>>, vector<1x1x16xf32>,
        %get3A_783 = vector.shape_cast %get3A_782 : vector<1x1x16xf32> to vector<16xf32>
        %add3A_784 = arith.addf %add3A_744, %get3A_783 : vector<16xf32>
        %add3A_785 = arith.constant 10 : i32
        %add3A_786 = arith.addi %mul3A_556, %add3A_785 : i32
        %add3A_787 = arith.constant 1 : i32
        %add3A_788 = arith.addi %add3A_786, %add3A_787 : i32
        %get3A_789 = arith.constant 7 : i32
        %get3A_790 = arith.index_cast %get3A_789 : i32 to index
        %get3A_791 = arith.index_cast %add3A_788 : i32 to index
        %get3A_792 = arith.constant 16 : index
        %get3A_793 = tpu.vector_load %arg6[%get3A_790, %get3A_791, %get3A_792] {strides = array<i32>} : memref<8x200x32xf32, #tpu.memory_space<vmem>>, vector<1x1x16xf32>,
        %get3A_794 = vector.shape_cast %get3A_793 : vector<1x1x16xf32> to vector<16xf32>
        %add3A_795 = arith.addf %add3A_755, %get3A_794 : vector<16xf32>
        %add3A_796 = arith.constant 12 : i32
        %add3A_797 = arith.addi %mul3A_556, %add3A_796 : i32
        %get3A_798 = arith.constant 7 : i32
        %get3A_799 = arith.index_cast %get3A_798 : i32 to index
        %get3A_800 = arith.index_cast %add3A_797 : i32 to index
        %get3A_801 = arith.constant 0 : index
        %get3A_802 = tpu.vector_load %arg6[%get3A_799, %get3A_800, %get3A_801] {strides = array<i32>} : memref<8x200x32xf32, #tpu.memory_space<vmem>>, vector<1x1x16xf32>,
        %get3A_803 = vector.shape_cast %get3A_802 : vector<1x1x16xf32> to vector<16xf32>
        %add3A_804 = arith.addf %add3A_764, %get3A_803 : vector<16xf32>
        %add3A_805 = arith.constant 12 : i32
        %add3A_806 = arith.addi %mul3A_556, %add3A_805 : i32
        %get3A_807 = arith.constant 7 : i32
        %get3A_808 = arith.index_cast %get3A_807 : i32 to index
        %get3A_809 = arith.index_cast %add3A_806 : i32 to index
        %get3A_810 = arith.constant 16 : index
        %get3A_811 = tpu.vector_load %arg6[%get3A_808, %get3A_809, %get3A_810] {strides = array<i32>} : memref<8x200x32xf32, #tpu.memory_space<vmem>>, vector<1x1x16xf32>,
        %get3A_812 = vector.shape_cast %get3A_811 : vector<1x1x16xf32> to vector<16xf32>
        %add3A_813 = arith.addf %add3A_773, %get3A_812 : vector<16xf32>
        %add3A_814 = arith.constant 12 : i32
        %add3A_815 = arith.addi %mul3A_556, %add3A_814 : i32
        %add3A_816 = arith.constant 1 : i32
        %add3A_817 = arith.addi %add3A_815, %add3A_816 : i32
        %get3A_818 = arith.constant 7 : i32
        %get3A_819 = arith.index_cast %get3A_818 : i32 to index
        %get3A_820 = arith.index_cast %add3A_817 : i32 to index
        %get3A_821 = arith.constant 0 : index
        %get3A_822 = tpu.vector_load %arg6[%get3A_819, %get3A_820, %get3A_821] {strides = array<i32>} : memref<8x200x32xf32, #tpu.memory_space<vmem>>, vector<1x1x16xf32>,
        %get3A_823 = vector.shape_cast %get3A_822 : vector<1x1x16xf32> to vector<16xf32>
        %add3A_824 = arith.addf %add3A_784, %get3A_823 : vector<16xf32>
        %add3A_825 = arith.constant 12 : i32
        %add3A_826 = arith.addi %mul3A_556, %add3A_825 : i32
        %add3A_827 = arith.constant 1 : i32
        %add3A_828 = arith.addi %add3A_826, %add3A_827 : i32
        %get3A_829 = arith.constant 7 : i32
        %get3A_830 = arith.index_cast %get3A_829 : i32 to index
        %get3A_831 = arith.index_cast %add3A_828 : i32 to index
        %get3A_832 = arith.constant 16 : index
        %get3A_833 = tpu.vector_load %arg6[%get3A_830, %get3A_831, %get3A_832] {strides = array<i32>} : memref<8x200x32xf32, #tpu.memory_space<vmem>>, vector<1x1x16xf32>,
        %get3A_834 = vector.shape_cast %get3A_833 : vector<1x1x16xf32> to vector<16xf32>
        %add3A_835 = arith.addf %add3A_795, %get3A_834 : vector<16xf32>
        %add3A_836 = arith.constant 14 : i32
        %add3A_837 = arith.addi %mul3A_556, %add3A_836 : i32
        %get3A_838 = arith.constant 7 : i32
        %get3A_839 = arith.index_cast %get3A_838 : i32 to index
        %get3A_840 = arith.index_cast %add3A_837 : i32 to index
        %get3A_841 = arith.constant 0 : index
        %get3A_842 = tpu.vector_load %arg6[%get3A_839, %get3A_840, %get3A_841] {strides = array<i32>} : memref<8x200x32xf32, #tpu.memory_space<vmem>>, vector<1x1x16xf32>,
        %get3A_843 = vector.shape_cast %get3A_842 : vector<1x1x16xf32> to vector<16xf32>
        %add3A_844 = arith.addf %add3A_804, %get3A_843 : vector<16xf32>
        %add3A_845 = arith.constant 14 : i32
        %add3A_846 = arith.addi %mul3A_556, %add3A_845 : i32
        %get3A_847 = arith.constant 7 : i32
        %get3A_848 = arith.index_cast %get3A_847 : i32 to index
        %get3A_849 = arith.index_cast %add3A_846 : i32 to index
        %get3A_850 = arith.constant 16 : index
        %get3A_851 = tpu.vector_load %arg6[%get3A_848, %get3A_849, %get3A_850] {strides = array<i32>} : memref<8x200x32xf32, #tpu.memory_space<vmem>>, vector<1x1x16xf32>,
        %get3A_852 = vector.shape_cast %get3A_851 : vector<1x1x16xf32> to vector<16xf32>
        %add3A_853 = arith.addf %add3A_813, %get3A_852 : vector<16xf32>
        %add3A_854 = arith.constant 14 : i32
        %add3A_855 = arith.addi %mul3A_556, %add3A_854 : i32
        %add3A_856 = arith.constant 1 : i32
        %add3A_857 = arith.addi %add3A_855, %add3A_856 : i32
        %get3A_858 = arith.constant 7 : i32
        %get3A_859 = arith.index_cast %get3A_858 : i32 to index
        %get3A_860 = arith.index_cast %add3A_857 : i32 to index
        %get3A_861 = arith.constant 0 : index
        %get3A_862 = tpu.vector_load %arg6[%get3A_859, %get3A_860, %get3A_861] {strides = array<i32>} : memref<8x200x32xf32, #tpu.memory_space<vmem>>, vector<1x1x16xf32>,
        %get3A_863 = vector.shape_cast %get3A_862 : vector<1x1x16xf32> to vector<16xf32>
        %add3A_864 = arith.addf %add3A_824, %get3A_863 : vector<16xf32>
        %add3A_865 = arith.constant 14 : i32
        %add3A_866 = arith.addi %mul3A_556, %add3A_865 : i32
        %add3A_867 = arith.constant 1 : i32
        %add3A_868 = arith.addi %add3A_866, %add3A_867 : i32
        %get3A_869 = arith.constant 7 : i32
        %get3A_870 = arith.index_cast %get3A_869 : i32 to index
        %get3A_871 = arith.index_cast %add3A_868 : i32 to index
        %get3A_872 = arith.constant 16 : index
        %get3A_873 = tpu.vector_load %arg6[%get3A_870, %get3A_871, %get3A_872] {strides = array<i32>} : memref<8x200x32xf32, #tpu.memory_space<vmem>>, vector<1x1x16xf32>,
        %get3A_874 = vector.shape_cast %get3A_873 : vector<1x1x16xf32> to vector<16xf32>
        %add3A_875 = arith.addf %add3A_835, %get3A_874 : vector<16xf32>
        %add3A_876 = arith.constant 16 : i32
        %add3A_877 = arith.addi %mul3A_556, %add3A_876 : i32
        %get3A_878 = arith.constant 7 : i32
        %get3A_879 = arith.index_cast %get3A_878 : i32 to index
        %get3A_880 = arith.index_cast %add3A_877 : i32 to index
        %get3A_881 = arith.constant 0 : index
        %get3A_882 = tpu.vector_load %arg6[%get3A_879, %get3A_880, %get3A_881] {strides = array<i32>} : memref<8x200x32xf32, #tpu.memory_space<vmem>>, vector<1x1x16xf32>,
        %get3A_883 = vector.shape_cast %get3A_882 : vector<1x1x16xf32> to vector<16xf32>
        %add3A_884 = arith.addf %add3A_844, %get3A_883 : vector<16xf32>
        %add3A_885 = arith.constant 16 : i32
        %add3A_886 = arith.addi %mul3A_556, %add3A_885 : i32
        %get3A_887 = arith.constant 7 : i32
        %get3A_888 = arith.index_cast %get3A_887 : i32 to index
        %get3A_889 = arith.index_cast %add3A_886 : i32 to index
        %get3A_890 = arith.constant 16 : index
        %get3A_891 = tpu.vector_load %arg6[%get3A_888, %get3A_889, %get3A_890] {strides = array<i32>} : memref<8x200x32xf32, #tpu.memory_space<vmem>>, vector<1x1x16xf32>,
        %get3A_892 = vector.shape_cast %get3A_891 : vector<1x1x16xf32> to vector<16xf32>
        %add3A_893 = arith.addf %add3A_853, %get3A_892 : vector<16xf32>
        %add3A_894 = arith.constant 16 : i32
        %add3A_895 = arith.addi %mul3A_556, %add3A_894 : i32
        %add3A_896 = arith.constant 1 : i32
        %add3A_897 = arith.addi %add3A_895, %add3A_896 : i32
        %get3A_898 = arith.constant 7 : i32
        %get3A_899 = arith.index_cast %get3A_898 : i32 to index
        %get3A_900 = arith.index_cast %add3A_897 : i32 to index
        %get3A_901 = arith.constant 0 : index
        %get3A_902 = tpu.vector_load %arg6[%get3A_899, %get3A_900, %get3A_901] {strides = array<i32>} : memref<8x200x32xf32, #tpu.memory_space<vmem>>, vector<1x1x16xf32>,
        %get3A_903 = vector.shape_cast %get3A_902 : vector<1x1x16xf32> to vector<16xf32>
        %add3A_904 = arith.addf %add3A_864, %get3A_903 : vector<16xf32>
        %add3A_905 = arith.constant 16 : i32
        %add3A_906 = arith.addi %mul3A_556, %add3A_905 : i32
        %add3A_907 = arith.constant 1 : i32
        %add3A_908 = arith.addi %add3A_906, %add3A_907 : i32
        %get3A_909 = arith.constant 7 : i32
        %get3A_910 = arith.index_cast %get3A_909 : i32 to index
        %get3A_911 = arith.index_cast %add3A_908 : i32 to index
        %get3A_912 = arith.constant 16 : index
        %get3A_913 = tpu.vector_load %arg6[%get3A_910, %get3A_911, %get3A_912] {strides = array<i32>} : memref<8x200x32xf32, #tpu.memory_space<vmem>>, vector<1x1x16xf32>,
        %get3A_914 = vector.shape_cast %get3A_913 : vector<1x1x16xf32> to vector<16xf32>
        %add3A_915 = arith.addf %add3A_875, %get3A_914 : vector<16xf32>
        %add3A_916 = arith.constant 18 : i32
        %add3A_917 = arith.addi %mul3A_556, %add3A_916 : i32
        %get3A_918 = arith.constant 7 : i32
        %get3A_919 = arith.index_cast %get3A_918 : i32 to index
        %get3A_920 = arith.index_cast %add3A_917 : i32 to index
        %get3A_921 = arith.constant 0 : index
        %get3A_922 = tpu.vector_load %arg6[%get3A_919, %get3A_920, %get3A_921] {strides = array<i32>} : memref<8x200x32xf32, #tpu.memory_space<vmem>>, vector<1x1x16xf32>,
        %get3A_923 = vector.shape_cast %get3A_922 : vector<1x1x16xf32> to vector<16xf32>
        %add3A_924 = arith.addf %add3A_884, %get3A_923 : vector<16xf32>
        %add3A_925 = arith.constant 18 : i32
        %add3A_926 = arith.addi %mul3A_556, %add3A_925 : i32
        %get3A_927 = arith.constant 7 : i32
        %get3A_928 = arith.index_cast %get3A_927 : i32 to index
        %get3A_929 = arith.index_cast %add3A_926 : i32 to index
        %get3A_930 = arith.constant 16 : index
        %get3A_931 = tpu.vector_load %arg6[%get3A_928, %get3A_929, %get3A_930] {strides = array<i32>} : memref<8x200x32xf32, #tpu.memory_space<vmem>>, vector<1x1x16xf32>,
        %get3A_932 = vector.shape_cast %get3A_931 : vector<1x1x16xf32> to vector<16xf32>
        %add3A_933 = arith.addf %add3A_893, %get3A_932 : vector<16xf32>
        %add3A_934 = arith.constant 18 : i32
        %add3A_935 = arith.addi %mul3A_556, %add3A_934 : i32
        %add3A_936 = arith.constant 1 : i32
        %add3A_937 = arith.addi %add3A_935, %add3A_936 : i32
        %get3A_938 = arith.constant 7 : i32
        %get3A_939 = arith.index_cast %get3A_938 : i32 to index
        %get3A_940 = arith.index_cast %add3A_937 : i32 to index
        %get3A_941 = arith.constant 0 : index
        %get3A_942 = tpu.vector_load %arg6[%get3A_939, %get3A_940, %get3A_941] {strides = array<i32>} : memref<8x200x32xf32, #tpu.memory_space<vmem>>, vector<1x1x16xf32>,
        %get3A_943 = vector.shape_cast %get3A_942 : vector<1x1x16xf32> to vector<16xf32>
        %add3A_944 = arith.addf %add3A_904, %get3A_943 : vector<16xf32>
        %add3A_945 = arith.constant 18 : i32
        %add3A_946 = arith.addi %mul3A_556, %add3A_945 : i32
        %add3A_947 = arith.constant 1 : i32
        %add3A_948 = arith.addi %add3A_946, %add3A_947 : i32
        %get3A_949 = arith.constant 7 : i32
        %get3A_950 = arith.index_cast %get3A_949 : i32 to index
        %get3A_951 = arith.index_cast %add3A_948 : i32 to index
        %get3A_952 = arith.constant 16 : index
        %get3A_953 = tpu.vector_load %arg6[%get3A_950, %get3A_951, %get3A_952] {strides = array<i32>} : memref<8x200x32xf32, #tpu.memory_space<vmem>>, vector<1x1x16xf32>,
        %get3A_954 = vector.shape_cast %get3A_953 : vector<1x1x16xf32> to vector<16xf32>
        %add3A_955 = arith.addf %add3A_915, %get3A_954 : vector<16xf32>
        scf.yield %add3A_924, %add3A_933, %add3A_944, %add3A_955 : vector<16xf32>, vector<16xf32>, vector<16xf32>, vector<16xf32>
      }
      %scan3A_530 = arith.constant 10 : i32
      %add3A_531 = arith.addf %scan3A_529#0, %scan3A_529#2 : vector<16xf32>
      %swap3A_532 = arith.index_cast %add3A_509 : i32 to index
      %swap3A_533 = arith.constant 0 : index
      %swap3A_534 = tpu.vector_load %arg7[%swap3A_532, %swap3A_533] {strides = array<i32>} : memref<128x32xf32, #tpu.memory_space<vmem>>, vector<1x16xf32>,
      %swap3A_535 = vector.shape_cast %swap3A_534 : vector<1x16xf32> to vector<16xf32>
      %swap3A_536 = vector.shape_cast %add3A_531 : vector<16xf32> to vector<1x16xf32>
      tpu.vector_store %arg7[%swap3A_532, %swap3A_533], %swap3A_536 {strides = array<i32>} : memref<128x32xf32, #tpu.memory_space<vmem>>, vector<1x16xf32>,
      %add3A_537 = arith.addf %scan3A_529#1, %scan3A_529#3 : vector<16xf32>
      %swap3A_538 = arith.index_cast %add3A_509 : i32 to index
      %swap3A_539 = arith.constant 16 : index
      %swap3A_540 = tpu.vector_load %arg7[%swap3A_538, %swap3A_539] {strides = array<i32>} : memref<128x32xf32, #tpu.memory_space<vmem>>, vector<1x16xf32>,
      %swap3A_541 = vector.shape_cast %swap3A_540 : vector<1x16xf32> to vector<16xf32>
      %swap3A_542 = vector.shape_cast %add3A_537 : vector<16xf32> to vector<1x16xf32>
      tpu.vector_store %arg7[%swap3A_538, %swap3A_539], %swap3A_542 {strides = array<i32>} : memref<128x32xf32, #tpu.memory_space<vmem>>, vector<1x16xf32>,
      %add3A_543 = arith.constant 8 : i32
      %add3A_544 = arith.addi %add3A_509, %add3A_543 : i32
      %lt3A_545 = arith.constant 128 : i32
      %lt3A_546 = arith.cmpi slt, %add3A_544, %lt3A_545 : i32
      %convert_element_type3A_547 = arith.extui %lt3A_546 : i1 to i32
      %cond3A_548 = arith.constant 0 : i32
      %cond3A_549 = arith.cmpi ne, %convert_element_type3A_547, %cond3A_548 : i32
      scf.if %cond3A_549 {
        %dma_start3A_550 = arith.constant 7 : i32
        %dma_start3A_551 = arith.constant 0 : i32
        %dma_start3A_552 = arith.constant 0 : i32
        %dma_start3A_553 = tpu.memref_slice %arg6[%dma_start3A_550, %dma_start3A_551, %dma_start3A_552] : memref<8x200x32xf32, #tpu.memory_space<vmem>> -> memref<1x104x32xf32, #tpu.memory_space<vmem>>
        %dma_start3A_554 = tpu.memref_squeeze %dma_start3A_553 : memref<1x104x32xf32, #tpu.memory_space<vmem>> -> memref<104x32xf32, #tpu.memory_space<vmem>>
        %dma_start3A_555 = arith.constant 0 : i32
        %dma_start3A_556 = tpu.memref_slice %arg5[%add3A_544, %dma_start3A_555] : memref<128x200xi32, #tpu.memory_space<vmem>> -> memref<1x104xi32, #tpu.memory_space<vmem>>
        %dma_start3A_557 = tpu.memref_squeeze %dma_start3A_556 : memref<1x104xi32, #tpu.memory_space<vmem>> -> memref<104xi32, #tpu.memory_space<vmem>>
        %dma_start3A_558 = arith.constant 0 : i32
        %dma_start3A_559 = arith.constant 0 : i32
        %dma_start3A_560 = tpu.memref_slice %arg3[%dma_start3A_558, %dma_start3A_559] : memref<1000000x32xf32, #tpu.memory_space<hbm>> -> memref<1000000x32xf32, #tpu.memory_space<hbm>>
        tpu.enqueue_indirect_dma source(%dma_start3A_560 : memref<1000000x32xf32, #tpu.memory_space<hbm>>) target(%dma_start3A_554 : memref<104x32xf32, #tpu.memory_space<vmem>>) offsets(%dma_start3A_557 : memref<104xi32, #tpu.memory_space<vmem>>) semaphore(%arg15 : memref<!tpu.dma_semaphore, #tpu.memory_space<semaphore_mem>>)
        %dma_start3A_561 = arith.constant 7 : i32
        %dma_start3A_562 = arith.constant 104 : i32
        %dma_start3A_563 = arith.constant 0 : i32
        %dma_start3A_564 = tpu.memref_slice %arg6[%dma_start3A_561, %dma_start3A_562, %dma_start3A_563] : memref<8x200x32xf32, #tpu.memory_space<vmem>> -> memref<1x96x32xf32, #tpu.memory_space<vmem>>
        %dma_start3A_565 = tpu.memref_squeeze %dma_start3A_564 : memref<1x96x32xf32, #tpu.memory_space<vmem>> -> memref<96x32xf32, #tpu.memory_space<vmem>>
        %dma_start3A_566 = arith.constant 104 : i32
        %dma_start3A_567 = tpu.memref_slice %arg5[%add3A_544, %dma_start3A_566] : memref<128x200xi32, #tpu.memory_space<vmem>> -> memref<1x96xi32, #tpu.memory_space<vmem>>
        %dma_start3A_568 = tpu.memref_squeeze %dma_start3A_567 : memref<1x96xi32, #tpu.memory_space<vmem>> -> memref<96xi32, #tpu.memory_space<vmem>>
        %dma_start3A_569 = arith.constant 0 : i32
        %dma_start3A_570 = arith.constant 0 : i32
        %dma_start3A_571 = tpu.memref_slice %arg3[%dma_start3A_569, %dma_start3A_570] : memref<1000000x32xf32, #tpu.memory_space<hbm>> -> memref<1000000x32xf32, #tpu.memory_space<hbm>>
        tpu.enqueue_indirect_dma source(%dma_start3A_571 : memref<1000000x32xf32, #tpu.memory_space<hbm>>) target(%dma_start3A_565 : memref<96x32xf32, #tpu.memory_space<vmem>>) offsets(%dma_start3A_568 : memref<96xi32, #tpu.memory_space<vmem>>) semaphore(%arg15 : memref<!tpu.dma_semaphore, #tpu.memory_space<semaphore_mem>>)
      } else {
      }
    }
    %scan3A_199 = arith.constant 16 : i32
    %mul3A_200 = arith.constant 128 : i32
    %mul3A_201 = arith.muli %add3A, %mul3A_200 : i32
    "tpu.region"() ({
      %run_scoped3A = tpu.sem_alloc : memref<!tpu.dma_semaphore, #tpu.memory_space<semaphore_mem>>
      %dma_start3A_202 = arith.constant 0 : i32
      %dma_start3A_203 = tpu.memref_slice %arg4[%mul3A_201, %dma_start3A_202] : memref<4096x32xf32, #tpu.memory_space<hbm>> -> memref<128x32xf32, #tpu.memory_space<hbm>>
      %dma_start3A_204 = arith.constant 0 : i32
      %dma_start3A_205 = tpu.memref_slice %arg4[%mul3A_201, %dma_start3A_204] : memref<4096x32xf32, #tpu.memory_space<hbm>> -> memref<128x32xf32, #tpu.memory_space<hbm>>
      tpu.enqueue_dma source(%arg7 : memref<128x32xf32, #tpu.memory_space<vmem>>) target(%dma_start3A_205 : memref<128x32xf32, #tpu.memory_space<hbm>>) target_semaphore(%run_scoped3A : memref<!tpu.dma_semaphore, #tpu.memory_space<semaphore_mem>>)
      %dma_wait3A = arith.constant 0 : i32
      %dma_wait3A_206 = tpu.memref_slice %arg4[%mul3A_201, %dma_wait3A] : memref<4096x32xf32, #tpu.memory_space<hbm>> -> memref<128x32xf32, #tpu.memory_space<hbm>>
      %dma_wait3A_207 = arith.constant 0 : i32
      %dma_wait3A_208 = tpu.memref_slice %arg4[%mul3A_201, %dma_wait3A_207] : memref<4096x32xf32, #tpu.memory_space<hbm>> -> memref<128x32xf32, #tpu.memory_space<hbm>>
      tpu.wait_dma2 semaphore(%run_scoped3A : memref<!tpu.dma_semaphore, #tpu.memory_space<semaphore_mem>>) src(%arg7 : memref<128x32xf32, #tpu.memory_space<vmem>>) dst(%dma_wait3A_208 : memref<128x32xf32, #tpu.memory_space<hbm>>)
      tpu.yield
    }) : () -> ()
    return
  }
}

module attributes {stable_mosaic.version = 14 : i64} {
  func.func @body(%arg0: memref<4096x32xf32, #tpu.memory_space<vmem>>, %arg1: memref<4096x1xi32, #tpu.memory_space<vmem>>, %arg2: memref<100x32xf32, #tpu.memory_space<vmem>>, %arg3: memref<1x100xf32, #tpu.memory_space<vmem>>, %arg4: memref<4096x100xf32, #tpu.memory_space<vmem>>) attributes {dimension_semantics = [], scalar_prefetch = 0 : i64, scratch_operands = 0 : i64, tpu.core_type = #tpu.core_type<tc>} {
    %get3A = arith.constant 0 : index
    %get3A_0 = arith.constant 0 : index
    %get3A_1 = vector.load %arg0[%get3A, %get3A_0] : memref<4096x32xf32, #tpu.memory_space<vmem>>, vector<4096x32xf32>
    %get3A_2 = arith.constant 0 : index
    %get3A_3 = arith.constant 0 : index
    %get3A_4 = vector.load %arg2[%get3A_2, %get3A_3] : memref<100x32xf32, #tpu.memory_space<vmem>>, vector<100x32xf32>
    %dot_general3A = arith.constant dense<0.000000e+00> : vector<4096x100xf32>
    %dot_general3A_5 = tpu.matmul %get3A_1, %get3A_4, %dot_general3A {dimension_numbers = #tpu.dot_dimension_numbers<[1], [1], [0], [0], [0, 0, 1, 0], [], []>, transpose_lhs_hint = false} : vector<4096x32xf32>, vector<100x32xf32>, vector<4096x100xf32> -> vector<4096x100xf32>
    %get3A_6 = arith.constant 0 : index
    %get3A_7 = arith.constant 0 : index
    %get3A_8 = vector.load %arg1[%get3A_6, %get3A_7] : memref<4096x1xi32, #tpu.memory_space<vmem>>, vector<4096x1xi32>
    %convert_element_type3A = arith.sitofp %get3A_8 : vector<4096x1xi32> to vector<4096x1xf32>
    %max3A = arith.constant 1.000000e+00 : f32
    %max3A_9 = vector.broadcast %max3A : f32 to vector<4096x1xf32>
    %max3A_10 = arith.maximumf %convert_element_type3A, %max3A_9 : vector<4096x1xf32>
    %div3A = arith.constant 1.000000e+00 : f32
    %div3A_11 = vector.broadcast %div3A : f32 to vector<4096x1xf32>
    %div3A_12 = arith.divf %div3A_11, %max3A_10 : vector<4096x1xf32>
    %mul3A = vector.broadcast %div3A_12 : vector<4096x1xf32> to vector<4096x100xf32>
    %mul3A_13 = arith.mulf %dot_general3A_5, %mul3A : vector<4096x100xf32>
    %get3A_14 = arith.constant 0 : index
    %get3A_15 = arith.constant 0 : index
    %get3A_16 = vector.load %arg3[%get3A_14, %get3A_15] : memref<1x100xf32, #tpu.memory_space<vmem>>, vector<1x100xf32>
    %add3A = vector.broadcast %get3A_16 : vector<1x100xf32> to vector<4096x100xf32>
    %add3A_17 = arith.addf %mul3A_13, %add3A : vector<4096x100xf32>
    %swap3A = arith.constant 0 : index
    %swap3A_18 = arith.constant 0 : index
    %swap3A_19 = vector.load %arg4[%swap3A, %swap3A_18] : memref<4096x100xf32, #tpu.memory_space<vmem>>, vector<4096x100xf32>
    tpu.vector_store %arg4[%swap3A, %swap3A_18], %add3A_17 {strides = array<i32>} : memref<4096x100xf32, #tpu.memory_space<vmem>>, vector<4096x100xf32>,
    return
  }
}

</mosaic_0001>

<sc_bundles>
// kernel: kernel.4.cloned.1.call-start
scs
__scs_entry_jumppad:
0x0: {  	(pc) =	sbr.rel $0x88, $3  }
0x1: {  	(tag) =	ssettag $0x0;
	lr =	simm.s32 $0x1  }
0x2: {  	[smem:$0x3F9C] =	sst lr;
	_ =	strace $0xD0000000  }
0x3: {  	_ = 	snop  }
0x4: {  	_ = 	snop  }
0x5: {  	_ = 	snop  }
0x6: {  	_ = 	snop  }
0x7: {  	_ = 	snop  }
__scs_overlays_trampoline_lowered:
0x8: {  	[smem:$0x3FAB] =	sst s0  }
0x9: {  	[smem:$0x3FAC] =	sst s1  }
0xa: {  	[smem:$0x3FAD] =	sst s2  }
0xb: {  	[smem:$0x3FAE] =	sst s3  }
0xc: {  	[smem:$0x3FAF] =	sst s4  }
0xd: {  	[smem:$0x3FB0] =	sst s5  }
0xe: {  	[smem:$0x3FB1] =	sst s6  }
0xf: {  	[smem:$0x3FB2] =	sst s7  }
0x10: {  	[smem:$0x3FB3] =	sst s8  }
0x11: {  	[smem:$0x3FB4] =	sst s9;
	s0 =	simm.s32 @!p0 $0x0  }
0x12: {  	s1 =	sld [smem:$0x3F9A];
	s0 =	simm.s32 @p0 $0x1  }
0x13: {  	[smem:$0x3FB5] =	sst s0;
	s0 =	simm.s32 @!p1 $0x0  }
0x14: {  	s2 =	sld [smem:$0x3F99];
	s0 =	simm.s32 @p1 $0x1  }
0x15: {  	[smem:$0x3FB6] =	sst s0;
	s0 =	simm.s32 @!p2 $0x0  }
0x16: {  	s3 =	sld [smem:$0x3FDB];
	s0 =	simm.s32 @p2 $0x1  }
0x17: {  	s4 =	simm.s32 $0x1BF5;
	[smem:$0x3FB8] =	sst s0  }
0x18: {  	s0 =	sld [smem:$0x3F9B];
	_ =	swait.ge [sflag:s4], $0x0  }
0x19: {  	s7 =	sld [smem:$0x3F9C]  }
0x1a: {  	s8 =	sadd.s32 $0xFFFFE003, lr  }
0x1b: {  	s9 =	sadd.s32 $0xFFFFFEF7, lr;
	s5 =	simm.s32 $0xFFFFFFFF;
	p2 =	slt.u32 s8, $0xFFFFF086  }
0x1c: {  	p1 =	slt.u32 s9, $0xF7A;
	s5 =	simm.s32 @!p2 $0x0  }
0x1d: {  	s5 =	simm.s32 @p1 $0x1;
	p0 =	seq.s32 s7, s2  }
0x1e: {  	s7 =	smul.u32 @!p0 $0xF7A, s2;
	p2 =	seq.s32 @!p0 s5, $0x0  }
0x1f: {  	s9 =	smul.u32 $0xF7A, s1;
	s8 =	simm.s32 @!p0 $0x1BF5;
	p2 =	por !p2, p0  }
0x20: {  	[sflag:s8] =	ssyncset.s32 @!p0 $0xFFFFF086;
	s6 =	sadd.s32 @!p0 s3, s7;
	s7 =	simm.s32 @!p0 $0x108  }
0x21: {  	s3 =	sadd.s32 s3, s9;
	s6 =	sadd.s32 @!p0 $0x88, s6;
	s7 =	simm.s32 @p2 $0x1082  }
0x22: {  	[simem:s7], [sflag:s8] =	dma.local @!p0 [hbm:s6], $0xF7A  }
0x23: {  	s9 =	sor.u32 $0xD0000000, s2;
	s6 =	simm.s32 $0x108;
	_ =	swait.ge @!p0 [sflag:s8], $0x0  }
0x24: {  	s3 =	sadd.s32 $0x88, s3;
	s6 =	simm.s32 @!p1 $0x1082;
	[sflag:s4] =	ssyncset.s32 $0xFFFFF086  }
0x25: {  	[simem:s6], [sflag:s4] =	dma.local [hbm:s3], $0xF7A  }
0x26: {  	[smem:$0x3F9C] =	sst s1;
	(tag) =	ssettag s2;
	_ =	strace s9  }
0x27: {  	s1 =	sld [smem:$0x3FAC]  }
0x28: {  	s2 =	sld [smem:$0x3FAD]  }
0x29: {  	s4 =	sld [smem:$0x3FAF]  }
0x2a: {  	p0 =	seq.s32 s5, $0x0;
	s5 =	sld [smem:$0x3FB0]  }
0x2b: {  	s6 =	sld [smem:$0x3FB1]  }
0x2c: {  	s7 =	sld [smem:$0x3FB2]  }
0x2d: {  	s3 =	simm.s32 $0x108;
	s8 =	sld [smem:$0x3FB3]  }
0x2e: {  	s3 =	simm.s32 @!p0 $0x1082;
	s9 =	sld [smem:$0x3FB4]  }
0x2f: {  	lr =	sadd.s32 s0, s3;
	s0 =	sld [smem:$0x3FAB]  }
0x30: {  	s3 =	sld [smem:$0x3FAE]  }
0x31: {  	[smem:$0x3FB7] =	sst s10  }
0x32: {  	s10 =	sld [smem:$0x3FB5];
	_ =	sdelay $0x3  }
0x33: {  	p0 =	seq.s32 s10, $0x1;
	s10 =	sld [smem:$0x3FB7];
	_ =	sdelay $0x3  }
0x34: {  	[smem:$0x3FB7] =	sst s10  }
0x35: {  	s10 =	sld [smem:$0x3FB6];
	_ =	sdelay $0x3  }
0x36: {  	p1 =	seq.s32 s10, $0x1;
	s10 =	sld [smem:$0x3FB7];
	_ =	sdelay $0x3  }
0x37: {  	[smem:$0x3FB7] =	sst s10  }
0x38: {  	s10 =	sld [smem:$0x3FB8]  }
0x39: {  	_ = 	snop;
	(pc) =	sbr.ind lr, $3  }
0x3a: {  	_ = 	snop  }
0x3b: {  	_ = 	snop  }
0x3c: {  	p2 =	seq.s32 s10, $0x1;
	s10 =	sld [smem:$0x3FB7]  }
0x3d: {  	_ =	shalt  }
0x3e: {  	_ =	shalt  }
0x3f: {  	_ =	shalt  }
0x40: {  	_ =	shalt  }
0x41: {  	_ =	shalt  }
0x42: {  	_ =	shalt  }
0x43: {  	_ =	shalt  }
0x44: {  	_ =	shalt  }
0x45: {  	_ =	shalt  }
0x46: {  	_ =	shalt  }
0x47: {  	_ =	shalt  }
0x48: {  	_ =	shalt  }
0x49: {  	_ =	shalt  }
0x4a: {  	_ =	shalt  }
0x4b: {  	_ =	shalt  }
0x4c: {  	_ =	shalt  }
0x4d: {  	_ =	shalt  }
0x4e: {  	_ =	shalt  }
0x4f: {  	_ =	shalt  }
0x50: {  	_ =	shalt  }
0x51: {  	_ =	shalt  }
0x52: {  	_ =	shalt  }
0x53: {  	_ =	shalt  }
0x54: {  	_ =	shalt  }
0x55: {  	_ =	shalt  }
0x56: {  	_ =	shalt  }
0x57: {  	_ =	shalt  }
0x58: {  	_ =	shalt  }
0x59: {  	_ =	shalt  }
0x5a: {  	_ =	shalt  }
0x5b: {  	_ =	shalt  }
0x5c: {  	_ =	shalt  }
0x5d: {  	_ =	shalt  }
0x5e: {  	_ =	shalt  }
0x5f: {  	_ =	shalt  }
0x60: {  	_ =	shalt  }
0x61: {  	_ =	shalt  }
0x62: {  	_ =	shalt  }
0x63: {  	_ =	shalt  }
0x64: {  	_ =	shalt  }
0x65: {  	_ =	shalt  }
0x66: {  	_ =	shalt  }
0x67: {  	_ =	shalt  }
0x68: {  	_ =	shalt  }
0x69: {  	_ =	shalt  }
0x6a: {  	_ =	shalt  }
0x6b: {  	_ =	shalt  }
0x6c: {  	_ =	shalt  }
0x6d: {  	_ =	shalt  }
0x6e: {  	_ =	shalt  }
0x6f: {  	_ =	shalt  }
0x70: {  	_ =	shalt  }
0x71: {  	_ =	shalt  }
0x72: {  	_ =	shalt  }
0x73: {  	_ =	shalt  }
0x74: {  	_ =	shalt  }
0x75: {  	_ =	shalt  }
0x76: {  	_ =	shalt  }
0x77: {  	_ =	shalt  }
0x78: {  	_ =	shalt  }
0x79: {  	_ =	shalt  }
0x7a: {  	_ =	shalt  }
0x7b: {  	_ =	shalt  }
0x7c: {  	_ =	shalt  }
0x7d: {  	_ =	shalt  }
0x7e: {  	_ =	shalt  }
0x7f: {  	_ =	shalt  }
0x80: {  	_ =	shalt  }
0x81: {  	_ =	shalt  }
0x82: {  	_ =	shalt  }
0x83: {  	_ =	shalt  }
0x84: {  	_ =	shalt  }
0x85: {  	_ =	shalt  }
0x86: {  	_ =	shalt  }
0x87: {  	_ =	shalt  }
.Lfunc_end0:
.L_simem_size_0:
called_computation_lowered:
.L_overlay_start_0:
0x88: {  	s2 =	sld [smem:$0x3FD9]  }
0x89: {  	s3 =	sld [smem:$0x3FFE];
	_ =	sdelay $0x1  }
0x8a: {  	s1 =	srdreg.scid  }
0x8b: {  	s0 =	sand.u32 $0x1, s1  }
0x8c: {  	s17 =	sshll.u32 s0, $0xA;
	s2 =	sadd.s32 s3, s2  }
0x8d: {  	s2 =	sadd.s32 s2, s17  }
0x8e: {  	[smem:$0x3FC3] =	sst s2  }
0x8f: {  	_ = 	snop  }
0x90: {  	s2 =	sld [smem:$0x3FD0];
	(tm) =	ssettm $0x1  }
0x91: {  	s18 =	sld [smem:$0x3FFB];
	_ =	sdelay $0x3  }
0x92: {  	_ =	strace s18  }
0x93: {  	s3 =	sld [smem:$0x3FFC];
	_ =	sdelay $0x3  }
0x94: {  	_ =	strace s3  }
0x95: {  	s3 =	sld [smem:$0x3FFD];
	_ =	sdelay $0x3  }
0x96: {  	_ =	strace s3  }
0x97: {  	_ =	strace $0x8FFFFFFF  }
0x98: {  	s19 =	sld [smem:$0x3FDB];
	_ =	sdelay $0x1  }
0x99: {  	s4 =	simm.s32 $_scs_section_size  }
0x9a: {  	s5 =	simm.s32 $_size__tile_overlayer_lowered;
	s6 =	simm.s32 $_tile_overlayer_lowered  }
0x9b: {  	s22 =	simm.s32 $0x1BFF;
	s21 =	sshll.u32 s6, $0x1;
	s3 =	sadd.s32 s4, s19  }
0x9c: {  	s7 =	simm.s32 $0x0;
	s20 =	sshll.u32 s5, $0x1;
	s5 =	sadd.s32 s21, s3  }
0x9d: {  	[timem:s7], [sflag:s22] =	dma.local [hbm:s5], s20  }
0x9e: {  	_ =	swait.ge [sflag:s22], s20  }
0x9f: {  	s4 =	ssub.s32 $0x0, s20;
	[sflag:s22] =	ssyncset.done $0x0  }
0xa0: {  	[sflag:s22] =	ssyncadd.s32 s4;
	_ =	sdelay $0x1  }
0xa1: {  	s23 =	simm.s32 $0x1B8B  }
0xa2: {  	_ =	swait.ge [sflag:s23], $0x1  }
0xa3: {  	[sflag:s23] =	ssyncset.done $0x0  }
0xa4: {  	s25 =	simm.s32 $0x1B8E;
	s24 =	sld [smem:$0x3FFE];
	[sflag:s23] =	ssyncadd.s32 $0xFFFFFFFF  }
0xa5: {  	s26 =	simm.s32 $execute0_lowered;
	[smem:$0x3FD2] =	sst s25  }
0xa6: {  	s5 =	sshll.u32 s26, $0x1;
	_ =	strace $0x80000046;
	[dreg:$0x1] =	wrdreg $0xFFFFFFFF  }
0xa7: {  	s28 =	simm.s32 $_size_execute0_lowered;
	s3 =	sadd.s32 s3, s5;
	[dreg:$0x0] =	wrdreg $0x0  }
0xa8: {  	s5 =	sshll.u32 s28, $0x1;
	[dreg:$0x2] =	wrdreg s3  }
0xa9: {  	[dreg:$0x3] =	wrdreg s5  }
0xaa: {  	[dreg:$0x4] =	wrdreg $0xC0  }
0xab: {  	_ =	task [dreg:s7], $0x5FFFF  }
0xac: {  	[dreg:$0x1] =	wrdreg $0xFFFFFFFF  }
0xad: {  	[dreg:$0x0] =	wrdreg $0x60  }
0xae: {  	[dreg:$0x2] =	wrdreg s24  }
0xaf: {  	[dreg:$0x3] =	wrdreg s2  }
0xb0: {  	[dreg:$0x4] =	wrdreg $0x9  }
0xb1: {  	_ =	task.clear_ibuf [dreg:s7], $0x5FFFF;
	_ =	strace $0x90000046  }
0xb2: {  	s29 =	simm.s32 $0x9;
	_ =	strace $0x80000048  }
0xb3: {  	_ =	swait.ge [sflag:s29], $0x1  }
0xb4: {  	[sflag:s29] =	ssyncadd.s32 $0xFFFFFFFF  }
0xb5: {  	_ =	strace $0x90000048  }
0xb6: {  	_ =	sfence  }
0xb7: {  	s30 =	sld [smem:$0x0];
	_ =	sdelay $0x2  }
0xb8: {  	s31 =	sshll.u32 s1, $0xD;
	s1 =	sshrl.u32 s1, $0x2  }
0xb9: {  	s3 =	sand.u32 $0x4000, s31;
	s1 =	sadd.s32 s1, s30  }
0xba: {  	s0 =	sor.u32 s3, s0;
	s1 =	sshll.u32 s1, $0x11  }
0xbb: {  	s0 =	sor.u32 s1, s0  }
0xbc: {  	s0 =	sadd.s32 $0x8F2B, s0  }
0xbd: {  	[sflag:s0] =	ssyncadd.remote.s32 $0x1  }
0xbe: {  	_ =	sfence.sel $0xFFFF  }
0xbf: {  	[dreg:$0x0] =	wrdreg $0xFFFFFFFF;
	(pc) =	sbr.abs _section_cstart, $3  }
0xc0: {  	[dreg:$0x1] =	wrdreg $0xFFFFFFFF  }
0xc1: {  	_ =	task.clear_ibuf [dreg:s7], $0x2FFFF;
	_ =	strace $0x9FFFFFFF  }
0xc2: {  	(tm) =	ssettm $0x7FFFFFFF  }
0xc3: {  	_ =	shalt  }
tec
execute0_lowered:
.L_overlay_start_1:
0x0: {  	(tag) =	ssettag $0x1  }
0x1: {  	s0 =	srdreg.scid  }
0x2: {  	s1 =	rddreg [dreg:$0x0];
	s2 =	stileid.u32  }
0x3: {  	s5 =	rddreg [dreg:$0x1];
	s7 =	simm.s32 $0x9;
	s8 =	simm.s32 $0x68  }
0x4: {  	s10 =	simm.s32 $0x60;
	s9 =	simm.s32 $0xFA00;
	s11 =	simm.s32 $0x518  }
0x5: {  	s12 =	simm.s32 $0x10700;
	s13 =	simm.s32 $0x578;
	s14 =	simm.s32 $0x11300  }
0x6: {  	s15 =	simm.s32 $0x5E0;
	s16 =	simm.s32 $0x12000;
	s17 =	simm.s32 $0x1  }
0x7: {  	s18 =	simm.s32 $0x2;
	s19 =	simm.s32 $0x3;
	s20 =	simm.s32 $0x4  }
0x8: {  	s21 =	simm.s32 $0x5;
	s22 =	simm.s32 $0x6;
	s23 =	simm.s32 $0x7  }
0x9: {  	s24 =	simm.s32 $0x8;
	s25 =	simm.s32 $0x12C00;
	s0 =	sand.u32 $0x1, s0  }
0xa: {  	s26 =	simm.s32 $0x0;
	s3 =	sshll.u32 s2, $0x8;
	s4 =	sshll.u32 s0, $0x7  }
.Ltmp0:
0xb: {  	s2 =	simm.s32 $0x0;
	s6 =	sor.u32 s4, s3;
	(pc) =	sbr.rel .LBB2_1-.Ltmp0, $4  }
0xc: {  	[smem:$0x7FF] =	sst s2;
	s0 =	ssub.s32 $0x2, s0;
	s3 =	smul.u32 $0x19, s6  }
0xd: {  	_ =	strace $0x80000047;
	s30 =	sshrl.u32 s0, $0x1;
	s31 =	sshll.u32 s6, $0x2  }
0xe: {  	s0 =	ssub.s32 s0, s30;
	s5 =	sadd.s32 s5, s31;
	s29 =	sadd.s32 s3, s1  }
0xf: {  	s6 =	smax.u32 s0, $0x1;
	s3 =	sadd.s32 $0xF43000, s1;
	s4 =	sadd.s32 $0xC00, s29  }
.LBB2_20:
0x10: {  	s26 =	sadd.s32 $0x1, s26  }
0x11: {  	p0 =	sne.s32 s26, s6  }
.Ltmp1:
0x12: {  	_ = 	snop;
	(pc) =	sbr.rel @!p0 .LBB2_21-.Ltmp1, $4  }
0x13: {  	[hbm4b:s5+s2] =	stream.linear.scatter [tilespmem:s25], [sflag:$0x9], $0x1000, $0x38;
	[tilespmem:$0x13C00] =	vst v63  }
0x14: {  	_ =	swait.ge [sflag:s7], $0x1000  }
0x15: {  	[sflag:s7] =	ssyncset.done $0x0  }
0x16: {  	[sflag:s7] =	ssyncadd.s32 $0xFFFFF000  }
.LBB2_1:
0x17: {  	[tilespmem:s2], [sflag:$0x9] =	stream.linear.gather [hbm4b:s4+s2], $0x6400, $0x38;
	[tilespmem:$0x13C00] =	vst v63  }
0x18: {  	_ =	swait.ge [sflag:s7], $0x6400  }
0x19: {  	[sflag:s7] =	ssyncset.done $0x0  }
0x1a: {  	s0 =	simm.s32 $0x6400;
	[sflag:s7] =	ssyncadd.s32 $0xFFFF9C00  }
0x1b: {  	[tilespmem:s0], [sflag:$0x1] =	stream.indirect.gather [hbm4b:s3+s8], $0x20, s2, s8, $0xb8;
	[tilespmem:$0x13C00] =	vst v63  }
0x1c: {  	s30 =	simm.s32 $0x7100  }
0x1d: {  	[tilespmem:s30], [sflag:$0x1] =	stream.indirect.gather [hbm4b:s3+s10], $0x20, s8, s10, $0xb8;
	[tilespmem:$0x13C00] =	vst v63  }
0x1e: {  	s31 =	simm.s32 $0xC8;
	s1 =	simm.s32 $0x7D00  }
0x1f: {  	[tilespmem:s1], [sflag:$0x2] =	stream.indirect.gather [hbm4b:s3+s8], $0x20, s31, s8, $0xb8;
	[tilespmem:$0x13C00] =	vst v63  }
0x20: {  	s29 =	simm.s32 $0x8A00;
	s1 =	simm.s32 $0x130  }
0x21: {  	[tilespmem:s29], [sflag:$0x2] =	stream.indirect.gather [hbm4b:s3+s10], $0x20, s1, s10, $0xb8;
	[tilespmem:$0x13C00] =	vst v63  }
0x22: {  	s30 =	simm.s32 $0x190;
	s31 =	simm.s32 $0x9600  }
0x23: {  	[tilespmem:s31], [sflag:$0x3] =	stream.indirect.gather [hbm4b:s3+s8], $0x20, s30, s8, $0xb8;
	[tilespmem:$0x13C00] =	vst v63  }
0x24: {  	s1 =	simm.s32 $0x1F8;
	s29 =	simm.s32 $0xA300  }
0x25: {  	[tilespmem:s29], [sflag:$0x3] =	stream.indirect.gather [hbm4b:s3+s10], $0x20, s1, s10, $0xb8;
	[tilespmem:$0x13C00] =	vst v63  }
0x26: {  	s30 =	simm.s32 $0x258;
	s31 =	simm.s32 $0xAF00  }
0x27: {  	[tilespmem:s31], [sflag:$0x4] =	stream.indirect.gather [hbm4b:s3+s8], $0x20, s30, s8, $0xb8;
	[tilespmem:$0x13C00] =	vst v63  }
0x28: {  	s1 =	simm.s32 $0x2C0;
	s29 =	simm.s32 $0xBC00  }
0x29: {  	[tilespmem:s29], [sflag:$0x4] =	stream.indirect.gather [hbm4b:s3+s10], $0x20, s1, s10, $0xb8;
	[tilespmem:$0x13C00] =	vst v63  }
0x2a: {  	s30 =	simm.s32 $0x320;
	s31 =	simm.s32 $0xC800  }
0x2b: {  	[tilespmem:s31], [sflag:$0x5] =	stream.indirect.gather [hbm4b:s3+s8], $0x20, s30, s8, $0xb8;
	[tilespmem:$0x13C00] =	vst v63  }
0x2c: {  	s1 =	simm.s32 $0x388;
	s29 =	simm.s32 $0xD500  }
0x2d: {  	[tilespmem:s29], [sflag:$0x5] =	stream.indirect.gather [hbm4b:s3+s10], $0x20, s1, s10, $0xb8;
	[tilespmem:$0x13C00] =	vst v63  }
0x2e: {  	s30 =	simm.s32 $0x3E8;
	s31 =	simm.s32 $0xE100  }
0x2f: {  	[tilespmem:s31], [sflag:$0x6] =	stream.indirect.gather [hbm4b:s3+s8], $0x20, s30, s8, $0xb8;
	[tilespmem:$0x13C00] =	vst v63  }
0x30: {  	s29 =	simm.s32 $0x450;
	s30 =	simm.s32 $0xEE00  }
0x31: {  	[tilespmem:s30], [sflag:$0x6] =	stream.indirect.gather [hbm4b:s3+s10], $0x20, s29, s10, $0xb8;
	[tilespmem:$0x13C00] =	vst v63  }
0x32: {  	s31 =	simm.s32 $0x4B0  }
0x33: {  	[tilespmem:s9], [sflag:$0x7] =	stream.indirect.gather [hbm4b:s3+s8], $0x20, s31, s8, $0xb8;
	[tilespmem:$0x13C00] =	vst v63  }
0x34: {  	_ = 	snop  }
0x35: {  	[tilespmem:s12], [sflag:$0x7] =	stream.indirect.gather [hbm4b:s3+s10], $0x20, s11, s10, $0xb8;
	[tilespmem:$0x13C00] =	vst v63  }
0x36: {  	_ = 	snop  }
0x37: {  	[tilespmem:s14], [sflag:$0x8] =	stream.indirect.gather [hbm4b:s3+s8], $0x20, s13, s8, $0xb8;
	[tilespmem:$0x13C00] =	vst v63  }
0x38: {  	s28 =	simm.s32 $0x0  }
0x39: {  	[tilespmem:s16], [sflag:$0x8] =	stream.indirect.gather [hbm4b:s3+s10], $0x20, s15, s10, $0xb8;
	[tilespmem:$0x13C00] =	vst v63  }
.LBB2_2:
0x3a: {  	_ =	swait.ge [sflag:s17], $0x1900  }
0x3b: {  	[sflag:s17] =	ssyncset.done $0x0  }
0x3c: {  	s29 =	simm.s32 $0x0;
	[sflag:s17] =	ssyncadd.s32 $0xFFFFE700  }
0x3d: {  	v0 =	vld [tilespmem:s29+$0x6640]  }
0x3e: {  	v1 =	vld [tilespmem:s29+$0x6650]  }
0x3f: {  	v2 =	vld [tilespmem:s29+$0x6600]  }
0x40: {  	v3 =	vld [tilespmem:s29+$0x6610]  }
0x41: {  	v4 =	vld [tilespmem:s29+$0x65C0]  }
0x42: {  	v5 =	vld [tilespmem:s29+$0x65D0]  }
0x43: {  	v6 =	vld [tilespmem:s29+$0x6580]  }
0x44: {  	v7 =	vld [tilespmem:s29+$0x6590]  }
0x45: {  	v9 =	vld [tilespmem:s29+$0x6540]  }
0x46: {  	v8 =	vld [tilespmem:s29+$0x6550]  }
0x47: {  	v11 =	vld [tilespmem:s29+$0x6500]  }
0x48: {  	v10 =	vld [tilespmem:s29+$0x6510]  }
0x49: {  	v13 =	vld [tilespmem:s29+$0x64C0]  }
0x4a: {  	v12 =	vld [tilespmem:s29+$0x64D0]  }
0x4b: {  	v15 =	vld [tilespmem:s29+$0x6480]  }
0x4c: {  	v14 =	vld [tilespmem:s29+$0x6490]  }
0x4d: {  	v21 =	vld [tilespmem:s29+$0x6440]  }
0x4e: {  	v20 =	vld [tilespmem:s29+$0x6450]  }
0x4f: {  	v22 =	vld [tilespmem:s29+$0x6400]  }
0x50: {  	v16 =	vimm.f32 $0.0e+00;
	v23 =	vld [tilespmem:s29+$0x6410]  }
0x51: {  	s30 =	simm.s32 $0xA00;
	v17 =	vimm.f32 $0.0e+00;
	v19 =	vimm.f32 $0.0e+00;
	v18 =	vimm.f32 $0.0e+00;
	v24 =	vld [tilespmem:s29+$0x6420]  }
.LBB2_3:
0x52: {  	p0 =	sne.s32 s30, $0x5A00;
	v25 =	vld [tilespmem:s29+$0x6430]  }
0x53: {  	v26 =	vld [tilespmem:s29+$0x6460]  }
0x54: {  	v27 =	vld [tilespmem:s29+$0x6470]  }
0x55: {  	v28 =	vld [tilespmem:s29+$0x64A0]  }
0x56: {  	v16 =	vadd.f32 v22, v16;
	v17 =	vadd.f32 v23, v17;
	v22 =	vld [tilespmem:s29+$0x64B0]  }
0x57: {  	v19 =	vadd.f32 v24, v19;
	v18 =	vadd.f32 v25, v18;
	v23 =	vld [tilespmem:s29+$0x64E0]  }
0x58: {  	v16 =	vadd.f32 v21, v16;
	v17 =	vadd.f32 v20, v17;
	v20 =	vld [tilespmem:s29+$0x64F0]  }
0x59: {  	v19 =	vadd.f32 v26, v19;
	v18 =	vadd.f32 v27, v18;
	v21 =	vld [tilespmem:s29+$0x6520]  }
0x5a: {  	v15 =	vadd.f32 v15, v16;
	v14 =	vadd.f32 v14, v17;
	v16 =	vld [tilespmem:s29+$0x6530]  }
0x5b: {  	v17 =	vadd.f32 v28, v19;
	v18 =	vadd.f32 v22, v18;
	v19 =	vld [tilespmem:s29+$0x6560]  }
0x5c: {  	v13 =	vadd.f32 v13, v15;
	v12 =	vadd.f32 v12, v14;
	v14 =	vld [tilespmem:s29+$0x6570]  }
0x5d: {  	v15 =	vadd.f32 v23, v17;
	v17 =	vadd.f32 v20, v18;
	v18 =	vld [tilespmem:s29+$0x65A0]  }
0x5e: {  	v11 =	vadd.f32 v11, v13;
	v10 =	vadd.f32 v10, v12;
	v12 =	vld [tilespmem:s29+$0x65B0]  }
0x5f: {  	v13 =	vadd.f32 v21, v15;
	v15 =	vadd.f32 v16, v17;
	v16 =	vld [tilespmem:s29+$0x65E0]  }
0x60: {  	v9 =	vadd.f32 v9, v11;
	v8 =	vadd.f32 v8, v10;
	v10 =	vld [tilespmem:s29+$0x65F0]  }
0x61: {  	v11 =	vadd.f32 v19, v13;
	v13 =	vadd.f32 v14, v15;
	v14 =	vld [tilespmem:s29+$0x6620]  }
0x62: {  	v6 =	vadd.f32 v6, v9;
	v7 =	vadd.f32 v7, v8;
	v8 =	vld [tilespmem:s29+$0x6630]  }
0x63: {  	v9 =	vadd.f32 v18, v11;
	v11 =	vadd.f32 v12, v13;
	v12 =	vld [tilespmem:s29+$0x6660]  }
0x64: {  	v4 =	vadd.f32 v4, v6;
	v5 =	vadd.f32 v5, v7;
	v6 =	vld [tilespmem:s29+$0x6670];
	s29 =	sshra.s32 s30, $0x2  }
0x65: {  	v9 =	vadd.f32 v16, v9;
	v7 =	vld [tilespmem:s29+$0x6640];
	v10 =	vadd.f32 v10, v11  }
0x66: {  	v4 =	vadd.f32 v2, v4;
	v5 =	vadd.f32 v3, v5;
	v11 =	vld [tilespmem:s29+$0x6650]  }
0x67: {  	v9 =	vadd.f32 v14, v9;
	v2 =	vld [tilespmem:s29+$0x6600];
	v8 =	vadd.f32 v8, v10  }
0x68: {  	v16 =	vadd.f32 v0, v4;
	v17 =	vadd.f32 v1, v5;
	v3 =	vld [tilespmem:s29+$0x6610]  }
0x69: {  	v19 =	vadd.f32 v12, v9;
	v4 =	vld [tilespmem:s29+$0x65C0];
	v18 =	vadd.f32 v6, v8  }
0x6a: {  	v5 =	vld [tilespmem:s29+$0x65D0];
	v0 =	vmov v7  }
0x6b: {  	v6 =	vld [tilespmem:s29+$0x6580];
	v1 =	vmov v11  }
0x6c: {  	v7 =	vld [tilespmem:s29+$0x6590]  }
0x6d: {  	v9 =	vld [tilespmem:s29+$0x6540]  }
0x6e: {  	v8 =	vld [tilespmem:s29+$0x6550]  }
0x6f: {  	v11 =	vld [tilespmem:s29+$0x6500]  }
0x70: {  	v10 =	vld [tilespmem:s29+$0x6510]  }
0x71: {  	v13 =	vld [tilespmem:s29+$0x64C0]  }
0x72: {  	v12 =	vld [tilespmem:s29+$0x64D0]  }
0x73: {  	v15 =	vld [tilespmem:s29+$0x6480]  }
0x74: {  	v14 =	vld [tilespmem:s29+$0x6490]  }
.Ltmp2:
0x75: {  	v21 =	vld [tilespmem:s29+$0x6440];
	(pc) =	sbr.rel @p0 .LBB2_3-.Ltmp2, $4  }
0x76: {  	v20 =	vld [tilespmem:s29+$0x6450]  }
0x77: {  	v22 =	vld [tilespmem:s29+$0x6400]  }
0x78: {  	v23 =	vld [tilespmem:s29+$0x6410]  }
0x79: {  	s30 =	sadd.s32 $0xA00, s30;
	v24 =	vld [tilespmem:s29+$0x6420]  }
0x7a: {  	v25 =	vld [tilespmem:s29+$0x6430]  }
0x7b: {  	v26 =	vld [tilespmem:s29+$0x6460]  }
0x7c: {  	v27 =	vld [tilespmem:s29+$0x6470]  }
0x7d: {  	v28 =	vld [tilespmem:s29+$0x64A0]  }
0x7e: {  	v16 =	vadd.f32 v22, v16;
	v22 =	vld [tilespmem:s29+$0x64B0];
	v19 =	vadd.f32 v24, v19  }
0x7f: {  	v17 =	vadd.f32 v23, v17;
	v23 =	vld [tilespmem:s29+$0x64E0];
	v18 =	vadd.f32 v25, v18  }
0x80: {  	v16 =	vadd.f32 v21, v16;
	v21 =	vld [tilespmem:s29+$0x64F0];
	v19 =	vadd.f32 v26, v19  }
0x81: {  	v17 =	vadd.f32 v20, v17;
	v20 =	vld [tilespmem:s29+$0x6520];
	v18 =	vadd.f32 v27, v18  }
0x82: {  	v15 =	vadd.f32 v15, v16;
	v16 =	vld [tilespmem:s29+$0x6530];
	v19 =	vadd.f32 v28, v19  }
0x83: {  	v14 =	vadd.f32 v14, v17;
	v17 =	vadd.f32 v22, v18;
	v18 =	vld [tilespmem:s29+$0x6560]  }
0x84: {  	v13 =	vadd.f32 v13, v15;
	v15 =	vld [tilespmem:s29+$0x6570];
	v19 =	vadd.f32 v23, v19  }
0x85: {  	v12 =	vadd.f32 v12, v14;
	v14 =	vadd.f32 v21, v17;
	v17 =	vld [tilespmem:s29+$0x65A0]  }
0x86: {  	v11 =	vadd.f32 v11, v13;
	v13 =	vld [tilespmem:s29+$0x65B0];
	v19 =	vadd.f32 v20, v19  }
0x87: {  	v10 =	vadd.f32 v10, v12;
	v12 =	vadd.f32 v16, v14;
	v14 =	vld [tilespmem:s29+$0x65E0]  }
0x88: {  	v9 =	vadd.f32 v9, v11;
	v11 =	vld [tilespmem:s29+$0x65F0];
	v16 =	vadd.f32 v18, v19  }
0x89: {  	v8 =	vadd.f32 v8, v10;
	v10 =	vadd.f32 v15, v12;
	v12 =	vld [tilespmem:s29+$0x6620]  }
0x8a: {  	v6 =	vadd.f32 v6, v9;
	v9 =	vld [tilespmem:s29+$0x6630];
	v15 =	vadd.f32 v17, v16  }
0x8b: {  	v7 =	vadd.f32 v7, v8;
	v8 =	vadd.f32 v13, v10;
	v10 =	vld [tilespmem:s29+$0x6660]  }
0x8c: {  	v4 =	vadd.f32 v4, v6;
	v6 =	vld [tilespmem:s29+$0x6670];
	v13 =	vadd.f32 v14, v15  }
0x8d: {  	v5 =	vadd.f32 v5, v7;
	v7 =	vadd.f32 v11, v8  }
0x8e: {  	v2 =	vadd.f32 v2, v4;
	v4 =	vadd.f32 v12, v13  }
0x8f: {  	v3 =	vadd.f32 v3, v5;
	v5 =	vadd.f32 v9, v7  }
0x90: {  	v0 =	vadd.f32 v0, v2;
	v2 =	vadd.f32 v10, v4  }
0x91: {  	p0 =	seq.s32 s28, $0xF;
	v1 =	vadd.f32 v1, v3;
	v3 =	vadd.f32 v6, v5  }
0x92: {  	s1 =	sshll.u32 s28, $0x8;
	s30 =	smul.u32 @!p0 $0x1900, s28;
	v0 =	vadd.f32 v2, v0  }
0x93: {  	s29 =	sand.u32 $0x3FFFFF00, s1;
	v1 =	vadd.f32 v3, v1  }
0x94: {  	s30 =	sshra.s32 @!p0 s30, $0x2;
	[tilespmem:s29+$0x12C00] =	vst v0  }
0x95: {  	s31 =	simm.s32 @!p0 $0x68;
	s0 =	simm.s32 @!p0 $0x6400;
	s1 =	sadd.s32 @!p0 $0x640, s30;
	[tilespmem:s29+$0x12C10] =	vst v1  }
0x96: {  	[tilespmem:s0], [sflag:$0x1] =	stream.indirect.gather @!p0 [hbm4b:s3+s31], $0x20, s1, s31, $0xb8;
	[tilespmem:$0x13C00] =	vst v63  }
0x97: {  	s0 =	sadd.s32 @!p0 $0x6A8, s30;
	s1 =	simm.s32 @!p0 $0x60;
	s31 =	simm.s32 @!p0 $0x7100  }
0x98: {  	[tilespmem:s31], [sflag:$0x1] =	stream.indirect.gather @!p0 [hbm4b:s3+s1], $0x20, s0, s1, $0xb8;
	[tilespmem:$0x13C00] =	vst v63  }
0x99: {  	_ =	swait.ge [sflag:s18], $0x1900  }
0x9a: {  	[sflag:s18] =	ssyncset.done $0x0  }
0x9b: {  	s31 =	simm.s32 $0x0;
	[sflag:s18] =	ssyncadd.s32 $0xFFFFE700  }
0x9c: {  	v0 =	vld [tilespmem:s31+$0x7F40]  }
0x9d: {  	v1 =	vld [tilespmem:s31+$0x7F50]  }
0x9e: {  	v2 =	vld [tilespmem:s31+$0x7F00]  }
0x9f: {  	v3 =	vld [tilespmem:s31+$0x7F10]  }
0xa0: {  	v4 =	vld [tilespmem:s31+$0x7EC0]  }
0xa1: {  	v5 =	vld [tilespmem:s31+$0x7ED0]  }
0xa2: {  	v6 =	vld [tilespmem:s31+$0x7E80]  }
0xa3: {  	v7 =	vld [tilespmem:s31+$0x7E90]  }
0xa4: {  	v9 =	vld [tilespmem:s31+$0x7E40]  }
0xa5: {  	v8 =	vld [tilespmem:s31+$0x7E50]  }
0xa6: {  	v11 =	vld [tilespmem:s31+$0x7E00]  }
0xa7: {  	v10 =	vld [tilespmem:s31+$0x7E10]  }
0xa8: {  	v13 =	vld [tilespmem:s31+$0x7DC0]  }
0xa9: {  	v12 =	vld [tilespmem:s31+$0x7DD0]  }
0xaa: {  	v15 =	vld [tilespmem:s31+$0x7D80]  }
0xab: {  	v14 =	vld [tilespmem:s31+$0x7D90]  }
0xac: {  	v21 =	vld [tilespmem:s31+$0x7D40]  }
0xad: {  	v20 =	vld [tilespmem:s31+$0x7D50]  }
0xae: {  	v22 =	vld [tilespmem:s31+$0x7D00]  }
0xaf: {  	v19 =	vimm.f32 $0.0e+00;
	v23 =	vld [tilespmem:s31+$0x7D10]  }
0xb0: {  	v18 =	vimm.f32 $0.0e+00;
	v16 =	vimm.f32 $0.0e+00;
	v17 =	vimm.f32 $0.0e+00;
	s1 =	simm.s32 $0xA00;
	v24 =	vld [tilespmem:s31+$0x7D20]  }
.LBB2_5:
0xb1: {  	p1 =	sne.s32 s1, $0x5A00;
	v25 =	vld [tilespmem:s31+$0x7D30]  }
0xb2: {  	v26 =	vld [tilespmem:s31+$0x7D60]  }
0xb3: {  	v27 =	vld [tilespmem:s31+$0x7D70]  }
0xb4: {  	v28 =	vld [tilespmem:s31+$0x7DA0]  }
0xb5: {  	v16 =	vadd.f32 v22, v16;
	v17 =	vadd.f32 v23, v17;
	v22 =	vld [tilespmem:s31+$0x7DB0]  }
0xb6: {  	v19 =	vadd.f32 v24, v19;
	v18 =	vadd.f32 v25, v18;
	v23 =	vld [tilespmem:s31+$0x7DE0]  }
0xb7: {  	v16 =	vadd.f32 v21, v16;
	v17 =	vadd.f32 v20, v17;
	v20 =	vld [tilespmem:s31+$0x7DF0]  }
0xb8: {  	v19 =	vadd.f32 v26, v19;
	v18 =	vadd.f32 v27, v18;
	v21 =	vld [tilespmem:s31+$0x7E20]  }
0xb9: {  	v15 =	vadd.f32 v15, v16;
	v14 =	vadd.f32 v14, v17;
	v16 =	vld [tilespmem:s31+$0x7E30]  }
0xba: {  	v17 =	vadd.f32 v28, v19;
	v18 =	vadd.f32 v22, v18;
	v19 =	vld [tilespmem:s31+$0x7E60]  }
0xbb: {  	v13 =	vadd.f32 v13, v15;
	v12 =	vadd.f32 v12, v14;
	v14 =	vld [tilespmem:s31+$0x7E70]  }
0xbc: {  	v15 =	vadd.f32 v23, v17;
	v17 =	vadd.f32 v20, v18;
	v18 =	vld [tilespmem:s31+$0x7EA0]  }
0xbd: {  	v11 =	vadd.f32 v11, v13;
	v10 =	vadd.f32 v10, v12;
	v12 =	vld [tilespmem:s31+$0x7EB0]  }
0xbe: {  	v13 =	vadd.f32 v21, v15;
	v15 =	vadd.f32 v16, v17;
	v16 =	vld [tilespmem:s31+$0x7EE0]  }
0xbf: {  	v9 =	vadd.f32 v9, v11;
	v8 =	vadd.f32 v8, v10;
	v10 =	vld [tilespmem:s31+$0x7EF0]  }
0xc0: {  	v11 =	vadd.f32 v19, v13;
	v13 =	vadd.f32 v14, v15;
	v14 =	vld [tilespmem:s31+$0x7F20]  }
0xc1: {  	v6 =	vadd.f32 v6, v9;
	v7 =	vadd.f32 v7, v8;
	v8 =	vld [tilespmem:s31+$0x7F30]  }
0xc2: {  	v9 =	vadd.f32 v18, v11;
	v11 =	vadd.f32 v12, v13;
	v12 =	vld [tilespmem:s31+$0x7F60]  }
0xc3: {  	v4 =	vadd.f32 v4, v6;
	v5 =	vadd.f32 v5, v7;
	v6 =	vld [tilespmem:s31+$0x7F70];
	s31 =	sshra.s32 s1, $0x2  }
0xc4: {  	v9 =	vadd.f32 v16, v9;
	v7 =	vld [tilespmem:s31+$0x7F40];
	v10 =	vadd.f32 v10, v11  }
0xc5: {  	v4 =	vadd.f32 v2, v4;
	v5 =	vadd.f32 v3, v5;
	v11 =	vld [tilespmem:s31+$0x7F50]  }
0xc6: {  	v9 =	vadd.f32 v14, v9;
	v2 =	vld [tilespmem:s31+$0x7F00];
	v8 =	vadd.f32 v8, v10  }
0xc7: {  	v16 =	vadd.f32 v0, v4;
	v17 =	vadd.f32 v1, v5;
	v3 =	vld [tilespmem:s31+$0x7F10]  }
0xc8: {  	v19 =	vadd.f32 v12, v9;
	v4 =	vld [tilespmem:s31+$0x7EC0];
	v18 =	vadd.f32 v6, v8  }
0xc9: {  	v5 =	vld [tilespmem:s31+$0x7ED0];
	v0 =	vmov v7  }
0xca: {  	v6 =	vld [tilespmem:s31+$0x7E80];
	v1 =	vmov v11  }
0xcb: {  	v7 =	vld [tilespmem:s31+$0x7E90]  }
0xcc: {  	v9 =	vld [tilespmem:s31+$0x7E40]  }
0xcd: {  	v8 =	vld [tilespmem:s31+$0x7E50]  }
0xce: {  	v11 =	vld [tilespmem:s31+$0x7E00]  }
0xcf: {  	v10 =	vld [tilespmem:s31+$0x7E10]  }
0xd0: {  	v13 =	vld [tilespmem:s31+$0x7DC0]  }
0xd1: {  	v12 =	vld [tilespmem:s31+$0x7DD0]  }
0xd2: {  	v15 =	vld [tilespmem:s31+$0x7D80]  }
0xd3: {  	v14 =	vld [tilespmem:s31+$0x7D90]  }
.Ltmp3:
0xd4: {  	v21 =	vld [tilespmem:s31+$0x7D40];
	(pc) =	sbr.rel @p1 .LBB2_5-.Ltmp3, $4  }
0xd5: {  	v20 =	vld [tilespmem:s31+$0x7D50]  }
0xd6: {  	v22 =	vld [tilespmem:s31+$0x7D00]  }
0xd7: {  	v23 =	vld [tilespmem:s31+$0x7D10]  }
0xd8: {  	s1 =	sadd.s32 $0xA00, s1;
	v24 =	vld [tilespmem:s31+$0x7D20]  }
0xd9: {  	v25 =	vld [tilespmem:s31+$0x7D30]  }
0xda: {  	v26 =	vld [tilespmem:s31+$0x7D60]  }
0xdb: {  	v27 =	vld [tilespmem:s31+$0x7D70]  }
0xdc: {  	v28 =	vld [tilespmem:s31+$0x7DA0]  }
0xdd: {  	v16 =	vadd.f32 v22, v16;
	v22 =	vld [tilespmem:s31+$0x7DB0];
	v19 =	vadd.f32 v24, v19  }
0xde: {  	v17 =	vadd.f32 v23, v17;
	v23 =	vld [tilespmem:s31+$0x7DE0];
	v18 =	vadd.f32 v25, v18  }
0xdf: {  	v16 =	vadd.f32 v21, v16;
	v21 =	vld [tilespmem:s31+$0x7DF0];
	v19 =	vadd.f32 v26, v19  }
0xe0: {  	v17 =	vadd.f32 v20, v17;
	v20 =	vld [tilespmem:s31+$0x7E20];
	v18 =	vadd.f32 v27, v18  }
0xe1: {  	v15 =	vadd.f32 v15, v16;
	v16 =	vld [tilespmem:s31+$0x7E30];
	v19 =	vadd.f32 v28, v19  }
0xe2: {  	v14 =	vadd.f32 v14, v17;
	v17 =	vadd.f32 v22, v18;
	v18 =	vld [tilespmem:s31+$0x7E60]  }
0xe3: {  	v13 =	vadd.f32 v13, v15;
	v15 =	vld [tilespmem:s31+$0x7E70];
	v19 =	vadd.f32 v23, v19  }
0xe4: {  	v12 =	vadd.f32 v12, v14;
	v14 =	vadd.f32 v21, v17;
	v17 =	vld [tilespmem:s31+$0x7EA0]  }
0xe5: {  	v11 =	vadd.f32 v11, v13;
	v13 =	vld [tilespmem:s31+$0x7EB0];
	v19 =	vadd.f32 v20, v19  }
0xe6: {  	v10 =	vadd.f32 v10, v12;
	v12 =	vadd.f32 v16, v14;
	v14 =	vld [tilespmem:s31+$0x7EE0]  }
0xe7: {  	v9 =	vadd.f32 v9, v11;
	v11 =	vld [tilespmem:s31+$0x7EF0];
	v16 =	vadd.f32 v18, v19  }
0xe8: {  	v8 =	vadd.f32 v8, v10;
	v10 =	vadd.f32 v15, v12;
	v12 =	vld [tilespmem:s31+$0x7F20]  }
0xe9: {  	v6 =	vadd.f32 v6, v9;
	v9 =	vld [tilespmem:s31+$0x7F30];
	v15 =	vadd.f32 v17, v16  }
0xea: {  	v7 =	vadd.f32 v7, v8;
	v8 =	vadd.f32 v13, v10;
	v10 =	vld [tilespmem:s31+$0x7F60]  }
0xeb: {  	v4 =	vadd.f32 v4, v6;
	v6 =	vld [tilespmem:s31+$0x7F70];
	v13 =	vadd.f32 v14, v15  }
0xec: {  	v5 =	vadd.f32 v5, v7;
	v7 =	vadd.f32 v11, v8  }
0xed: {  	v2 =	vadd.f32 v2, v4;
	v4 =	vadd.f32 v12, v13  }
0xee: {  	v3 =	vadd.f32 v3, v5;
	v5 =	vadd.f32 v9, v7  }
0xef: {  	v0 =	vadd.f32 v0, v2;
	v2 =	vadd.f32 v10, v4  }
0xf0: {  	v1 =	vadd.f32 v1, v3;
	v3 =	vadd.f32 v6, v5  }
0xf1: {  	v0 =	vadd.f32 v2, v0  }
0xf2: {  	v1 =	vadd.f32 v3, v1  }
0xf3: {  	[tilespmem:s29+$0x12C20] =	vst v0  }
0xf4: {  	s0 =	sadd.s32 @!p0 $0x708, s30;
	s1 =	simm.s32 @!p0 $0x68;
	s31 =	simm.s32 @!p0 $0x7D00;
	[tilespmem:s29+$0x12C30] =	vst v1  }
0xf5: {  	[tilespmem:s31], [sflag:$0x2] =	stream.indirect.gather @!p0 [hbm4b:s3+s1], $0x20, s0, s1, $0xb8;
	[tilespmem:$0x13C00] =	vst v63  }
0xf6: {  	s0 =	sadd.s32 @!p0 $0x770, s30;
	s1 =	simm.s32 @!p0 $0x60;
	s31 =	simm.s32 @!p0 $0x8A00  }
0xf7: {  	[tilespmem:s31], [sflag:$0x2] =	stream.indirect.gather @!p0 [hbm4b:s3+s1], $0x20, s0, s1, $0xb8;
	[tilespmem:$0x13C00] =	vst v63  }
0xf8: {  	_ =	swait.ge [sflag:s19], $0x1900  }
0xf9: {  	[sflag:s19] =	ssyncset.done $0x0  }
0xfa: {  	s31 =	simm.s32 $0x0;
	[sflag:s19] =	ssyncadd.s32 $0xFFFFE700  }
0xfb: {  	v0 =	vld [tilespmem:s31+$0x9840]  }
0xfc: {  	v1 =	vld [tilespmem:s31+$0x9850]  }
0xfd: {  	v2 =	vld [tilespmem:s31+$0x9800]  }
0xfe: {  	v3 =	vld [tilespmem:s31+$0x9810]  }
0xff: {  	v4 =	vld [tilespmem:s31+$0x97C0]  }
0x100: {  	v5 =	vld [tilespmem:s31+$0x97D0]  }
0x101: {  	v6 =	vld [tilespmem:s31+$0x9780]  }
0x102: {  	v7 =	vld [tilespmem:s31+$0x9790]  }
0x103: {  	v9 =	vld [tilespmem:s31+$0x9740]  }
0x104: {  	v8 =	vld [tilespmem:s31+$0x9750]  }
0x105: {  	v11 =	vld [tilespmem:s31+$0x9700]  }
0x106: {  	v10 =	vld [tilespmem:s31+$0x9710]  }
0x107: {  	v13 =	vld [tilespmem:s31+$0x96C0]  }
0x108: {  	v12 =	vld [tilespmem:s31+$0x96D0]  }
0x109: {  	v15 =	vld [tilespmem:s31+$0x9680]  }
0x10a: {  	v14 =	vld [tilespmem:s31+$0x9690]  }
0x10b: {  	v21 =	vld [tilespmem:s31+$0x9640]  }
0x10c: {  	v20 =	vld [tilespmem:s31+$0x9650]  }
0x10d: {  	v22 =	vld [tilespmem:s31+$0x9600]  }
0x10e: {  	v19 =	vimm.f32 $0.0e+00;
	v23 =	vld [tilespmem:s31+$0x9610]  }
0x10f: {  	v18 =	vimm.f32 $0.0e+00;
	v16 =	vimm.f32 $0.0e+00;
	v17 =	vimm.f32 $0.0e+00;
	s1 =	simm.s32 $0xA00;
	v24 =	vld [tilespmem:s31+$0x9620]  }
.LBB2_7:
0x110: {  	p1 =	sne.s32 s1, $0x5A00;
	v25 =	vld [tilespmem:s31+$0x9630]  }
0x111: {  	v26 =	vld [tilespmem:s31+$0x9660]  }
0x112: {  	v27 =	vld [tilespmem:s31+$0x9670]  }
0x113: {  	v28 =	vld [tilespmem:s31+$0x96A0]  }
0x114: {  	v16 =	vadd.f32 v22, v16;
	v17 =	vadd.f32 v23, v17;
	v22 =	vld [tilespmem:s31+$0x96B0]  }
0x115: {  	v19 =	vadd.f32 v24, v19;
	v18 =	vadd.f32 v25, v18;
	v23 =	vld [tilespmem:s31+$0x96E0]  }
0x116: {  	v16 =	vadd.f32 v21, v16;
	v17 =	vadd.f32 v20, v17;
	v20 =	vld [tilespmem:s31+$0x96F0]  }
0x117: {  	v19 =	vadd.f32 v26, v19;
	v18 =	vadd.f32 v27, v18;
	v21 =	vld [tilespmem:s31+$0x9720]  }
0x118: {  	v15 =	vadd.f32 v15, v16;
	v14 =	vadd.f32 v14, v17;
	v16 =	vld [tilespmem:s31+$0x9730]  }
0x119: {  	v17 =	vadd.f32 v28, v19;
	v18 =	vadd.f32 v22, v18;
	v19 =	vld [tilespmem:s31+$0x9760]  }
0x11a: {  	v13 =	vadd.f32 v13, v15;
	v12 =	vadd.f32 v12, v14;
	v14 =	vld [tilespmem:s31+$0x9770]  }
0x11b: {  	v15 =	vadd.f32 v23, v17;
	v17 =	vadd.f32 v20, v18;
	v18 =	vld [tilespmem:s31+$0x97A0]  }
0x11c: {  	v11 =	vadd.f32 v11, v13;
	v10 =	vadd.f32 v10, v12;
	v12 =	vld [tilespmem:s31+$0x97B0]  }
0x11d: {  	v13 =	vadd.f32 v21, v15;
	v15 =	vadd.f32 v16, v17;
	v16 =	vld [tilespmem:s31+$0x97E0]  }
0x11e: {  	v9 =	vadd.f32 v9, v11;
	v8 =	vadd.f32 v8, v10;
	v10 =	vld [tilespmem:s31+$0x97F0]  }
0x11f: {  	v11 =	vadd.f32 v19, v13;
	v13 =	vadd.f32 v14, v15;
	v14 =	vld [tilespmem:s31+$0x9820]  }
0x120: {  	v6 =	vadd.f32 v6, v9;
	v7 =	vadd.f32 v7, v8;
	v8 =	vld [tilespmem:s31+$0x9830]  }
0x121: {  	v9 =	vadd.f32 v18, v11;
	v11 =	vadd.f32 v12, v13;
	v12 =	vld [tilespmem:s31+$0x9860]  }
0x122: {  	v4 =	vadd.f32 v4, v6;
	v5 =	vadd.f32 v5, v7;
	v6 =	vld [tilespmem:s31+$0x9870];
	s31 =	sshra.s32 s1, $0x2  }
0x123: {  	v9 =	vadd.f32 v16, v9;
	v7 =	vld [tilespmem:s31+$0x9840];
	v10 =	vadd.f32 v10, v11  }
0x124: {  	v4 =	vadd.f32 v2, v4;
	v5 =	vadd.f32 v3, v5;
	v11 =	vld [tilespmem:s31+$0x9850]  }
0x125: {  	v9 =	vadd.f32 v14, v9;
	v2 =	vld [tilespmem:s31+$0x9800];
	v8 =	vadd.f32 v8, v10  }
0x126: {  	v16 =	vadd.f32 v0, v4;
	v17 =	vadd.f32 v1, v5;
	v3 =	vld [tilespmem:s31+$0x9810]  }
0x127: {  	v19 =	vadd.f32 v12, v9;
	v4 =	vld [tilespmem:s31+$0x97C0];
	v18 =	vadd.f32 v6, v8  }
0x128: {  	v5 =	vld [tilespmem:s31+$0x97D0];
	v0 =	vmov v7  }
0x129: {  	v6 =	vld [tilespmem:s31+$0x9780];
	v1 =	vmov v11  }
0x12a: {  	v7 =	vld [tilespmem:s31+$0x9790]  }
0x12b: {  	v9 =	vld [tilespmem:s31+$0x9740]  }
0x12c: {  	v8 =	vld [tilespmem:s31+$0x9750]  }
0x12d: {  	v11 =	vld [tilespmem:s31+$0x9700]  }
0x12e: {  	v10 =	vld [tilespmem:s31+$0x9710]  }
0x12f: {  	v13 =	vld [tilespmem:s31+$0x96C0]  }
0x130: {  	v12 =	vld [tilespmem:s31+$0x96D0]  }
0x131: {  	v15 =	vld [tilespmem:s31+$0x9680]  }
0x132: {  	v14 =	vld [tilespmem:s31+$0x9690]  }
.Ltmp4:
0x133: {  	v21 =	vld [tilespmem:s31+$0x9640];
	(pc) =	sbr.rel @p1 .LBB2_7-.Ltmp4, $4  }
0x134: {  	v20 =	vld [tilespmem:s31+$0x9650]  }
0x135: {  	v22 =	vld [tilespmem:s31+$0x9600]  }
0x136: {  	v23 =	vld [tilespmem:s31+$0x9610]  }
0x137: {  	s1 =	sadd.s32 $0xA00, s1;
	v24 =	vld [tilespmem:s31+$0x9620]  }
0x138: {  	v25 =	vld [tilespmem:s31+$0x9630]  }
0x139: {  	v26 =	vld [tilespmem:s31+$0x9660]  }
0x13a: {  	v27 =	vld [tilespmem:s31+$0x9670]  }
0x13b: {  	v28 =	vld [tilespmem:s31+$0x96A0]  }
0x13c: {  	v16 =	vadd.f32 v22, v16;
	v22 =	vld [tilespmem:s31+$0x96B0];
	v19 =	vadd.f32 v24, v19  }
0x13d: {  	v17 =	vadd.f32 v23, v17;
	v23 =	vld [tilespmem:s31+$0x96E0];
	v18 =	vadd.f32 v25, v18  }
0x13e: {  	v16 =	vadd.f32 v21, v16;
	v21 =	vld [tilespmem:s31+$0x96F0];
	v19 =	vadd.f32 v26, v19  }
0x13f: {  	v17 =	vadd.f32 v20, v17;
	v20 =	vld [tilespmem:s31+$0x9720];
	v18 =	vadd.f32 v27, v18  }
0x140: {  	v15 =	vadd.f32 v15, v16;
	v16 =	vld [tilespmem:s31+$0x9730];
	v19 =	vadd.f32 v28, v19  }
0x141: {  	v14 =	vadd.f32 v14, v17;
	v17 =	vadd.f32 v22, v18;
	v18 =	vld [tilespmem:s31+$0x9760]  }
0x142: {  	v13 =	vadd.f32 v13, v15;
	v15 =	vld [tilespmem:s31+$0x9770];
	v19 =	vadd.f32 v23, v19  }
0x143: {  	v12 =	vadd.f32 v12, v14;
	v14 =	vadd.f32 v21, v17;
	v17 =	vld [tilespmem:s31+$0x97A0]  }
0x144: {  	v11 =	vadd.f32 v11, v13;
	v13 =	vld [tilespmem:s31+$0x97B0];
	v19 =	vadd.f32 v20, v19  }
0x145: {  	v10 =	vadd.f32 v10, v12;
	v12 =	vadd.f32 v16, v14;
	v14 =	vld [tilespmem:s31+$0x97E0]  }
0x146: {  	v9 =	vadd.f32 v9, v11;
	v11 =	vld [tilespmem:s31+$0x97F0];
	v16 =	vadd.f32 v18, v19  }
0x147: {  	v8 =	vadd.f32 v8, v10;
	v10 =	vadd.f32 v15, v12;
	v12 =	vld [tilespmem:s31+$0x9820]  }
0x148: {  	v6 =	vadd.f32 v6, v9;
	v9 =	vld [tilespmem:s31+$0x9830];
	v15 =	vadd.f32 v17, v16  }
0x149: {  	v7 =	vadd.f32 v7, v8;
	v8 =	vadd.f32 v13, v10;
	v10 =	vld [tilespmem:s31+$0x9860]  }
0x14a: {  	v4 =	vadd.f32 v4, v6;
	v6 =	vld [tilespmem:s31+$0x9870];
	v13 =	vadd.f32 v14, v15  }
0x14b: {  	v5 =	vadd.f32 v5, v7;
	v7 =	vadd.f32 v11, v8  }
0x14c: {  	v2 =	vadd.f32 v2, v4;
	v4 =	vadd.f32 v12, v13  }
0x14d: {  	v3 =	vadd.f32 v3, v5;
	v5 =	vadd.f32 v9, v7  }
0x14e: {  	v0 =	vadd.f32 v0, v2;
	v2 =	vadd.f32 v10, v4  }
0x14f: {  	v1 =	vadd.f32 v1, v3;
	v3 =	vadd.f32 v6, v5  }
0x150: {  	v0 =	vadd.f32 v2, v0  }
0x151: {  	v1 =	vadd.f32 v3, v1  }
0x152: {  	[tilespmem:s29+$0x12C40] =	vst v0  }
0x153: {  	s0 =	sadd.s32 @!p0 $0x7D0, s30;
	s1 =	simm.s32 @!p0 $0x68;
	s31 =	simm.s32 @!p0 $0x9600;
	[tilespmem:s29+$0x12C50] =	vst v1  }
0x154: {  	[tilespmem:s31], [sflag:$0x3] =	stream.indirect.gather @!p0 [hbm4b:s3+s1], $0x20, s0, s1, $0xb8;
	[tilespmem:$0x13C00] =	vst v63  }
0x155: {  	s0 =	sadd.s32 @!p0 $0x838, s30;
	s1 =	simm.s32 @!p0 $0x60;
	s31 =	simm.s32 @!p0 $0xA300  }
0x156: {  	[tilespmem:s31], [sflag:$0x3] =	stream.indirect.gather @!p0 [hbm4b:s3+s1], $0x20, s0, s1, $0xb8;
	[tilespmem:$0x13C00] =	vst v63  }
0x157: {  	_ =	swait.ge [sflag:s20], $0x1900  }
0x158: {  	[sflag:s20] =	ssyncset.done $0x0  }
0x159: {  	s31 =	simm.s32 $0x0;
	[sflag:s20] =	ssyncadd.s32 $0xFFFFE700  }
0x15a: {  	v0 =	vld [tilespmem:s31+$0xB140]  }
0x15b: {  	v1 =	vld [tilespmem:s31+$0xB150]  }
0x15c: {  	v2 =	vld [tilespmem:s31+$0xB100]  }
0x15d: {  	v3 =	vld [tilespmem:s31+$0xB110]  }
0x15e: {  	v4 =	vld [tilespmem:s31+$0xB0C0]  }
0x15f: {  	v5 =	vld [tilespmem:s31+$0xB0D0]  }
0x160: {  	v6 =	vld [tilespmem:s31+$0xB080]  }
0x161: {  	v7 =	vld [tilespmem:s31+$0xB090]  }
0x162: {  	v9 =	vld [tilespmem:s31+$0xB040]  }
0x163: {  	v8 =	vld [tilespmem:s31+$0xB050]  }
0x164: {  	v11 =	vld [tilespmem:s31+$0xB000]  }
0x165: {  	v10 =	vld [tilespmem:s31+$0xB010]  }
0x166: {  	v13 =	vld [tilespmem:s31+$0xAFC0]  }
0x167: {  	v12 =	vld [tilespmem:s31+$0xAFD0]  }
0x168: {  	v15 =	vld [tilespmem:s31+$0xAF80]  }
0x169: {  	v14 =	vld [tilespmem:s31+$0xAF90]  }
0x16a: {  	v21 =	vld [tilespmem:s31+$0xAF40]  }
0x16b: {  	v20 =	vld [tilespmem:s31+$0xAF50]  }
0x16c: {  	v22 =	vld [tilespmem:s31+$0xAF00]  }
0x16d: {  	v19 =	vimm.f32 $0.0e+00;
	v23 =	vld [tilespmem:s31+$0xAF10]  }
0x16e: {  	v18 =	vimm.f32 $0.0e+00;
	v16 =	vimm.f32 $0.0e+00;
	v17 =	vimm.f32 $0.0e+00;
	s1 =	simm.s32 $0xA00;
	v24 =	vld [tilespmem:s31+$0xAF20]  }
.LBB2_9:
0x16f: {  	p1 =	sne.s32 s1, $0x5A00;
	v25 =	vld [tilespmem:s31+$0xAF30]  }
0x170: {  	v26 =	vld [tilespmem:s31+$0xAF60]  }
0x171: {  	v27 =	vld [tilespmem:s31+$0xAF70]  }
0x172: {  	v28 =	vld [tilespmem:s31+$0xAFA0]  }
0x173: {  	v16 =	vadd.f32 v22, v16;
	v17 =	vadd.f32 v23, v17;
	v22 =	vld [tilespmem:s31+$0xAFB0]  }
0x174: {  	v19 =	vadd.f32 v24, v19;
	v18 =	vadd.f32 v25, v18;
	v23 =	vld [tilespmem:s31+$0xAFE0]  }
0x175: {  	v16 =	vadd.f32 v21, v16;
	v17 =	vadd.f32 v20, v17;
	v20 =	vld [tilespmem:s31+$0xAFF0]  }
0x176: {  	v19 =	vadd.f32 v26, v19;
	v18 =	vadd.f32 v27, v18;
	v21 =	vld [tilespmem:s31+$0xB020]  }
0x177: {  	v15 =	vadd.f32 v15, v16;
	v14 =	vadd.f32 v14, v17;
	v16 =	vld [tilespmem:s31+$0xB030]  }
0x178: {  	v17 =	vadd.f32 v28, v19;
	v18 =	vadd.f32 v22, v18;
	v19 =	vld [tilespmem:s31+$0xB060]  }
0x179: {  	v13 =	vadd.f32 v13, v15;
	v12 =	vadd.f32 v12, v14;
	v14 =	vld [tilespmem:s31+$0xB070]  }
0x17a: {  	v15 =	vadd.f32 v23, v17;
	v17 =	vadd.f32 v20, v18;
	v18 =	vld [tilespmem:s31+$0xB0A0]  }
0x17b: {  	v11 =	vadd.f32 v11, v13;
	v10 =	vadd.f32 v10, v12;
	v12 =	vld [tilespmem:s31+$0xB0B0]  }
0x17c: {  	v13 =	vadd.f32 v21, v15;
	v15 =	vadd.f32 v16, v17;
	v16 =	vld [tilespmem:s31+$0xB0E0]  }
0x17d: {  	v9 =	vadd.f32 v9, v11;
	v8 =	vadd.f32 v8, v10;
	v10 =	vld [tilespmem:s31+$0xB0F0]  }
0x17e: {  	v11 =	vadd.f32 v19, v13;
	v13 =	vadd.f32 v14, v15;
	v14 =	vld [tilespmem:s31+$0xB120]  }
0x17f: {  	v6 =	vadd.f32 v6, v9;
	v7 =	vadd.f32 v7, v8;
	v8 =	vld [tilespmem:s31+$0xB130]  }
0x180: {  	v9 =	vadd.f32 v18, v11;
	v11 =	vadd.f32 v12, v13;
	v12 =	vld [tilespmem:s31+$0xB160]  }
0x181: {  	v4 =	vadd.f32 v4, v6;
	v5 =	vadd.f32 v5, v7;
	v6 =	vld [tilespmem:s31+$0xB170];
	s31 =	sshra.s32 s1, $0x2  }
0x182: {  	v9 =	vadd.f32 v16, v9;
	v7 =	vld [tilespmem:s31+$0xB140];
	v10 =	vadd.f32 v10, v11  }
0x183: {  	v4 =	vadd.f32 v2, v4;
	v5 =	vadd.f32 v3, v5;
	v11 =	vld [tilespmem:s31+$0xB150]  }
0x184: {  	v9 =	vadd.f32 v14, v9;
	v2 =	vld [tilespmem:s31+$0xB100];
	v8 =	vadd.f32 v8, v10  }
0x185: {  	v16 =	vadd.f32 v0, v4;
	v17 =	vadd.f32 v1, v5;
	v3 =	vld [tilespmem:s31+$0xB110]  }
0x186: {  	v19 =	vadd.f32 v12, v9;
	v4 =	vld [tilespmem:s31+$0xB0C0];
	v18 =	vadd.f32 v6, v8  }
0x187: {  	v5 =	vld [tilespmem:s31+$0xB0D0];
	v0 =	vmov v7  }
0x188: {  	v6 =	vld [tilespmem:s31+$0xB080];
	v1 =	vmov v11  }
0x189: {  	v7 =	vld [tilespmem:s31+$0xB090]  }
0x18a: {  	v9 =	vld [tilespmem:s31+$0xB040]  }
0x18b: {  	v8 =	vld [tilespmem:s31+$0xB050]  }
0x18c: {  	v11 =	vld [tilespmem:s31+$0xB000]  }
0x18d: {  	v10 =	vld [tilespmem:s31+$0xB010]  }
0x18e: {  	v13 =	vld [tilespmem:s31+$0xAFC0]  }
0x18f: {  	v12 =	vld [tilespmem:s31+$0xAFD0]  }
0x190: {  	v15 =	vld [tilespmem:s31+$0xAF80]  }
0x191: {  	v14 =	vld [tilespmem:s31+$0xAF90]  }
.Ltmp5:
0x192: {  	v21 =	vld [tilespmem:s31+$0xAF40];
	(pc) =	sbr.rel @p1 .LBB2_9-.Ltmp5, $4  }
0x193: {  	v20 =	vld [tilespmem:s31+$0xAF50]  }
0x194: {  	v22 =	vld [tilespmem:s31+$0xAF00]  }
0x195: {  	v23 =	vld [tilespmem:s31+$0xAF10]  }
0x196: {  	s1 =	sadd.s32 $0xA00, s1;
	v24 =	vld [tilespmem:s31+$0xAF20]  }
0x197: {  	v25 =	vld [tilespmem:s31+$0xAF30]  }
0x198: {  	v26 =	vld [tilespmem:s31+$0xAF60]  }
0x199: {  	v27 =	vld [tilespmem:s31+$0xAF70]  }
0x19a: {  	v28 =	vld [tilespmem:s31+$0xAFA0]  }
0x19b: {  	v16 =	vadd.f32 v22, v16;
	v22 =	vld [tilespmem:s31+$0xAFB0];
	v19 =	vadd.f32 v24, v19  }
0x19c: {  	v17 =	vadd.f32 v23, v17;
	v23 =	vld [tilespmem:s31+$0xAFE0];
	v18 =	vadd.f32 v25, v18  }
0x19d: {  	v16 =	vadd.f32 v21, v16;
	v21 =	vld [tilespmem:s31+$0xAFF0];
	v19 =	vadd.f32 v26, v19  }
0x19e: {  	v17 =	vadd.f32 v20, v17;
	v20 =	vld [tilespmem:s31+$0xB020];
	v18 =	vadd.f32 v27, v18  }
0x19f: {  	v15 =	vadd.f32 v15, v16;
	v16 =	vld [tilespmem:s31+$0xB030];
	v19 =	vadd.f32 v28, v19  }
0x1a0: {  	v14 =	vadd.f32 v14, v17;
	v17 =	vadd.f32 v22, v18;
	v18 =	vld [tilespmem:s31+$0xB060]  }
0x1a1: {  	v13 =	vadd.f32 v13, v15;
	v15 =	vld [tilespmem:s31+$0xB070];
	v19 =	vadd.f32 v23, v19  }
0x1a2: {  	v12 =	vadd.f32 v12, v14;
	v14 =	vadd.f32 v21, v17;
	v17 =	vld [tilespmem:s31+$0xB0A0]  }
0x1a3: {  	v11 =	vadd.f32 v11, v13;
	v13 =	vld [tilespmem:s31+$0xB0B0];
	v19 =	vadd.f32 v20, v19  }
0x1a4: {  	v10 =	vadd.f32 v10, v12;
	v12 =	vadd.f32 v16, v14;
	v14 =	vld [tilespmem:s31+$0xB0E0]  }
0x1a5: {  	v9 =	vadd.f32 v9, v11;
	v11 =	vld [tilespmem:s31+$0xB0F0];
	v16 =	vadd.f32 v18, v19  }
0x1a6: {  	v8 =	vadd.f32 v8, v10;
	v10 =	vadd.f32 v15, v12;
	v12 =	vld [tilespmem:s31+$0xB120]  }
0x1a7: {  	v6 =	vadd.f32 v6, v9;
	v9 =	vld [tilespmem:s31+$0xB130];
	v15 =	vadd.f32 v17, v16  }
0x1a8: {  	v7 =	vadd.f32 v7, v8;
	v8 =	vadd.f32 v13, v10;
	v10 =	vld [tilespmem:s31+$0xB160]  }
0x1a9: {  	v4 =	vadd.f32 v4, v6;
	v6 =	vld [tilespmem:s31+$0xB170];
	v13 =	vadd.f32 v14, v15  }
0x1aa: {  	v5 =	vadd.f32 v5, v7;
	v7 =	vadd.f32 v11, v8  }
0x1ab: {  	v2 =	vadd.f32 v2, v4;
	v4 =	vadd.f32 v12, v13  }
0x1ac: {  	v3 =	vadd.f32 v3, v5;
	v5 =	vadd.f32 v9, v7  }
0x1ad: {  	v0 =	vadd.f32 v0, v2;
	v2 =	vadd.f32 v10, v4  }
0x1ae: {  	v1 =	vadd.f32 v1, v3;
	v3 =	vadd.f32 v6, v5  }
0x1af: {  	v0 =	vadd.f32 v2, v0  }
0x1b0: {  	v1 =	vadd.f32 v3, v1  }
0x1b1: {  	[tilespmem:s29+$0x12C60] =	vst v0  }
0x1b2: {  	s0 =	sadd.s32 @!p0 $0x898, s30;
	s1 =	simm.s32 @!p0 $0x68;
	s31 =	simm.s32 @!p0 $0xAF00;
	[tilespmem:s29+$0x12C70] =	vst v1  }
0x1b3: {  	[tilespmem:s31], [sflag:$0x4] =	stream.indirect.gather @!p0 [hbm4b:s3+s1], $0x20, s0, s1, $0xb8;
	[tilespmem:$0x13C00] =	vst v63  }
0x1b4: {  	s0 =	sadd.s32 @!p0 $0x900, s30;
	s1 =	simm.s32 @!p0 $0x60;
	s31 =	simm.s32 @!p0 $0xBC00  }
0x1b5: {  	[tilespmem:s31], [sflag:$0x4] =	stream.indirect.gather @!p0 [hbm4b:s3+s1], $0x20, s0, s1, $0xb8;
	[tilespmem:$0x13C00] =	vst v63  }
0x1b6: {  	_ =	swait.ge [sflag:s21], $0x1900  }
0x1b7: {  	[sflag:s21] =	ssyncset.done $0x0  }
0x1b8: {  	s31 =	simm.s32 $0x0;
	[sflag:s21] =	ssyncadd.s32 $0xFFFFE700  }
0x1b9: {  	v0 =	vld [tilespmem:s31+$0xCA40]  }
0x1ba: {  	v1 =	vld [tilespmem:s31+$0xCA50]  }
0x1bb: {  	v2 =	vld [tilespmem:s31+$0xCA00]  }
0x1bc: {  	v3 =	vld [tilespmem:s31+$0xCA10]  }
0x1bd: {  	v4 =	vld [tilespmem:s31+$0xC9C0]  }
0x1be: {  	v5 =	vld [tilespmem:s31+$0xC9D0]  }
0x1bf: {  	v6 =	vld [tilespmem:s31+$0xC980]  }
0x1c0: {  	v7 =	vld [tilespmem:s31+$0xC990]  }
0x1c1: {  	v9 =	vld [tilespmem:s31+$0xC940]  }
0x1c2: {  	v8 =	vld [tilespmem:s31+$0xC950]  }
0x1c3: {  	v11 =	vld [tilespmem:s31+$0xC900]  }
0x1c4: {  	v10 =	vld [tilespmem:s31+$0xC910]  }
0x1c5: {  	v13 =	vld [tilespmem:s31+$0xC8C0]  }
0x1c6: {  	v12 =	vld [tilespmem:s31+$0xC8D0]  }
0x1c7: {  	v15 =	vld [tilespmem:s31+$0xC880]  }
0x1c8: {  	v14 =	vld [tilespmem:s31+$0xC890]  }
0x1c9: {  	v21 =	vld [tilespmem:s31+$0xC840]  }
0x1ca: {  	v20 =	vld [tilespmem:s31+$0xC850]  }
0x1cb: {  	v22 =	vld [tilespmem:s31+$0xC800]  }
0x1cc: {  	v19 =	vimm.f32 $0.0e+00;
	v23 =	vld [tilespmem:s31+$0xC810]  }
0x1cd: {  	v18 =	vimm.f32 $0.0e+00;
	v16 =	vimm.f32 $0.0e+00;
	v17 =	vimm.f32 $0.0e+00;
	s1 =	simm.s32 $0xA00;
	v24 =	vld [tilespmem:s31+$0xC820]  }
.LBB2_11:
0x1ce: {  	p1 =	sne.s32 s1, $0x5A00;
	v25 =	vld [tilespmem:s31+$0xC830]  }
0x1cf: {  	v26 =	vld [tilespmem:s31+$0xC860]  }
0x1d0: {  	v27 =	vld [tilespmem:s31+$0xC870]  }
0x1d1: {  	v28 =	vld [tilespmem:s31+$0xC8A0]  }
0x1d2: {  	v16 =	vadd.f32 v22, v16;
	v17 =	vadd.f32 v23, v17;
	v22 =	vld [tilespmem:s31+$0xC8B0]  }
0x1d3: {  	v19 =	vadd.f32 v24, v19;
	v18 =	vadd.f32 v25, v18;
	v23 =	vld [tilespmem:s31+$0xC8E0]  }
0x1d4: {  	v16 =	vadd.f32 v21, v16;
	v17 =	vadd.f32 v20, v17;
	v20 =	vld [tilespmem:s31+$0xC8F0]  }
0x1d5: {  	v19 =	vadd.f32 v26, v19;
	v18 =	vadd.f32 v27, v18;
	v21 =	vld [tilespmem:s31+$0xC920]  }
0x1d6: {  	v15 =	vadd.f32 v15, v16;
	v14 =	vadd.f32 v14, v17;
	v16 =	vld [tilespmem:s31+$0xC930]  }
0x1d7: {  	v17 =	vadd.f32 v28, v19;
	v18 =	vadd.f32 v22, v18;
	v19 =	vld [tilespmem:s31+$0xC960]  }
0x1d8: {  	v13 =	vadd.f32 v13, v15;
	v12 =	vadd.f32 v12, v14;
	v14 =	vld [tilespmem:s31+$0xC970]  }
0x1d9: {  	v15 =	vadd.f32 v23, v17;
	v17 =	vadd.f32 v20, v18;
	v18 =	vld [tilespmem:s31+$0xC9A0]  }
0x1da: {  	v11 =	vadd.f32 v11, v13;
	v10 =	vadd.f32 v10, v12;
	v12 =	vld [tilespmem:s31+$0xC9B0]  }
0x1db: {  	v13 =	vadd.f32 v21, v15;
	v15 =	vadd.f32 v16, v17;
	v16 =	vld [tilespmem:s31+$0xC9E0]  }
0x1dc: {  	v9 =	vadd.f32 v9, v11;
	v8 =	vadd.f32 v8, v10;
	v10 =	vld [tilespmem:s31+$0xC9F0]  }
0x1dd: {  	v11 =	vadd.f32 v19, v13;
	v13 =	vadd.f32 v14, v15;
	v14 =	vld [tilespmem:s31+$0xCA20]  }
0x1de: {  	v6 =	vadd.f32 v6, v9;
	v7 =	vadd.f32 v7, v8;
	v8 =	vld [tilespmem:s31+$0xCA30]  }
0x1df: {  	v9 =	vadd.f32 v18, v11;
	v11 =	vadd.f32 v12, v13;
	v12 =	vld [tilespmem:s31+$0xCA60]  }
0x1e0: {  	v4 =	vadd.f32 v4, v6;
	v5 =	vadd.f32 v5, v7;
	v6 =	vld [tilespmem:s31+$0xCA70];
	s31 =	sshra.s32 s1, $0x2  }
0x1e1: {  	v9 =	vadd.f32 v16, v9;
	v7 =	vld [tilespmem:s31+$0xCA40];
	v10 =	vadd.f32 v10, v11  }
0x1e2: {  	v4 =	vadd.f32 v2, v4;
	v5 =	vadd.f32 v3, v5;
	v11 =	vld [tilespmem:s31+$0xCA50]  }
0x1e3: {  	v9 =	vadd.f32 v14, v9;
	v2 =	vld [tilespmem:s31+$0xCA00];
	v8 =	vadd.f32 v8, v10  }
0x1e4: {  	v16 =	vadd.f32 v0, v4;
	v17 =	vadd.f32 v1, v5;
	v3 =	vld [tilespmem:s31+$0xCA10]  }
0x1e5: {  	v19 =	vadd.f32 v12, v9;
	v4 =	vld [tilespmem:s31+$0xC9C0];
	v18 =	vadd.f32 v6, v8  }
0x1e6: {  	v5 =	vld [tilespmem:s31+$0xC9D0];
	v0 =	vmov v7  }
0x1e7: {  	v6 =	vld [tilespmem:s31+$0xC980];
	v1 =	vmov v11  }
0x1e8: {  	v7 =	vld [tilespmem:s31+$0xC990]  }
0x1e9: {  	v9 =	vld [tilespmem:s31+$0xC940]  }
0x1ea: {  	v8 =	vld [tilespmem:s31+$0xC950]  }
0x1eb: {  	v11 =	vld [tilespmem:s31+$0xC900]  }
0x1ec: {  	v10 =	vld [tilespmem:s31+$0xC910]  }
0x1ed: {  	v13 =	vld [tilespmem:s31+$0xC8C0]  }
0x1ee: {  	v12 =	vld [tilespmem:s31+$0xC8D0]  }
0x1ef: {  	v15 =	vld [tilespmem:s31+$0xC880]  }
0x1f0: {  	v14 =	vld [tilespmem:s31+$0xC890]  }
.Ltmp6:
0x1f1: {  	v21 =	vld [tilespmem:s31+$0xC840];
	(pc) =	sbr.rel @p1 .LBB2_11-.Ltmp6, $4  }
0x1f2: {  	v20 =	vld [tilespmem:s31+$0xC850]  }
0x1f3: {  	v22 =	vld [tilespmem:s31+$0xC800]  }
0x1f4: {  	v23 =	vld [tilespmem:s31+$0xC810]  }
0x1f5: {  	s1 =	sadd.s32 $0xA00, s1;
	v24 =	vld [tilespmem:s31+$0xC820]  }
0x1f6: {  	v25 =	vld [tilespmem:s31+$0xC830]  }
0x1f7: {  	v26 =	vld [tilespmem:s31+$0xC860]  }
0x1f8: {  	v27 =	vld [tilespmem:s31+$0xC870]  }
0x1f9: {  	v28 =	vld [tilespmem:s31+$0xC8A0]  }
0x1fa: {  	v16 =	vadd.f32 v22, v16;
	v22 =	vld [tilespmem:s31+$0xC8B0];
	v19 =	vadd.f32 v24, v19  }
0x1fb: {  	v17 =	vadd.f32 v23, v17;
	v23 =	vld [tilespmem:s31+$0xC8E0];
	v18 =	vadd.f32 v25, v18  }
0x1fc: {  	v16 =	vadd.f32 v21, v16;
	v21 =	vld [tilespmem:s31+$0xC8F0];
	v19 =	vadd.f32 v26, v19  }
0x1fd: {  	v17 =	vadd.f32 v20, v17;
	v20 =	vld [tilespmem:s31+$0xC920];
	v18 =	vadd.f32 v27, v18  }
0x1fe: {  	v15 =	vadd.f32 v15, v16;
	v16 =	vld [tilespmem:s31+$0xC930];
	v19 =	vadd.f32 v28, v19  }
0x1ff: {  	v14 =	vadd.f32 v14, v17;
	v17 =	vadd.f32 v22, v18;
	v18 =	vld [tilespmem:s31+$0xC960]  }
0x200: {  	v13 =	vadd.f32 v13, v15;
	v15 =	vld [tilespmem:s31+$0xC970];
	v19 =	vadd.f32 v23, v19  }
0x201: {  	v12 =	vadd.f32 v12, v14;
	v14 =	vadd.f32 v21, v17;
	v17 =	vld [tilespmem:s31+$0xC9A0]  }
0x202: {  	v11 =	vadd.f32 v11, v13;
	v13 =	vld [tilespmem:s31+$0xC9B0];
	v19 =	vadd.f32 v20, v19  }
0x203: {  	v10 =	vadd.f32 v10, v12;
	v12 =	vadd.f32 v16, v14;
	v14 =	vld [tilespmem:s31+$0xC9E0]  }
0x204: {  	v9 =	vadd.f32 v9, v11;
	v11 =	vld [tilespmem:s31+$0xC9F0];
	v16 =	vadd.f32 v18, v19  }
0x205: {  	v8 =	vadd.f32 v8, v10;
	v10 =	vadd.f32 v15, v12;
	v12 =	vld [tilespmem:s31+$0xCA20]  }
0x206: {  	v6 =	vadd.f32 v6, v9;
	v9 =	vld [tilespmem:s31+$0xCA30];
	v15 =	vadd.f32 v17, v16  }
0x207: {  	v7 =	vadd.f32 v7, v8;
	v8 =	vadd.f32 v13, v10;
	v10 =	vld [tilespmem:s31+$0xCA60]  }
0x208: {  	v4 =	vadd.f32 v4, v6;
	v6 =	vld [tilespmem:s31+$0xCA70];
	v13 =	vadd.f32 v14, v15  }
0x209: {  	v5 =	vadd.f32 v5, v7;
	v7 =	vadd.f32 v11, v8  }
0x20a: {  	v2 =	vadd.f32 v2, v4;
	v4 =	vadd.f32 v12, v13  }
0x20b: {  	v3 =	vadd.f32 v3, v5;
	v5 =	vadd.f32 v9, v7  }
0x20c: {  	v0 =	vadd.f32 v0, v2;
	v2 =	vadd.f32 v10, v4  }
0x20d: {  	v1 =	vadd.f32 v1, v3;
	v3 =	vadd.f32 v6, v5  }
0x20e: {  	v0 =	vadd.f32 v2, v0  }
0x20f: {  	v1 =	vadd.f32 v3, v1  }
0x210: {  	[tilespmem:s29+$0x12C80] =	vst v0  }
0x211: {  	s0 =	sadd.s32 @!p0 $0x960, s30;
	s1 =	simm.s32 @!p0 $0x68;
	s31 =	simm.s32 @!p0 $0xC800;
	[tilespmem:s29+$0x12C90] =	vst v1  }
0x212: {  	[tilespmem:s31], [sflag:$0x5] =	stream.indirect.gather @!p0 [hbm4b:s3+s1], $0x20, s0, s1, $0xb8;
	[tilespmem:$0x13C00] =	vst v63  }
0x213: {  	s0 =	sadd.s32 @!p0 $0x9C8, s30;
	s1 =	simm.s32 @!p0 $0x60;
	s31 =	simm.s32 @!p0 $0xD500  }
0x214: {  	[tilespmem:s31], [sflag:$0x5] =	stream.indirect.gather @!p0 [hbm4b:s3+s1], $0x20, s0, s1, $0xb8;
	[tilespmem:$0x13C00] =	vst v63  }
0x215: {  	_ =	swait.ge [sflag:s22], $0x1900  }
0x216: {  	[sflag:s22] =	ssyncset.done $0x0  }
0x217: {  	s31 =	simm.s32 $0x0;
	[sflag:s22] =	ssyncadd.s32 $0xFFFFE700  }
0x218: {  	v0 =	vld [tilespmem:s31+$0xE340]  }
0x219: {  	v1 =	vld [tilespmem:s31+$0xE350]  }
0x21a: {  	v2 =	vld [tilespmem:s31+$0xE300]  }
0x21b: {  	v3 =	vld [tilespmem:s31+$0xE310]  }
0x21c: {  	v4 =	vld [tilespmem:s31+$0xE2C0]  }
0x21d: {  	v5 =	vld [tilespmem:s31+$0xE2D0]  }
0x21e: {  	v6 =	vld [tilespmem:s31+$0xE280]  }
0x21f: {  	v7 =	vld [tilespmem:s31+$0xE290]  }
0x220: {  	v9 =	vld [tilespmem:s31+$0xE240]  }
0x221: {  	v8 =	vld [tilespmem:s31+$0xE250]  }
0x222: {  	v11 =	vld [tilespmem:s31+$0xE200]  }
0x223: {  	v10 =	vld [tilespmem:s31+$0xE210]  }
0x224: {  	v13 =	vld [tilespmem:s31+$0xE1C0]  }
0x225: {  	v12 =	vld [tilespmem:s31+$0xE1D0]  }
0x226: {  	v15 =	vld [tilespmem:s31+$0xE180]  }
0x227: {  	v14 =	vld [tilespmem:s31+$0xE190]  }
0x228: {  	v21 =	vld [tilespmem:s31+$0xE140]  }
0x229: {  	v20 =	vld [tilespmem:s31+$0xE150]  }
0x22a: {  	v22 =	vld [tilespmem:s31+$0xE100]  }
0x22b: {  	v19 =	vimm.f32 $0.0e+00;
	v23 =	vld [tilespmem:s31+$0xE110]  }
0x22c: {  	v18 =	vimm.f32 $0.0e+00;
	v16 =	vimm.f32 $0.0e+00;
	v17 =	vimm.f32 $0.0e+00;
	s1 =	simm.s32 $0xA00;
	v24 =	vld [tilespmem:s31+$0xE120]  }
.LBB2_13:
0x22d: {  	p1 =	sne.s32 s1, $0x5A00;
	v25 =	vld [tilespmem:s31+$0xE130]  }
0x22e: {  	v26 =	vld [tilespmem:s31+$0xE160]  }
0x22f: {  	v27 =	vld [tilespmem:s31+$0xE170]  }
0x230: {  	v28 =	vld [tilespmem:s31+$0xE1A0]  }
0x231: {  	v16 =	vadd.f32 v22, v16;
	v17 =	vadd.f32 v23, v17;
	v22 =	vld [tilespmem:s31+$0xE1B0]  }
0x232: {  	v19 =	vadd.f32 v24, v19;
	v18 =	vadd.f32 v25, v18;
	v23 =	vld [tilespmem:s31+$0xE1E0]  }
0x233: {  	v16 =	vadd.f32 v21, v16;
	v17 =	vadd.f32 v20, v17;
	v20 =	vld [tilespmem:s31+$0xE1F0]  }
0x234: {  	v19 =	vadd.f32 v26, v19;
	v18 =	vadd.f32 v27, v18;
	v21 =	vld [tilespmem:s31+$0xE220]  }
0x235: {  	v15 =	vadd.f32 v15, v16;
	v14 =	vadd.f32 v14, v17;
	v16 =	vld [tilespmem:s31+$0xE230]  }
0x236: {  	v17 =	vadd.f32 v28, v19;
	v18 =	vadd.f32 v22, v18;
	v19 =	vld [tilespmem:s31+$0xE260]  }
0x237: {  	v13 =	vadd.f32 v13, v15;
	v12 =	vadd.f32 v12, v14;
	v14 =	vld [tilespmem:s31+$0xE270]  }
0x238: {  	v15 =	vadd.f32 v23, v17;
	v17 =	vadd.f32 v20, v18;
	v18 =	vld [tilespmem:s31+$0xE2A0]  }
0x239: {  	v11 =	vadd.f32 v11, v13;
	v10 =	vadd.f32 v10, v12;
	v12 =	vld [tilespmem:s31+$0xE2B0]  }
0x23a: {  	v13 =	vadd.f32 v21, v15;
	v15 =	vadd.f32 v16, v17;
	v16 =	vld [tilespmem:s31+$0xE2E0]  }
0x23b: {  	v9 =	vadd.f32 v9, v11;
	v8 =	vadd.f32 v8, v10;
	v10 =	vld [tilespmem:s31+$0xE2F0]  }
0x23c: {  	v11 =	vadd.f32 v19, v13;
	v13 =	vadd.f32 v14, v15;
	v14 =	vld [tilespmem:s31+$0xE320]  }
0x23d: {  	v6 =	vadd.f32 v6, v9;
	v7 =	vadd.f32 v7, v8;
	v8 =	vld [tilespmem:s31+$0xE330]  }
0x23e: {  	v9 =	vadd.f32 v18, v11;
	v11 =	vadd.f32 v12, v13;
	v12 =	vld [tilespmem:s31+$0xE360]  }
0x23f: {  	v4 =	vadd.f32 v4, v6;
	v5 =	vadd.f32 v5, v7;
	v6 =	vld [tilespmem:s31+$0xE370];
	s31 =	sshra.s32 s1, $0x2  }
0x240: {  	v9 =	vadd.f32 v16, v9;
	v7 =	vld [tilespmem:s31+$0xE340];
	v10 =	vadd.f32 v10, v11  }
0x241: {  	v4 =	vadd.f32 v2, v4;
	v5 =	vadd.f32 v3, v5;
	v11 =	vld [tilespmem:s31+$0xE350]  }
0x242: {  	v9 =	vadd.f32 v14, v9;
	v2 =	vld [tilespmem:s31+$0xE300];
	v8 =	vadd.f32 v8, v10  }
0x243: {  	v16 =	vadd.f32 v0, v4;
	v17 =	vadd.f32 v1, v5;
	v3 =	vld [tilespmem:s31+$0xE310]  }
0x244: {  	v19 =	vadd.f32 v12, v9;
	v4 =	vld [tilespmem:s31+$0xE2C0];
	v18 =	vadd.f32 v6, v8  }
0x245: {  	v5 =	vld [tilespmem:s31+$0xE2D0];
	v0 =	vmov v7  }
0x246: {  	v6 =	vld [tilespmem:s31+$0xE280];
	v1 =	vmov v11  }
0x247: {  	v7 =	vld [tilespmem:s31+$0xE290]  }
0x248: {  	v9 =	vld [tilespmem:s31+$0xE240]  }
0x249: {  	v8 =	vld [tilespmem:s31+$0xE250]  }
0x24a: {  	v11 =	vld [tilespmem:s31+$0xE200]  }
0x24b: {  	v10 =	vld [tilespmem:s31+$0xE210]  }
0x24c: {  	v13 =	vld [tilespmem:s31+$0xE1C0]  }
0x24d: {  	v12 =	vld [tilespmem:s31+$0xE1D0]  }
0x24e: {  	v15 =	vld [tilespmem:s31+$0xE180]  }
0x24f: {  	v14 =	vld [tilespmem:s31+$0xE190]  }
.Ltmp7:
0x250: {  	v21 =	vld [tilespmem:s31+$0xE140];
	(pc) =	sbr.rel @p1 .LBB2_13-.Ltmp7, $4  }
0x251: {  	v20 =	vld [tilespmem:s31+$0xE150]  }
0x252: {  	v22 =	vld [tilespmem:s31+$0xE100]  }
0x253: {  	v23 =	vld [tilespmem:s31+$0xE110]  }
0x254: {  	s1 =	sadd.s32 $0xA00, s1;
	v24 =	vld [tilespmem:s31+$0xE120]  }
0x255: {  	v25 =	vld [tilespmem:s31+$0xE130]  }
0x256: {  	v26 =	vld [tilespmem:s31+$0xE160]  }
0x257: {  	v27 =	vld [tilespmem:s31+$0xE170]  }
0x258: {  	v28 =	vld [tilespmem:s31+$0xE1A0]  }
0x259: {  	v16 =	vadd.f32 v22, v16;
	v22 =	vld [tilespmem:s31+$0xE1B0];
	v19 =	vadd.f32 v24, v19  }
0x25a: {  	v17 =	vadd.f32 v23, v17;
	v23 =	vld [tilespmem:s31+$0xE1E0];
	v18 =	vadd.f32 v25, v18  }
0x25b: {  	v16 =	vadd.f32 v21, v16;
	v21 =	vld [tilespmem:s31+$0xE1F0];
	v19 =	vadd.f32 v26, v19  }
0x25c: {  	v17 =	vadd.f32 v20, v17;
	v20 =	vld [tilespmem:s31+$0xE220];
	v18 =	vadd.f32 v27, v18  }
0x25d: {  	v15 =	vadd.f32 v15, v16;
	v16 =	vld [tilespmem:s31+$0xE230];
	v19 =	vadd.f32 v28, v19  }
0x25e: {  	v14 =	vadd.f32 v14, v17;
	v17 =	vadd.f32 v22, v18;
	v18 =	vld [tilespmem:s31+$0xE260]  }
0x25f: {  	v13 =	vadd.f32 v13, v15;
	v15 =	vld [tilespmem:s31+$0xE270];
	v19 =	vadd.f32 v23, v19  }
0x260: {  	v12 =	vadd.f32 v12, v14;
	v14 =	vadd.f32 v21, v17;
	v17 =	vld [tilespmem:s31+$0xE2A0]  }
0x261: {  	v11 =	vadd.f32 v11, v13;
	v13 =	vld [tilespmem:s31+$0xE2B0];
	v19 =	vadd.f32 v20, v19  }
0x262: {  	v10 =	vadd.f32 v10, v12;
	v12 =	vadd.f32 v16, v14;
	v14 =	vld [tilespmem:s31+$0xE2E0]  }
0x263: {  	v9 =	vadd.f32 v9, v11;
	v11 =	vld [tilespmem:s31+$0xE2F0];
	v16 =	vadd.f32 v18, v19  }
0x264: {  	v8 =	vadd.f32 v8, v10;
	v10 =	vadd.f32 v15, v12;
	v12 =	vld [tilespmem:s31+$0xE320]  }
0x265: {  	v6 =	vadd.f32 v6, v9;
	v9 =	vld [tilespmem:s31+$0xE330];
	v15 =	vadd.f32 v17, v16  }
0x266: {  	v7 =	vadd.f32 v7, v8;
	v8 =	vadd.f32 v13, v10;
	v10 =	vld [tilespmem:s31+$0xE360]  }
0x267: {  	v4 =	vadd.f32 v4, v6;
	v6 =	vld [tilespmem:s31+$0xE370];
	v13 =	vadd.f32 v14, v15  }
0x268: {  	v5 =	vadd.f32 v5, v7;
	v7 =	vadd.f32 v11, v8  }
0x269: {  	v2 =	vadd.f32 v2, v4;
	v4 =	vadd.f32 v12, v13  }
0x26a: {  	v3 =	vadd.f32 v3, v5;
	v5 =	vadd.f32 v9, v7  }
0x26b: {  	v0 =	vadd.f32 v0, v2;
	v2 =	vadd.f32 v10, v4  }
0x26c: {  	v1 =	vadd.f32 v1, v3;
	v3 =	vadd.f32 v6, v5  }
0x26d: {  	v0 =	vadd.f32 v2, v0  }
0x26e: {  	v1 =	vadd.f32 v3, v1  }
0x26f: {  	[tilespmem:s29+$0x12CA0] =	vst v0  }
0x270: {  	s0 =	sadd.s32 @!p0 $0xA28, s30;
	s1 =	simm.s32 @!p0 $0x68;
	s31 =	simm.s32 @!p0 $0xE100;
	[tilespmem:s29+$0x12CB0] =	vst v1  }
0x271: {  	[tilespmem:s31], [sflag:$0x6] =	stream.indirect.gather @!p0 [hbm4b:s3+s1], $0x20, s0, s1, $0xb8;
	[tilespmem:$0x13C00] =	vst v63  }
0x272: {  	s0 =	sadd.s32 @!p0 $0xA90, s30;
	s1 =	simm.s32 @!p0 $0x60;
	s31 =	simm.s32 @!p0 $0xEE00  }
0x273: {  	[tilespmem:s31], [sflag:$0x6] =	stream.indirect.gather @!p0 [hbm4b:s3+s1], $0x20, s0, s1, $0xb8;
	[tilespmem:$0x13C00] =	vst v63  }
0x274: {  	_ =	swait.ge [sflag:s23], $0x1900  }
0x275: {  	[sflag:s23] =	ssyncset.done $0x0  }
0x276: {  	s31 =	simm.s32 $0x0;
	[sflag:s23] =	ssyncadd.s32 $0xFFFFE700  }
0x277: {  	v0 =	vld [tilespmem:s31+$0xFC40]  }
0x278: {  	v1 =	vld [tilespmem:s31+$0xFC50]  }
0x279: {  	v2 =	vld [tilespmem:s31+$0xFC00]  }
0x27a: {  	v3 =	vld [tilespmem:s31+$0xFC10]  }
0x27b: {  	v4 =	vld [tilespmem:s31+$0xFBC0]  }
0x27c: {  	v5 =	vld [tilespmem:s31+$0xFBD0]  }
0x27d: {  	v6 =	vld [tilespmem:s31+$0xFB80]  }
0x27e: {  	v7 =	vld [tilespmem:s31+$0xFB90]  }
0x27f: {  	v9 =	vld [tilespmem:s31+$0xFB40]  }
0x280: {  	v8 =	vld [tilespmem:s31+$0xFB50]  }
0x281: {  	v11 =	vld [tilespmem:s31+$0xFB00]  }
0x282: {  	v10 =	vld [tilespmem:s31+$0xFB10]  }
0x283: {  	v13 =	vld [tilespmem:s31+$0xFAC0]  }
0x284: {  	v12 =	vld [tilespmem:s31+$0xFAD0]  }
0x285: {  	v15 =	vld [tilespmem:s31+$0xFA80]  }
0x286: {  	v14 =	vld [tilespmem:s31+$0xFA90]  }
0x287: {  	v21 =	vld [tilespmem:s31+$0xFA40]  }
0x288: {  	v20 =	vld [tilespmem:s31+$0xFA50]  }
0x289: {  	v22 =	vld [tilespmem:s31+$0xFA00]  }
0x28a: {  	v19 =	vimm.f32 $0.0e+00;
	v23 =	vld [tilespmem:s31+$0xFA10]  }
0x28b: {  	v18 =	vimm.f32 $0.0e+00;
	v16 =	vimm.f32 $0.0e+00;
	v17 =	vimm.f32 $0.0e+00;
	s1 =	simm.s32 $0xA00;
	v24 =	vld [tilespmem:s31+$0xFA20]  }
.LBB2_15:
0x28c: {  	p1 =	sne.s32 s1, $0x5A00;
	v25 =	vld [tilespmem:s31+$0xFA30]  }
0x28d: {  	v26 =	vld [tilespmem:s31+$0xFA60]  }
0x28e: {  	v27 =	vld [tilespmem:s31+$0xFA70]  }
0x28f: {  	v28 =	vld [tilespmem:s31+$0xFAA0]  }
0x290: {  	v16 =	vadd.f32 v22, v16;
	v17 =	vadd.f32 v23, v17;
	v22 =	vld [tilespmem:s31+$0xFAB0]  }
0x291: {  	v19 =	vadd.f32 v24, v19;
	v18 =	vadd.f32 v25, v18;
	v23 =	vld [tilespmem:s31+$0xFAE0]  }
0x292: {  	v16 =	vadd.f32 v21, v16;
	v17 =	vadd.f32 v20, v17;
	v20 =	vld [tilespmem:s31+$0xFAF0]  }
0x293: {  	v19 =	vadd.f32 v26, v19;
	v18 =	vadd.f32 v27, v18;
	v21 =	vld [tilespmem:s31+$0xFB20]  }
0x294: {  	v15 =	vadd.f32 v15, v16;
	v14 =	vadd.f32 v14, v17;
	v16 =	vld [tilespmem:s31+$0xFB30]  }
0x295: {  	v17 =	vadd.f32 v28, v19;
	v18 =	vadd.f32 v22, v18;
	v19 =	vld [tilespmem:s31+$0xFB60]  }
0x296: {  	v13 =	vadd.f32 v13, v15;
	v12 =	vadd.f32 v12, v14;
	v14 =	vld [tilespmem:s31+$0xFB70]  }
0x297: {  	v15 =	vadd.f32 v23, v17;
	v17 =	vadd.f32 v20, v18;
	v18 =	vld [tilespmem:s31+$0xFBA0]  }
0x298: {  	v11 =	vadd.f32 v11, v13;
	v10 =	vadd.f32 v10, v12;
	v12 =	vld [tilespmem:s31+$0xFBB0]  }
0x299: {  	v13 =	vadd.f32 v21, v15;
	v15 =	vadd.f32 v16, v17;
	v16 =	vld [tilespmem:s31+$0xFBE0]  }
0x29a: {  	v9 =	vadd.f32 v9, v11;
	v8 =	vadd.f32 v8, v10;
	v10 =	vld [tilespmem:s31+$0xFBF0]  }
0x29b: {  	v11 =	vadd.f32 v19, v13;
	v13 =	vadd.f32 v14, v15;
	v14 =	vld [tilespmem:s31+$0xFC20]  }
0x29c: {  	v6 =	vadd.f32 v6, v9;
	v7 =	vadd.f32 v7, v8;
	v8 =	vld [tilespmem:s31+$0xFC30]  }
0x29d: {  	v9 =	vadd.f32 v18, v11;
	v11 =	vadd.f32 v12, v13;
	v12 =	vld [tilespmem:s31+$0xFC60]  }
0x29e: {  	v4 =	vadd.f32 v4, v6;
	v5 =	vadd.f32 v5, v7;
	v6 =	vld [tilespmem:s31+$0xFC70];
	s31 =	sshra.s32 s1, $0x2  }
0x29f: {  	v9 =	vadd.f32 v16, v9;
	v7 =	vld [tilespmem:s31+$0xFC40];
	v10 =	vadd.f32 v10, v11  }
0x2a0: {  	v4 =	vadd.f32 v2, v4;
	v5 =	vadd.f32 v3, v5;
	v11 =	vld [tilespmem:s31+$0xFC50]  }
0x2a1: {  	v9 =	vadd.f32 v14, v9;
	v2 =	vld [tilespmem:s31+$0xFC00];
	v8 =	vadd.f32 v8, v10  }
0x2a2: {  	v16 =	vadd.f32 v0, v4;
	v17 =	vadd.f32 v1, v5;
	v3 =	vld [tilespmem:s31+$0xFC10]  }
0x2a3: {  	v19 =	vadd.f32 v12, v9;
	v4 =	vld [tilespmem:s31+$0xFBC0];
	v18 =	vadd.f32 v6, v8  }
0x2a4: {  	v5 =	vld [tilespmem:s31+$0xFBD0];
	v0 =	vmov v7  }
0x2a5: {  	v6 =	vld [tilespmem:s31+$0xFB80];
	v1 =	vmov v11  }
0x2a6: {  	v7 =	vld [tilespmem:s31+$0xFB90]  }
0x2a7: {  	v9 =	vld [tilespmem:s31+$0xFB40]  }
0x2a8: {  	v8 =	vld [tilespmem:s31+$0xFB50]  }
0x2a9: {  	v11 =	vld [tilespmem:s31+$0xFB00]  }
0x2aa: {  	v10 =	vld [tilespmem:s31+$0xFB10]  }
0x2ab: {  	v13 =	vld [tilespmem:s31+$0xFAC0]  }
0x2ac: {  	v12 =	vld [tilespmem:s31+$0xFAD0]  }
0x2ad: {  	v15 =	vld [tilespmem:s31+$0xFA80]  }
0x2ae: {  	v14 =	vld [tilespmem:s31+$0xFA90]  }
.Ltmp8:
0x2af: {  	v21 =	vld [tilespmem:s31+$0xFA40];
	(pc) =	sbr.rel @p1 .LBB2_15-.Ltmp8, $4  }
0x2b0: {  	v20 =	vld [tilespmem:s31+$0xFA50]  }
0x2b1: {  	v22 =	vld [tilespmem:s31+$0xFA00]  }
0x2b2: {  	v23 =	vld [tilespmem:s31+$0xFA10]  }
0x2b3: {  	s1 =	sadd.s32 $0xA00, s1;
	v24 =	vld [tilespmem:s31+$0xFA20]  }
0x2b4: {  	v25 =	vld [tilespmem:s31+$0xFA30]  }
0x2b5: {  	v26 =	vld [tilespmem:s31+$0xFA60]  }
0x2b6: {  	v27 =	vld [tilespmem:s31+$0xFA70]  }
0x2b7: {  	v28 =	vld [tilespmem:s31+$0xFAA0]  }
0x2b8: {  	v16 =	vadd.f32 v22, v16;
	v22 =	vld [tilespmem:s31+$0xFAB0];
	v19 =	vadd.f32 v24, v19  }
0x2b9: {  	v17 =	vadd.f32 v23, v17;
	v23 =	vld [tilespmem:s31+$0xFAE0];
	v18 =	vadd.f32 v25, v18  }
0x2ba: {  	v16 =	vadd.f32 v21, v16;
	v21 =	vld [tilespmem:s31+$0xFAF0];
	v19 =	vadd.f32 v26, v19  }
0x2bb: {  	v17 =	vadd.f32 v20, v17;
	v20 =	vld [tilespmem:s31+$0xFB20];
	v18 =	vadd.f32 v27, v18  }
0x2bc: {  	v15 =	vadd.f32 v15, v16;
	v16 =	vld [tilespmem:s31+$0xFB30];
	v19 =	vadd.f32 v28, v19  }
0x2bd: {  	v14 =	vadd.f32 v14, v17;
	v17 =	vadd.f32 v22, v18;
	v18 =	vld [tilespmem:s31+$0xFB60]  }
0x2be: {  	v13 =	vadd.f32 v13, v15;
	v15 =	vld [tilespmem:s31+$0xFB70];
	v19 =	vadd.f32 v23, v19  }
0x2bf: {  	v12 =	vadd.f32 v12, v14;
	v14 =	vadd.f32 v21, v17;
	v17 =	vld [tilespmem:s31+$0xFBA0]  }
0x2c0: {  	v11 =	vadd.f32 v11, v13;
	v13 =	vld [tilespmem:s31+$0xFBB0];
	v19 =	vadd.f32 v20, v19  }
0x2c1: {  	v10 =	vadd.f32 v10, v12;
	v12 =	vadd.f32 v16, v14;
	v14 =	vld [tilespmem:s31+$0xFBE0]  }
0x2c2: {  	v9 =	vadd.f32 v9, v11;
	v11 =	vld [tilespmem:s31+$0xFBF0];
	v16 =	vadd.f32 v18, v19  }
0x2c3: {  	v8 =	vadd.f32 v8, v10;
	v10 =	vadd.f32 v15, v12;
	v12 =	vld [tilespmem:s31+$0xFC20]  }
0x2c4: {  	v6 =	vadd.f32 v6, v9;
	v9 =	vld [tilespmem:s31+$0xFC30];
	v15 =	vadd.f32 v17, v16  }
0x2c5: {  	v7 =	vadd.f32 v7, v8;
	v8 =	vadd.f32 v13, v10;
	v10 =	vld [tilespmem:s31+$0xFC60]  }
0x2c6: {  	v4 =	vadd.f32 v4, v6;
	v6 =	vld [tilespmem:s31+$0xFC70];
	v13 =	vadd.f32 v14, v15  }
0x2c7: {  	v5 =	vadd.f32 v5, v7;
	v7 =	vadd.f32 v11, v8  }
0x2c8: {  	v2 =	vadd.f32 v2, v4;
	v4 =	vadd.f32 v12, v13  }
0x2c9: {  	v3 =	vadd.f32 v3, v5;
	v5 =	vadd.f32 v9, v7  }
0x2ca: {  	v0 =	vadd.f32 v0, v2;
	v2 =	vadd.f32 v10, v4  }
0x2cb: {  	v1 =	vadd.f32 v1, v3;
	v3 =	vadd.f32 v6, v5  }
0x2cc: {  	v0 =	vadd.f32 v2, v0  }
0x2cd: {  	v1 =	vadd.f32 v3, v1  }
0x2ce: {  	[tilespmem:s29+$0x12CC0] =	vst v0  }
0x2cf: {  	s0 =	sadd.s32 @!p0 $0xAF0, s30;
	s1 =	simm.s32 @!p0 $0x68;
	s31 =	simm.s32 @!p0 $0xFA00;
	[tilespmem:s29+$0x12CD0] =	vst v1  }
0x2d0: {  	[tilespmem:s31], [sflag:$0x7] =	stream.indirect.gather @!p0 [hbm4b:s3+s1], $0x20, s0, s1, $0xb8;
	[tilespmem:$0x13C00] =	vst v63  }
0x2d1: {  	s0 =	sadd.s32 @!p0 $0xB58, s30;
	s1 =	simm.s32 @!p0 $0x60;
	s30 =	simm.s32 @!p0 $0x10700  }
0x2d2: {  	[tilespmem:s30], [sflag:$0x7] =	stream.indirect.gather @!p0 [hbm4b:s3+s1], $0x20, s0, s1, $0xb8;
	[tilespmem:$0x13C00] =	vst v63  }
0x2d3: {  	_ =	swait.ge [sflag:s24], $0x1900  }
0x2d4: {  	[sflag:s24] =	ssyncset.done $0x0  }
0x2d5: {  	s30 =	simm.s32 $0x0;
	[sflag:s24] =	ssyncadd.s32 $0xFFFFE700  }
0x2d6: {  	v0 =	vld [tilespmem:s30+$0x11540]  }
0x2d7: {  	v1 =	vld [tilespmem:s30+$0x11550]  }
0x2d8: {  	v2 =	vld [tilespmem:s30+$0x11500]  }
0x2d9: {  	v3 =	vld [tilespmem:s30+$0x11510]  }
0x2da: {  	v4 =	vld [tilespmem:s30+$0x114C0]  }
0x2db: {  	v5 =	vld [tilespmem:s30+$0x114D0]  }
0x2dc: {  	v6 =	vld [tilespmem:s30+$0x11480]  }
0x2dd: {  	v7 =	vld [tilespmem:s30+$0x11490]  }
0x2de: {  	v9 =	vld [tilespmem:s30+$0x11440]  }
0x2df: {  	v8 =	vld [tilespmem:s30+$0x11450]  }
0x2e0: {  	v11 =	vld [tilespmem:s30+$0x11400]  }
0x2e1: {  	v10 =	vld [tilespmem:s30+$0x11410]  }
0x2e2: {  	v13 =	vld [tilespmem:s30+$0x113C0]  }
0x2e3: {  	v12 =	vld [tilespmem:s30+$0x113D0]  }
0x2e4: {  	v15 =	vld [tilespmem:s30+$0x11380]  }
0x2e5: {  	v14 =	vld [tilespmem:s30+$0x11390]  }
0x2e6: {  	v21 =	vld [tilespmem:s30+$0x11340]  }
0x2e7: {  	v20 =	vld [tilespmem:s30+$0x11350]  }
0x2e8: {  	v22 =	vld [tilespmem:s30+$0x11300]  }
0x2e9: {  	v19 =	vimm.f32 $0.0e+00;
	v23 =	vld [tilespmem:s30+$0x11310]  }
0x2ea: {  	v18 =	vimm.f32 $0.0e+00;
	v16 =	vimm.f32 $0.0e+00;
	v17 =	vimm.f32 $0.0e+00;
	s1 =	simm.s32 $0xA00;
	v24 =	vld [tilespmem:s30+$0x11320]  }
.LBB2_17:
0x2eb: {  	p1 =	sne.s32 s1, $0x5A00;
	v25 =	vld [tilespmem:s30+$0x11330]  }
0x2ec: {  	v26 =	vld [tilespmem:s30+$0x11360]  }
0x2ed: {  	v27 =	vld [tilespmem:s30+$0x11370]  }
0x2ee: {  	v28 =	vld [tilespmem:s30+$0x113A0]  }
0x2ef: {  	v16 =	vadd.f32 v22, v16;
	v17 =	vadd.f32 v23, v17;
	v22 =	vld [tilespmem:s30+$0x113B0]  }
0x2f0: {  	v19 =	vadd.f32 v24, v19;
	v18 =	vadd.f32 v25, v18;
	v23 =	vld [tilespmem:s30+$0x113E0]  }
0x2f1: {  	v16 =	vadd.f32 v21, v16;
	v17 =	vadd.f32 v20, v17;
	v20 =	vld [tilespmem:s30+$0x113F0]  }
0x2f2: {  	v19 =	vadd.f32 v26, v19;
	v18 =	vadd.f32 v27, v18;
	v21 =	vld [tilespmem:s30+$0x11420]  }
0x2f3: {  	v15 =	vadd.f32 v15, v16;
	v14 =	vadd.f32 v14, v17;
	v16 =	vld [tilespmem:s30+$0x11430]  }
0x2f4: {  	v17 =	vadd.f32 v28, v19;
	v18 =	vadd.f32 v22, v18;
	v19 =	vld [tilespmem:s30+$0x11460]  }
0x2f5: {  	v13 =	vadd.f32 v13, v15;
	v12 =	vadd.f32 v12, v14;
	v14 =	vld [tilespmem:s30+$0x11470]  }
0x2f6: {  	v15 =	vadd.f32 v23, v17;
	v17 =	vadd.f32 v20, v18;
	v18 =	vld [tilespmem:s30+$0x114A0]  }
0x2f7: {  	v11 =	vadd.f32 v11, v13;
	v10 =	vadd.f32 v10, v12;
	v12 =	vld [tilespmem:s30+$0x114B0]  }
0x2f8: {  	v13 =	vadd.f32 v21, v15;
	v15 =	vadd.f32 v16, v17;
	v16 =	vld [tilespmem:s30+$0x114E0]  }
0x2f9: {  	v9 =	vadd.f32 v9, v11;
	v8 =	vadd.f32 v8, v10;
	v10 =	vld [tilespmem:s30+$0x114F0]  }
0x2fa: {  	v11 =	vadd.f32 v19, v13;
	v13 =	vadd.f32 v14, v15;
	v14 =	vld [tilespmem:s30+$0x11520]  }
0x2fb: {  	v6 =	vadd.f32 v6, v9;
	v7 =	vadd.f32 v7, v8;
	v8 =	vld [tilespmem:s30+$0x11530]  }
0x2fc: {  	v9 =	vadd.f32 v18, v11;
	v11 =	vadd.f32 v12, v13;
	v12 =	vld [tilespmem:s30+$0x11560]  }
0x2fd: {  	v4 =	vadd.f32 v4, v6;
	v5 =	vadd.f32 v5, v7;
	v6 =	vld [tilespmem:s30+$0x11570];
	s30 =	sshra.s32 s1, $0x2  }
0x2fe: {  	v9 =	vadd.f32 v16, v9;
	v7 =	vld [tilespmem:s30+$0x11540];
	v10 =	vadd.f32 v10, v11  }
0x2ff: {  	v4 =	vadd.f32 v2, v4;
	v5 =	vadd.f32 v3, v5;
	v11 =	vld [tilespmem:s30+$0x11550]  }
0x300: {  	v9 =	vadd.f32 v14, v9;
	v2 =	vld [tilespmem:s30+$0x11500];
	v8 =	vadd.f32 v8, v10  }
0x301: {  	v16 =	vadd.f32 v0, v4;
	v17 =	vadd.f32 v1, v5;
	v3 =	vld [tilespmem:s30+$0x11510]  }
0x302: {  	v19 =	vadd.f32 v12, v9;
	v4 =	vld [tilespmem:s30+$0x114C0];
	v18 =	vadd.f32 v6, v8  }
0x303: {  	v5 =	vld [tilespmem:s30+$0x114D0];
	v0 =	vmov v7  }
0x304: {  	v6 =	vld [tilespmem:s30+$0x11480];
	v1 =	vmov v11  }
0x305: {  	v7 =	vld [tilespmem:s30+$0x11490]  }
0x306: {  	v9 =	vld [tilespmem:s30+$0x11440]  }
0x307: {  	v8 =	vld [tilespmem:s30+$0x11450]  }
0x308: {  	v11 =	vld [tilespmem:s30+$0x11400]  }
0x309: {  	v10 =	vld [tilespmem:s30+$0x11410]  }
0x30a: {  	v13 =	vld [tilespmem:s30+$0x113C0]  }
0x30b: {  	v12 =	vld [tilespmem:s30+$0x113D0]  }
0x30c: {  	v15 =	vld [tilespmem:s30+$0x11380]  }
0x30d: {  	v14 =	vld [tilespmem:s30+$0x11390]  }
.Ltmp9:
0x30e: {  	v21 =	vld [tilespmem:s30+$0x11340];
	(pc) =	sbr.rel @p1 .LBB2_17-.Ltmp9, $4  }
0x30f: {  	v20 =	vld [tilespmem:s30+$0x11350]  }
0x310: {  	v22 =	vld [tilespmem:s30+$0x11300]  }
0x311: {  	v23 =	vld [tilespmem:s30+$0x11310]  }
0x312: {  	s1 =	sadd.s32 $0xA00, s1;
	v24 =	vld [tilespmem:s30+$0x11320]  }
0x313: {  	v25 =	vld [tilespmem:s30+$0x11330]  }
0x314: {  	v26 =	vld [tilespmem:s30+$0x11360]  }
0x315: {  	v27 =	vld [tilespmem:s30+$0x11370]  }
0x316: {  	v28 =	vld [tilespmem:s30+$0x113A0]  }
0x317: {  	v36 =	vld [tilespmem:s30+$0x113B0];
	v16 =	vadd.f32 v22, v16;
	v19 =	vadd.f32 v24, v19  }
0x318: {  	v37 =	vld [tilespmem:s30+$0x113E0];
	v17 =	vadd.f32 v23, v17;
	v18 =	vadd.f32 v25, v18  }
0x319: {  	v38 =	vld [tilespmem:s30+$0x113F0];
	v16 =	vadd.f32 v21, v16;
	v19 =	vadd.f32 v26, v19  }
0x31a: {  	v39 =	vld [tilespmem:s30+$0x11420];
	v17 =	vadd.f32 v20, v17;
	v18 =	vadd.f32 v27, v18  }
0x31b: {  	v40 =	vld [tilespmem:s30+$0x11430];
	v15 =	vadd.f32 v15, v16;
	v19 =	vadd.f32 v28, v19  }
0x31c: {  	v42 =	vld [tilespmem:s30+$0x11460];
	v14 =	vadd.f32 v14, v17;
	v41 =	vadd.f32 v36, v18  }
0x31d: {  	v43 =	vld [tilespmem:s30+$0x11470];
	v13 =	vadd.f32 v13, v15;
	v19 =	vadd.f32 v37, v19  }
0x31e: {  	v45 =	vld [tilespmem:s30+$0x114A0];
	v12 =	vadd.f32 v12, v14;
	v44 =	vadd.f32 v38, v41  }
0x31f: {  	v46 =	vld [tilespmem:s30+$0x114B0];
	v11 =	vadd.f32 v11, v13;
	v19 =	vadd.f32 v39, v19  }
0x320: {  	v48 =	vld [tilespmem:s30+$0x114E0];
	v10 =	vadd.f32 v10, v12;
	v47 =	vadd.f32 v40, v44  }
0x321: {  	v49 =	vld [tilespmem:s30+$0x114F0];
	v9 =	vadd.f32 v9, v11;
	v50 =	vadd.f32 v42, v19  }
0x322: {  	v52 =	vld [tilespmem:s30+$0x11520];
	v8 =	vadd.f32 v8, v10;
	v51 =	vadd.f32 v43, v47  }
0x323: {  	v53 =	vld [tilespmem:s30+$0x11530];
	v6 =	vadd.f32 v6, v9;
	v54 =	vadd.f32 v45, v50  }
0x324: {  	v56 =	vld [tilespmem:s30+$0x11560];
	v7 =	vadd.f32 v7, v8;
	v55 =	vadd.f32 v46, v51  }
0x325: {  	v57 =	vld [tilespmem:s30+$0x11570];
	v4 =	vadd.f32 v4, v6;
	v58 =	vadd.f32 v48, v54  }
0x326: {  	v5 =	vadd.f32 v5, v7;
	v59 =	vadd.f32 v49, v55  }
0x327: {  	v2 =	vadd.f32 v2, v4;
	v60 =	vadd.f32 v52, v58  }
0x328: {  	v3 =	vadd.f32 v3, v5;
	v61 =	vadd.f32 v53, v59  }
0x329: {  	v0 =	vadd.f32 v0, v2;
	v62 =	vadd.f32 v56, v60  }
.Ltmp10:
0x32a: {  	v1 =	vadd.f32 v1, v3;
	v63 =	vadd.f32 v57, v61;
	(pc) =	sbr.rel @p0 .LBB2_20-.Ltmp10, $4  }
0x32b: {  	v0 =	vadd.f32 v62, v0  }
0x32c: {  	v1 =	vadd.f32 v63, v1  }
0x32d: {  	[tilespmem:s29+$0x12CE0] =	vst v0  }
0x32e: {  	[tilespmem:s29+$0x12CF0] =	vst v1  }
0x32f: {  	s0 =	smul.u32 $0x1900, s28;
	_ =	sdelay $0x1  }
.Ltmp11:
0x330: {  	s0 =	sshra.s32 s0, $0x2;
	(pc) =	sbr.rel .LBB2_2-.Ltmp11, $4  }
0x331: {  	s1 =	sadd.s32 $0xBB8, s0  }
0x332: {  	[tilespmem:s14], [sflag:$0x8] =	stream.indirect.gather [hbm4b:s3+s8], $0x20, s1, s8, $0xb8;
	[tilespmem:$0x13C00] =	vst v63  }
0x333: {  	s28 =	sadd.s32 $0x1, s28;
	s0 =	sadd.s32 $0xC20, s0  }
0x334: {  	[tilespmem:s16], [sflag:$0x8] =	stream.indirect.gather [hbm4b:s3+s10], $0x20, s0, s10, $0xb8;
	[tilespmem:$0x13C00] =	vst v63  }
.LBB2_21:
0x335: {  	_ =	sfence.sel $0x180000  }
0x336: {  	[bflag:$0x0] =	sbarrier.arrive $0xFFFF  }
0x337: {  	_ =	strace $0x90000047  }
0x338: {  	s0 =	stileid.u32;
	[bflag:$0x2] =	sbarrier.arrive $0xFFFF  }
0x339: {  	p0 =	sne.s32 s0, $0x0;
	s0 =	rddreg [dreg:$0x2]  }
0x33a: {  	s0 =	sadd.s32 @!p0 $0x100000, s0  }
0x33b: {  	[sflag:s0] =	ssyncadd.tile.s32 @!p0 $0x1;
	_ =	shalt  }
.Lfunc_end2:
_tile_overlayer_lowered:
.L_overlay_start_2:
0x33c: {  	(tag) =	ssettag $0x2  }
0x33d: {  	s0 =	rddreg [dreg:$0x0];
	s2 =	stileid.u32  }
0x33e: {  	s1 =	rddreg [dreg:$0x1];
	p0 =	sne.s32 s2, $0x0  }
0x33f: {  	s3 =	rddreg [dreg:$0x2];
	[bflag:$0x3] =	sbarrier.arrive $0xFFFF;
	s2 =	simm.s32 @!p0 $0x1C09  }
0x340: {  	[timem:s3], [sflag:s2] =	dma.local @!p0 [hbm:s0], s1  }
0x341: {  	s0 =	simm.s32 @!p0 $0x9  }
0x342: {  	_ =	swait.ge @!p0 [sflag:s0], s1  }
0x343: {  	s1 =	ssub.s32 @!p0 $0x0, s1;
	[sflag:s0] =	ssyncset.done @!p0 $0x0  }
0x344: {  	[sflag:s0] =	ssyncadd.s32 @!p0 s1  }
0x345: {  	[bflag:$0x3] =	sbarrier.arrive $0xFFFF  }
0x346: {  	_ =	shalt  }

</sc_bundles>
